<compile_context>
chip_gen: v7x
topology: tpu7x:2x2x1
jax: 0.10.2.dev20260603
libtpu: 0.0.44.dev20260713+nightly
codegen_flags: <defaults>
</compile_context>

<pallas_src>
import functools

import jax
import jax.numpy as jnp
from jax import lax
from jax.experimental import pallas as pl
from jax.experimental.pallas import tpu as pltpu
from jax.experimental.pallas import tpu_sc as plsc

HID = 128
N_OBJ = 2048
N_REL = 16384
HALF = N_REL // 2
NUM_OBJ_CLS = 151
NUM_REL_CLS = 51

NC = 2
NS = 16
NW = NC * NS
EPW = HALF // NW
_CH = EPW // 2
_ROWS_PER_TILE = N_OBJ // NS

_DN_T = (((1,), (1,)), ((), ()))


def _sigmoid(x):
    return jax.nn.sigmoid(x)


def _gru_tail(gi, gh, h):
    r = _sigmoid(gi[:, :HID] + gh[:, :HID])
    z = _sigmoid(gi[:, HID:2 * HID] + gh[:, HID:2 * HID])
    n = jnp.tanh(gi[:, 2 * HID:] + r * gh[:, 2 * HID:])
    return (1.0 - z) * n + z * h


def _dotT(x, w):
    return lax.dot_general(x, w, _DN_T, preferred_element_type=jnp.float32)


def _dotT_bf(x, w):
    return lax.dot_general(x.astype(jnp.bfloat16), w.astype(jnp.bfloat16),
                           _DN_T, preferred_element_type=jnp.float32)



def _edge_prologue_body(uf_ref, we_ref, be_ref, wih_ref, bih_ref, bhh_ref,
                        out_ref):
    rel = jnp.maximum(_dotT_bf(uf_ref[...], we_ref[...]) + be_ref[...], 0.0)
    gi = _dotT_bf(rel, wih_ref[...]) + bih_ref[...]
    bhh = bhh_ref[...]
    r = _sigmoid(gi[:, :HID] + bhh[:, :HID])
    z = _sigmoid(gi[:, HID:2 * HID] + bhh[:, HID:2 * HID])
    n = jnp.tanh(gi[:, 2 * HID:] + r * bhh[:, 2 * HID:])
    out_ref[...] = (1.0 - z) * n


def _edge_prologue(uf, we, be, wih, bih, bhh, half):
    BE = 1024
    nblk = HALF // BE
    off = half * nblk
    return pl.pallas_call(
        _edge_prologue_body,
        grid=(nblk,),
        in_specs=[
            pl.BlockSpec((BE, uf.shape[1]), lambda i: (i + off, 0)),
            pl.BlockSpec(we.shape, lambda i: (0, 0)),
            pl.BlockSpec(be.shape, lambda i: (0, 0)),
            pl.BlockSpec(wih.shape, lambda i: (0, 0)),
            pl.BlockSpec(bih.shape, lambda i: (0, 0)),
            pl.BlockSpec(bhh.shape, lambda i: (0, 0)),
        ],
        out_specs=pl.BlockSpec((BE, HID), lambda i: (i, 0)),
        out_shape=jax.ShapeDtypeStruct((HALF, HID), jnp.float32),
    )(uf, we, be, wih, bih, bhh)


def _vert_prologue_body(x_ref, wo_ref, bo_ref, wih_ref, bih_ref, bhh_ref,
                        out_ref):
    obj_rep = _dotT(x_ref[...], wo_ref[...]) + bo_ref[...]
    gi = _dotT(obj_rep, wih_ref[...]) + bih_ref[...]
    bhh = bhh_ref[...]
    r = _sigmoid(gi[:, :HID] + bhh[:, :HID])
    z = _sigmoid(gi[:, HID:2 * HID] + bhh[:, HID:2 * HID])
    n = jnp.tanh(gi[:, 2 * HID:] + r * bhh[:, 2 * HID:])
    out_ref[...] = (1.0 - z) * n


def _vert_prologue(x, wo, bo, wih, bih, bhh):
    return pl.pallas_call(
        _vert_prologue_body,
        out_shape=jax.ShapeDtypeStruct((N_OBJ, HID), jnp.float32),
    )(x, wo, bo, wih, bih, bhh)


def _edge_gates(sub, obj, edge, gvT, geT, gb):
    su = jnp.dot(sub, gvT, preferred_element_type=jnp.float32)
    ob = jnp.dot(obj, gvT, preferred_element_type=jnp.float32)
    ed = jnp.dot(edge, geT, preferred_element_type=jnp.float32)
    w_s = _sigmoid(su[:, 0:1] + ed[:, 0:1] + gb[0:1, 0:1])
    w_o = _sigmoid(ob[:, 1:2] + ed[:, 1:2] + gb[0:1, 1:2])
    g_out = _sigmoid(su[:, 2:3] + ed[:, 2:3] + gb[0:1, 2:3])
    g_in = _sigmoid(ob[:, 3:4] + ed[:, 3:4] + gb[0:1, 3:4])
    return w_s, w_o, g_out, g_in


def _edge_iter_body(sub_ref, obj_ref, edge_ref, gvT_ref, geT_ref, gb_ref,
                    wih_ref, whh_ref, bih_ref, bhh_ref,
                    eo_ref, po_ref, pi_ref):
    sub = sub_ref[...]
    obj = obj_ref[...]
    edge = edge_ref[...]
    w_s, w_o, g_out, g_in = _edge_gates(sub, obj, edge, gvT_ref[...],
                                        geT_ref[...], gb_ref[...])
    x_in = w_s * sub + w_o * obj
    gi = _dotT_bf(x_in, wih_ref[...]) + bih_ref[...]
    gh = _dotT_bf(edge, whh_ref[...]) + bhh_ref[...]
    eo_ref[...] = _gru_tail(gi, gh, edge)
    po_ref[...] = g_out * edge
    pi_ref[...] = g_in * edge


def _edge_iter(sub_v, obj_v, edge, gvT, geT, gb, wih, whh, bih, bhh):
    BE = 2048
    grid = (HALF // BE,)
    row = lambda i: (i, 0)
    rep = lambda i: (0, 0)
    return pl.pallas_call(
        _edge_iter_body,
        grid=grid,
        in_specs=[
            pl.BlockSpec((BE, HID), row),
            pl.BlockSpec((BE, HID), row),
            pl.BlockSpec((BE, HID), row),
            pl.BlockSpec(gvT.shape, rep),
            pl.BlockSpec(geT.shape, rep),
            pl.BlockSpec(gb.shape, rep),
            pl.BlockSpec(wih.shape, rep),
            pl.BlockSpec(whh.shape, rep),
            pl.BlockSpec(bih.shape, rep),
            pl.BlockSpec(bhh.shape, rep),
        ],
        out_specs=[
            pl.BlockSpec((BE, HID), row),
            pl.BlockSpec((BE, HID), row),
            pl.BlockSpec((BE, HID), row),
        ],
        out_shape=[
            jax.ShapeDtypeStruct((HALF, HID), jnp.float32),
            jax.ShapeDtypeStruct((HALF, HID), jnp.float32),
            jax.ShapeDtypeStruct((HALF, HID), jnp.float32),
        ],
    )(sub_v, obj_v, edge, gvT, geT, gb, wih, whh, bih, bhh)


def _edge_iter_last_body(sub_ref, obj_ref, edge_ref, gvT_ref, geT_ref, gb_ref,
                         wih_ref, whh_ref, bih_ref, bhh_ref,
                         fc_ref, fcb_ref, rd_ref, po_ref, pi_ref):
    sub = sub_ref[...]
    obj = obj_ref[...]
    edge = edge_ref[...]
    w_s, w_o, g_out, g_in = _edge_gates(sub, obj, edge, gvT_ref[...],
                                        geT_ref[...], gb_ref[...])
    x_in = w_s * sub + w_o * obj
    gi = _dotT_bf(x_in, wih_ref[...]) + bih_ref[...]
    gh = _dotT_bf(edge, whh_ref[...]) + bhh_ref[...]
    edge_new = _gru_tail(gi, gh, edge)
    rd_ref[...] = _dotT(edge_new, fc_ref[...]) + fcb_ref[...]
    po_ref[...] = g_out * edge
    pi_ref[...] = g_in * edge


def _edge_iter_last(sub_v, obj_v, edge, gvT, geT, gb, wih, whh, bih, bhh,
                    fc, fcb):
    BE = 2048
    grid = (HALF // BE,)
    row = lambda i: (i, 0)
    rep = lambda i: (0, 0)
    ncls = fc.shape[0]
    return pl.pallas_call(
        _edge_iter_last_body,
        grid=grid,
        in_specs=[
            pl.BlockSpec((BE, HID), row),
            pl.BlockSpec((BE, HID), row),
            pl.BlockSpec((BE, HID), row),
            pl.BlockSpec(gvT.shape, rep),
            pl.BlockSpec(geT.shape, rep),
            pl.BlockSpec(gb.shape, rep),
            pl.BlockSpec(wih.shape, rep),
            pl.BlockSpec(whh.shape, rep),
            pl.BlockSpec(bih.shape, rep),
            pl.BlockSpec(bhh.shape, rep),
            pl.BlockSpec(fc.shape, rep),
            pl.BlockSpec(fcb.shape, rep),
        ],
        out_specs=[
            pl.BlockSpec((BE, ncls), row),
            pl.BlockSpec((BE, HID), row),
            pl.BlockSpec((BE, HID), row),
        ],
        out_shape=[
            jax.ShapeDtypeStruct((HALF, ncls), jnp.float32),
            jax.ShapeDtypeStruct((HALF, HID), jnp.float32),
            jax.ShapeDtypeStruct((HALF, HID), jnp.float32),
        ],
    )(sub_v, obj_v, edge, gvT, geT, gb, wih, whh, bih, bhh, fc, fcb)


def _node_iter_body(s0_ref, s1_ref, vert_ref, wih_ref, whh_ref, bih_ref,
                    bhh_ref, out_ref):
    ctx = (s0_ref[:N_OBJ, :] + s0_ref[N_OBJ:, :]
           + s1_ref[:N_OBJ, :] + s1_ref[N_OBJ:, :])
    vert = vert_ref[...]
    gi = _dotT(ctx, wih_ref[...]) + bih_ref[...]
    gh = _dotT(vert, whh_ref[...]) + bhh_ref[...]
    out_ref[...] = _gru_tail(gi, gh, vert)


def _node_iter(s0, s1, vert, wih, whh, bih, bhh):
    return pl.pallas_call(
        _node_iter_body,
        out_shape=jax.ShapeDtypeStruct((N_OBJ, HID), jnp.float32),
    )(s0, s1, vert, wih, whh, bih, bhh)


def _node_iter_last_body(s0_ref, s1_ref, vert_ref, wih_ref, whh_ref, bih_ref,
                         bhh_ref, fc_ref, fcb_ref, out_ref):
    ctx = (s0_ref[:N_OBJ, :] + s0_ref[N_OBJ:, :]
           + s1_ref[:N_OBJ, :] + s1_ref[N_OBJ:, :])
    vert = vert_ref[...]
    gi = _dotT(ctx, wih_ref[...]) + bih_ref[...]
    gh = _dotT(vert, whh_ref[...]) + bhh_ref[...]
    vert_new = _gru_tail(gi, gh, vert)
    out_ref[...] = _dotT(vert_new, fc_ref[...]) + fcb_ref[...]


def _node_iter_last(s0, s1, vert, wih, whh, bih, bhh, fc, fcb):
    return pl.pallas_call(
        _node_iter_last_body,
        out_shape=jax.ShapeDtypeStruct((N_OBJ, fc.shape[0]), jnp.float32),
    )(s0, s1, vert, wih, whh, bih, bhh, fc, fcb)



_SC_MESH = plsc.VectorSubcoreMesh(core_axis_name="c", subcore_axis_name="s")


def _make_gather(off):
    @functools.partial(
        pl.kernel,
        mesh=_SC_MESH,
        out_type=[
            jax.ShapeDtypeStruct((HALF, HID), jnp.float32),
            jax.ShapeDtypeStruct((HALF, HID), jnp.float32),
        ],
        scratch_types=[
            pltpu.VMEM((EPW,), jnp.int32),
            pltpu.VMEM((EPW,), jnp.int32),
            pltpu.VMEM((EPW, HID), jnp.float32),
            pltpu.VMEM((EPW, HID), jnp.float32),
            pltpu.SemaphoreType.DMA,
            pltpu.SemaphoreType.DMA,
            pltpu.SemaphoreType.DMA,
            pltpu.SemaphoreType.DMA,
        ],
    )
    def gather(table_hbm, sidx_hbm, oidx_hbm, sub_out, obj_out,
               idx_s, idx_o, buf_a, buf_b, sa, sb, wa, wb):
        wid = lax.axis_index("s") * NC + lax.axis_index("c")
        bo = wid * EPW
        bi = off + bo
        ia = pltpu.async_copy(sidx_hbm.at[pl.ds(bi, EPW)], idx_s, sa)
        ib = pltpu.async_copy(oidx_hbm.at[pl.ds(bi, EPW)], idx_o, sb)
        ia.wait()
        g0 = pltpu.async_copy(table_hbm.at[idx_s], buf_a, sa)
        ib.wait()
        g1 = pltpu.async_copy(table_hbm.at[idx_o], buf_b, sb)
        g0.wait()
        w0 = pltpu.async_copy(buf_a, sub_out.at[pl.ds(bo, EPW)], wa)
        g1.wait()
        w1 = pltpu.async_copy(buf_b, obj_out.at[pl.ds(bo, EPW)], wb)
        w0.wait()
        w1.wait()

    return gather


def _make_scatter(off):
    @functools.partial(
        pl.kernel,
        mesh=_SC_MESH,
        out_type=jax.ShapeDtypeStruct((NC * N_OBJ, HID), jnp.float32),
        scratch_types=[
            pltpu.VMEM((EPW,), jnp.int32),
            pltpu.VMEM((EPW,), jnp.int32),
            pltpu.VMEM((EPW, HID), jnp.float32),
            pltpu.VMEM((EPW, HID), jnp.float32),
            pltpu.VMEM_SHARED((N_OBJ, HID), jnp.float32),
            pltpu.SemaphoreType.DMA,
            pltpu.SemaphoreType.DMA,
            pltpu.SemaphoreType.DMA,
        ],
    )
    def scatter(po_hbm, pi_hbm, sidx_hbm, oidx_hbm, zeros_hbm, out_hbm,
                idx_s, idx_o, buf_a, buf_b, acc, rs_a, rs_b, zs):
        c = lax.axis_index("c")
        s = lax.axis_index("s")
        z = pltpu.async_copy(zeros_hbm, acc.at[pl.ds(s * _ROWS_PER_TILE,
                                                     _ROWS_PER_TILE)], zs)
        bo = (c * NS + s) * EPW
        bi = off + bo
        ia = pltpu.async_copy(sidx_hbm.at[pl.ds(bi, EPW)], idx_s, rs_a)
        ib = pltpu.async_copy(oidx_hbm.at[pl.ds(bi, EPW)], idx_o, rs_b)
        ia.wait()
        ib.wait()
        r0 = pltpu.async_copy(po_hbm.at[pl.ds(bo, EPW)], buf_a, rs_a)
        r1 = pltpu.async_copy(pi_hbm.at[pl.ds(bo, EPW)], buf_b, rs_b)
        z.wait()
        plsc.subcore_barrier()
        r0.wait()
        pltpu.sync_copy(buf_a, acc.at[idx_s], add=True)
        r1.wait()
        pltpu.sync_copy(buf_b, acc.at[idx_o], add=True)
        plsc.subcore_barrier()
        src = acc.at[pl.ds(s * _ROWS_PER_TILE, _ROWS_PER_TILE)]
        pltpu.sync_copy(src, out_hbm.at[pl.ds(c * N_OBJ + s * _ROWS_PER_TILE,
                                              _ROWS_PER_TILE)])

    return scatter


_gather_half = (_make_gather(0), _make_gather(HALF))
_scatter_half = (_make_scatter(0), _make_scatter(HALF))



def kernel(x, union_features, rel_pair_idxs, obj_unary_w, obj_unary_b,
           edge_unary_w, edge_unary_b, node_w_ih, node_w_hh, node_b_ih,
           node_b_hh, edge_w_ih, edge_w_hh, edge_b_ih, edge_b_hh, sub_w,
           sub_b, obj_w, obj_b, out_w, out_b, in_w, in_b, obj_fc_w,
           obj_fc_b, rel_fc_w, rel_fc_b):
    f32 = jnp.float32
    sidx = rel_pair_idxs[:, 0].astype(jnp.int32)
    oidx = rel_pair_idxs[:, 1].astype(jnp.int32)

    e_bih = edge_b_ih.reshape(1, -1)
    e_bhh = edge_b_hh.reshape(1, -1)
    n_bih = node_b_ih.reshape(1, -1)
    n_bhh = node_b_hh.reshape(1, -1)
    be = edge_unary_b.reshape(1, -1)
    bo = obj_unary_b.reshape(1, -1)
    obj_fcb = obj_fc_b.reshape(1, -1)
    rel_fcb = rel_fc_b.reshape(1, -1)

    gvT = jnp.zeros((HID, 128), f32).at[:, :4].set(
        jnp.stack([sub_w[0, :HID], obj_w[0, :HID],
                   out_w[0, :HID], in_w[0, :HID]], axis=1))
    geT = jnp.zeros((HID, 128), f32).at[:, :4].set(
        jnp.stack([sub_w[0, HID:], obj_w[0, HID:],
                   out_w[0, HID:], in_w[0, HID:]], axis=1))
    gb = jnp.zeros((1, 128), f32).at[0, :4].set(
        jnp.stack([sub_b[0], obj_b[0], out_b[0], in_b[0]]))

    vert = _vert_prologue(x, obj_unary_w, bo, node_w_ih, n_bih, n_bhh)
    e0 = _edge_prologue(union_features, edge_unary_w, be, edge_w_ih,
                        e_bih, e_bhh, 0)
    e1 = _edge_prologue(union_features, edge_unary_w, be, edge_w_ih,
                        e_bih, e_bhh, 1)
    edge = [e0, e1]

    zeros_tile = jnp.zeros((_ROWS_PER_TILE, HID), f32)

    for _ in range(2):
        scat = [None, None]
        new_edge = [None, None]
        for h in (0, 1):
            sub_v, obj_v = _gather_half[h](vert, sidx, oidx)
            new_edge[h], po, pi = _edge_iter(
                sub_v, obj_v, edge[h], gvT, geT, gb,
                edge_w_ih, edge_w_hh, e_bih, e_bhh)
            scat[h] = _scatter_half[h](po, pi, sidx, oidx, zeros_tile)
        vert = _node_iter(scat[0], scat[1], vert,
                          node_w_ih, node_w_hh, n_bih, n_bhh)
        edge = new_edge

    scat = [None, None]
    rel = [None, None]
    for h in (0, 1):
        sub_v, obj_v = _gather_half[h](vert, sidx, oidx)
        rel[h], po, pi = _edge_iter_last(
            sub_v, obj_v, edge[h], gvT, geT, gb,
            edge_w_ih, edge_w_hh, e_bih, e_bhh, rel_fc_w, rel_fcb)
        scat[h] = _scatter_half[h](po, pi, sidx, oidx, zeros_tile)
    obj_dists = _node_iter_last(scat[0], scat[1], vert, node_w_ih,
                                node_w_hh, n_bih, n_bhh, obj_fc_w, obj_fcb)
    rel_dists = jnp.concatenate(rel, axis=0)
    return (obj_dists, rel_dists)

# --- scband reference (transcript-rebuilt; emitter-appended) ---
"""Pipeline reference for scband-impsegmentation-context-63101659513477 (READ-ONLY COPY).

The authoritative reference and input builder live on the scoring server;
editing this copy changes nothing except your own understanding.
"""

import jax, jax.numpy as jnp
import numpy as np

HID = 128
N_OBJ = 2048
N_REL = 16384
IN_CH = 256
POOL = 1024
NUM_OBJ_CLS = 151
NUM_REL_CLS = 51
NUM_ITER = 3


def _gru_cell(x, h, w_ih, w_hh, b_ih, b_hh):
    gi = x @ w_ih.T + b_ih
    gh = h @ w_hh.T + b_hh
    i_r, i_z, i_n = jnp.split(gi, 3, axis=1)
    h_r, h_z, h_n = jnp.split(gh, 3, axis=1)
    r = jax.nn.sigmoid(i_r + h_r)
    z = jax.nn.sigmoid(i_z + h_z)
    n = jnp.tanh(i_n + r * h_n)
    return (1.0 - z) * n + z * h


def setup_inputs(seed: int = 0) -> dict:
    key = jax.random.key(seed)
    ks = jax.random.split(key, 32)

    def nrm(i, shape, scale=0.05):
        return jax.random.normal(ks[i], shape, dtype=jnp.float32) * scale

    inp = {}
    inp["x"] = jax.random.normal(ks[0], (N_OBJ, IN_CH), dtype=jnp.float32)
    inp["union_features"] = jax.random.normal(ks[1], (N_REL, POOL), dtype=jnp.float32)
    inp["rel_pair_idxs"] = jax.random.randint(ks[2], (N_REL, 2), 0, N_OBJ)
    inp["obj_unary_w"] = nrm(3, (HID, IN_CH))
    inp["obj_unary_b"] = nrm(4, (HID,))
    inp["edge_unary_w"] = nrm(5, (HID, POOL))
    inp["edge_unary_b"] = nrm(6, (HID,))
    inp["node_w_ih"] = nrm(7, (3 * HID, HID))
    inp["node_w_hh"] = nrm(8, (3 * HID, HID))
    inp["node_b_ih"] = nrm(9, (3 * HID,))
    inp["node_b_hh"] = nrm(10, (3 * HID,))
    inp["edge_w_ih"] = nrm(11, (3 * HID, HID))
    inp["edge_w_hh"] = nrm(12, (3 * HID, HID))
    inp["edge_b_ih"] = nrm(13, (3 * HID,))
    inp["edge_b_hh"] = nrm(14, (3 * HID,))
    inp["sub_w"] = nrm(15, (1, 2 * HID))
    inp["sub_b"] = nrm(16, (1,))
    inp["obj_w"] = nrm(17, (1, 2 * HID))
    inp["obj_b"] = nrm(18, (1,))
    inp["out_w"] = nrm(19, (1, 2 * HID))
    inp["out_b"] = nrm(20, (1,))
    inp["in_w"] = nrm(21, (1, 2 * HID))
    inp["in_b"] = nrm(22, (1,))
    inp["obj_fc_w"] = nrm(23, (NUM_OBJ_CLS, HID))
    inp["obj_fc_b"] = nrm(24, (NUM_OBJ_CLS,))
    inp["rel_fc_w"] = nrm(25, (NUM_REL_CLS, HID))
    inp["rel_fc_b"] = nrm(26, (NUM_REL_CLS,))
    return inp


def _forward(sub_idx, obj_idx, x, union_features, obj_unary_w, obj_unary_b, edge_unary_w, edge_unary_b, node_w_ih, node_w_hh, node_b_ih, node_b_hh, edge_w_ih, edge_w_hh, edge_b_ih, edge_b_hh, sub_w, sub_b, obj_w, obj_b, out_w, out_b, in_w, in_b, obj_fc_w, obj_fc_b, rel_fc_w, rel_fc_b):
    obj_rep = x @ obj_unary_w.T + obj_unary_b
    rel_rep = jax.nn.relu(union_features @ edge_unary_w.T + edge_unary_b)
    hx_obj = jnp.zeros((obj_rep.shape[0], HID), dtype=jnp.float32)
    hx_rel = jnp.zeros((rel_rep.shape[0], HID), dtype=jnp.float32)
    vert = _gru_cell(obj_rep, hx_obj, node_w_ih, node_w_hh, node_b_ih, node_b_hh)
    edge = _gru_cell(rel_rep, hx_rel, edge_w_ih, edge_w_hh, edge_b_ih, edge_b_hh)
    for _ in range(NUM_ITER):
        sub_vert = vert[sub_idx]
        obj_vert = vert[obj_idx]
        w_s = jax.nn.sigmoid(jnp.concatenate((sub_vert, edge), axis=1) @ sub_w.T + sub_b)
        w_o = jax.nn.sigmoid(jnp.concatenate((obj_vert, edge), axis=1) @ obj_w.T + obj_b)
        edge_new = _gru_cell(w_s * sub_vert + w_o * obj_vert, edge, edge_w_ih, edge_w_hh, edge_b_ih, edge_b_hh)
        # NOTE: original code reads edge_factor[i] (the OLD edge state) for pre_out/pre_in
        pre_out = jax.nn.sigmoid(jnp.concatenate((sub_vert, edge), axis=1) @ out_w.T + out_b) * edge
        pre_in = jax.nn.sigmoid(jnp.concatenate((obj_vert, edge), axis=1) @ in_w.T + in_b) * edge
        # sub2rel / obj2rel are 0/1 incidence matrices with one nonzero per relation column,
        # so sub2rel @ pre_out == segment_sum(pre_out, sub_idx) exactly.
        vert_ctx = jax.ops.segment_sum(pre_out, sub_idx, num_segments=vert.shape[0]) + jax.ops.segment_sum(pre_in, obj_idx, num_segments=vert.shape[0])
        vert = _gru_cell(vert_ctx, vert, node_w_ih, node_w_hh, node_b_ih, node_b_hh)
        edge = edge_new
    obj_dists = vert @ obj_fc_w.T + obj_fc_b
    rel_dists = edge @ rel_fc_w.T + rel_fc_b
    return (obj_dists, rel_dists)


def reference(x, union_features, rel_pair_idxs, obj_unary_w, obj_unary_b, edge_unary_w, edge_unary_b, node_w_ih, node_w_hh, node_b_ih, node_b_hh, edge_w_ih, edge_w_hh, edge_b_ih, edge_b_hh, sub_w, sub_b, obj_w, obj_b, out_w, out_b, in_w, in_b, obj_fc_w, obj_fc_b, rel_fc_w, rel_fc_b):
    sub_idx = rel_pair_idxs[:, 0]
    obj_idx = rel_pair_idxs[:, 1]
    return _forward(sub_idx, obj_idx, x, union_features, obj_unary_w, obj_unary_b, edge_unary_w, edge_unary_b, node_w_ih, node_w_hh, node_b_ih, node_b_hh, edge_w_ih, edge_w_hh, edge_b_ih, edge_b_hh, sub_w, sub_b, obj_w, obj_b, out_w, out_b, in_w, in_b, obj_fc_w, obj_fc_b, rel_fc_w, rel_fc_b)

if __name__ == "__main__":
    import jax
    _d = setup_inputs()
    print(jax.jit(kernel)(*tuple(_d.values())))

</pallas_src>

<mosaic_0001>
#map = affine_map<(d0, d1) -> (0, 0)>
#map1 = affine_map<(d0, d1) -> (0)>
module attributes {stable_mosaic.version = 14 : i64} {
  func.func @gather(%arg0: i32, %arg1: i32, %arg2: memref<2048x128xf32, #tpu.memory_space<hbm>>, %arg3: memref<16384xi32, #tpu.memory_space<hbm>>, %arg4: memref<16384xi32, #tpu.memory_space<hbm>>, %arg5: memref<8192x128xf32, #tpu.memory_space<hbm>>, %arg6: memref<8192x128xf32, #tpu.memory_space<hbm>>, %arg7: memref<256xi32, #tpu.memory_space<vmem>>, %arg8: memref<256xi32, #tpu.memory_space<vmem>>, %arg9: memref<256x128xf32, #tpu.memory_space<vmem>>, %arg10: memref<256x128xf32, #tpu.memory_space<vmem>>, %arg11: memref<!tpu.dma_semaphore, #tpu.memory_space<semaphore_mem>>, %arg12: memref<!tpu.dma_semaphore, #tpu.memory_space<semaphore_mem>>, %arg13: memref<!tpu.dma_semaphore, #tpu.memory_space<semaphore_mem>>, %arg14: memref<!tpu.dma_semaphore, #tpu.memory_space<semaphore_mem>>) attributes {dimension_semantics = [#tpu.dimension_semantics<core_parallel>, #tpu.dimension_semantics<subcore_parallel>], iteration_bounds = array<i64: 2, 16>, scalar_prefetch = 0 : i64, scratch_operands = 8 : i64, tpu.core_type = #tpu.core_type<sc_vector_subcore>, window_params = [{transform_indices = #map}, {transform_indices = #map1}, {transform_indices = #map1}, {transform_indices = #map}, {transform_indices = #map}]} {
    %mul3A = arith.constant 2 : i32
    %mul3A_0 = arith.muli %arg1, %mul3A : i32
    %add3A = arith.addi %mul3A_0, %arg0 : i32
    %mul3A_1 = arith.constant 256 : i32
    %mul3A_2 = arith.muli %add3A, %mul3A_1 : i32
    %add3A_3 = arith.constant 0 : i32
    %add3A_4 = arith.addi %add3A_3, %mul3A_2 : i32
    %dma_start3A = tpu.memref_slice %arg3[%add3A_4] : memref<16384xi32, #tpu.memory_space<hbm>> -> memref<256xi32, #tpu.memory_space<hbm>>
    %dma_start3A_5 = tpu.memref_slice %arg3[%add3A_4] : memref<16384xi32, #tpu.memory_space<hbm>> -> memref<256xi32, #tpu.memory_space<hbm>>
    tpu.enqueue_dma source(%dma_start3A_5 : memref<256xi32, #tpu.memory_space<hbm>>) target(%arg7 : memref<256xi32, #tpu.memory_space<vmem>>) target_semaphore(%arg11 : memref<!tpu.dma_semaphore, #tpu.memory_space<semaphore_mem>>)
    %dma_start3A_6 = tpu.memref_slice %arg4[%add3A_4] : memref<16384xi32, #tpu.memory_space<hbm>> -> memref<256xi32, #tpu.memory_space<hbm>>
    %dma_start3A_7 = tpu.memref_slice %arg4[%add3A_4] : memref<16384xi32, #tpu.memory_space<hbm>> -> memref<256xi32, #tpu.memory_space<hbm>>
    tpu.enqueue_dma source(%dma_start3A_7 : memref<256xi32, #tpu.memory_space<hbm>>) target(%arg8 : memref<256xi32, #tpu.memory_space<vmem>>) target_semaphore(%arg12 : memref<!tpu.dma_semaphore, #tpu.memory_space<semaphore_mem>>)
    %dma_wait3A = tpu.memref_slice %arg3[%add3A_4] : memref<16384xi32, #tpu.memory_space<hbm>> -> memref<256xi32, #tpu.memory_space<hbm>>
    %dma_wait3A_8 = tpu.memref_slice %arg3[%add3A_4] : memref<16384xi32, #tpu.memory_space<hbm>> -> memref<256xi32, #tpu.memory_space<hbm>>
    tpu.wait_dma2 semaphore(%arg11 : memref<!tpu.dma_semaphore, #tpu.memory_space<semaphore_mem>>) src(%dma_wait3A_8 : memref<256xi32, #tpu.memory_space<hbm>>) dst(%arg7 : memref<256xi32, #tpu.memory_space<vmem>>)
    %dma_start3A_9 = arith.constant 0 : i32
    %dma_start3A_10 = arith.constant 0 : i32
    %dma_start3A_11 = tpu.memref_slice %arg2[%dma_start3A_9, %dma_start3A_10] : memref<2048x128xf32, #tpu.memory_space<hbm>> -> memref<2048x128xf32, #tpu.memory_space<hbm>>
    tpu.enqueue_indirect_dma source(%dma_start3A_11 : memref<2048x128xf32, #tpu.memory_space<hbm>>) target(%arg9 : memref<256x128xf32, #tpu.memory_space<vmem>>) offsets(%arg7 : memref<256xi32, #tpu.memory_space<vmem>>) semaphore(%arg11 : memref<!tpu.dma_semaphore, #tpu.memory_space<semaphore_mem>>)
    %dma_wait3A_12 = tpu.memref_slice %arg4[%add3A_4] : memref<16384xi32, #tpu.memory_space<hbm>> -> memref<256xi32, #tpu.memory_space<hbm>>
    %dma_wait3A_13 = tpu.memref_slice %arg4[%add3A_4] : memref<16384xi32, #tpu.memory_space<hbm>> -> memref<256xi32, #tpu.memory_space<hbm>>
    tpu.wait_dma2 semaphore(%arg12 : memref<!tpu.dma_semaphore, #tpu.memory_space<semaphore_mem>>) src(%dma_wait3A_13 : memref<256xi32, #tpu.memory_space<hbm>>) dst(%arg8 : memref<256xi32, #tpu.memory_space<vmem>>)
    %dma_start3A_14 = arith.constant 0 : i32
    %dma_start3A_15 = arith.constant 0 : i32
    %dma_start3A_16 = tpu.memref_slice %arg2[%dma_start3A_14, %dma_start3A_15] : memref<2048x128xf32, #tpu.memory_space<hbm>> -> memref<2048x128xf32, #tpu.memory_space<hbm>>
    tpu.enqueue_indirect_dma source(%dma_start3A_16 : memref<2048x128xf32, #tpu.memory_space<hbm>>) target(%arg10 : memref<256x128xf32, #tpu.memory_space<vmem>>) offsets(%arg8 : memref<256xi32, #tpu.memory_space<vmem>>) semaphore(%arg12 : memref<!tpu.dma_semaphore, #tpu.memory_space<semaphore_mem>>)
    %dma_wait3A_17 = arith.constant 0 : i32
    %dma_wait3A_18 = arith.constant 0 : i32
    %dma_wait3A_19 = tpu.memref_slice %arg2[%dma_wait3A_17, %dma_wait3A_18] : memref<2048x128xf32, #tpu.memory_space<hbm>> -> memref<2048x128xf32, #tpu.memory_space<hbm>>
    tpu.wait_indirect_dma semaphore(%arg11 : memref<!tpu.dma_semaphore, #tpu.memory_space<semaphore_mem>>) src(%dma_wait3A_19 : memref<2048x128xf32, #tpu.memory_space<hbm>>) dst(%arg9 : memref<256x128xf32, #tpu.memory_space<vmem>>)
    %dma_start3A_20 = arith.constant 0 : i32
    %dma_start3A_21 = tpu.memref_slice %arg5[%mul3A_2, %dma_start3A_20] : memref<8192x128xf32, #tpu.memory_space<hbm>> -> memref<256x128xf32, #tpu.memory_space<hbm>>
    %dma_start3A_22 = arith.constant 0 : i32
    %dma_start3A_23 = tpu.memref_slice %arg5[%mul3A_2, %dma_start3A_22] : memref<8192x128xf32, #tpu.memory_space<hbm>> -> memref<256x128xf32, #tpu.memory_space<hbm>>
    tpu.enqueue_dma source(%arg9 : memref<256x128xf32, #tpu.memory_space<vmem>>) target(%dma_start3A_23 : memref<256x128xf32, #tpu.memory_space<hbm>>) target_semaphore(%arg13 : memref<!tpu.dma_semaphore, #tpu.memory_space<semaphore_mem>>)
    %dma_wait3A_24 = arith.constant 0 : i32
    %dma_wait3A_25 = arith.constant 0 : i32
    %dma_wait3A_26 = tpu.memref_slice %arg2[%dma_wait3A_24, %dma_wait3A_25] : memref<2048x128xf32, #tpu.memory_space<hbm>> -> memref<2048x128xf32, #tpu.memory_space<hbm>>
    tpu.wait_indirect_dma semaphore(%arg12 : memref<!tpu.dma_semaphore, #tpu.memory_space<semaphore_mem>>) src(%dma_wait3A_26 : memref<2048x128xf32, #tpu.memory_space<hbm>>) dst(%arg10 : memref<256x128xf32, #tpu.memory_space<vmem>>)
    %dma_start3A_27 = arith.constant 0 : i32
    %dma_start3A_28 = tpu.memref_slice %arg6[%mul3A_2, %dma_start3A_27] : memref<8192x128xf32, #tpu.memory_space<hbm>> -> memref<256x128xf32, #tpu.memory_space<hbm>>
    %dma_start3A_29 = arith.constant 0 : i32
    %dma_start3A_30 = tpu.memref_slice %arg6[%mul3A_2, %dma_start3A_29] : memref<8192x128xf32, #tpu.memory_space<hbm>> -> memref<256x128xf32, #tpu.memory_space<hbm>>
    tpu.enqueue_dma source(%arg10 : memref<256x128xf32, #tpu.memory_space<vmem>>) target(%dma_start3A_30 : memref<256x128xf32, #tpu.memory_space<hbm>>) target_semaphore(%arg14 : memref<!tpu.dma_semaphore, #tpu.memory_space<semaphore_mem>>)
    %dma_wait3A_31 = arith.constant 0 : i32
    %dma_wait3A_32 = tpu.memref_slice %arg5[%mul3A_2, %dma_wait3A_31] : memref<8192x128xf32, #tpu.memory_space<hbm>> -> memref<256x128xf32, #tpu.memory_space<hbm>>
    %dma_wait3A_33 = arith.constant 0 : i32
    %dma_wait3A_34 = tpu.memref_slice %arg5[%mul3A_2, %dma_wait3A_33] : memref<8192x128xf32, #tpu.memory_space<hbm>> -> memref<256x128xf32, #tpu.memory_space<hbm>>
    tpu.wait_dma2 semaphore(%arg13 : memref<!tpu.dma_semaphore, #tpu.memory_space<semaphore_mem>>) src(%arg9 : memref<256x128xf32, #tpu.memory_space<vmem>>) dst(%dma_wait3A_34 : memref<256x128xf32, #tpu.memory_space<hbm>>)
    %dma_wait3A_35 = arith.constant 0 : i32
    %dma_wait3A_36 = tpu.memref_slice %arg6[%mul3A_2, %dma_wait3A_35] : memref<8192x128xf32, #tpu.memory_space<hbm>> -> memref<256x128xf32, #tpu.memory_space<hbm>>
    %dma_wait3A_37 = arith.constant 0 : i32
    %dma_wait3A_38 = tpu.memref_slice %arg6[%mul3A_2, %dma_wait3A_37] : memref<8192x128xf32, #tpu.memory_space<hbm>> -> memref<256x128xf32, #tpu.memory_space<hbm>>
    tpu.wait_dma2 semaphore(%arg14 : memref<!tpu.dma_semaphore, #tpu.memory_space<semaphore_mem>>) src(%arg10 : memref<256x128xf32, #tpu.memory_space<vmem>>) dst(%dma_wait3A_38 : memref<256x128xf32, #tpu.memory_space<hbm>>)
    return
  }
}

#map = affine_map<(d0, d1) -> (0, 0)>
#map1 = affine_map<(d0, d1) -> (0)>
module attributes {stable_mosaic.version = 14 : i64} {
  func.func @gather(%arg0: i32, %arg1: i32, %arg2: memref<2048x128xf32, #tpu.memory_space<hbm>>, %arg3: memref<16384xi32, #tpu.memory_space<hbm>>, %arg4: memref<16384xi32, #tpu.memory_space<hbm>>, %arg5: memref<8192x128xf32, #tpu.memory_space<hbm>>, %arg6: memref<8192x128xf32, #tpu.memory_space<hbm>>, %arg7: memref<256xi32, #tpu.memory_space<vmem>>, %arg8: memref<256xi32, #tpu.memory_space<vmem>>, %arg9: memref<256x128xf32, #tpu.memory_space<vmem>>, %arg10: memref<256x128xf32, #tpu.memory_space<vmem>>, %arg11: memref<!tpu.dma_semaphore, #tpu.memory_space<semaphore_mem>>, %arg12: memref<!tpu.dma_semaphore, #tpu.memory_space<semaphore_mem>>, %arg13: memref<!tpu.dma_semaphore, #tpu.memory_space<semaphore_mem>>, %arg14: memref<!tpu.dma_semaphore, #tpu.memory_space<semaphore_mem>>) attributes {dimension_semantics = [#tpu.dimension_semantics<core_parallel>, #tpu.dimension_semantics<subcore_parallel>], iteration_bounds = array<i64: 2, 16>, scalar_prefetch = 0 : i64, scratch_operands = 8 : i64, tpu.core_type = #tpu.core_type<sc_vector_subcore>, window_params = [{transform_indices = #map}, {transform_indices = #map1}, {transform_indices = #map1}, {transform_indices = #map}, {transform_indices = #map}]} {
    %mul3A = arith.constant 2 : i32
    %mul3A_0 = arith.muli %arg1, %mul3A : i32
    %add3A = arith.addi %mul3A_0, %arg0 : i32
    %mul3A_1 = arith.constant 256 : i32
    %mul3A_2 = arith.muli %add3A, %mul3A_1 : i32
    %add3A_3 = arith.constant 8192 : i32
    %add3A_4 = arith.addi %add3A_3, %mul3A_2 : i32
    %dma_start3A = tpu.memref_slice %arg3[%add3A_4] : memref<16384xi32, #tpu.memory_space<hbm>> -> memref<256xi32, #tpu.memory_space<hbm>>
    %dma_start3A_5 = tpu.memref_slice %arg3[%add3A_4] : memref<16384xi32, #tpu.memory_space<hbm>> -> memref<256xi32, #tpu.memory_space<hbm>>
    tpu.enqueue_dma source(%dma_start3A_5 : memref<256xi32, #tpu.memory_space<hbm>>) target(%arg7 : memref<256xi32, #tpu.memory_space<vmem>>) target_semaphore(%arg11 : memref<!tpu.dma_semaphore, #tpu.memory_space<semaphore_mem>>)
    %dma_start3A_6 = tpu.memref_slice %arg4[%add3A_4] : memref<16384xi32, #tpu.memory_space<hbm>> -> memref<256xi32, #tpu.memory_space<hbm>>
    %dma_start3A_7 = tpu.memref_slice %arg4[%add3A_4] : memref<16384xi32, #tpu.memory_space<hbm>> -> memref<256xi32, #tpu.memory_space<hbm>>
    tpu.enqueue_dma source(%dma_start3A_7 : memref<256xi32, #tpu.memory_space<hbm>>) target(%arg8 : memref<256xi32, #tpu.memory_space<vmem>>) target_semaphore(%arg12 : memref<!tpu.dma_semaphore, #tpu.memory_space<semaphore_mem>>)
    %dma_wait3A = tpu.memref_slice %arg3[%add3A_4] : memref<16384xi32, #tpu.memory_space<hbm>> -> memref<256xi32, #tpu.memory_space<hbm>>
    %dma_wait3A_8 = tpu.memref_slice %arg3[%add3A_4] : memref<16384xi32, #tpu.memory_space<hbm>> -> memref<256xi32, #tpu.memory_space<hbm>>
    tpu.wait_dma2 semaphore(%arg11 : memref<!tpu.dma_semaphore, #tpu.memory_space<semaphore_mem>>) src(%dma_wait3A_8 : memref<256xi32, #tpu.memory_space<hbm>>) dst(%arg7 : memref<256xi32, #tpu.memory_space<vmem>>)
    %dma_start3A_9 = arith.constant 0 : i32
    %dma_start3A_10 = arith.constant 0 : i32
    %dma_start3A_11 = tpu.memref_slice %arg2[%dma_start3A_9, %dma_start3A_10] : memref<2048x128xf32, #tpu.memory_space<hbm>> -> memref<2048x128xf32, #tpu.memory_space<hbm>>
    tpu.enqueue_indirect_dma source(%dma_start3A_11 : memref<2048x128xf32, #tpu.memory_space<hbm>>) target(%arg9 : memref<256x128xf32, #tpu.memory_space<vmem>>) offsets(%arg7 : memref<256xi32, #tpu.memory_space<vmem>>) semaphore(%arg11 : memref<!tpu.dma_semaphore, #tpu.memory_space<semaphore_mem>>)
    %dma_wait3A_12 = tpu.memref_slice %arg4[%add3A_4] : memref<16384xi32, #tpu.memory_space<hbm>> -> memref<256xi32, #tpu.memory_space<hbm>>
    %dma_wait3A_13 = tpu.memref_slice %arg4[%add3A_4] : memref<16384xi32, #tpu.memory_space<hbm>> -> memref<256xi32, #tpu.memory_space<hbm>>
    tpu.wait_dma2 semaphore(%arg12 : memref<!tpu.dma_semaphore, #tpu.memory_space<semaphore_mem>>) src(%dma_wait3A_13 : memref<256xi32, #tpu.memory_space<hbm>>) dst(%arg8 : memref<256xi32, #tpu.memory_space<vmem>>)
    %dma_start3A_14 = arith.constant 0 : i32
    %dma_start3A_15 = arith.constant 0 : i32
    %dma_start3A_16 = tpu.memref_slice %arg2[%dma_start3A_14, %dma_start3A_15] : memref<2048x128xf32, #tpu.memory_space<hbm>> -> memref<2048x128xf32, #tpu.memory_space<hbm>>
    tpu.enqueue_indirect_dma source(%dma_start3A_16 : memref<2048x128xf32, #tpu.memory_space<hbm>>) target(%arg10 : memref<256x128xf32, #tpu.memory_space<vmem>>) offsets(%arg8 : memref<256xi32, #tpu.memory_space<vmem>>) semaphore(%arg12 : memref<!tpu.dma_semaphore, #tpu.memory_space<semaphore_mem>>)
    %dma_wait3A_17 = arith.constant 0 : i32
    %dma_wait3A_18 = arith.constant 0 : i32
    %dma_wait3A_19 = tpu.memref_slice %arg2[%dma_wait3A_17, %dma_wait3A_18] : memref<2048x128xf32, #tpu.memory_space<hbm>> -> memref<2048x128xf32, #tpu.memory_space<hbm>>
    tpu.wait_indirect_dma semaphore(%arg11 : memref<!tpu.dma_semaphore, #tpu.memory_space<semaphore_mem>>) src(%dma_wait3A_19 : memref<2048x128xf32, #tpu.memory_space<hbm>>) dst(%arg9 : memref<256x128xf32, #tpu.memory_space<vmem>>)
    %dma_start3A_20 = arith.constant 0 : i32
    %dma_start3A_21 = tpu.memref_slice %arg5[%mul3A_2, %dma_start3A_20] : memref<8192x128xf32, #tpu.memory_space<hbm>> -> memref<256x128xf32, #tpu.memory_space<hbm>>
    %dma_start3A_22 = arith.constant 0 : i32
    %dma_start3A_23 = tpu.memref_slice %arg5[%mul3A_2, %dma_start3A_22] : memref<8192x128xf32, #tpu.memory_space<hbm>> -> memref<256x128xf32, #tpu.memory_space<hbm>>
    tpu.enqueue_dma source(%arg9 : memref<256x128xf32, #tpu.memory_space<vmem>>) target(%dma_start3A_23 : memref<256x128xf32, #tpu.memory_space<hbm>>) target_semaphore(%arg13 : memref<!tpu.dma_semaphore, #tpu.memory_space<semaphore_mem>>)
    %dma_wait3A_24 = arith.constant 0 : i32
    %dma_wait3A_25 = arith.constant 0 : i32
    %dma_wait3A_26 = tpu.memref_slice %arg2[%dma_wait3A_24, %dma_wait3A_25] : memref<2048x128xf32, #tpu.memory_space<hbm>> -> memref<2048x128xf32, #tpu.memory_space<hbm>>
    tpu.wait_indirect_dma semaphore(%arg12 : memref<!tpu.dma_semaphore, #tpu.memory_space<semaphore_mem>>) src(%dma_wait3A_26 : memref<2048x128xf32, #tpu.memory_space<hbm>>) dst(%arg10 : memref<256x128xf32, #tpu.memory_space<vmem>>)
    %dma_start3A_27 = arith.constant 0 : i32
    %dma_start3A_28 = tpu.memref_slice %arg6[%mul3A_2, %dma_start3A_27] : memref<8192x128xf32, #tpu.memory_space<hbm>> -> memref<256x128xf32, #tpu.memory_space<hbm>>
    %dma_start3A_29 = arith.constant 0 : i32
    %dma_start3A_30 = tpu.memref_slice %arg6[%mul3A_2, %dma_start3A_29] : memref<8192x128xf32, #tpu.memory_space<hbm>> -> memref<256x128xf32, #tpu.memory_space<hbm>>
    tpu.enqueue_dma source(%arg10 : memref<256x128xf32, #tpu.memory_space<vmem>>) target(%dma_start3A_30 : memref<256x128xf32, #tpu.memory_space<hbm>>) target_semaphore(%arg14 : memref<!tpu.dma_semaphore, #tpu.memory_space<semaphore_mem>>)
    %dma_wait3A_31 = arith.constant 0 : i32
    %dma_wait3A_32 = tpu.memref_slice %arg5[%mul3A_2, %dma_wait3A_31] : memref<8192x128xf32, #tpu.memory_space<hbm>> -> memref<256x128xf32, #tpu.memory_space<hbm>>
    %dma_wait3A_33 = arith.constant 0 : i32
    %dma_wait3A_34 = tpu.memref_slice %arg5[%mul3A_2, %dma_wait3A_33] : memref<8192x128xf32, #tpu.memory_space<hbm>> -> memref<256x128xf32, #tpu.memory_space<hbm>>
    tpu.wait_dma2 semaphore(%arg13 : memref<!tpu.dma_semaphore, #tpu.memory_space<semaphore_mem>>) src(%arg9 : memref<256x128xf32, #tpu.memory_space<vmem>>) dst(%dma_wait3A_34 : memref<256x128xf32, #tpu.memory_space<hbm>>)
    %dma_wait3A_35 = arith.constant 0 : i32
    %dma_wait3A_36 = tpu.memref_slice %arg6[%mul3A_2, %dma_wait3A_35] : memref<8192x128xf32, #tpu.memory_space<hbm>> -> memref<256x128xf32, #tpu.memory_space<hbm>>
    %dma_wait3A_37 = arith.constant 0 : i32
    %dma_wait3A_38 = tpu.memref_slice %arg6[%mul3A_2, %dma_wait3A_37] : memref<8192x128xf32, #tpu.memory_space<hbm>> -> memref<256x128xf32, #tpu.memory_space<hbm>>
    tpu.wait_dma2 semaphore(%arg14 : memref<!tpu.dma_semaphore, #tpu.memory_space<semaphore_mem>>) src(%arg10 : memref<256x128xf32, #tpu.memory_space<vmem>>) dst(%dma_wait3A_38 : memref<256x128xf32, #tpu.memory_space<hbm>>)
    return
  }
}

#map = affine_map<(d0, d1) -> (0, 0)>
#map1 = affine_map<(d0, d1) -> (0)>
module attributes {stable_mosaic.version = 14 : i64} {
  func.func @scatter(%arg0: i32, %arg1: i32, %arg2: memref<8192x128xf32, #tpu.memory_space<hbm>>, %arg3: memref<8192x128xf32, #tpu.memory_space<hbm>>, %arg4: memref<16384xi32, #tpu.memory_space<hbm>>, %arg5: memref<16384xi32, #tpu.memory_space<hbm>>, %arg6: memref<128x128xf32, #tpu.memory_space<hbm>>, %arg7: memref<4096x128xf32, #tpu.memory_space<hbm>>, %arg8: memref<256xi32, #tpu.memory_space<vmem>>, %arg9: memref<256xi32, #tpu.memory_space<vmem>>, %arg10: memref<256x128xf32, #tpu.memory_space<vmem>>, %arg11: memref<256x128xf32, #tpu.memory_space<vmem>>, %arg12: memref<2048x128xf32, #tpu.memory_space<vmem_shared>>, %arg13: memref<!tpu.dma_semaphore, #tpu.memory_space<semaphore_mem>>, %arg14: memref<!tpu.dma_semaphore, #tpu.memory_space<semaphore_mem>>, %arg15: memref<!tpu.dma_semaphore, #tpu.memory_space<semaphore_mem>>) attributes {dimension_semantics = [#tpu.dimension_semantics<core_parallel>, #tpu.dimension_semantics<subcore_parallel>], iteration_bounds = array<i64: 2, 16>, scalar_prefetch = 0 : i64, scratch_operands = 8 : i64, tpu.core_type = #tpu.core_type<sc_vector_subcore>, window_params = [{transform_indices = #map}, {transform_indices = #map}, {transform_indices = #map1}, {transform_indices = #map1}, {transform_indices = #map}, {transform_indices = #map}]} {
    %mul3A = arith.constant 128 : i32
    %mul3A_0 = arith.muli %arg1, %mul3A : i32
    %dma_start3A = arith.constant 0 : i32
    %dma_start3A_1 = tpu.memref_slice %arg12[%mul3A_0, %dma_start3A] : memref<2048x128xf32, #tpu.memory_space<vmem_shared>> -> memref<128x128xf32, #tpu.memory_space<vmem_shared>>
    tpu.enqueue_dma source(%arg6 : memref<128x128xf32, #tpu.memory_space<hbm>>) target(%dma_start3A_1 : memref<128x128xf32, #tpu.memory_space<vmem_shared>>) target_semaphore(%arg15 : memref<!tpu.dma_semaphore, #tpu.memory_space<semaphore_mem>>)
    %mul3A_2 = arith.constant 16 : i32
    %mul3A_3 = arith.muli %arg0, %mul3A_2 : i32
    %add3A = arith.addi %mul3A_3, %arg1 : i32
    %mul3A_4 = arith.constant 256 : i32
    %mul3A_5 = arith.muli %add3A, %mul3A_4 : i32
    %add3A_6 = arith.constant 0 : i32
    %add3A_7 = arith.addi %add3A_6, %mul3A_5 : i32
    %dma_start3A_8 = tpu.memref_slice %arg4[%add3A_7] : memref<16384xi32, #tpu.memory_space<hbm>> -> memref<256xi32, #tpu.memory_space<hbm>>
    %dma_start3A_9 = tpu.memref_slice %arg4[%add3A_7] : memref<16384xi32, #tpu.memory_space<hbm>> -> memref<256xi32, #tpu.memory_space<hbm>>
    tpu.enqueue_dma source(%dma_start3A_9 : memref<256xi32, #tpu.memory_space<hbm>>) target(%arg8 : memref<256xi32, #tpu.memory_space<vmem>>) target_semaphore(%arg13 : memref<!tpu.dma_semaphore, #tpu.memory_space<semaphore_mem>>)
    %dma_start3A_10 = tpu.memref_slice %arg5[%add3A_7] : memref<16384xi32, #tpu.memory_space<hbm>> -> memref<256xi32, #tpu.memory_space<hbm>>
    %dma_start3A_11 = tpu.memref_slice %arg5[%add3A_7] : memref<16384xi32, #tpu.memory_space<hbm>> -> memref<256xi32, #tpu.memory_space<hbm>>
    tpu.enqueue_dma source(%dma_start3A_11 : memref<256xi32, #tpu.memory_space<hbm>>) target(%arg9 : memref<256xi32, #tpu.memory_space<vmem>>) target_semaphore(%arg14 : memref<!tpu.dma_semaphore, #tpu.memory_space<semaphore_mem>>)
    %dma_wait3A = tpu.memref_slice %arg4[%add3A_7] : memref<16384xi32, #tpu.memory_space<hbm>> -> memref<256xi32, #tpu.memory_space<hbm>>
    %dma_wait3A_12 = tpu.memref_slice %arg4[%add3A_7] : memref<16384xi32, #tpu.memory_space<hbm>> -> memref<256xi32, #tpu.memory_space<hbm>>
    tpu.wait_dma2 semaphore(%arg13 : memref<!tpu.dma_semaphore, #tpu.memory_space<semaphore_mem>>) src(%dma_wait3A_12 : memref<256xi32, #tpu.memory_space<hbm>>) dst(%arg8 : memref<256xi32, #tpu.memory_space<vmem>>)
    %dma_wait3A_13 = tpu.memref_slice %arg5[%add3A_7] : memref<16384xi32, #tpu.memory_space<hbm>> -> memref<256xi32, #tpu.memory_space<hbm>>
    %dma_wait3A_14 = tpu.memref_slice %arg5[%add3A_7] : memref<16384xi32, #tpu.memory_space<hbm>> -> memref<256xi32, #tpu.memory_space<hbm>>
    tpu.wait_dma2 semaphore(%arg14 : memref<!tpu.dma_semaphore, #tpu.memory_space<semaphore_mem>>) src(%dma_wait3A_14 : memref<256xi32, #tpu.memory_space<hbm>>) dst(%arg9 : memref<256xi32, #tpu.memory_space<vmem>>)
    %dma_start3A_15 = arith.constant 0 : i32
    %dma_start3A_16 = tpu.memref_slice %arg2[%mul3A_5, %dma_start3A_15] : memref<8192x128xf32, #tpu.memory_space<hbm>> -> memref<256x128xf32, #tpu.memory_space<hbm>>
    %dma_start3A_17 = arith.constant 0 : i32
    %dma_start3A_18 = tpu.memref_slice %arg2[%mul3A_5, %dma_start3A_17] : memref<8192x128xf32, #tpu.memory_space<hbm>> -> memref<256x128xf32, #tpu.memory_space<hbm>>
    tpu.enqueue_dma source(%dma_start3A_18 : memref<256x128xf32, #tpu.memory_space<hbm>>) target(%arg10 : memref<256x128xf32, #tpu.memory_space<vmem>>) target_semaphore(%arg13 : memref<!tpu.dma_semaphore, #tpu.memory_space<semaphore_mem>>)
    %dma_start3A_19 = arith.constant 0 : i32
    %dma_start3A_20 = tpu.memref_slice %arg3[%mul3A_5, %dma_start3A_19] : memref<8192x128xf32, #tpu.memory_space<hbm>> -> memref<256x128xf32, #tpu.memory_space<hbm>>
    %dma_start3A_21 = arith.constant 0 : i32
    %dma_start3A_22 = tpu.memref_slice %arg3[%mul3A_5, %dma_start3A_21] : memref<8192x128xf32, #tpu.memory_space<hbm>> -> memref<256x128xf32, #tpu.memory_space<hbm>>
    tpu.enqueue_dma source(%dma_start3A_22 : memref<256x128xf32, #tpu.memory_space<hbm>>) target(%arg11 : memref<256x128xf32, #tpu.memory_space<vmem>>) target_semaphore(%arg14 : memref<!tpu.dma_semaphore, #tpu.memory_space<semaphore_mem>>)
    %dma_wait3A_23 = arith.constant 0 : i32
    %dma_wait3A_24 = tpu.memref_slice %arg12[%mul3A_0, %dma_wait3A_23] : memref<2048x128xf32, #tpu.memory_space<vmem_shared>> -> memref<128x128xf32, #tpu.memory_space<vmem_shared>>
    tpu.wait_dma2 semaphore(%arg15 : memref<!tpu.dma_semaphore, #tpu.memory_space<semaphore_mem>>) src(%arg6 : memref<128x128xf32, #tpu.memory_space<hbm>>) dst(%dma_wait3A_24 : memref<128x128xf32, #tpu.memory_space<vmem_shared>>)
    %barrier3A = arith.constant 0 : index
    tpu.barrier barrier_id(%barrier3A)
    %dma_wait3A_25 = arith.constant 0 : i32
    %dma_wait3A_26 = tpu.memref_slice %arg2[%mul3A_5, %dma_wait3A_25] : memref<8192x128xf32, #tpu.memory_space<hbm>> -> memref<256x128xf32, #tpu.memory_space<hbm>>
    %dma_wait3A_27 = arith.constant 0 : i32
    %dma_wait3A_28 = tpu.memref_slice %arg2[%mul3A_5, %dma_wait3A_27] : memref<8192x128xf32, #tpu.memory_space<hbm>> -> memref<256x128xf32, #tpu.memory_space<hbm>>
    tpu.wait_dma2 semaphore(%arg13 : memref<!tpu.dma_semaphore, #tpu.memory_space<semaphore_mem>>) src(%dma_wait3A_28 : memref<256x128xf32, #tpu.memory_space<hbm>>) dst(%arg10 : memref<256x128xf32, #tpu.memory_space<vmem>>)
    "tpu.region"() ({
      %run_scoped3A = tpu.sem_alloc : memref<!tpu.dma_semaphore, #tpu.memory_space<semaphore_mem>>
      %dma_start3A_41 = arith.constant 0 : i32
      %dma_start3A_42 = arith.constant 0 : i32
      %dma_start3A_43 = tpu.memref_slice %arg12[%dma_start3A_41, %dma_start3A_42] : memref<2048x128xf32, #tpu.memory_space<vmem_shared>> -> memref<2048x128xf32, #tpu.memory_space<vmem_shared>>
      tpu.enqueue_indirect_dma source(%arg10 : memref<256x128xf32, #tpu.memory_space<vmem>>) target(%dma_start3A_43 : memref<2048x128xf32, #tpu.memory_space<vmem_shared>>) offsets(%arg8 : memref<256xi32, #tpu.memory_space<vmem>>) semaphore(%run_scoped3A : memref<!tpu.dma_semaphore, #tpu.memory_space<semaphore_mem>>) {add = true}
      %dma_wait3A_44 = arith.constant 0 : i32
      %dma_wait3A_45 = arith.constant 0 : i32
      %dma_wait3A_46 = tpu.memref_slice %arg12[%dma_wait3A_44, %dma_wait3A_45] : memref<2048x128xf32, #tpu.memory_space<vmem_shared>> -> memref<2048x128xf32, #tpu.memory_space<vmem_shared>>
      tpu.wait_indirect_dma semaphore(%run_scoped3A : memref<!tpu.dma_semaphore, #tpu.memory_space<semaphore_mem>>) src(%arg10 : memref<256x128xf32, #tpu.memory_space<vmem>>) dst(%dma_wait3A_46 : memref<2048x128xf32, #tpu.memory_space<vmem_shared>>)
      tpu.yield
    }) : () -> ()
    %dma_wait3A_29 = arith.constant 0 : i32
    %dma_wait3A_30 = tpu.memref_slice %arg3[%mul3A_5, %dma_wait3A_29] : memref<8192x128xf32, #tpu.memory_space<hbm>> -> memref<256x128xf32, #tpu.memory_space<hbm>>
    %dma_wait3A_31 = arith.constant 0 : i32
    %dma_wait3A_32 = tpu.memref_slice %arg3[%mul3A_5, %dma_wait3A_31] : memref<8192x128xf32, #tpu.memory_space<hbm>> -> memref<256x128xf32, #tpu.memory_space<hbm>>
    tpu.wait_dma2 semaphore(%arg14 : memref<!tpu.dma_semaphore, #tpu.memory_space<semaphore_mem>>) src(%dma_wait3A_32 : memref<256x128xf32, #tpu.memory_space<hbm>>) dst(%arg11 : memref<256x128xf32, #tpu.memory_space<vmem>>)
    "tpu.region"() ({
      %run_scoped3A = tpu.sem_alloc : memref<!tpu.dma_semaphore, #tpu.memory_space<semaphore_mem>>
      %dma_start3A_41 = arith.constant 0 : i32
      %dma_start3A_42 = arith.constant 0 : i32
      %dma_start3A_43 = tpu.memref_slice %arg12[%dma_start3A_41, %dma_start3A_42] : memref<2048x128xf32, #tpu.memory_space<vmem_shared>> -> memref<2048x128xf32, #tpu.memory_space<vmem_shared>>
      tpu.enqueue_indirect_dma source(%arg11 : memref<256x128xf32, #tpu.memory_space<vmem>>) target(%dma_start3A_43 : memref<2048x128xf32, #tpu.memory_space<vmem_shared>>) offsets(%arg9 : memref<256xi32, #tpu.memory_space<vmem>>) semaphore(%run_scoped3A : memref<!tpu.dma_semaphore, #tpu.memory_space<semaphore_mem>>) {add = true}
      %dma_wait3A_44 = arith.constant 0 : i32
      %dma_wait3A_45 = arith.constant 0 : i32
      %dma_wait3A_46 = tpu.memref_slice %arg12[%dma_wait3A_44, %dma_wait3A_45] : memref<2048x128xf32, #tpu.memory_space<vmem_shared>> -> memref<2048x128xf32, #tpu.memory_space<vmem_shared>>
      tpu.wait_indirect_dma semaphore(%run_scoped3A : memref<!tpu.dma_semaphore, #tpu.memory_space<semaphore_mem>>) src(%arg11 : memref<256x128xf32, #tpu.memory_space<vmem>>) dst(%dma_wait3A_46 : memref<2048x128xf32, #tpu.memory_space<vmem_shared>>)
      tpu.yield
    }) : () -> ()
    %barrier3A_33 = arith.constant 0 : index
    tpu.barrier barrier_id(%barrier3A_33)
    %mul3A_34 = arith.constant 128 : i32
    %mul3A_35 = arith.muli %arg1, %mul3A_34 : i32
    %mul3A_36 = arith.constant 2048 : i32
    %mul3A_37 = arith.muli %arg0, %mul3A_36 : i32
    %mul3A_38 = arith.constant 128 : i32
    %mul3A_39 = arith.muli %arg1, %mul3A_38 : i32
    %add3A_40 = arith.addi %mul3A_37, %mul3A_39 : i32
    "tpu.region"() ({
      %run_scoped3A = tpu.sem_alloc : memref<!tpu.dma_semaphore, #tpu.memory_space<semaphore_mem>>
      %dma_start3A_41 = arith.constant 0 : i32
      %dma_start3A_42 = tpu.memref_slice %arg7[%add3A_40, %dma_start3A_41] : memref<4096x128xf32, #tpu.memory_space<hbm>> -> memref<128x128xf32, #tpu.memory_space<hbm>>
      %dma_start3A_43 = arith.constant 0 : i32
      %dma_start3A_44 = tpu.memref_slice %arg12[%mul3A_35, %dma_start3A_43] : memref<2048x128xf32, #tpu.memory_space<vmem_shared>> -> memref<128x128xf32, #tpu.memory_space<vmem_shared>>
      tpu.enqueue_dma source(%dma_start3A_44 : memref<128x128xf32, #tpu.memory_space<vmem_shared>>) target(%dma_start3A_42 : memref<128x128xf32, #tpu.memory_space<hbm>>) target_semaphore(%run_scoped3A : memref<!tpu.dma_semaphore, #tpu.memory_space<semaphore_mem>>)
      %dma_wait3A_45 = arith.constant 0 : i32
      %dma_wait3A_46 = tpu.memref_slice %arg7[%add3A_40, %dma_wait3A_45] : memref<4096x128xf32, #tpu.memory_space<hbm>> -> memref<128x128xf32, #tpu.memory_space<hbm>>
      %dma_wait3A_47 = arith.constant 0 : i32
      %dma_wait3A_48 = tpu.memref_slice %arg12[%mul3A_35, %dma_wait3A_47] : memref<2048x128xf32, #tpu.memory_space<vmem_shared>> -> memref<128x128xf32, #tpu.memory_space<vmem_shared>>
      tpu.wait_dma2 semaphore(%run_scoped3A : memref<!tpu.dma_semaphore, #tpu.memory_space<semaphore_mem>>) src(%dma_wait3A_48 : memref<128x128xf32, #tpu.memory_space<vmem_shared>>) dst(%dma_wait3A_46 : memref<128x128xf32, #tpu.memory_space<hbm>>)
      tpu.yield
    }) : () -> ()
    return
  }
}

#map = affine_map<(d0, d1) -> (0, 0)>
#map1 = affine_map<(d0, d1) -> (0)>
module attributes {stable_mosaic.version = 14 : i64} {
  func.func @scatter(%arg0: i32, %arg1: i32, %arg2: memref<8192x128xf32, #tpu.memory_space<hbm>>, %arg3: memref<8192x128xf32, #tpu.memory_space<hbm>>, %arg4: memref<16384xi32, #tpu.memory_space<hbm>>, %arg5: memref<16384xi32, #tpu.memory_space<hbm>>, %arg6: memref<128x128xf32, #tpu.memory_space<hbm>>, %arg7: memref<4096x128xf32, #tpu.memory_space<hbm>>, %arg8: memref<256xi32, #tpu.memory_space<vmem>>, %arg9: memref<256xi32, #tpu.memory_space<vmem>>, %arg10: memref<256x128xf32, #tpu.memory_space<vmem>>, %arg11: memref<256x128xf32, #tpu.memory_space<vmem>>, %arg12: memref<2048x128xf32, #tpu.memory_space<vmem_shared>>, %arg13: memref<!tpu.dma_semaphore, #tpu.memory_space<semaphore_mem>>, %arg14: memref<!tpu.dma_semaphore, #tpu.memory_space<semaphore_mem>>, %arg15: memref<!tpu.dma_semaphore, #tpu.memory_space<semaphore_mem>>) attributes {dimension_semantics = [#tpu.dimension_semantics<core_parallel>, #tpu.dimension_semantics<subcore_parallel>], iteration_bounds = array<i64: 2, 16>, scalar_prefetch = 0 : i64, scratch_operands = 8 : i64, tpu.core_type = #tpu.core_type<sc_vector_subcore>, window_params = [{transform_indices = #map}, {transform_indices = #map}, {transform_indices = #map1}, {transform_indices = #map1}, {transform_indices = #map}, {transform_indices = #map}]} {
    %mul3A = arith.constant 128 : i32
    %mul3A_0 = arith.muli %arg1, %mul3A : i32
    %dma_start3A = arith.constant 0 : i32
    %dma_start3A_1 = tpu.memref_slice %arg12[%mul3A_0, %dma_start3A] : memref<2048x128xf32, #tpu.memory_space<vmem_shared>> -> memref<128x128xf32, #tpu.memory_space<vmem_shared>>
    tpu.enqueue_dma source(%arg6 : memref<128x128xf32, #tpu.memory_space<hbm>>) target(%dma_start3A_1 : memref<128x128xf32, #tpu.memory_space<vmem_shared>>) target_semaphore(%arg15 : memref<!tpu.dma_semaphore, #tpu.memory_space<semaphore_mem>>)
    %mul3A_2 = arith.constant 16 : i32
    %mul3A_3 = arith.muli %arg0, %mul3A_2 : i32
    %add3A = arith.addi %mul3A_3, %arg1 : i32
    %mul3A_4 = arith.constant 256 : i32
    %mul3A_5 = arith.muli %add3A, %mul3A_4 : i32
    %add3A_6 = arith.constant 8192 : i32
    %add3A_7 = arith.addi %add3A_6, %mul3A_5 : i32
    %dma_start3A_8 = tpu.memref_slice %arg4[%add3A_7] : memref<16384xi32, #tpu.memory_space<hbm>> -> memref<256xi32, #tpu.memory_space<hbm>>
    %dma_start3A_9 = tpu.memref_slice %arg4[%add3A_7] : memref<16384xi32, #tpu.memory_space<hbm>> -> memref<256xi32, #tpu.memory_space<hbm>>
    tpu.enqueue_dma source(%dma_start3A_9 : memref<256xi32, #tpu.memory_space<hbm>>) target(%arg8 : memref<256xi32, #tpu.memory_space<vmem>>) target_semaphore(%arg13 : memref<!tpu.dma_semaphore, #tpu.memory_space<semaphore_mem>>)
    %dma_start3A_10 = tpu.memref_slice %arg5[%add3A_7] : memref<16384xi32, #tpu.memory_space<hbm>> -> memref<256xi32, #tpu.memory_space<hbm>>
    %dma_start3A_11 = tpu.memref_slice %arg5[%add3A_7] : memref<16384xi32, #tpu.memory_space<hbm>> -> memref<256xi32, #tpu.memory_space<hbm>>
    tpu.enqueue_dma source(%dma_start3A_11 : memref<256xi32, #tpu.memory_space<hbm>>) target(%arg9 : memref<256xi32, #tpu.memory_space<vmem>>) target_semaphore(%arg14 : memref<!tpu.dma_semaphore, #tpu.memory_space<semaphore_mem>>)
    %dma_wait3A = tpu.memref_slice %arg4[%add3A_7] : memref<16384xi32, #tpu.memory_space<hbm>> -> memref<256xi32, #tpu.memory_space<hbm>>
    %dma_wait3A_12 = tpu.memref_slice %arg4[%add3A_7] : memref<16384xi32, #tpu.memory_space<hbm>> -> memref<256xi32, #tpu.memory_space<hbm>>
    tpu.wait_dma2 semaphore(%arg13 : memref<!tpu.dma_semaphore, #tpu.memory_space<semaphore_mem>>) src(%dma_wait3A_12 : memref<256xi32, #tpu.memory_space<hbm>>) dst(%arg8 : memref<256xi32, #tpu.memory_space<vmem>>)
    %dma_wait3A_13 = tpu.memref_slice %arg5[%add3A_7] : memref<16384xi32, #tpu.memory_space<hbm>> -> memref<256xi32, #tpu.memory_space<hbm>>
    %dma_wait3A_14 = tpu.memref_slice %arg5[%add3A_7] : memref<16384xi32, #tpu.memory_space<hbm>> -> memref<256xi32, #tpu.memory_space<hbm>>
    tpu.wait_dma2 semaphore(%arg14 : memref<!tpu.dma_semaphore, #tpu.memory_space<semaphore_mem>>) src(%dma_wait3A_14 : memref<256xi32, #tpu.memory_space<hbm>>) dst(%arg9 : memref<256xi32, #tpu.memory_space<vmem>>)
    %dma_start3A_15 = arith.constant 0 : i32
    %dma_start3A_16 = tpu.memref_slice %arg2[%mul3A_5, %dma_start3A_15] : memref<8192x128xf32, #tpu.memory_space<hbm>> -> memref<256x128xf32, #tpu.memory_space<hbm>>
    %dma_start3A_17 = arith.constant 0 : i32
    %dma_start3A_18 = tpu.memref_slice %arg2[%mul3A_5, %dma_start3A_17] : memref<8192x128xf32, #tpu.memory_space<hbm>> -> memref<256x128xf32, #tpu.memory_space<hbm>>
    tpu.enqueue_dma source(%dma_start3A_18 : memref<256x128xf32, #tpu.memory_space<hbm>>) target(%arg10 : memref<256x128xf32, #tpu.memory_space<vmem>>) target_semaphore(%arg13 : memref<!tpu.dma_semaphore, #tpu.memory_space<semaphore_mem>>)
    %dma_start3A_19 = arith.constant 0 : i32
    %dma_start3A_20 = tpu.memref_slice %arg3[%mul3A_5, %dma_start3A_19] : memref<8192x128xf32, #tpu.memory_space<hbm>> -> memref<256x128xf32, #tpu.memory_space<hbm>>
    %dma_start3A_21 = arith.constant 0 : i32
    %dma_start3A_22 = tpu.memref_slice %arg3[%mul3A_5, %dma_start3A_21] : memref<8192x128xf32, #tpu.memory_space<hbm>> -> memref<256x128xf32, #tpu.memory_space<hbm>>
    tpu.enqueue_dma source(%dma_start3A_22 : memref<256x128xf32, #tpu.memory_space<hbm>>) target(%arg11 : memref<256x128xf32, #tpu.memory_space<vmem>>) target_semaphore(%arg14 : memref<!tpu.dma_semaphore, #tpu.memory_space<semaphore_mem>>)
    %dma_wait3A_23 = arith.constant 0 : i32
    %dma_wait3A_24 = tpu.memref_slice %arg12[%mul3A_0, %dma_wait3A_23] : memref<2048x128xf32, #tpu.memory_space<vmem_shared>> -> memref<128x128xf32, #tpu.memory_space<vmem_shared>>
    tpu.wait_dma2 semaphore(%arg15 : memref<!tpu.dma_semaphore, #tpu.memory_space<semaphore_mem>>) src(%arg6 : memref<128x128xf32, #tpu.memory_space<hbm>>) dst(%dma_wait3A_24 : memref<128x128xf32, #tpu.memory_space<vmem_shared>>)
    %barrier3A = arith.constant 0 : index
    tpu.barrier barrier_id(%barrier3A)
    %dma_wait3A_25 = arith.constant 0 : i32
    %dma_wait3A_26 = tpu.memref_slice %arg2[%mul3A_5, %dma_wait3A_25] : memref<8192x128xf32, #tpu.memory_space<hbm>> -> memref<256x128xf32, #tpu.memory_space<hbm>>
    %dma_wait3A_27 = arith.constant 0 : i32
    %dma_wait3A_28 = tpu.memref_slice %arg2[%mul3A_5, %dma_wait3A_27] : memref<8192x128xf32, #tpu.memory_space<hbm>> -> memref<256x128xf32, #tpu.memory_space<hbm>>
    tpu.wait_dma2 semaphore(%arg13 : memref<!tpu.dma_semaphore, #tpu.memory_space<semaphore_mem>>) src(%dma_wait3A_28 : memref<256x128xf32, #tpu.memory_space<hbm>>) dst(%arg10 : memref<256x128xf32, #tpu.memory_space<vmem>>)
    "tpu.region"() ({
      %run_scoped3A = tpu.sem_alloc : memref<!tpu.dma_semaphore, #tpu.memory_space<semaphore_mem>>
      %dma_start3A_41 = arith.constant 0 : i32
      %dma_start3A_42 = arith.constant 0 : i32
      %dma_start3A_43 = tpu.memref_slice %arg12[%dma_start3A_41, %dma_start3A_42] : memref<2048x128xf32, #tpu.memory_space<vmem_shared>> -> memref<2048x128xf32, #tpu.memory_space<vmem_shared>>
      tpu.enqueue_indirect_dma source(%arg10 : memref<256x128xf32, #tpu.memory_space<vmem>>) target(%dma_start3A_43 : memref<2048x128xf32, #tpu.memory_space<vmem_shared>>) offsets(%arg8 : memref<256xi32, #tpu.memory_space<vmem>>) semaphore(%run_scoped3A : memref<!tpu.dma_semaphore, #tpu.memory_space<semaphore_mem>>) {add = true}
      %dma_wait3A_44 = arith.constant 0 : i32
      %dma_wait3A_45 = arith.constant 0 : i32
      %dma_wait3A_46 = tpu.memref_slice %arg12[%dma_wait3A_44, %dma_wait3A_45] : memref<2048x128xf32, #tpu.memory_space<vmem_shared>> -> memref<2048x128xf32, #tpu.memory_space<vmem_shared>>
      tpu.wait_indirect_dma semaphore(%run_scoped3A : memref<!tpu.dma_semaphore, #tpu.memory_space<semaphore_mem>>) src(%arg10 : memref<256x128xf32, #tpu.memory_space<vmem>>) dst(%dma_wait3A_46 : memref<2048x128xf32, #tpu.memory_space<vmem_shared>>)
      tpu.yield
    }) : () -> ()
    %dma_wait3A_29 = arith.constant 0 : i32
    %dma_wait3A_30 = tpu.memref_slice %arg3[%mul3A_5, %dma_wait3A_29] : memref<8192x128xf32, #tpu.memory_space<hbm>> -> memref<256x128xf32, #tpu.memory_space<hbm>>
    %dma_wait3A_31 = arith.constant 0 : i32
    %dma_wait3A_32 = tpu.memref_slice %arg3[%mul3A_5, %dma_wait3A_31] : memref<8192x128xf32, #tpu.memory_space<hbm>> -> memref<256x128xf32, #tpu.memory_space<hbm>>
    tpu.wait_dma2 semaphore(%arg14 : memref<!tpu.dma_semaphore, #tpu.memory_space<semaphore_mem>>) src(%dma_wait3A_32 : memref<256x128xf32, #tpu.memory_space<hbm>>) dst(%arg11 : memref<256x128xf32, #tpu.memory_space<vmem>>)
    "tpu.region"() ({
      %run_scoped3A = tpu.sem_alloc : memref<!tpu.dma_semaphore, #tpu.memory_space<semaphore_mem>>
      %dma_start3A_41 = arith.constant 0 : i32
      %dma_start3A_42 = arith.constant 0 : i32
      %dma_start3A_43 = tpu.memref_slice %arg12[%dma_start3A_41, %dma_start3A_42] : memref<2048x128xf32, #tpu.memory_space<vmem_shared>> -> memref<2048x128xf32, #tpu.memory_space<vmem_shared>>
      tpu.enqueue_indirect_dma source(%arg11 : memref<256x128xf32, #tpu.memory_space<vmem>>) target(%dma_start3A_43 : memref<2048x128xf32, #tpu.memory_space<vmem_shared>>) offsets(%arg9 : memref<256xi32, #tpu.memory_space<vmem>>) semaphore(%run_scoped3A : memref<!tpu.dma_semaphore, #tpu.memory_space<semaphore_mem>>) {add = true}
      %dma_wait3A_44 = arith.constant 0 : i32
      %dma_wait3A_45 = arith.constant 0 : i32
      %dma_wait3A_46 = tpu.memref_slice %arg12[%dma_wait3A_44, %dma_wait3A_45] : memref<2048x128xf32, #tpu.memory_space<vmem_shared>> -> memref<2048x128xf32, #tpu.memory_space<vmem_shared>>
      tpu.wait_indirect_dma semaphore(%run_scoped3A : memref<!tpu.dma_semaphore, #tpu.memory_space<semaphore_mem>>) src(%arg11 : memref<256x128xf32, #tpu.memory_space<vmem>>) dst(%dma_wait3A_46 : memref<2048x128xf32, #tpu.memory_space<vmem_shared>>)
      tpu.yield
    }) : () -> ()
    %barrier3A_33 = arith.constant 0 : index
    tpu.barrier barrier_id(%barrier3A_33)
    %mul3A_34 = arith.constant 128 : i32
    %mul3A_35 = arith.muli %arg1, %mul3A_34 : i32
    %mul3A_36 = arith.constant 2048 : i32
    %mul3A_37 = arith.muli %arg0, %mul3A_36 : i32
    %mul3A_38 = arith.constant 128 : i32
    %mul3A_39 = arith.muli %arg1, %mul3A_38 : i32
    %add3A_40 = arith.addi %mul3A_37, %mul3A_39 : i32
    "tpu.region"() ({
      %run_scoped3A = tpu.sem_alloc : memref<!tpu.dma_semaphore, #tpu.memory_space<semaphore_mem>>
      %dma_start3A_41 = arith.constant 0 : i32
      %dma_start3A_42 = tpu.memref_slice %arg7[%add3A_40, %dma_start3A_41] : memref<4096x128xf32, #tpu.memory_space<hbm>> -> memref<128x128xf32, #tpu.memory_space<hbm>>
      %dma_start3A_43 = arith.constant 0 : i32
      %dma_start3A_44 = tpu.memref_slice %arg12[%mul3A_35, %dma_start3A_43] : memref<2048x128xf32, #tpu.memory_space<vmem_shared>> -> memref<128x128xf32, #tpu.memory_space<vmem_shared>>
      tpu.enqueue_dma source(%dma_start3A_44 : memref<128x128xf32, #tpu.memory_space<vmem_shared>>) target(%dma_start3A_42 : memref<128x128xf32, #tpu.memory_space<hbm>>) target_semaphore(%run_scoped3A : memref<!tpu.dma_semaphore, #tpu.memory_space<semaphore_mem>>)
      %dma_wait3A_45 = arith.constant 0 : i32
      %dma_wait3A_46 = tpu.memref_slice %arg7[%add3A_40, %dma_wait3A_45] : memref<4096x128xf32, #tpu.memory_space<hbm>> -> memref<128x128xf32, #tpu.memory_space<hbm>>
      %dma_wait3A_47 = arith.constant 0 : i32
      %dma_wait3A_48 = tpu.memref_slice %arg12[%mul3A_35, %dma_wait3A_47] : memref<2048x128xf32, #tpu.memory_space<vmem_shared>> -> memref<128x128xf32, #tpu.memory_space<vmem_shared>>
      tpu.wait_dma2 semaphore(%run_scoped3A : memref<!tpu.dma_semaphore, #tpu.memory_space<semaphore_mem>>) src(%dma_wait3A_48 : memref<128x128xf32, #tpu.memory_space<vmem_shared>>) dst(%dma_wait3A_46 : memref<128x128xf32, #tpu.memory_space<hbm>>)
      tpu.yield
    }) : () -> ()
    return
  }
}

#map = affine_map<(d0, d1) -> (0, 0)>
#map1 = affine_map<(d0, d1) -> (0)>
module attributes {stable_mosaic.version = 14 : i64} {
  func.func @gather(%arg0: i32, %arg1: i32, %arg2: memref<2048x128xf32, #tpu.memory_space<hbm>>, %arg3: memref<16384xi32, #tpu.memory_space<hbm>>, %arg4: memref<16384xi32, #tpu.memory_space<hbm>>, %arg5: memref<8192x128xf32, #tpu.memory_space<hbm>>, %arg6: memref<8192x128xf32, #tpu.memory_space<hbm>>, %arg7: memref<256xi32, #tpu.memory_space<vmem>>, %arg8: memref<256xi32, #tpu.memory_space<vmem>>, %arg9: memref<256x128xf32, #tpu.memory_space<vmem>>, %arg10: memref<256x128xf32, #tpu.memory_space<vmem>>, %arg11: memref<!tpu.dma_semaphore, #tpu.memory_space<semaphore_mem>>, %arg12: memref<!tpu.dma_semaphore, #tpu.memory_space<semaphore_mem>>, %arg13: memref<!tpu.dma_semaphore, #tpu.memory_space<semaphore_mem>>, %arg14: memref<!tpu.dma_semaphore, #tpu.memory_space<semaphore_mem>>) attributes {dimension_semantics = [#tpu.dimension_semantics<core_parallel>, #tpu.dimension_semantics<subcore_parallel>], iteration_bounds = array<i64: 2, 16>, scalar_prefetch = 0 : i64, scratch_operands = 8 : i64, tpu.core_type = #tpu.core_type<sc_vector_subcore>, window_params = [{transform_indices = #map}, {transform_indices = #map1}, {transform_indices = #map1}, {transform_indices = #map}, {transform_indices = #map}]} {
    %mul3A = arith.constant 2 : i32
    %mul3A_0 = arith.muli %arg1, %mul3A : i32
    %add3A = arith.addi %mul3A_0, %arg0 : i32
    %mul3A_1 = arith.constant 256 : i32
    %mul3A_2 = arith.muli %add3A, %mul3A_1 : i32
    %add3A_3 = arith.constant 8192 : i32
    %add3A_4 = arith.addi %add3A_3, %mul3A_2 : i32
    %dma_start3A = tpu.memref_slice %arg3[%add3A_4] : memref<16384xi32, #tpu.memory_space<hbm>> -> memref<256xi32, #tpu.memory_space<hbm>>
    %dma_start3A_5 = tpu.memref_slice %arg3[%add3A_4] : memref<16384xi32, #tpu.memory_space<hbm>> -> memref<256xi32, #tpu.memory_space<hbm>>
    tpu.enqueue_dma source(%dma_start3A_5 : memref<256xi32, #tpu.memory_space<hbm>>) target(%arg7 : memref<256xi32, #tpu.memory_space<vmem>>) target_semaphore(%arg11 : memref<!tpu.dma_semaphore, #tpu.memory_space<semaphore_mem>>)
    %dma_start3A_6 = tpu.memref_slice %arg4[%add3A_4] : memref<16384xi32, #tpu.memory_space<hbm>> -> memref<256xi32, #tpu.memory_space<hbm>>
    %dma_start3A_7 = tpu.memref_slice %arg4[%add3A_4] : memref<16384xi32, #tpu.memory_space<hbm>> -> memref<256xi32, #tpu.memory_space<hbm>>
    tpu.enqueue_dma source(%dma_start3A_7 : memref<256xi32, #tpu.memory_space<hbm>>) target(%arg8 : memref<256xi32, #tpu.memory_space<vmem>>) target_semaphore(%arg12 : memref<!tpu.dma_semaphore, #tpu.memory_space<semaphore_mem>>)
    %dma_wait3A = tpu.memref_slice %arg3[%add3A_4] : memref<16384xi32, #tpu.memory_space<hbm>> -> memref<256xi32, #tpu.memory_space<hbm>>
    %dma_wait3A_8 = tpu.memref_slice %arg3[%add3A_4] : memref<16384xi32, #tpu.memory_space<hbm>> -> memref<256xi32, #tpu.memory_space<hbm>>
    tpu.wait_dma2 semaphore(%arg11 : memref<!tpu.dma_semaphore, #tpu.memory_space<semaphore_mem>>) src(%dma_wait3A_8 : memref<256xi32, #tpu.memory_space<hbm>>) dst(%arg7 : memref<256xi32, #tpu.memory_space<vmem>>)
    %dma_start3A_9 = arith.constant 0 : i32
    %dma_start3A_10 = arith.constant 0 : i32
    %dma_start3A_11 = tpu.memref_slice %arg2[%dma_start3A_9, %dma_start3A_10] : memref<2048x128xf32, #tpu.memory_space<hbm>> -> memref<2048x128xf32, #tpu.memory_space<hbm>>
    tpu.enqueue_indirect_dma source(%dma_start3A_11 : memref<2048x128xf32, #tpu.memory_space<hbm>>) target(%arg9 : memref<256x128xf32, #tpu.memory_space<vmem>>) offsets(%arg7 : memref<256xi32, #tpu.memory_space<vmem>>) semaphore(%arg11 : memref<!tpu.dma_semaphore, #tpu.memory_space<semaphore_mem>>)
    %dma_wait3A_12 = tpu.memref_slice %arg4[%add3A_4] : memref<16384xi32, #tpu.memory_space<hbm>> -> memref<256xi32, #tpu.memory_space<hbm>>
    %dma_wait3A_13 = tpu.memref_slice %arg4[%add3A_4] : memref<16384xi32, #tpu.memory_space<hbm>> -> memref<256xi32, #tpu.memory_space<hbm>>
    tpu.wait_dma2 semaphore(%arg12 : memref<!tpu.dma_semaphore, #tpu.memory_space<semaphore_mem>>) src(%dma_wait3A_13 : memref<256xi32, #tpu.memory_space<hbm>>) dst(%arg8 : memref<256xi32, #tpu.memory_space<vmem>>)
    %dma_start3A_14 = arith.constant 0 : i32
    %dma_start3A_15 = arith.constant 0 : i32
    %dma_start3A_16 = tpu.memref_slice %arg2[%dma_start3A_14, %dma_start3A_15] : memref<2048x128xf32, #tpu.memory_space<hbm>> -> memref<2048x128xf32, #tpu.memory_space<hbm>>
    tpu.enqueue_indirect_dma source(%dma_start3A_16 : memref<2048x128xf32, #tpu.memory_space<hbm>>) target(%arg10 : memref<256x128xf32, #tpu.memory_space<vmem>>) offsets(%arg8 : memref<256xi32, #tpu.memory_space<vmem>>) semaphore(%arg12 : memref<!tpu.dma_semaphore, #tpu.memory_space<semaphore_mem>>)
    %dma_wait3A_17 = arith.constant 0 : i32
    %dma_wait3A_18 = arith.constant 0 : i32
    %dma_wait3A_19 = tpu.memref_slice %arg2[%dma_wait3A_17, %dma_wait3A_18] : memref<2048x128xf32, #tpu.memory_space<hbm>> -> memref<2048x128xf32, #tpu.memory_space<hbm>>
    tpu.wait_indirect_dma semaphore(%arg11 : memref<!tpu.dma_semaphore, #tpu.memory_space<semaphore_mem>>) src(%dma_wait3A_19 : memref<2048x128xf32, #tpu.memory_space<hbm>>) dst(%arg9 : memref<256x128xf32, #tpu.memory_space<vmem>>)
    %dma_start3A_20 = arith.constant 0 : i32
    %dma_start3A_21 = tpu.memref_slice %arg5[%mul3A_2, %dma_start3A_20] : memref<8192x128xf32, #tpu.memory_space<hbm>> -> memref<256x128xf32, #tpu.memory_space<hbm>>
    %dma_start3A_22 = arith.constant 0 : i32
    %dma_start3A_23 = tpu.memref_slice %arg5[%mul3A_2, %dma_start3A_22] : memref<8192x128xf32, #tpu.memory_space<hbm>> -> memref<256x128xf32, #tpu.memory_space<hbm>>
    tpu.enqueue_dma source(%arg9 : memref<256x128xf32, #tpu.memory_space<vmem>>) target(%dma_start3A_23 : memref<256x128xf32, #tpu.memory_space<hbm>>) target_semaphore(%arg13 : memref<!tpu.dma_semaphore, #tpu.memory_space<semaphore_mem>>)
    %dma_wait3A_24 = arith.constant 0 : i32
    %dma_wait3A_25 = arith.constant 0 : i32
    %dma_wait3A_26 = tpu.memref_slice %arg2[%dma_wait3A_24, %dma_wait3A_25] : memref<2048x128xf32, #tpu.memory_space<hbm>> -> memref<2048x128xf32, #tpu.memory_space<hbm>>
    tpu.wait_indirect_dma semaphore(%arg12 : memref<!tpu.dma_semaphore, #tpu.memory_space<semaphore_mem>>) src(%dma_wait3A_26 : memref<2048x128xf32, #tpu.memory_space<hbm>>) dst(%arg10 : memref<256x128xf32, #tpu.memory_space<vmem>>)
    %dma_start3A_27 = arith.constant 0 : i32
    %dma_start3A_28 = tpu.memref_slice %arg6[%mul3A_2, %dma_start3A_27] : memref<8192x128xf32, #tpu.memory_space<hbm>> -> memref<256x128xf32, #tpu.memory_space<hbm>>
    %dma_start3A_29 = arith.constant 0 : i32
    %dma_start3A_30 = tpu.memref_slice %arg6[%mul3A_2, %dma_start3A_29] : memref<8192x128xf32, #tpu.memory_space<hbm>> -> memref<256x128xf32, #tpu.memory_space<hbm>>
    tpu.enqueue_dma source(%arg10 : memref<256x128xf32, #tpu.memory_space<vmem>>) target(%dma_start3A_30 : memref<256x128xf32, #tpu.memory_space<hbm>>) target_semaphore(%arg14 : memref<!tpu.dma_semaphore, #tpu.memory_space<semaphore_mem>>)
    %dma_wait3A_31 = arith.constant 0 : i32
    %dma_wait3A_32 = tpu.memref_slice %arg5[%mul3A_2, %dma_wait3A_31] : memref<8192x128xf32, #tpu.memory_space<hbm>> -> memref<256x128xf32, #tpu.memory_space<hbm>>
    %dma_wait3A_33 = arith.constant 0 : i32
    %dma_wait3A_34 = tpu.memref_slice %arg5[%mul3A_2, %dma_wait3A_33] : memref<8192x128xf32, #tpu.memory_space<hbm>> -> memref<256x128xf32, #tpu.memory_space<hbm>>
    tpu.wait_dma2 semaphore(%arg13 : memref<!tpu.dma_semaphore, #tpu.memory_space<semaphore_mem>>) src(%arg9 : memref<256x128xf32, #tpu.memory_space<vmem>>) dst(%dma_wait3A_34 : memref<256x128xf32, #tpu.memory_space<hbm>>)
    %dma_wait3A_35 = arith.constant 0 : i32
    %dma_wait3A_36 = tpu.memref_slice %arg6[%mul3A_2, %dma_wait3A_35] : memref<8192x128xf32, #tpu.memory_space<hbm>> -> memref<256x128xf32, #tpu.memory_space<hbm>>
    %dma_wait3A_37 = arith.constant 0 : i32
    %dma_wait3A_38 = tpu.memref_slice %arg6[%mul3A_2, %dma_wait3A_37] : memref<8192x128xf32, #tpu.memory_space<hbm>> -> memref<256x128xf32, #tpu.memory_space<hbm>>
    tpu.wait_dma2 semaphore(%arg14 : memref<!tpu.dma_semaphore, #tpu.memory_space<semaphore_mem>>) src(%arg10 : memref<256x128xf32, #tpu.memory_space<vmem>>) dst(%dma_wait3A_38 : memref<256x128xf32, #tpu.memory_space<hbm>>)
    return
  }
}

#map = affine_map<(d0, d1) -> (0, 0)>
#map1 = affine_map<(d0, d1) -> (0)>
module attributes {stable_mosaic.version = 14 : i64} {
  func.func @gather(%arg0: i32, %arg1: i32, %arg2: memref<2048x128xf32, #tpu.memory_space<hbm>>, %arg3: memref<16384xi32, #tpu.memory_space<hbm>>, %arg4: memref<16384xi32, #tpu.memory_space<hbm>>, %arg5: memref<8192x128xf32, #tpu.memory_space<hbm>>, %arg6: memref<8192x128xf32, #tpu.memory_space<hbm>>, %arg7: memref<256xi32, #tpu.memory_space<vmem>>, %arg8: memref<256xi32, #tpu.memory_space<vmem>>, %arg9: memref<256x128xf32, #tpu.memory_space<vmem>>, %arg10: memref<256x128xf32, #tpu.memory_space<vmem>>, %arg11: memref<!tpu.dma_semaphore, #tpu.memory_space<semaphore_mem>>, %arg12: memref<!tpu.dma_semaphore, #tpu.memory_space<semaphore_mem>>, %arg13: memref<!tpu.dma_semaphore, #tpu.memory_space<semaphore_mem>>, %arg14: memref<!tpu.dma_semaphore, #tpu.memory_space<semaphore_mem>>) attributes {dimension_semantics = [#tpu.dimension_semantics<core_parallel>, #tpu.dimension_semantics<subcore_parallel>], iteration_bounds = array<i64: 2, 16>, scalar_prefetch = 0 : i64, scratch_operands = 8 : i64, tpu.core_type = #tpu.core_type<sc_vector_subcore>, window_params = [{transform_indices = #map}, {transform_indices = #map1}, {transform_indices = #map1}, {transform_indices = #map}, {transform_indices = #map}]} {
    %mul3A = arith.constant 2 : i32
    %mul3A_0 = arith.muli %arg1, %mul3A : i32
    %add3A = arith.addi %mul3A_0, %arg0 : i32
    %mul3A_1 = arith.constant 256 : i32
    %mul3A_2 = arith.muli %add3A, %mul3A_1 : i32
    %add3A_3 = arith.constant 0 : i32
    %add3A_4 = arith.addi %add3A_3, %mul3A_2 : i32
    %dma_start3A = tpu.memref_slice %arg3[%add3A_4] : memref<16384xi32, #tpu.memory_space<hbm>> -> memref<256xi32, #tpu.memory_space<hbm>>
    %dma_start3A_5 = tpu.memref_slice %arg3[%add3A_4] : memref<16384xi32, #tpu.memory_space<hbm>> -> memref<256xi32, #tpu.memory_space<hbm>>
    tpu.enqueue_dma source(%dma_start3A_5 : memref<256xi32, #tpu.memory_space<hbm>>) target(%arg7 : memref<256xi32, #tpu.memory_space<vmem>>) target_semaphore(%arg11 : memref<!tpu.dma_semaphore, #tpu.memory_space<semaphore_mem>>)
    %dma_start3A_6 = tpu.memref_slice %arg4[%add3A_4] : memref<16384xi32, #tpu.memory_space<hbm>> -> memref<256xi32, #tpu.memory_space<hbm>>
    %dma_start3A_7 = tpu.memref_slice %arg4[%add3A_4] : memref<16384xi32, #tpu.memory_space<hbm>> -> memref<256xi32, #tpu.memory_space<hbm>>
    tpu.enqueue_dma source(%dma_start3A_7 : memref<256xi32, #tpu.memory_space<hbm>>) target(%arg8 : memref<256xi32, #tpu.memory_space<vmem>>) target_semaphore(%arg12 : memref<!tpu.dma_semaphore, #tpu.memory_space<semaphore_mem>>)
    %dma_wait3A = tpu.memref_slice %arg3[%add3A_4] : memref<16384xi32, #tpu.memory_space<hbm>> -> memref<256xi32, #tpu.memory_space<hbm>>
    %dma_wait3A_8 = tpu.memref_slice %arg3[%add3A_4] : memref<16384xi32, #tpu.memory_space<hbm>> -> memref<256xi32, #tpu.memory_space<hbm>>
    tpu.wait_dma2 semaphore(%arg11 : memref<!tpu.dma_semaphore, #tpu.memory_space<semaphore_mem>>) src(%dma_wait3A_8 : memref<256xi32, #tpu.memory_space<hbm>>) dst(%arg7 : memref<256xi32, #tpu.memory_space<vmem>>)
    %dma_start3A_9 = arith.constant 0 : i32
    %dma_start3A_10 = arith.constant 0 : i32
    %dma_start3A_11 = tpu.memref_slice %arg2[%dma_start3A_9, %dma_start3A_10] : memref<2048x128xf32, #tpu.memory_space<hbm>> -> memref<2048x128xf32, #tpu.memory_space<hbm>>
    tpu.enqueue_indirect_dma source(%dma_start3A_11 : memref<2048x128xf32, #tpu.memory_space<hbm>>) target(%arg9 : memref<256x128xf32, #tpu.memory_space<vmem>>) offsets(%arg7 : memref<256xi32, #tpu.memory_space<vmem>>) semaphore(%arg11 : memref<!tpu.dma_semaphore, #tpu.memory_space<semaphore_mem>>)
    %dma_wait3A_12 = tpu.memref_slice %arg4[%add3A_4] : memref<16384xi32, #tpu.memory_space<hbm>> -> memref<256xi32, #tpu.memory_space<hbm>>
    %dma_wait3A_13 = tpu.memref_slice %arg4[%add3A_4] : memref<16384xi32, #tpu.memory_space<hbm>> -> memref<256xi32, #tpu.memory_space<hbm>>
    tpu.wait_dma2 semaphore(%arg12 : memref<!tpu.dma_semaphore, #tpu.memory_space<semaphore_mem>>) src(%dma_wait3A_13 : memref<256xi32, #tpu.memory_space<hbm>>) dst(%arg8 : memref<256xi32, #tpu.memory_space<vmem>>)
    %dma_start3A_14 = arith.constant 0 : i32
    %dma_start3A_15 = arith.constant 0 : i32
    %dma_start3A_16 = tpu.memref_slice %arg2[%dma_start3A_14, %dma_start3A_15] : memref<2048x128xf32, #tpu.memory_space<hbm>> -> memref<2048x128xf32, #tpu.memory_space<hbm>>
    tpu.enqueue_indirect_dma source(%dma_start3A_16 : memref<2048x128xf32, #tpu.memory_space<hbm>>) target(%arg10 : memref<256x128xf32, #tpu.memory_space<vmem>>) offsets(%arg8 : memref<256xi32, #tpu.memory_space<vmem>>) semaphore(%arg12 : memref<!tpu.dma_semaphore, #tpu.memory_space<semaphore_mem>>)
    %dma_wait3A_17 = arith.constant 0 : i32
    %dma_wait3A_18 = arith.constant 0 : i32
    %dma_wait3A_19 = tpu.memref_slice %arg2[%dma_wait3A_17, %dma_wait3A_18] : memref<2048x128xf32, #tpu.memory_space<hbm>> -> memref<2048x128xf32, #tpu.memory_space<hbm>>
    tpu.wait_indirect_dma semaphore(%arg11 : memref<!tpu.dma_semaphore, #tpu.memory_space<semaphore_mem>>) src(%dma_wait3A_19 : memref<2048x128xf32, #tpu.memory_space<hbm>>) dst(%arg9 : memref<256x128xf32, #tpu.memory_space<vmem>>)
    %dma_start3A_20 = arith.constant 0 : i32
    %dma_start3A_21 = tpu.memref_slice %arg5[%mul3A_2, %dma_start3A_20] : memref<8192x128xf32, #tpu.memory_space<hbm>> -> memref<256x128xf32, #tpu.memory_space<hbm>>
    %dma_start3A_22 = arith.constant 0 : i32
    %dma_start3A_23 = tpu.memref_slice %arg5[%mul3A_2, %dma_start3A_22] : memref<8192x128xf32, #tpu.memory_space<hbm>> -> memref<256x128xf32, #tpu.memory_space<hbm>>
    tpu.enqueue_dma source(%arg9 : memref<256x128xf32, #tpu.memory_space<vmem>>) target(%dma_start3A_23 : memref<256x128xf32, #tpu.memory_space<hbm>>) target_semaphore(%arg13 : memref<!tpu.dma_semaphore, #tpu.memory_space<semaphore_mem>>)
    %dma_wait3A_24 = arith.constant 0 : i32
    %dma_wait3A_25 = arith.constant 0 : i32
    %dma_wait3A_26 = tpu.memref_slice %arg2[%dma_wait3A_24, %dma_wait3A_25] : memref<2048x128xf32, #tpu.memory_space<hbm>> -> memref<2048x128xf32, #tpu.memory_space<hbm>>
    tpu.wait_indirect_dma semaphore(%arg12 : memref<!tpu.dma_semaphore, #tpu.memory_space<semaphore_mem>>) src(%dma_wait3A_26 : memref<2048x128xf32, #tpu.memory_space<hbm>>) dst(%arg10 : memref<256x128xf32, #tpu.memory_space<vmem>>)
    %dma_start3A_27 = arith.constant 0 : i32
    %dma_start3A_28 = tpu.memref_slice %arg6[%mul3A_2, %dma_start3A_27] : memref<8192x128xf32, #tpu.memory_space<hbm>> -> memref<256x128xf32, #tpu.memory_space<hbm>>
    %dma_start3A_29 = arith.constant 0 : i32
    %dma_start3A_30 = tpu.memref_slice %arg6[%mul3A_2, %dma_start3A_29] : memref<8192x128xf32, #tpu.memory_space<hbm>> -> memref<256x128xf32, #tpu.memory_space<hbm>>
    tpu.enqueue_dma source(%arg10 : memref<256x128xf32, #tpu.memory_space<vmem>>) target(%dma_start3A_30 : memref<256x128xf32, #tpu.memory_space<hbm>>) target_semaphore(%arg14 : memref<!tpu.dma_semaphore, #tpu.memory_space<semaphore_mem>>)
    %dma_wait3A_31 = arith.constant 0 : i32
    %dma_wait3A_32 = tpu.memref_slice %arg5[%mul3A_2, %dma_wait3A_31] : memref<8192x128xf32, #tpu.memory_space<hbm>> -> memref<256x128xf32, #tpu.memory_space<hbm>>
    %dma_wait3A_33 = arith.constant 0 : i32
    %dma_wait3A_34 = tpu.memref_slice %arg5[%mul3A_2, %dma_wait3A_33] : memref<8192x128xf32, #tpu.memory_space<hbm>> -> memref<256x128xf32, #tpu.memory_space<hbm>>
    tpu.wait_dma2 semaphore(%arg13 : memref<!tpu.dma_semaphore, #tpu.memory_space<semaphore_mem>>) src(%arg9 : memref<256x128xf32, #tpu.memory_space<vmem>>) dst(%dma_wait3A_34 : memref<256x128xf32, #tpu.memory_space<hbm>>)
    %dma_wait3A_35 = arith.constant 0 : i32
    %dma_wait3A_36 = tpu.memref_slice %arg6[%mul3A_2, %dma_wait3A_35] : memref<8192x128xf32, #tpu.memory_space<hbm>> -> memref<256x128xf32, #tpu.memory_space<hbm>>
    %dma_wait3A_37 = arith.constant 0 : i32
    %dma_wait3A_38 = tpu.memref_slice %arg6[%mul3A_2, %dma_wait3A_37] : memref<8192x128xf32, #tpu.memory_space<hbm>> -> memref<256x128xf32, #tpu.memory_space<hbm>>
    tpu.wait_dma2 semaphore(%arg14 : memref<!tpu.dma_semaphore, #tpu.memory_space<semaphore_mem>>) src(%arg10 : memref<256x128xf32, #tpu.memory_space<vmem>>) dst(%dma_wait3A_38 : memref<256x128xf32, #tpu.memory_space<hbm>>)
    return
  }
}

#map = affine_map<(d0, d1) -> (0, 0)>
#map1 = affine_map<(d0, d1) -> (0)>
module attributes {stable_mosaic.version = 14 : i64} {
  func.func @scatter(%arg0: i32, %arg1: i32, %arg2: memref<8192x128xf32, #tpu.memory_space<hbm>>, %arg3: memref<8192x128xf32, #tpu.memory_space<hbm>>, %arg4: memref<16384xi32, #tpu.memory_space<hbm>>, %arg5: memref<16384xi32, #tpu.memory_space<hbm>>, %arg6: memref<128x128xf32, #tpu.memory_space<hbm>>, %arg7: memref<4096x128xf32, #tpu.memory_space<hbm>>, %arg8: memref<256xi32, #tpu.memory_space<vmem>>, %arg9: memref<256xi32, #tpu.memory_space<vmem>>, %arg10: memref<256x128xf32, #tpu.memory_space<vmem>>, %arg11: memref<256x128xf32, #tpu.memory_space<vmem>>, %arg12: memref<2048x128xf32, #tpu.memory_space<vmem_shared>>, %arg13: memref<!tpu.dma_semaphore, #tpu.memory_space<semaphore_mem>>, %arg14: memref<!tpu.dma_semaphore, #tpu.memory_space<semaphore_mem>>, %arg15: memref<!tpu.dma_semaphore, #tpu.memory_space<semaphore_mem>>) attributes {dimension_semantics = [#tpu.dimension_semantics<core_parallel>, #tpu.dimension_semantics<subcore_parallel>], iteration_bounds = array<i64: 2, 16>, scalar_prefetch = 0 : i64, scratch_operands = 8 : i64, tpu.core_type = #tpu.core_type<sc_vector_subcore>, window_params = [{transform_indices = #map}, {transform_indices = #map}, {transform_indices = #map1}, {transform_indices = #map1}, {transform_indices = #map}, {transform_indices = #map}]} {
    %mul3A = arith.constant 128 : i32
    %mul3A_0 = arith.muli %arg1, %mul3A : i32
    %dma_start3A = arith.constant 0 : i32
    %dma_start3A_1 = tpu.memref_slice %arg12[%mul3A_0, %dma_start3A] : memref<2048x128xf32, #tpu.memory_space<vmem_shared>> -> memref<128x128xf32, #tpu.memory_space<vmem_shared>>
    tpu.enqueue_dma source(%arg6 : memref<128x128xf32, #tpu.memory_space<hbm>>) target(%dma_start3A_1 : memref<128x128xf32, #tpu.memory_space<vmem_shared>>) target_semaphore(%arg15 : memref<!tpu.dma_semaphore, #tpu.memory_space<semaphore_mem>>)
    %mul3A_2 = arith.constant 16 : i32
    %mul3A_3 = arith.muli %arg0, %mul3A_2 : i32
    %add3A = arith.addi %mul3A_3, %arg1 : i32
    %mul3A_4 = arith.constant 256 : i32
    %mul3A_5 = arith.muli %add3A, %mul3A_4 : i32
    %add3A_6 = arith.constant 8192 : i32
    %add3A_7 = arith.addi %add3A_6, %mul3A_5 : i32
    %dma_start3A_8 = tpu.memref_slice %arg4[%add3A_7] : memref<16384xi32, #tpu.memory_space<hbm>> -> memref<256xi32, #tpu.memory_space<hbm>>
    %dma_start3A_9 = tpu.memref_slice %arg4[%add3A_7] : memref<16384xi32, #tpu.memory_space<hbm>> -> memref<256xi32, #tpu.memory_space<hbm>>
    tpu.enqueue_dma source(%dma_start3A_9 : memref<256xi32, #tpu.memory_space<hbm>>) target(%arg8 : memref<256xi32, #tpu.memory_space<vmem>>) target_semaphore(%arg13 : memref<!tpu.dma_semaphore, #tpu.memory_space<semaphore_mem>>)
    %dma_start3A_10 = tpu.memref_slice %arg5[%add3A_7] : memref<16384xi32, #tpu.memory_space<hbm>> -> memref<256xi32, #tpu.memory_space<hbm>>
    %dma_start3A_11 = tpu.memref_slice %arg5[%add3A_7] : memref<16384xi32, #tpu.memory_space<hbm>> -> memref<256xi32, #tpu.memory_space<hbm>>
    tpu.enqueue_dma source(%dma_start3A_11 : memref<256xi32, #tpu.memory_space<hbm>>) target(%arg9 : memref<256xi32, #tpu.memory_space<vmem>>) target_semaphore(%arg14 : memref<!tpu.dma_semaphore, #tpu.memory_space<semaphore_mem>>)
    %dma_wait3A = tpu.memref_slice %arg4[%add3A_7] : memref<16384xi32, #tpu.memory_space<hbm>> -> memref<256xi32, #tpu.memory_space<hbm>>
    %dma_wait3A_12 = tpu.memref_slice %arg4[%add3A_7] : memref<16384xi32, #tpu.memory_space<hbm>> -> memref<256xi32, #tpu.memory_space<hbm>>
    tpu.wait_dma2 semaphore(%arg13 : memref<!tpu.dma_semaphore, #tpu.memory_space<semaphore_mem>>) src(%dma_wait3A_12 : memref<256xi32, #tpu.memory_space<hbm>>) dst(%arg8 : memref<256xi32, #tpu.memory_space<vmem>>)
    %dma_wait3A_13 = tpu.memref_slice %arg5[%add3A_7] : memref<16384xi32, #tpu.memory_space<hbm>> -> memref<256xi32, #tpu.memory_space<hbm>>
    %dma_wait3A_14 = tpu.memref_slice %arg5[%add3A_7] : memref<16384xi32, #tpu.memory_space<hbm>> -> memref<256xi32, #tpu.memory_space<hbm>>
    tpu.wait_dma2 semaphore(%arg14 : memref<!tpu.dma_semaphore, #tpu.memory_space<semaphore_mem>>) src(%dma_wait3A_14 : memref<256xi32, #tpu.memory_space<hbm>>) dst(%arg9 : memref<256xi32, #tpu.memory_space<vmem>>)
    %dma_start3A_15 = arith.constant 0 : i32
    %dma_start3A_16 = tpu.memref_slice %arg2[%mul3A_5, %dma_start3A_15] : memref<8192x128xf32, #tpu.memory_space<hbm>> -> memref<256x128xf32, #tpu.memory_space<hbm>>
    %dma_start3A_17 = arith.constant 0 : i32
    %dma_start3A_18 = tpu.memref_slice %arg2[%mul3A_5, %dma_start3A_17] : memref<8192x128xf32, #tpu.memory_space<hbm>> -> memref<256x128xf32, #tpu.memory_space<hbm>>
    tpu.enqueue_dma source(%dma_start3A_18 : memref<256x128xf32, #tpu.memory_space<hbm>>) target(%arg10 : memref<256x128xf32, #tpu.memory_space<vmem>>) target_semaphore(%arg13 : memref<!tpu.dma_semaphore, #tpu.memory_space<semaphore_mem>>)
    %dma_start3A_19 = arith.constant 0 : i32
    %dma_start3A_20 = tpu.memref_slice %arg3[%mul3A_5, %dma_start3A_19] : memref<8192x128xf32, #tpu.memory_space<hbm>> -> memref<256x128xf32, #tpu.memory_space<hbm>>
    %dma_start3A_21 = arith.constant 0 : i32
    %dma_start3A_22 = tpu.memref_slice %arg3[%mul3A_5, %dma_start3A_21] : memref<8192x128xf32, #tpu.memory_space<hbm>> -> memref<256x128xf32, #tpu.memory_space<hbm>>
    tpu.enqueue_dma source(%dma_start3A_22 : memref<256x128xf32, #tpu.memory_space<hbm>>) target(%arg11 : memref<256x128xf32, #tpu.memory_space<vmem>>) target_semaphore(%arg14 : memref<!tpu.dma_semaphore, #tpu.memory_space<semaphore_mem>>)
    %dma_wait3A_23 = arith.constant 0 : i32
    %dma_wait3A_24 = tpu.memref_slice %arg12[%mul3A_0, %dma_wait3A_23] : memref<2048x128xf32, #tpu.memory_space<vmem_shared>> -> memref<128x128xf32, #tpu.memory_space<vmem_shared>>
    tpu.wait_dma2 semaphore(%arg15 : memref<!tpu.dma_semaphore, #tpu.memory_space<semaphore_mem>>) src(%arg6 : memref<128x128xf32, #tpu.memory_space<hbm>>) dst(%dma_wait3A_24 : memref<128x128xf32, #tpu.memory_space<vmem_shared>>)
    %barrier3A = arith.constant 0 : index
    tpu.barrier barrier_id(%barrier3A)
    %dma_wait3A_25 = arith.constant 0 : i32
    %dma_wait3A_26 = tpu.memref_slice %arg2[%mul3A_5, %dma_wait3A_25] : memref<8192x128xf32, #tpu.memory_space<hbm>> -> memref<256x128xf32, #tpu.memory_space<hbm>>
    %dma_wait3A_27 = arith.constant 0 : i32
    %dma_wait3A_28 = tpu.memref_slice %arg2[%mul3A_5, %dma_wait3A_27] : memref<8192x128xf32, #tpu.memory_space<hbm>> -> memref<256x128xf32, #tpu.memory_space<hbm>>
    tpu.wait_dma2 semaphore(%arg13 : memref<!tpu.dma_semaphore, #tpu.memory_space<semaphore_mem>>) src(%dma_wait3A_28 : memref<256x128xf32, #tpu.memory_space<hbm>>) dst(%arg10 : memref<256x128xf32, #tpu.memory_space<vmem>>)
    "tpu.region"() ({
      %run_scoped3A = tpu.sem_alloc : memref<!tpu.dma_semaphore, #tpu.memory_space<semaphore_mem>>
      %dma_start3A_41 = arith.constant 0 : i32
      %dma_start3A_42 = arith.constant 0 : i32
      %dma_start3A_43 = tpu.memref_slice %arg12[%dma_start3A_41, %dma_start3A_42] : memref<2048x128xf32, #tpu.memory_space<vmem_shared>> -> memref<2048x128xf32, #tpu.memory_space<vmem_shared>>
      tpu.enqueue_indirect_dma source(%arg10 : memref<256x128xf32, #tpu.memory_space<vmem>>) target(%dma_start3A_43 : memref<2048x128xf32, #tpu.memory_space<vmem_shared>>) offsets(%arg8 : memref<256xi32, #tpu.memory_space<vmem>>) semaphore(%run_scoped3A : memref<!tpu.dma_semaphore, #tpu.memory_space<semaphore_mem>>) {add = true}
      %dma_wait3A_44 = arith.constant 0 : i32
      %dma_wait3A_45 = arith.constant 0 : i32
      %dma_wait3A_46 = tpu.memref_slice %arg12[%dma_wait3A_44, %dma_wait3A_45] : memref<2048x128xf32, #tpu.memory_space<vmem_shared>> -> memref<2048x128xf32, #tpu.memory_space<vmem_shared>>
      tpu.wait_indirect_dma semaphore(%run_scoped3A : memref<!tpu.dma_semaphore, #tpu.memory_space<semaphore_mem>>) src(%arg10 : memref<256x128xf32, #tpu.memory_space<vmem>>) dst(%dma_wait3A_46 : memref<2048x128xf32, #tpu.memory_space<vmem_shared>>)
      tpu.yield
    }) : () -> ()
    %dma_wait3A_29 = arith.constant 0 : i32
    %dma_wait3A_30 = tpu.memref_slice %arg3[%mul3A_5, %dma_wait3A_29] : memref<8192x128xf32, #tpu.memory_space<hbm>> -> memref<256x128xf32, #tpu.memory_space<hbm>>
    %dma_wait3A_31 = arith.constant 0 : i32
    %dma_wait3A_32 = tpu.memref_slice %arg3[%mul3A_5, %dma_wait3A_31] : memref<8192x128xf32, #tpu.memory_space<hbm>> -> memref<256x128xf32, #tpu.memory_space<hbm>>
    tpu.wait_dma2 semaphore(%arg14 : memref<!tpu.dma_semaphore, #tpu.memory_space<semaphore_mem>>) src(%dma_wait3A_32 : memref<256x128xf32, #tpu.memory_space<hbm>>) dst(%arg11 : memref<256x128xf32, #tpu.memory_space<vmem>>)
    "tpu.region"() ({
      %run_scoped3A = tpu.sem_alloc : memref<!tpu.dma_semaphore, #tpu.memory_space<semaphore_mem>>
      %dma_start3A_41 = arith.constant 0 : i32
      %dma_start3A_42 = arith.constant 0 : i32
      %dma_start3A_43 = tpu.memref_slice %arg12[%dma_start3A_41, %dma_start3A_42] : memref<2048x128xf32, #tpu.memory_space<vmem_shared>> -> memref<2048x128xf32, #tpu.memory_space<vmem_shared>>
      tpu.enqueue_indirect_dma source(%arg11 : memref<256x128xf32, #tpu.memory_space<vmem>>) target(%dma_start3A_43 : memref<2048x128xf32, #tpu.memory_space<vmem_shared>>) offsets(%arg9 : memref<256xi32, #tpu.memory_space<vmem>>) semaphore(%run_scoped3A : memref<!tpu.dma_semaphore, #tpu.memory_space<semaphore_mem>>) {add = true}
      %dma_wait3A_44 = arith.constant 0 : i32
      %dma_wait3A_45 = arith.constant 0 : i32
      %dma_wait3A_46 = tpu.memref_slice %arg12[%dma_wait3A_44, %dma_wait3A_45] : memref<2048x128xf32, #tpu.memory_space<vmem_shared>> -> memref<2048x128xf32, #tpu.memory_space<vmem_shared>>
      tpu.wait_indirect_dma semaphore(%run_scoped3A : memref<!tpu.dma_semaphore, #tpu.memory_space<semaphore_mem>>) src(%arg11 : memref<256x128xf32, #tpu.memory_space<vmem>>) dst(%dma_wait3A_46 : memref<2048x128xf32, #tpu.memory_space<vmem_shared>>)
      tpu.yield
    }) : () -> ()
    %barrier3A_33 = arith.constant 0 : index
    tpu.barrier barrier_id(%barrier3A_33)
    %mul3A_34 = arith.constant 128 : i32
    %mul3A_35 = arith.muli %arg1, %mul3A_34 : i32
    %mul3A_36 = arith.constant 2048 : i32
    %mul3A_37 = arith.muli %arg0, %mul3A_36 : i32
    %mul3A_38 = arith.constant 128 : i32
    %mul3A_39 = arith.muli %arg1, %mul3A_38 : i32
    %add3A_40 = arith.addi %mul3A_37, %mul3A_39 : i32
    "tpu.region"() ({
      %run_scoped3A = tpu.sem_alloc : memref<!tpu.dma_semaphore, #tpu.memory_space<semaphore_mem>>
      %dma_start3A_41 = arith.constant 0 : i32
      %dma_start3A_42 = tpu.memref_slice %arg7[%add3A_40, %dma_start3A_41] : memref<4096x128xf32, #tpu.memory_space<hbm>> -> memref<128x128xf32, #tpu.memory_space<hbm>>
      %dma_start3A_43 = arith.constant 0 : i32
      %dma_start3A_44 = tpu.memref_slice %arg12[%mul3A_35, %dma_start3A_43] : memref<2048x128xf32, #tpu.memory_space<vmem_shared>> -> memref<128x128xf32, #tpu.memory_space<vmem_shared>>
      tpu.enqueue_dma source(%dma_start3A_44 : memref<128x128xf32, #tpu.memory_space<vmem_shared>>) target(%dma_start3A_42 : memref<128x128xf32, #tpu.memory_space<hbm>>) target_semaphore(%run_scoped3A : memref<!tpu.dma_semaphore, #tpu.memory_space<semaphore_mem>>)
      %dma_wait3A_45 = arith.constant 0 : i32
      %dma_wait3A_46 = tpu.memref_slice %arg7[%add3A_40, %dma_wait3A_45] : memref<4096x128xf32, #tpu.memory_space<hbm>> -> memref<128x128xf32, #tpu.memory_space<hbm>>
      %dma_wait3A_47 = arith.constant 0 : i32
      %dma_wait3A_48 = tpu.memref_slice %arg12[%mul3A_35, %dma_wait3A_47] : memref<2048x128xf32, #tpu.memory_space<vmem_shared>> -> memref<128x128xf32, #tpu.memory_space<vmem_shared>>
      tpu.wait_dma2 semaphore(%run_scoped3A : memref<!tpu.dma_semaphore, #tpu.memory_space<semaphore_mem>>) src(%dma_wait3A_48 : memref<128x128xf32, #tpu.memory_space<vmem_shared>>) dst(%dma_wait3A_46 : memref<128x128xf32, #tpu.memory_space<hbm>>)
      tpu.yield
    }) : () -> ()
    return
  }
}

#map = affine_map<(d0, d1) -> (0, 0)>
#map1 = affine_map<(d0, d1) -> (0)>
module attributes {stable_mosaic.version = 14 : i64} {
  func.func @scatter(%arg0: i32, %arg1: i32, %arg2: memref<8192x128xf32, #tpu.memory_space<hbm>>, %arg3: memref<8192x128xf32, #tpu.memory_space<hbm>>, %arg4: memref<16384xi32, #tpu.memory_space<hbm>>, %arg5: memref<16384xi32, #tpu.memory_space<hbm>>, %arg6: memref<128x128xf32, #tpu.memory_space<hbm>>, %arg7: memref<4096x128xf32, #tpu.memory_space<hbm>>, %arg8: memref<256xi32, #tpu.memory_space<vmem>>, %arg9: memref<256xi32, #tpu.memory_space<vmem>>, %arg10: memref<256x128xf32, #tpu.memory_space<vmem>>, %arg11: memref<256x128xf32, #tpu.memory_space<vmem>>, %arg12: memref<2048x128xf32, #tpu.memory_space<vmem_shared>>, %arg13: memref<!tpu.dma_semaphore, #tpu.memory_space<semaphore_mem>>, %arg14: memref<!tpu.dma_semaphore, #tpu.memory_space<semaphore_mem>>, %arg15: memref<!tpu.dma_semaphore, #tpu.memory_space<semaphore_mem>>) attributes {dimension_semantics = [#tpu.dimension_semantics<core_parallel>, #tpu.dimension_semantics<subcore_parallel>], iteration_bounds = array<i64: 2, 16>, scalar_prefetch = 0 : i64, scratch_operands = 8 : i64, tpu.core_type = #tpu.core_type<sc_vector_subcore>, window_params = [{transform_indices = #map}, {transform_indices = #map}, {transform_indices = #map1}, {transform_indices = #map1}, {transform_indices = #map}, {transform_indices = #map}]} {
    %mul3A = arith.constant 128 : i32
    %mul3A_0 = arith.muli %arg1, %mul3A : i32
    %dma_start3A = arith.constant 0 : i32
    %dma_start3A_1 = tpu.memref_slice %arg12[%mul3A_0, %dma_start3A] : memref<2048x128xf32, #tpu.memory_space<vmem_shared>> -> memref<128x128xf32, #tpu.memory_space<vmem_shared>>
    tpu.enqueue_dma source(%arg6 : memref<128x128xf32, #tpu.memory_space<hbm>>) target(%dma_start3A_1 : memref<128x128xf32, #tpu.memory_space<vmem_shared>>) target_semaphore(%arg15 : memref<!tpu.dma_semaphore, #tpu.memory_space<semaphore_mem>>)
    %mul3A_2 = arith.constant 16 : i32
    %mul3A_3 = arith.muli %arg0, %mul3A_2 : i32
    %add3A = arith.addi %mul3A_3, %arg1 : i32
    %mul3A_4 = arith.constant 256 : i32
    %mul3A_5 = arith.muli %add3A, %mul3A_4 : i32
    %add3A_6 = arith.constant 0 : i32
    %add3A_7 = arith.addi %add3A_6, %mul3A_5 : i32
    %dma_start3A_8 = tpu.memref_slice %arg4[%add3A_7] : memref<16384xi32, #tpu.memory_space<hbm>> -> memref<256xi32, #tpu.memory_space<hbm>>
    %dma_start3A_9 = tpu.memref_slice %arg4[%add3A_7] : memref<16384xi32, #tpu.memory_space<hbm>> -> memref<256xi32, #tpu.memory_space<hbm>>
    tpu.enqueue_dma source(%dma_start3A_9 : memref<256xi32, #tpu.memory_space<hbm>>) target(%arg8 : memref<256xi32, #tpu.memory_space<vmem>>) target_semaphore(%arg13 : memref<!tpu.dma_semaphore, #tpu.memory_space<semaphore_mem>>)
    %dma_start3A_10 = tpu.memref_slice %arg5[%add3A_7] : memref<16384xi32, #tpu.memory_space<hbm>> -> memref<256xi32, #tpu.memory_space<hbm>>
    %dma_start3A_11 = tpu.memref_slice %arg5[%add3A_7] : memref<16384xi32, #tpu.memory_space<hbm>> -> memref<256xi32, #tpu.memory_space<hbm>>
    tpu.enqueue_dma source(%dma_start3A_11 : memref<256xi32, #tpu.memory_space<hbm>>) target(%arg9 : memref<256xi32, #tpu.memory_space<vmem>>) target_semaphore(%arg14 : memref<!tpu.dma_semaphore, #tpu.memory_space<semaphore_mem>>)
    %dma_wait3A = tpu.memref_slice %arg4[%add3A_7] : memref<16384xi32, #tpu.memory_space<hbm>> -> memref<256xi32, #tpu.memory_space<hbm>>
    %dma_wait3A_12 = tpu.memref_slice %arg4[%add3A_7] : memref<16384xi32, #tpu.memory_space<hbm>> -> memref<256xi32, #tpu.memory_space<hbm>>
    tpu.wait_dma2 semaphore(%arg13 : memref<!tpu.dma_semaphore, #tpu.memory_space<semaphore_mem>>) src(%dma_wait3A_12 : memref<256xi32, #tpu.memory_space<hbm>>) dst(%arg8 : memref<256xi32, #tpu.memory_space<vmem>>)
    %dma_wait3A_13 = tpu.memref_slice %arg5[%add3A_7] : memref<16384xi32, #tpu.memory_space<hbm>> -> memref<256xi32, #tpu.memory_space<hbm>>
    %dma_wait3A_14 = tpu.memref_slice %arg5[%add3A_7] : memref<16384xi32, #tpu.memory_space<hbm>> -> memref<256xi32, #tpu.memory_space<hbm>>
    tpu.wait_dma2 semaphore(%arg14 : memref<!tpu.dma_semaphore, #tpu.memory_space<semaphore_mem>>) src(%dma_wait3A_14 : memref<256xi32, #tpu.memory_space<hbm>>) dst(%arg9 : memref<256xi32, #tpu.memory_space<vmem>>)
    %dma_start3A_15 = arith.constant 0 : i32
    %dma_start3A_16 = tpu.memref_slice %arg2[%mul3A_5, %dma_start3A_15] : memref<8192x128xf32, #tpu.memory_space<hbm>> -> memref<256x128xf32, #tpu.memory_space<hbm>>
    %dma_start3A_17 = arith.constant 0 : i32
    %dma_start3A_18 = tpu.memref_slice %arg2[%mul3A_5, %dma_start3A_17] : memref<8192x128xf32, #tpu.memory_space<hbm>> -> memref<256x128xf32, #tpu.memory_space<hbm>>
    tpu.enqueue_dma source(%dma_start3A_18 : memref<256x128xf32, #tpu.memory_space<hbm>>) target(%arg10 : memref<256x128xf32, #tpu.memory_space<vmem>>) target_semaphore(%arg13 : memref<!tpu.dma_semaphore, #tpu.memory_space<semaphore_mem>>)
    %dma_start3A_19 = arith.constant 0 : i32
    %dma_start3A_20 = tpu.memref_slice %arg3[%mul3A_5, %dma_start3A_19] : memref<8192x128xf32, #tpu.memory_space<hbm>> -> memref<256x128xf32, #tpu.memory_space<hbm>>
    %dma_start3A_21 = arith.constant 0 : i32
    %dma_start3A_22 = tpu.memref_slice %arg3[%mul3A_5, %dma_start3A_21] : memref<8192x128xf32, #tpu.memory_space<hbm>> -> memref<256x128xf32, #tpu.memory_space<hbm>>
    tpu.enqueue_dma source(%dma_start3A_22 : memref<256x128xf32, #tpu.memory_space<hbm>>) target(%arg11 : memref<256x128xf32, #tpu.memory_space<vmem>>) target_semaphore(%arg14 : memref<!tpu.dma_semaphore, #tpu.memory_space<semaphore_mem>>)
    %dma_wait3A_23 = arith.constant 0 : i32
    %dma_wait3A_24 = tpu.memref_slice %arg12[%mul3A_0, %dma_wait3A_23] : memref<2048x128xf32, #tpu.memory_space<vmem_shared>> -> memref<128x128xf32, #tpu.memory_space<vmem_shared>>
    tpu.wait_dma2 semaphore(%arg15 : memref<!tpu.dma_semaphore, #tpu.memory_space<semaphore_mem>>) src(%arg6 : memref<128x128xf32, #tpu.memory_space<hbm>>) dst(%dma_wait3A_24 : memref<128x128xf32, #tpu.memory_space<vmem_shared>>)
    %barrier3A = arith.constant 0 : index
    tpu.barrier barrier_id(%barrier3A)
    %dma_wait3A_25 = arith.constant 0 : i32
    %dma_wait3A_26 = tpu.memref_slice %arg2[%mul3A_5, %dma_wait3A_25] : memref<8192x128xf32, #tpu.memory_space<hbm>> -> memref<256x128xf32, #tpu.memory_space<hbm>>
    %dma_wait3A_27 = arith.constant 0 : i32
    %dma_wait3A_28 = tpu.memref_slice %arg2[%mul3A_5, %dma_wait3A_27] : memref<8192x128xf32, #tpu.memory_space<hbm>> -> memref<256x128xf32, #tpu.memory_space<hbm>>
    tpu.wait_dma2 semaphore(%arg13 : memref<!tpu.dma_semaphore, #tpu.memory_space<semaphore_mem>>) src(%dma_wait3A_28 : memref<256x128xf32, #tpu.memory_space<hbm>>) dst(%arg10 : memref<256x128xf32, #tpu.memory_space<vmem>>)
    "tpu.region"() ({
      %run_scoped3A = tpu.sem_alloc : memref<!tpu.dma_semaphore, #tpu.memory_space<semaphore_mem>>
      %dma_start3A_41 = arith.constant 0 : i32
      %dma_start3A_42 = arith.constant 0 : i32
      %dma_start3A_43 = tpu.memref_slice %arg12[%dma_start3A_41, %dma_start3A_42] : memref<2048x128xf32, #tpu.memory_space<vmem_shared>> -> memref<2048x128xf32, #tpu.memory_space<vmem_shared>>
      tpu.enqueue_indirect_dma source(%arg10 : memref<256x128xf32, #tpu.memory_space<vmem>>) target(%dma_start3A_43 : memref<2048x128xf32, #tpu.memory_space<vmem_shared>>) offsets(%arg8 : memref<256xi32, #tpu.memory_space<vmem>>) semaphore(%run_scoped3A : memref<!tpu.dma_semaphore, #tpu.memory_space<semaphore_mem>>) {add = true}
      %dma_wait3A_44 = arith.constant 0 : i32
      %dma_wait3A_45 = arith.constant 0 : i32
      %dma_wait3A_46 = tpu.memref_slice %arg12[%dma_wait3A_44, %dma_wait3A_45] : memref<2048x128xf32, #tpu.memory_space<vmem_shared>> -> memref<2048x128xf32, #tpu.memory_space<vmem_shared>>
      tpu.wait_indirect_dma semaphore(%run_scoped3A : memref<!tpu.dma_semaphore, #tpu.memory_space<semaphore_mem>>) src(%arg10 : memref<256x128xf32, #tpu.memory_space<vmem>>) dst(%dma_wait3A_46 : memref<2048x128xf32, #tpu.memory_space<vmem_shared>>)
      tpu.yield
    }) : () -> ()
    %dma_wait3A_29 = arith.constant 0 : i32
    %dma_wait3A_30 = tpu.memref_slice %arg3[%mul3A_5, %dma_wait3A_29] : memref<8192x128xf32, #tpu.memory_space<hbm>> -> memref<256x128xf32, #tpu.memory_space<hbm>>
    %dma_wait3A_31 = arith.constant 0 : i32
    %dma_wait3A_32 = tpu.memref_slice %arg3[%mul3A_5, %dma_wait3A_31] : memref<8192x128xf32, #tpu.memory_space<hbm>> -> memref<256x128xf32, #tpu.memory_space<hbm>>
    tpu.wait_dma2 semaphore(%arg14 : memref<!tpu.dma_semaphore, #tpu.memory_space<semaphore_mem>>) src(%dma_wait3A_32 : memref<256x128xf32, #tpu.memory_space<hbm>>) dst(%arg11 : memref<256x128xf32, #tpu.memory_space<vmem>>)
    "tpu.region"() ({
      %run_scoped3A = tpu.sem_alloc : memref<!tpu.dma_semaphore, #tpu.memory_space<semaphore_mem>>
      %dma_start3A_41 = arith.constant 0 : i32
      %dma_start3A_42 = arith.constant 0 : i32
      %dma_start3A_43 = tpu.memref_slice %arg12[%dma_start3A_41, %dma_start3A_42] : memref<2048x128xf32, #tpu.memory_space<vmem_shared>> -> memref<2048x128xf32, #tpu.memory_space<vmem_shared>>
      tpu.enqueue_indirect_dma source(%arg11 : memref<256x128xf32, #tpu.memory_space<vmem>>) target(%dma_start3A_43 : memref<2048x128xf32, #tpu.memory_space<vmem_shared>>) offsets(%arg9 : memref<256xi32, #tpu.memory_space<vmem>>) semaphore(%run_scoped3A : memref<!tpu.dma_semaphore, #tpu.memory_space<semaphore_mem>>) {add = true}
      %dma_wait3A_44 = arith.constant 0 : i32
      %dma_wait3A_45 = arith.constant 0 : i32
      %dma_wait3A_46 = tpu.memref_slice %arg12[%dma_wait3A_44, %dma_wait3A_45] : memref<2048x128xf32, #tpu.memory_space<vmem_shared>> -> memref<2048x128xf32, #tpu.memory_space<vmem_shared>>
      tpu.wait_indirect_dma semaphore(%run_scoped3A : memref<!tpu.dma_semaphore, #tpu.memory_space<semaphore_mem>>) src(%arg11 : memref<256x128xf32, #tpu.memory_space<vmem>>) dst(%dma_wait3A_46 : memref<2048x128xf32, #tpu.memory_space<vmem_shared>>)
      tpu.yield
    }) : () -> ()
    %barrier3A_33 = arith.constant 0 : index
    tpu.barrier barrier_id(%barrier3A_33)
    %mul3A_34 = arith.constant 128 : i32
    %mul3A_35 = arith.muli %arg1, %mul3A_34 : i32
    %mul3A_36 = arith.constant 2048 : i32
    %mul3A_37 = arith.muli %arg0, %mul3A_36 : i32
    %mul3A_38 = arith.constant 128 : i32
    %mul3A_39 = arith.muli %arg1, %mul3A_38 : i32
    %add3A_40 = arith.addi %mul3A_37, %mul3A_39 : i32
    "tpu.region"() ({
      %run_scoped3A = tpu.sem_alloc : memref<!tpu.dma_semaphore, #tpu.memory_space<semaphore_mem>>
      %dma_start3A_41 = arith.constant 0 : i32
      %dma_start3A_42 = tpu.memref_slice %arg7[%add3A_40, %dma_start3A_41] : memref<4096x128xf32, #tpu.memory_space<hbm>> -> memref<128x128xf32, #tpu.memory_space<hbm>>
      %dma_start3A_43 = arith.constant 0 : i32
      %dma_start3A_44 = tpu.memref_slice %arg12[%mul3A_35, %dma_start3A_43] : memref<2048x128xf32, #tpu.memory_space<vmem_shared>> -> memref<128x128xf32, #tpu.memory_space<vmem_shared>>
      tpu.enqueue_dma source(%dma_start3A_44 : memref<128x128xf32, #tpu.memory_space<vmem_shared>>) target(%dma_start3A_42 : memref<128x128xf32, #tpu.memory_space<hbm>>) target_semaphore(%run_scoped3A : memref<!tpu.dma_semaphore, #tpu.memory_space<semaphore_mem>>)
      %dma_wait3A_45 = arith.constant 0 : i32
      %dma_wait3A_46 = tpu.memref_slice %arg7[%add3A_40, %dma_wait3A_45] : memref<4096x128xf32, #tpu.memory_space<hbm>> -> memref<128x128xf32, #tpu.memory_space<hbm>>
      %dma_wait3A_47 = arith.constant 0 : i32
      %dma_wait3A_48 = tpu.memref_slice %arg12[%mul3A_35, %dma_wait3A_47] : memref<2048x128xf32, #tpu.memory_space<vmem_shared>> -> memref<128x128xf32, #tpu.memory_space<vmem_shared>>
      tpu.wait_dma2 semaphore(%run_scoped3A : memref<!tpu.dma_semaphore, #tpu.memory_space<semaphore_mem>>) src(%dma_wait3A_48 : memref<128x128xf32, #tpu.memory_space<vmem_shared>>) dst(%dma_wait3A_46 : memref<128x128xf32, #tpu.memory_space<hbm>>)
      tpu.yield
    }) : () -> ()
    return
  }
}

#map = affine_map<(d0, d1) -> (0, 0)>
#map1 = affine_map<(d0, d1) -> (0)>
module attributes {stable_mosaic.version = 14 : i64} {
  func.func @gather(%arg0: i32, %arg1: i32, %arg2: memref<2048x128xf32, #tpu.memory_space<hbm>>, %arg3: memref<16384xi32, #tpu.memory_space<hbm>>, %arg4: memref<16384xi32, #tpu.memory_space<hbm>>, %arg5: memref<8192x128xf32, #tpu.memory_space<hbm>>, %arg6: memref<8192x128xf32, #tpu.memory_space<hbm>>, %arg7: memref<256xi32, #tpu.memory_space<vmem>>, %arg8: memref<256xi32, #tpu.memory_space<vmem>>, %arg9: memref<256x128xf32, #tpu.memory_space<vmem>>, %arg10: memref<256x128xf32, #tpu.memory_space<vmem>>, %arg11: memref<!tpu.dma_semaphore, #tpu.memory_space<semaphore_mem>>, %arg12: memref<!tpu.dma_semaphore, #tpu.memory_space<semaphore_mem>>, %arg13: memref<!tpu.dma_semaphore, #tpu.memory_space<semaphore_mem>>, %arg14: memref<!tpu.dma_semaphore, #tpu.memory_space<semaphore_mem>>) attributes {dimension_semantics = [#tpu.dimension_semantics<core_parallel>, #tpu.dimension_semantics<subcore_parallel>], iteration_bounds = array<i64: 2, 16>, scalar_prefetch = 0 : i64, scratch_operands = 8 : i64, tpu.core_type = #tpu.core_type<sc_vector_subcore>, window_params = [{transform_indices = #map}, {transform_indices = #map1}, {transform_indices = #map1}, {transform_indices = #map}, {transform_indices = #map}]} {
    %mul3A = arith.constant 2 : i32
    %mul3A_0 = arith.muli %arg1, %mul3A : i32
    %add3A = arith.addi %mul3A_0, %arg0 : i32
    %mul3A_1 = arith.constant 256 : i32
    %mul3A_2 = arith.muli %add3A, %mul3A_1 : i32
    %add3A_3 = arith.constant 8192 : i32
    %add3A_4 = arith.addi %add3A_3, %mul3A_2 : i32
    %dma_start3A = tpu.memref_slice %arg3[%add3A_4] : memref<16384xi32, #tpu.memory_space<hbm>> -> memref<256xi32, #tpu.memory_space<hbm>>
    %dma_start3A_5 = tpu.memref_slice %arg3[%add3A_4] : memref<16384xi32, #tpu.memory_space<hbm>> -> memref<256xi32, #tpu.memory_space<hbm>>
    tpu.enqueue_dma source(%dma_start3A_5 : memref<256xi32, #tpu.memory_space<hbm>>) target(%arg7 : memref<256xi32, #tpu.memory_space<vmem>>) target_semaphore(%arg11 : memref<!tpu.dma_semaphore, #tpu.memory_space<semaphore_mem>>)
    %dma_start3A_6 = tpu.memref_slice %arg4[%add3A_4] : memref<16384xi32, #tpu.memory_space<hbm>> -> memref<256xi32, #tpu.memory_space<hbm>>
    %dma_start3A_7 = tpu.memref_slice %arg4[%add3A_4] : memref<16384xi32, #tpu.memory_space<hbm>> -> memref<256xi32, #tpu.memory_space<hbm>>
    tpu.enqueue_dma source(%dma_start3A_7 : memref<256xi32, #tpu.memory_space<hbm>>) target(%arg8 : memref<256xi32, #tpu.memory_space<vmem>>) target_semaphore(%arg12 : memref<!tpu.dma_semaphore, #tpu.memory_space<semaphore_mem>>)
    %dma_wait3A = tpu.memref_slice %arg3[%add3A_4] : memref<16384xi32, #tpu.memory_space<hbm>> -> memref<256xi32, #tpu.memory_space<hbm>>
    %dma_wait3A_8 = tpu.memref_slice %arg3[%add3A_4] : memref<16384xi32, #tpu.memory_space<hbm>> -> memref<256xi32, #tpu.memory_space<hbm>>
    tpu.wait_dma2 semaphore(%arg11 : memref<!tpu.dma_semaphore, #tpu.memory_space<semaphore_mem>>) src(%dma_wait3A_8 : memref<256xi32, #tpu.memory_space<hbm>>) dst(%arg7 : memref<256xi32, #tpu.memory_space<vmem>>)
    %dma_start3A_9 = arith.constant 0 : i32
    %dma_start3A_10 = arith.constant 0 : i32
    %dma_start3A_11 = tpu.memref_slice %arg2[%dma_start3A_9, %dma_start3A_10] : memref<2048x128xf32, #tpu.memory_space<hbm>> -> memref<2048x128xf32, #tpu.memory_space<hbm>>
    tpu.enqueue_indirect_dma source(%dma_start3A_11 : memref<2048x128xf32, #tpu.memory_space<hbm>>) target(%arg9 : memref<256x128xf32, #tpu.memory_space<vmem>>) offsets(%arg7 : memref<256xi32, #tpu.memory_space<vmem>>) semaphore(%arg11 : memref<!tpu.dma_semaphore, #tpu.memory_space<semaphore_mem>>)
    %dma_wait3A_12 = tpu.memref_slice %arg4[%add3A_4] : memref<16384xi32, #tpu.memory_space<hbm>> -> memref<256xi32, #tpu.memory_space<hbm>>
    %dma_wait3A_13 = tpu.memref_slice %arg4[%add3A_4] : memref<16384xi32, #tpu.memory_space<hbm>> -> memref<256xi32, #tpu.memory_space<hbm>>
    tpu.wait_dma2 semaphore(%arg12 : memref<!tpu.dma_semaphore, #tpu.memory_space<semaphore_mem>>) src(%dma_wait3A_13 : memref<256xi32, #tpu.memory_space<hbm>>) dst(%arg8 : memref<256xi32, #tpu.memory_space<vmem>>)
    %dma_start3A_14 = arith.constant 0 : i32
    %dma_start3A_15 = arith.constant 0 : i32
    %dma_start3A_16 = tpu.memref_slice %arg2[%dma_start3A_14, %dma_start3A_15] : memref<2048x128xf32, #tpu.memory_space<hbm>> -> memref<2048x128xf32, #tpu.memory_space<hbm>>
    tpu.enqueue_indirect_dma source(%dma_start3A_16 : memref<2048x128xf32, #tpu.memory_space<hbm>>) target(%arg10 : memref<256x128xf32, #tpu.memory_space<vmem>>) offsets(%arg8 : memref<256xi32, #tpu.memory_space<vmem>>) semaphore(%arg12 : memref<!tpu.dma_semaphore, #tpu.memory_space<semaphore_mem>>)
    %dma_wait3A_17 = arith.constant 0 : i32
    %dma_wait3A_18 = arith.constant 0 : i32
    %dma_wait3A_19 = tpu.memref_slice %arg2[%dma_wait3A_17, %dma_wait3A_18] : memref<2048x128xf32, #tpu.memory_space<hbm>> -> memref<2048x128xf32, #tpu.memory_space<hbm>>
    tpu.wait_indirect_dma semaphore(%arg11 : memref<!tpu.dma_semaphore, #tpu.memory_space<semaphore_mem>>) src(%dma_wait3A_19 : memref<2048x128xf32, #tpu.memory_space<hbm>>) dst(%arg9 : memref<256x128xf32, #tpu.memory_space<vmem>>)
    %dma_start3A_20 = arith.constant 0 : i32
    %dma_start3A_21 = tpu.memref_slice %arg5[%mul3A_2, %dma_start3A_20] : memref<8192x128xf32, #tpu.memory_space<hbm>> -> memref<256x128xf32, #tpu.memory_space<hbm>>
    %dma_start3A_22 = arith.constant 0 : i32
    %dma_start3A_23 = tpu.memref_slice %arg5[%mul3A_2, %dma_start3A_22] : memref<8192x128xf32, #tpu.memory_space<hbm>> -> memref<256x128xf32, #tpu.memory_space<hbm>>
    tpu.enqueue_dma source(%arg9 : memref<256x128xf32, #tpu.memory_space<vmem>>) target(%dma_start3A_23 : memref<256x128xf32, #tpu.memory_space<hbm>>) target_semaphore(%arg13 : memref<!tpu.dma_semaphore, #tpu.memory_space<semaphore_mem>>)
    %dma_wait3A_24 = arith.constant 0 : i32
    %dma_wait3A_25 = arith.constant 0 : i32
    %dma_wait3A_26 = tpu.memref_slice %arg2[%dma_wait3A_24, %dma_wait3A_25] : memref<2048x128xf32, #tpu.memory_space<hbm>> -> memref<2048x128xf32, #tpu.memory_space<hbm>>
    tpu.wait_indirect_dma semaphore(%arg12 : memref<!tpu.dma_semaphore, #tpu.memory_space<semaphore_mem>>) src(%dma_wait3A_26 : memref<2048x128xf32, #tpu.memory_space<hbm>>) dst(%arg10 : memref<256x128xf32, #tpu.memory_space<vmem>>)
    %dma_start3A_27 = arith.constant 0 : i32
    %dma_start3A_28 = tpu.memref_slice %arg6[%mul3A_2, %dma_start3A_27] : memref<8192x128xf32, #tpu.memory_space<hbm>> -> memref<256x128xf32, #tpu.memory_space<hbm>>
    %dma_start3A_29 = arith.constant 0 : i32
    %dma_start3A_30 = tpu.memref_slice %arg6[%mul3A_2, %dma_start3A_29] : memref<8192x128xf32, #tpu.memory_space<hbm>> -> memref<256x128xf32, #tpu.memory_space<hbm>>
    tpu.enqueue_dma source(%arg10 : memref<256x128xf32, #tpu.memory_space<vmem>>) target(%dma_start3A_30 : memref<256x128xf32, #tpu.memory_space<hbm>>) target_semaphore(%arg14 : memref<!tpu.dma_semaphore, #tpu.memory_space<semaphore_mem>>)
    %dma_wait3A_31 = arith.constant 0 : i32
    %dma_wait3A_32 = tpu.memref_slice %arg5[%mul3A_2, %dma_wait3A_31] : memref<8192x128xf32, #tpu.memory_space<hbm>> -> memref<256x128xf32, #tpu.memory_space<hbm>>
    %dma_wait3A_33 = arith.constant 0 : i32
    %dma_wait3A_34 = tpu.memref_slice %arg5[%mul3A_2, %dma_wait3A_33] : memref<8192x128xf32, #tpu.memory_space<hbm>> -> memref<256x128xf32, #tpu.memory_space<hbm>>
    tpu.wait_dma2 semaphore(%arg13 : memref<!tpu.dma_semaphore, #tpu.memory_space<semaphore_mem>>) src(%arg9 : memref<256x128xf32, #tpu.memory_space<vmem>>) dst(%dma_wait3A_34 : memref<256x128xf32, #tpu.memory_space<hbm>>)
    %dma_wait3A_35 = arith.constant 0 : i32
    %dma_wait3A_36 = tpu.memref_slice %arg6[%mul3A_2, %dma_wait3A_35] : memref<8192x128xf32, #tpu.memory_space<hbm>> -> memref<256x128xf32, #tpu.memory_space<hbm>>
    %dma_wait3A_37 = arith.constant 0 : i32
    %dma_wait3A_38 = tpu.memref_slice %arg6[%mul3A_2, %dma_wait3A_37] : memref<8192x128xf32, #tpu.memory_space<hbm>> -> memref<256x128xf32, #tpu.memory_space<hbm>>
    tpu.wait_dma2 semaphore(%arg14 : memref<!tpu.dma_semaphore, #tpu.memory_space<semaphore_mem>>) src(%arg10 : memref<256x128xf32, #tpu.memory_space<vmem>>) dst(%dma_wait3A_38 : memref<256x128xf32, #tpu.memory_space<hbm>>)
    return
  }
}

#map = affine_map<(d0, d1) -> (0, 0)>
#map1 = affine_map<(d0, d1) -> (0)>
module attributes {stable_mosaic.version = 14 : i64} {
  func.func @gather(%arg0: i32, %arg1: i32, %arg2: memref<2048x128xf32, #tpu.memory_space<hbm>>, %arg3: memref<16384xi32, #tpu.memory_space<hbm>>, %arg4: memref<16384xi32, #tpu.memory_space<hbm>>, %arg5: memref<8192x128xf32, #tpu.memory_space<hbm>>, %arg6: memref<8192x128xf32, #tpu.memory_space<hbm>>, %arg7: memref<256xi32, #tpu.memory_space<vmem>>, %arg8: memref<256xi32, #tpu.memory_space<vmem>>, %arg9: memref<256x128xf32, #tpu.memory_space<vmem>>, %arg10: memref<256x128xf32, #tpu.memory_space<vmem>>, %arg11: memref<!tpu.dma_semaphore, #tpu.memory_space<semaphore_mem>>, %arg12: memref<!tpu.dma_semaphore, #tpu.memory_space<semaphore_mem>>, %arg13: memref<!tpu.dma_semaphore, #tpu.memory_space<semaphore_mem>>, %arg14: memref<!tpu.dma_semaphore, #tpu.memory_space<semaphore_mem>>) attributes {dimension_semantics = [#tpu.dimension_semantics<core_parallel>, #tpu.dimension_semantics<subcore_parallel>], iteration_bounds = array<i64: 2, 16>, scalar_prefetch = 0 : i64, scratch_operands = 8 : i64, tpu.core_type = #tpu.core_type<sc_vector_subcore>, window_params = [{transform_indices = #map}, {transform_indices = #map1}, {transform_indices = #map1}, {transform_indices = #map}, {transform_indices = #map}]} {
    %mul3A = arith.constant 2 : i32
    %mul3A_0 = arith.muli %arg1, %mul3A : i32
    %add3A = arith.addi %mul3A_0, %arg0 : i32
    %mul3A_1 = arith.constant 256 : i32
    %mul3A_2 = arith.muli %add3A, %mul3A_1 : i32
    %add3A_3 = arith.constant 0 : i32
    %add3A_4 = arith.addi %add3A_3, %mul3A_2 : i32
    %dma_start3A = tpu.memref_slice %arg3[%add3A_4] : memref<16384xi32, #tpu.memory_space<hbm>> -> memref<256xi32, #tpu.memory_space<hbm>>
    %dma_start3A_5 = tpu.memref_slice %arg3[%add3A_4] : memref<16384xi32, #tpu.memory_space<hbm>> -> memref<256xi32, #tpu.memory_space<hbm>>
    tpu.enqueue_dma source(%dma_start3A_5 : memref<256xi32, #tpu.memory_space<hbm>>) target(%arg7 : memref<256xi32, #tpu.memory_space<vmem>>) target_semaphore(%arg11 : memref<!tpu.dma_semaphore, #tpu.memory_space<semaphore_mem>>)
    %dma_start3A_6 = tpu.memref_slice %arg4[%add3A_4] : memref<16384xi32, #tpu.memory_space<hbm>> -> memref<256xi32, #tpu.memory_space<hbm>>
    %dma_start3A_7 = tpu.memref_slice %arg4[%add3A_4] : memref<16384xi32, #tpu.memory_space<hbm>> -> memref<256xi32, #tpu.memory_space<hbm>>
    tpu.enqueue_dma source(%dma_start3A_7 : memref<256xi32, #tpu.memory_space<hbm>>) target(%arg8 : memref<256xi32, #tpu.memory_space<vmem>>) target_semaphore(%arg12 : memref<!tpu.dma_semaphore, #tpu.memory_space<semaphore_mem>>)
    %dma_wait3A = tpu.memref_slice %arg3[%add3A_4] : memref<16384xi32, #tpu.memory_space<hbm>> -> memref<256xi32, #tpu.memory_space<hbm>>
    %dma_wait3A_8 = tpu.memref_slice %arg3[%add3A_4] : memref<16384xi32, #tpu.memory_space<hbm>> -> memref<256xi32, #tpu.memory_space<hbm>>
    tpu.wait_dma2 semaphore(%arg11 : memref<!tpu.dma_semaphore, #tpu.memory_space<semaphore_mem>>) src(%dma_wait3A_8 : memref<256xi32, #tpu.memory_space<hbm>>) dst(%arg7 : memref<256xi32, #tpu.memory_space<vmem>>)
    %dma_start3A_9 = arith.constant 0 : i32
    %dma_start3A_10 = arith.constant 0 : i32
    %dma_start3A_11 = tpu.memref_slice %arg2[%dma_start3A_9, %dma_start3A_10] : memref<2048x128xf32, #tpu.memory_space<hbm>> -> memref<2048x128xf32, #tpu.memory_space<hbm>>
    tpu.enqueue_indirect_dma source(%dma_start3A_11 : memref<2048x128xf32, #tpu.memory_space<hbm>>) target(%arg9 : memref<256x128xf32, #tpu.memory_space<vmem>>) offsets(%arg7 : memref<256xi32, #tpu.memory_space<vmem>>) semaphore(%arg11 : memref<!tpu.dma_semaphore, #tpu.memory_space<semaphore_mem>>)
    %dma_wait3A_12 = tpu.memref_slice %arg4[%add3A_4] : memref<16384xi32, #tpu.memory_space<hbm>> -> memref<256xi32, #tpu.memory_space<hbm>>
    %dma_wait3A_13 = tpu.memref_slice %arg4[%add3A_4] : memref<16384xi32, #tpu.memory_space<hbm>> -> memref<256xi32, #tpu.memory_space<hbm>>
    tpu.wait_dma2 semaphore(%arg12 : memref<!tpu.dma_semaphore, #tpu.memory_space<semaphore_mem>>) src(%dma_wait3A_13 : memref<256xi32, #tpu.memory_space<hbm>>) dst(%arg8 : memref<256xi32, #tpu.memory_space<vmem>>)
    %dma_start3A_14 = arith.constant 0 : i32
    %dma_start3A_15 = arith.constant 0 : i32
    %dma_start3A_16 = tpu.memref_slice %arg2[%dma_start3A_14, %dma_start3A_15] : memref<2048x128xf32, #tpu.memory_space<hbm>> -> memref<2048x128xf32, #tpu.memory_space<hbm>>
    tpu.enqueue_indirect_dma source(%dma_start3A_16 : memref<2048x128xf32, #tpu.memory_space<hbm>>) target(%arg10 : memref<256x128xf32, #tpu.memory_space<vmem>>) offsets(%arg8 : memref<256xi32, #tpu.memory_space<vmem>>) semaphore(%arg12 : memref<!tpu.dma_semaphore, #tpu.memory_space<semaphore_mem>>)
    %dma_wait3A_17 = arith.constant 0 : i32
    %dma_wait3A_18 = arith.constant 0 : i32
    %dma_wait3A_19 = tpu.memref_slice %arg2[%dma_wait3A_17, %dma_wait3A_18] : memref<2048x128xf32, #tpu.memory_space<hbm>> -> memref<2048x128xf32, #tpu.memory_space<hbm>>
    tpu.wait_indirect_dma semaphore(%arg11 : memref<!tpu.dma_semaphore, #tpu.memory_space<semaphore_mem>>) src(%dma_wait3A_19 : memref<2048x128xf32, #tpu.memory_space<hbm>>) dst(%arg9 : memref<256x128xf32, #tpu.memory_space<vmem>>)
    %dma_start3A_20 = arith.constant 0 : i32
    %dma_start3A_21 = tpu.memref_slice %arg5[%mul3A_2, %dma_start3A_20] : memref<8192x128xf32, #tpu.memory_space<hbm>> -> memref<256x128xf32, #tpu.memory_space<hbm>>
    %dma_start3A_22 = arith.constant 0 : i32
    %dma_start3A_23 = tpu.memref_slice %arg5[%mul3A_2, %dma_start3A_22] : memref<8192x128xf32, #tpu.memory_space<hbm>> -> memref<256x128xf32, #tpu.memory_space<hbm>>
    tpu.enqueue_dma source(%arg9 : memref<256x128xf32, #tpu.memory_space<vmem>>) target(%dma_start3A_23 : memref<256x128xf32, #tpu.memory_space<hbm>>) target_semaphore(%arg13 : memref<!tpu.dma_semaphore, #tpu.memory_space<semaphore_mem>>)
    %dma_wait3A_24 = arith.constant 0 : i32
    %dma_wait3A_25 = arith.constant 0 : i32
    %dma_wait3A_26 = tpu.memref_slice %arg2[%dma_wait3A_24, %dma_wait3A_25] : memref<2048x128xf32, #tpu.memory_space<hbm>> -> memref<2048x128xf32, #tpu.memory_space<hbm>>
    tpu.wait_indirect_dma semaphore(%arg12 : memref<!tpu.dma_semaphore, #tpu.memory_space<semaphore_mem>>) src(%dma_wait3A_26 : memref<2048x128xf32, #tpu.memory_space<hbm>>) dst(%arg10 : memref<256x128xf32, #tpu.memory_space<vmem>>)
    %dma_start3A_27 = arith.constant 0 : i32
    %dma_start3A_28 = tpu.memref_slice %arg6[%mul3A_2, %dma_start3A_27] : memref<8192x128xf32, #tpu.memory_space<hbm>> -> memref<256x128xf32, #tpu.memory_space<hbm>>
    %dma_start3A_29 = arith.constant 0 : i32
    %dma_start3A_30 = tpu.memref_slice %arg6[%mul3A_2, %dma_start3A_29] : memref<8192x128xf32, #tpu.memory_space<hbm>> -> memref<256x128xf32, #tpu.memory_space<hbm>>
    tpu.enqueue_dma source(%arg10 : memref<256x128xf32, #tpu.memory_space<vmem>>) target(%dma_start3A_30 : memref<256x128xf32, #tpu.memory_space<hbm>>) target_semaphore(%arg14 : memref<!tpu.dma_semaphore, #tpu.memory_space<semaphore_mem>>)
    %dma_wait3A_31 = arith.constant 0 : i32
    %dma_wait3A_32 = tpu.memref_slice %arg5[%mul3A_2, %dma_wait3A_31] : memref<8192x128xf32, #tpu.memory_space<hbm>> -> memref<256x128xf32, #tpu.memory_space<hbm>>
    %dma_wait3A_33 = arith.constant 0 : i32
    %dma_wait3A_34 = tpu.memref_slice %arg5[%mul3A_2, %dma_wait3A_33] : memref<8192x128xf32, #tpu.memory_space<hbm>> -> memref<256x128xf32, #tpu.memory_space<hbm>>
    tpu.wait_dma2 semaphore(%arg13 : memref<!tpu.dma_semaphore, #tpu.memory_space<semaphore_mem>>) src(%arg9 : memref<256x128xf32, #tpu.memory_space<vmem>>) dst(%dma_wait3A_34 : memref<256x128xf32, #tpu.memory_space<hbm>>)
    %dma_wait3A_35 = arith.constant 0 : i32
    %dma_wait3A_36 = tpu.memref_slice %arg6[%mul3A_2, %dma_wait3A_35] : memref<8192x128xf32, #tpu.memory_space<hbm>> -> memref<256x128xf32, #tpu.memory_space<hbm>>
    %dma_wait3A_37 = arith.constant 0 : i32
    %dma_wait3A_38 = tpu.memref_slice %arg6[%mul3A_2, %dma_wait3A_37] : memref<8192x128xf32, #tpu.memory_space<hbm>> -> memref<256x128xf32, #tpu.memory_space<hbm>>
    tpu.wait_dma2 semaphore(%arg14 : memref<!tpu.dma_semaphore, #tpu.memory_space<semaphore_mem>>) src(%arg10 : memref<256x128xf32, #tpu.memory_space<vmem>>) dst(%dma_wait3A_38 : memref<256x128xf32, #tpu.memory_space<hbm>>)
    return
  }
}

#map = affine_map<(d0, d1) -> (0, 0)>
#map1 = affine_map<(d0, d1) -> (0)>
module attributes {stable_mosaic.version = 14 : i64} {
  func.func @scatter(%arg0: i32, %arg1: i32, %arg2: memref<8192x128xf32, #tpu.memory_space<hbm>>, %arg3: memref<8192x128xf32, #tpu.memory_space<hbm>>, %arg4: memref<16384xi32, #tpu.memory_space<hbm>>, %arg5: memref<16384xi32, #tpu.memory_space<hbm>>, %arg6: memref<128x128xf32, #tpu.memory_space<hbm>>, %arg7: memref<4096x128xf32, #tpu.memory_space<hbm>>, %arg8: memref<256xi32, #tpu.memory_space<vmem>>, %arg9: memref<256xi32, #tpu.memory_space<vmem>>, %arg10: memref<256x128xf32, #tpu.memory_space<vmem>>, %arg11: memref<256x128xf32, #tpu.memory_space<vmem>>, %arg12: memref<2048x128xf32, #tpu.memory_space<vmem_shared>>, %arg13: memref<!tpu.dma_semaphore, #tpu.memory_space<semaphore_mem>>, %arg14: memref<!tpu.dma_semaphore, #tpu.memory_space<semaphore_mem>>, %arg15: memref<!tpu.dma_semaphore, #tpu.memory_space<semaphore_mem>>) attributes {dimension_semantics = [#tpu.dimension_semantics<core_parallel>, #tpu.dimension_semantics<subcore_parallel>], iteration_bounds = array<i64: 2, 16>, scalar_prefetch = 0 : i64, scratch_operands = 8 : i64, tpu.core_type = #tpu.core_type<sc_vector_subcore>, window_params = [{transform_indices = #map}, {transform_indices = #map}, {transform_indices = #map1}, {transform_indices = #map1}, {transform_indices = #map}, {transform_indices = #map}]} {
    %mul3A = arith.constant 128 : i32
    %mul3A_0 = arith.muli %arg1, %mul3A : i32
    %dma_start3A = arith.constant 0 : i32
    %dma_start3A_1 = tpu.memref_slice %arg12[%mul3A_0, %dma_start3A] : memref<2048x128xf32, #tpu.memory_space<vmem_shared>> -> memref<128x128xf32, #tpu.memory_space<vmem_shared>>
    tpu.enqueue_dma source(%arg6 : memref<128x128xf32, #tpu.memory_space<hbm>>) target(%dma_start3A_1 : memref<128x128xf32, #tpu.memory_space<vmem_shared>>) target_semaphore(%arg15 : memref<!tpu.dma_semaphore, #tpu.memory_space<semaphore_mem>>)
    %mul3A_2 = arith.constant 16 : i32
    %mul3A_3 = arith.muli %arg0, %mul3A_2 : i32
    %add3A = arith.addi %mul3A_3, %arg1 : i32
    %mul3A_4 = arith.constant 256 : i32
    %mul3A_5 = arith.muli %add3A, %mul3A_4 : i32
    %add3A_6 = arith.constant 0 : i32
    %add3A_7 = arith.addi %add3A_6, %mul3A_5 : i32
    %dma_start3A_8 = tpu.memref_slice %arg4[%add3A_7] : memref<16384xi32, #tpu.memory_space<hbm>> -> memref<256xi32, #tpu.memory_space<hbm>>
    %dma_start3A_9 = tpu.memref_slice %arg4[%add3A_7] : memref<16384xi32, #tpu.memory_space<hbm>> -> memref<256xi32, #tpu.memory_space<hbm>>
    tpu.enqueue_dma source(%dma_start3A_9 : memref<256xi32, #tpu.memory_space<hbm>>) target(%arg8 : memref<256xi32, #tpu.memory_space<vmem>>) target_semaphore(%arg13 : memref<!tpu.dma_semaphore, #tpu.memory_space<semaphore_mem>>)
    %dma_start3A_10 = tpu.memref_slice %arg5[%add3A_7] : memref<16384xi32, #tpu.memory_space<hbm>> -> memref<256xi32, #tpu.memory_space<hbm>>
    %dma_start3A_11 = tpu.memref_slice %arg5[%add3A_7] : memref<16384xi32, #tpu.memory_space<hbm>> -> memref<256xi32, #tpu.memory_space<hbm>>
    tpu.enqueue_dma source(%dma_start3A_11 : memref<256xi32, #tpu.memory_space<hbm>>) target(%arg9 : memref<256xi32, #tpu.memory_space<vmem>>) target_semaphore(%arg14 : memref<!tpu.dma_semaphore, #tpu.memory_space<semaphore_mem>>)
    %dma_wait3A = tpu.memref_slice %arg4[%add3A_7] : memref<16384xi32, #tpu.memory_space<hbm>> -> memref<256xi32, #tpu.memory_space<hbm>>
    %dma_wait3A_12 = tpu.memref_slice %arg4[%add3A_7] : memref<16384xi32, #tpu.memory_space<hbm>> -> memref<256xi32, #tpu.memory_space<hbm>>
    tpu.wait_dma2 semaphore(%arg13 : memref<!tpu.dma_semaphore, #tpu.memory_space<semaphore_mem>>) src(%dma_wait3A_12 : memref<256xi32, #tpu.memory_space<hbm>>) dst(%arg8 : memref<256xi32, #tpu.memory_space<vmem>>)
    %dma_wait3A_13 = tpu.memref_slice %arg5[%add3A_7] : memref<16384xi32, #tpu.memory_space<hbm>> -> memref<256xi32, #tpu.memory_space<hbm>>
    %dma_wait3A_14 = tpu.memref_slice %arg5[%add3A_7] : memref<16384xi32, #tpu.memory_space<hbm>> -> memref<256xi32, #tpu.memory_space<hbm>>
    tpu.wait_dma2 semaphore(%arg14 : memref<!tpu.dma_semaphore, #tpu.memory_space<semaphore_mem>>) src(%dma_wait3A_14 : memref<256xi32, #tpu.memory_space<hbm>>) dst(%arg9 : memref<256xi32, #tpu.memory_space<vmem>>)
    %dma_start3A_15 = arith.constant 0 : i32
    %dma_start3A_16 = tpu.memref_slice %arg2[%mul3A_5, %dma_start3A_15] : memref<8192x128xf32, #tpu.memory_space<hbm>> -> memref<256x128xf32, #tpu.memory_space<hbm>>
    %dma_start3A_17 = arith.constant 0 : i32
    %dma_start3A_18 = tpu.memref_slice %arg2[%mul3A_5, %dma_start3A_17] : memref<8192x128xf32, #tpu.memory_space<hbm>> -> memref<256x128xf32, #tpu.memory_space<hbm>>
    tpu.enqueue_dma source(%dma_start3A_18 : memref<256x128xf32, #tpu.memory_space<hbm>>) target(%arg10 : memref<256x128xf32, #tpu.memory_space<vmem>>) target_semaphore(%arg13 : memref<!tpu.dma_semaphore, #tpu.memory_space<semaphore_mem>>)
    %dma_start3A_19 = arith.constant 0 : i32
    %dma_start3A_20 = tpu.memref_slice %arg3[%mul3A_5, %dma_start3A_19] : memref<8192x128xf32, #tpu.memory_space<hbm>> -> memref<256x128xf32, #tpu.memory_space<hbm>>
    %dma_start3A_21 = arith.constant 0 : i32
    %dma_start3A_22 = tpu.memref_slice %arg3[%mul3A_5, %dma_start3A_21] : memref<8192x128xf32, #tpu.memory_space<hbm>> -> memref<256x128xf32, #tpu.memory_space<hbm>>
    tpu.enqueue_dma source(%dma_start3A_22 : memref<256x128xf32, #tpu.memory_space<hbm>>) target(%arg11 : memref<256x128xf32, #tpu.memory_space<vmem>>) target_semaphore(%arg14 : memref<!tpu.dma_semaphore, #tpu.memory_space<semaphore_mem>>)
    %dma_wait3A_23 = arith.constant 0 : i32
    %dma_wait3A_24 = tpu.memref_slice %arg12[%mul3A_0, %dma_wait3A_23] : memref<2048x128xf32, #tpu.memory_space<vmem_shared>> -> memref<128x128xf32, #tpu.memory_space<vmem_shared>>
    tpu.wait_dma2 semaphore(%arg15 : memref<!tpu.dma_semaphore, #tpu.memory_space<semaphore_mem>>) src(%arg6 : memref<128x128xf32, #tpu.memory_space<hbm>>) dst(%dma_wait3A_24 : memref<128x128xf32, #tpu.memory_space<vmem_shared>>)
    %barrier3A = arith.constant 0 : index
    tpu.barrier barrier_id(%barrier3A)
    %dma_wait3A_25 = arith.constant 0 : i32
    %dma_wait3A_26 = tpu.memref_slice %arg2[%mul3A_5, %dma_wait3A_25] : memref<8192x128xf32, #tpu.memory_space<hbm>> -> memref<256x128xf32, #tpu.memory_space<hbm>>
    %dma_wait3A_27 = arith.constant 0 : i32
    %dma_wait3A_28 = tpu.memref_slice %arg2[%mul3A_5, %dma_wait3A_27] : memref<8192x128xf32, #tpu.memory_space<hbm>> -> memref<256x128xf32, #tpu.memory_space<hbm>>
    tpu.wait_dma2 semaphore(%arg13 : memref<!tpu.dma_semaphore, #tpu.memory_space<semaphore_mem>>) src(%dma_wait3A_28 : memref<256x128xf32, #tpu.memory_space<hbm>>) dst(%arg10 : memref<256x128xf32, #tpu.memory_space<vmem>>)
    "tpu.region"() ({
      %run_scoped3A = tpu.sem_alloc : memref<!tpu.dma_semaphore, #tpu.memory_space<semaphore_mem>>
      %dma_start3A_41 = arith.constant 0 : i32
      %dma_start3A_42 = arith.constant 0 : i32
      %dma_start3A_43 = tpu.memref_slice %arg12[%dma_start3A_41, %dma_start3A_42] : memref<2048x128xf32, #tpu.memory_space<vmem_shared>> -> memref<2048x128xf32, #tpu.memory_space<vmem_shared>>
      tpu.enqueue_indirect_dma source(%arg10 : memref<256x128xf32, #tpu.memory_space<vmem>>) target(%dma_start3A_43 : memref<2048x128xf32, #tpu.memory_space<vmem_shared>>) offsets(%arg8 : memref<256xi32, #tpu.memory_space<vmem>>) semaphore(%run_scoped3A : memref<!tpu.dma_semaphore, #tpu.memory_space<semaphore_mem>>) {add = true}
      %dma_wait3A_44 = arith.constant 0 : i32
      %dma_wait3A_45 = arith.constant 0 : i32
      %dma_wait3A_46 = tpu.memref_slice %arg12[%dma_wait3A_44, %dma_wait3A_45] : memref<2048x128xf32, #tpu.memory_space<vmem_shared>> -> memref<2048x128xf32, #tpu.memory_space<vmem_shared>>
      tpu.wait_indirect_dma semaphore(%run_scoped3A : memref<!tpu.dma_semaphore, #tpu.memory_space<semaphore_mem>>) src(%arg10 : memref<256x128xf32, #tpu.memory_space<vmem>>) dst(%dma_wait3A_46 : memref<2048x128xf32, #tpu.memory_space<vmem_shared>>)
      tpu.yield
    }) : () -> ()
    %dma_wait3A_29 = arith.constant 0 : i32
    %dma_wait3A_30 = tpu.memref_slice %arg3[%mul3A_5, %dma_wait3A_29] : memref<8192x128xf32, #tpu.memory_space<hbm>> -> memref<256x128xf32, #tpu.memory_space<hbm>>
    %dma_wait3A_31 = arith.constant 0 : i32
    %dma_wait3A_32 = tpu.memref_slice %arg3[%mul3A_5, %dma_wait3A_31] : memref<8192x128xf32, #tpu.memory_space<hbm>> -> memref<256x128xf32, #tpu.memory_space<hbm>>
    tpu.wait_dma2 semaphore(%arg14 : memref<!tpu.dma_semaphore, #tpu.memory_space<semaphore_mem>>) src(%dma_wait3A_32 : memref<256x128xf32, #tpu.memory_space<hbm>>) dst(%arg11 : memref<256x128xf32, #tpu.memory_space<vmem>>)
    "tpu.region"() ({
      %run_scoped3A = tpu.sem_alloc : memref<!tpu.dma_semaphore, #tpu.memory_space<semaphore_mem>>
      %dma_start3A_41 = arith.constant 0 : i32
      %dma_start3A_42 = arith.constant 0 : i32
      %dma_start3A_43 = tpu.memref_slice %arg12[%dma_start3A_41, %dma_start3A_42] : memref<2048x128xf32, #tpu.memory_space<vmem_shared>> -> memref<2048x128xf32, #tpu.memory_space<vmem_shared>>
      tpu.enqueue_indirect_dma source(%arg11 : memref<256x128xf32, #tpu.memory_space<vmem>>) target(%dma_start3A_43 : memref<2048x128xf32, #tpu.memory_space<vmem_shared>>) offsets(%arg9 : memref<256xi32, #tpu.memory_space<vmem>>) semaphore(%run_scoped3A : memref<!tpu.dma_semaphore, #tpu.memory_space<semaphore_mem>>) {add = true}
      %dma_wait3A_44 = arith.constant 0 : i32
      %dma_wait3A_45 = arith.constant 0 : i32
      %dma_wait3A_46 = tpu.memref_slice %arg12[%dma_wait3A_44, %dma_wait3A_45] : memref<2048x128xf32, #tpu.memory_space<vmem_shared>> -> memref<2048x128xf32, #tpu.memory_space<vmem_shared>>
      tpu.wait_indirect_dma semaphore(%run_scoped3A : memref<!tpu.dma_semaphore, #tpu.memory_space<semaphore_mem>>) src(%arg11 : memref<256x128xf32, #tpu.memory_space<vmem>>) dst(%dma_wait3A_46 : memref<2048x128xf32, #tpu.memory_space<vmem_shared>>)
      tpu.yield
    }) : () -> ()
    %barrier3A_33 = arith.constant 0 : index
    tpu.barrier barrier_id(%barrier3A_33)
    %mul3A_34 = arith.constant 128 : i32
    %mul3A_35 = arith.muli %arg1, %mul3A_34 : i32
    %mul3A_36 = arith.constant 2048 : i32
    %mul3A_37 = arith.muli %arg0, %mul3A_36 : i32
    %mul3A_38 = arith.constant 128 : i32
    %mul3A_39 = arith.muli %arg1, %mul3A_38 : i32
    %add3A_40 = arith.addi %mul3A_37, %mul3A_39 : i32
    "tpu.region"() ({
      %run_scoped3A = tpu.sem_alloc : memref<!tpu.dma_semaphore, #tpu.memory_space<semaphore_mem>>
      %dma_start3A_41 = arith.constant 0 : i32
      %dma_start3A_42 = tpu.memref_slice %arg7[%add3A_40, %dma_start3A_41] : memref<4096x128xf32, #tpu.memory_space<hbm>> -> memref<128x128xf32, #tpu.memory_space<hbm>>
      %dma_start3A_43 = arith.constant 0 : i32
      %dma_start3A_44 = tpu.memref_slice %arg12[%mul3A_35, %dma_start3A_43] : memref<2048x128xf32, #tpu.memory_space<vmem_shared>> -> memref<128x128xf32, #tpu.memory_space<vmem_shared>>
      tpu.enqueue_dma source(%dma_start3A_44 : memref<128x128xf32, #tpu.memory_space<vmem_shared>>) target(%dma_start3A_42 : memref<128x128xf32, #tpu.memory_space<hbm>>) target_semaphore(%run_scoped3A : memref<!tpu.dma_semaphore, #tpu.memory_space<semaphore_mem>>)
      %dma_wait3A_45 = arith.constant 0 : i32
      %dma_wait3A_46 = tpu.memref_slice %arg7[%add3A_40, %dma_wait3A_45] : memref<4096x128xf32, #tpu.memory_space<hbm>> -> memref<128x128xf32, #tpu.memory_space<hbm>>
      %dma_wait3A_47 = arith.constant 0 : i32
      %dma_wait3A_48 = tpu.memref_slice %arg12[%mul3A_35, %dma_wait3A_47] : memref<2048x128xf32, #tpu.memory_space<vmem_shared>> -> memref<128x128xf32, #tpu.memory_space<vmem_shared>>
      tpu.wait_dma2 semaphore(%run_scoped3A : memref<!tpu.dma_semaphore, #tpu.memory_space<semaphore_mem>>) src(%dma_wait3A_48 : memref<128x128xf32, #tpu.memory_space<vmem_shared>>) dst(%dma_wait3A_46 : memref<128x128xf32, #tpu.memory_space<hbm>>)
      tpu.yield
    }) : () -> ()
    return
  }
}

#map = affine_map<(d0, d1) -> (0, 0)>
#map1 = affine_map<(d0, d1) -> (0)>
module attributes {stable_mosaic.version = 14 : i64} {
  func.func @scatter(%arg0: i32, %arg1: i32, %arg2: memref<8192x128xf32, #tpu.memory_space<hbm>>, %arg3: memref<8192x128xf32, #tpu.memory_space<hbm>>, %arg4: memref<16384xi32, #tpu.memory_space<hbm>>, %arg5: memref<16384xi32, #tpu.memory_space<hbm>>, %arg6: memref<128x128xf32, #tpu.memory_space<hbm>>, %arg7: memref<4096x128xf32, #tpu.memory_space<hbm>>, %arg8: memref<256xi32, #tpu.memory_space<vmem>>, %arg9: memref<256xi32, #tpu.memory_space<vmem>>, %arg10: memref<256x128xf32, #tpu.memory_space<vmem>>, %arg11: memref<256x128xf32, #tpu.memory_space<vmem>>, %arg12: memref<2048x128xf32, #tpu.memory_space<vmem_shared>>, %arg13: memref<!tpu.dma_semaphore, #tpu.memory_space<semaphore_mem>>, %arg14: memref<!tpu.dma_semaphore, #tpu.memory_space<semaphore_mem>>, %arg15: memref<!tpu.dma_semaphore, #tpu.memory_space<semaphore_mem>>) attributes {dimension_semantics = [#tpu.dimension_semantics<core_parallel>, #tpu.dimension_semantics<subcore_parallel>], iteration_bounds = array<i64: 2, 16>, scalar_prefetch = 0 : i64, scratch_operands = 8 : i64, tpu.core_type = #tpu.core_type<sc_vector_subcore>, window_params = [{transform_indices = #map}, {transform_indices = #map}, {transform_indices = #map1}, {transform_indices = #map1}, {transform_indices = #map}, {transform_indices = #map}]} {
    %mul3A = arith.constant 128 : i32
    %mul3A_0 = arith.muli %arg1, %mul3A : i32
    %dma_start3A = arith.constant 0 : i32
    %dma_start3A_1 = tpu.memref_slice %arg12[%mul3A_0, %dma_start3A] : memref<2048x128xf32, #tpu.memory_space<vmem_shared>> -> memref<128x128xf32, #tpu.memory_space<vmem_shared>>
    tpu.enqueue_dma source(%arg6 : memref<128x128xf32, #tpu.memory_space<hbm>>) target(%dma_start3A_1 : memref<128x128xf32, #tpu.memory_space<vmem_shared>>) target_semaphore(%arg15 : memref<!tpu.dma_semaphore, #tpu.memory_space<semaphore_mem>>)
    %mul3A_2 = arith.constant 16 : i32
    %mul3A_3 = arith.muli %arg0, %mul3A_2 : i32
    %add3A = arith.addi %mul3A_3, %arg1 : i32
    %mul3A_4 = arith.constant 256 : i32
    %mul3A_5 = arith.muli %add3A, %mul3A_4 : i32
    %add3A_6 = arith.constant 8192 : i32
    %add3A_7 = arith.addi %add3A_6, %mul3A_5 : i32
    %dma_start3A_8 = tpu.memref_slice %arg4[%add3A_7] : memref<16384xi32, #tpu.memory_space<hbm>> -> memref<256xi32, #tpu.memory_space<hbm>>
    %dma_start3A_9 = tpu.memref_slice %arg4[%add3A_7] : memref<16384xi32, #tpu.memory_space<hbm>> -> memref<256xi32, #tpu.memory_space<hbm>>
    tpu.enqueue_dma source(%dma_start3A_9 : memref<256xi32, #tpu.memory_space<hbm>>) target(%arg8 : memref<256xi32, #tpu.memory_space<vmem>>) target_semaphore(%arg13 : memref<!tpu.dma_semaphore, #tpu.memory_space<semaphore_mem>>)
    %dma_start3A_10 = tpu.memref_slice %arg5[%add3A_7] : memref<16384xi32, #tpu.memory_space<hbm>> -> memref<256xi32, #tpu.memory_space<hbm>>
    %dma_start3A_11 = tpu.memref_slice %arg5[%add3A_7] : memref<16384xi32, #tpu.memory_space<hbm>> -> memref<256xi32, #tpu.memory_space<hbm>>
    tpu.enqueue_dma source(%dma_start3A_11 : memref<256xi32, #tpu.memory_space<hbm>>) target(%arg9 : memref<256xi32, #tpu.memory_space<vmem>>) target_semaphore(%arg14 : memref<!tpu.dma_semaphore, #tpu.memory_space<semaphore_mem>>)
    %dma_wait3A = tpu.memref_slice %arg4[%add3A_7] : memref<16384xi32, #tpu.memory_space<hbm>> -> memref<256xi32, #tpu.memory_space<hbm>>
    %dma_wait3A_12 = tpu.memref_slice %arg4[%add3A_7] : memref<16384xi32, #tpu.memory_space<hbm>> -> memref<256xi32, #tpu.memory_space<hbm>>
    tpu.wait_dma2 semaphore(%arg13 : memref<!tpu.dma_semaphore, #tpu.memory_space<semaphore_mem>>) src(%dma_wait3A_12 : memref<256xi32, #tpu.memory_space<hbm>>) dst(%arg8 : memref<256xi32, #tpu.memory_space<vmem>>)
    %dma_wait3A_13 = tpu.memref_slice %arg5[%add3A_7] : memref<16384xi32, #tpu.memory_space<hbm>> -> memref<256xi32, #tpu.memory_space<hbm>>
    %dma_wait3A_14 = tpu.memref_slice %arg5[%add3A_7] : memref<16384xi32, #tpu.memory_space<hbm>> -> memref<256xi32, #tpu.memory_space<hbm>>
    tpu.wait_dma2 semaphore(%arg14 : memref<!tpu.dma_semaphore, #tpu.memory_space<semaphore_mem>>) src(%dma_wait3A_14 : memref<256xi32, #tpu.memory_space<hbm>>) dst(%arg9 : memref<256xi32, #tpu.memory_space<vmem>>)
    %dma_start3A_15 = arith.constant 0 : i32
    %dma_start3A_16 = tpu.memref_slice %arg2[%mul3A_5, %dma_start3A_15] : memref<8192x128xf32, #tpu.memory_space<hbm>> -> memref<256x128xf32, #tpu.memory_space<hbm>>
    %dma_start3A_17 = arith.constant 0 : i32
    %dma_start3A_18 = tpu.memref_slice %arg2[%mul3A_5, %dma_start3A_17] : memref<8192x128xf32, #tpu.memory_space<hbm>> -> memref<256x128xf32, #tpu.memory_space<hbm>>
    tpu.enqueue_dma source(%dma_start3A_18 : memref<256x128xf32, #tpu.memory_space<hbm>>) target(%arg10 : memref<256x128xf32, #tpu.memory_space<vmem>>) target_semaphore(%arg13 : memref<!tpu.dma_semaphore, #tpu.memory_space<semaphore_mem>>)
    %dma_start3A_19 = arith.constant 0 : i32
    %dma_start3A_20 = tpu.memref_slice %arg3[%mul3A_5, %dma_start3A_19] : memref<8192x128xf32, #tpu.memory_space<hbm>> -> memref<256x128xf32, #tpu.memory_space<hbm>>
    %dma_start3A_21 = arith.constant 0 : i32
    %dma_start3A_22 = tpu.memref_slice %arg3[%mul3A_5, %dma_start3A_21] : memref<8192x128xf32, #tpu.memory_space<hbm>> -> memref<256x128xf32, #tpu.memory_space<hbm>>
    tpu.enqueue_dma source(%dma_start3A_22 : memref<256x128xf32, #tpu.memory_space<hbm>>) target(%arg11 : memref<256x128xf32, #tpu.memory_space<vmem>>) target_semaphore(%arg14 : memref<!tpu.dma_semaphore, #tpu.memory_space<semaphore_mem>>)
    %dma_wait3A_23 = arith.constant 0 : i32
    %dma_wait3A_24 = tpu.memref_slice %arg12[%mul3A_0, %dma_wait3A_23] : memref<2048x128xf32, #tpu.memory_space<vmem_shared>> -> memref<128x128xf32, #tpu.memory_space<vmem_shared>>
    tpu.wait_dma2 semaphore(%arg15 : memref<!tpu.dma_semaphore, #tpu.memory_space<semaphore_mem>>) src(%arg6 : memref<128x128xf32, #tpu.memory_space<hbm>>) dst(%dma_wait3A_24 : memref<128x128xf32, #tpu.memory_space<vmem_shared>>)
    %barrier3A = arith.constant 0 : index
    tpu.barrier barrier_id(%barrier3A)
    %dma_wait3A_25 = arith.constant 0 : i32
    %dma_wait3A_26 = tpu.memref_slice %arg2[%mul3A_5, %dma_wait3A_25] : memref<8192x128xf32, #tpu.memory_space<hbm>> -> memref<256x128xf32, #tpu.memory_space<hbm>>
    %dma_wait3A_27 = arith.constant 0 : i32
    %dma_wait3A_28 = tpu.memref_slice %arg2[%mul3A_5, %dma_wait3A_27] : memref<8192x128xf32, #tpu.memory_space<hbm>> -> memref<256x128xf32, #tpu.memory_space<hbm>>
    tpu.wait_dma2 semaphore(%arg13 : memref<!tpu.dma_semaphore, #tpu.memory_space<semaphore_mem>>) src(%dma_wait3A_28 : memref<256x128xf32, #tpu.memory_space<hbm>>) dst(%arg10 : memref<256x128xf32, #tpu.memory_space<vmem>>)
    "tpu.region"() ({
      %run_scoped3A = tpu.sem_alloc : memref<!tpu.dma_semaphore, #tpu.memory_space<semaphore_mem>>
      %dma_start3A_41 = arith.constant 0 : i32
      %dma_start3A_42 = arith.constant 0 : i32
      %dma_start3A_43 = tpu.memref_slice %arg12[%dma_start3A_41, %dma_start3A_42] : memref<2048x128xf32, #tpu.memory_space<vmem_shared>> -> memref<2048x128xf32, #tpu.memory_space<vmem_shared>>
      tpu.enqueue_indirect_dma source(%arg10 : memref<256x128xf32, #tpu.memory_space<vmem>>) target(%dma_start3A_43 : memref<2048x128xf32, #tpu.memory_space<vmem_shared>>) offsets(%arg8 : memref<256xi32, #tpu.memory_space<vmem>>) semaphore(%run_scoped3A : memref<!tpu.dma_semaphore, #tpu.memory_space<semaphore_mem>>) {add = true}
      %dma_wait3A_44 = arith.constant 0 : i32
      %dma_wait3A_45 = arith.constant 0 : i32
      %dma_wait3A_46 = tpu.memref_slice %arg12[%dma_wait3A_44, %dma_wait3A_45] : memref<2048x128xf32, #tpu.memory_space<vmem_shared>> -> memref<2048x128xf32, #tpu.memory_space<vmem_shared>>
      tpu.wait_indirect_dma semaphore(%run_scoped3A : memref<!tpu.dma_semaphore, #tpu.memory_space<semaphore_mem>>) src(%arg10 : memref<256x128xf32, #tpu.memory_space<vmem>>) dst(%dma_wait3A_46 : memref<2048x128xf32, #tpu.memory_space<vmem_shared>>)
      tpu.yield
    }) : () -> ()
    %dma_wait3A_29 = arith.constant 0 : i32
    %dma_wait3A_30 = tpu.memref_slice %arg3[%mul3A_5, %dma_wait3A_29] : memref<8192x128xf32, #tpu.memory_space<hbm>> -> memref<256x128xf32, #tpu.memory_space<hbm>>
    %dma_wait3A_31 = arith.constant 0 : i32
    %dma_wait3A_32 = tpu.memref_slice %arg3[%mul3A_5, %dma_wait3A_31] : memref<8192x128xf32, #tpu.memory_space<hbm>> -> memref<256x128xf32, #tpu.memory_space<hbm>>
    tpu.wait_dma2 semaphore(%arg14 : memref<!tpu.dma_semaphore, #tpu.memory_space<semaphore_mem>>) src(%dma_wait3A_32 : memref<256x128xf32, #tpu.memory_space<hbm>>) dst(%arg11 : memref<256x128xf32, #tpu.memory_space<vmem>>)
    "tpu.region"() ({
      %run_scoped3A = tpu.sem_alloc : memref<!tpu.dma_semaphore, #tpu.memory_space<semaphore_mem>>
      %dma_start3A_41 = arith.constant 0 : i32
      %dma_start3A_42 = arith.constant 0 : i32
      %dma_start3A_43 = tpu.memref_slice %arg12[%dma_start3A_41, %dma_start3A_42] : memref<2048x128xf32, #tpu.memory_space<vmem_shared>> -> memref<2048x128xf32, #tpu.memory_space<vmem_shared>>
      tpu.enqueue_indirect_dma source(%arg11 : memref<256x128xf32, #tpu.memory_space<vmem>>) target(%dma_start3A_43 : memref<2048x128xf32, #tpu.memory_space<vmem_shared>>) offsets(%arg9 : memref<256xi32, #tpu.memory_space<vmem>>) semaphore(%run_scoped3A : memref<!tpu.dma_semaphore, #tpu.memory_space<semaphore_mem>>) {add = true}
      %dma_wait3A_44 = arith.constant 0 : i32
      %dma_wait3A_45 = arith.constant 0 : i32
      %dma_wait3A_46 = tpu.memref_slice %arg12[%dma_wait3A_44, %dma_wait3A_45] : memref<2048x128xf32, #tpu.memory_space<vmem_shared>> -> memref<2048x128xf32, #tpu.memory_space<vmem_shared>>
      tpu.wait_indirect_dma semaphore(%run_scoped3A : memref<!tpu.dma_semaphore, #tpu.memory_space<semaphore_mem>>) src(%arg11 : memref<256x128xf32, #tpu.memory_space<vmem>>) dst(%dma_wait3A_46 : memref<2048x128xf32, #tpu.memory_space<vmem_shared>>)
      tpu.yield
    }) : () -> ()
    %barrier3A_33 = arith.constant 0 : index
    tpu.barrier barrier_id(%barrier3A_33)
    %mul3A_34 = arith.constant 128 : i32
    %mul3A_35 = arith.muli %arg1, %mul3A_34 : i32
    %mul3A_36 = arith.constant 2048 : i32
    %mul3A_37 = arith.muli %arg0, %mul3A_36 : i32
    %mul3A_38 = arith.constant 128 : i32
    %mul3A_39 = arith.muli %arg1, %mul3A_38 : i32
    %add3A_40 = arith.addi %mul3A_37, %mul3A_39 : i32
    "tpu.region"() ({
      %run_scoped3A = tpu.sem_alloc : memref<!tpu.dma_semaphore, #tpu.memory_space<semaphore_mem>>
      %dma_start3A_41 = arith.constant 0 : i32
      %dma_start3A_42 = tpu.memref_slice %arg7[%add3A_40, %dma_start3A_41] : memref<4096x128xf32, #tpu.memory_space<hbm>> -> memref<128x128xf32, #tpu.memory_space<hbm>>
      %dma_start3A_43 = arith.constant 0 : i32
      %dma_start3A_44 = tpu.memref_slice %arg12[%mul3A_35, %dma_start3A_43] : memref<2048x128xf32, #tpu.memory_space<vmem_shared>> -> memref<128x128xf32, #tpu.memory_space<vmem_shared>>
      tpu.enqueue_dma source(%dma_start3A_44 : memref<128x128xf32, #tpu.memory_space<vmem_shared>>) target(%dma_start3A_42 : memref<128x128xf32, #tpu.memory_space<hbm>>) target_semaphore(%run_scoped3A : memref<!tpu.dma_semaphore, #tpu.memory_space<semaphore_mem>>)
      %dma_wait3A_45 = arith.constant 0 : i32
      %dma_wait3A_46 = tpu.memref_slice %arg7[%add3A_40, %dma_wait3A_45] : memref<4096x128xf32, #tpu.memory_space<hbm>> -> memref<128x128xf32, #tpu.memory_space<hbm>>
      %dma_wait3A_47 = arith.constant 0 : i32
      %dma_wait3A_48 = tpu.memref_slice %arg12[%mul3A_35, %dma_wait3A_47] : memref<2048x128xf32, #tpu.memory_space<vmem_shared>> -> memref<128x128xf32, #tpu.memory_space<vmem_shared>>
      tpu.wait_dma2 semaphore(%run_scoped3A : memref<!tpu.dma_semaphore, #tpu.memory_space<semaphore_mem>>) src(%dma_wait3A_48 : memref<128x128xf32, #tpu.memory_space<vmem_shared>>) dst(%dma_wait3A_46 : memref<128x128xf32, #tpu.memory_space<hbm>>)
      tpu.yield
    }) : () -> ()
    return
  }
}

module attributes {stable_mosaic.version = 14 : i64} {
  func.func @_vert_prologue_body(%arg0: memref<2048x256xf32, #tpu.memory_space<vmem>>, %arg1: memref<128x256xf32, #tpu.memory_space<vmem>>, %arg2: memref<1x128xf32, #tpu.memory_space<vmem>>, %arg3: memref<384x128xf32, #tpu.memory_space<vmem>>, %arg4: memref<1x384xf32, #tpu.memory_space<vmem>>, %arg5: memref<1x384xf32, #tpu.memory_space<vmem>>, %arg6: memref<2048x128xf32, #tpu.memory_space<vmem>>) attributes {dimension_semantics = [], scalar_prefetch = 0 : i64, scratch_operands = 0 : i64, tpu.core_type = #tpu.core_type<tc>} {
    %get3A = arith.constant 0 : index
    %get3A_0 = arith.constant 0 : index
    %get3A_1 = vector.load %arg0[%get3A, %get3A_0] : memref<2048x256xf32, #tpu.memory_space<vmem>>, vector<2048x256xf32>
    %get3A_2 = arith.constant 0 : index
    %get3A_3 = arith.constant 0 : index
    %get3A_4 = vector.load %arg1[%get3A_2, %get3A_3] : memref<128x256xf32, #tpu.memory_space<vmem>>, vector<128x256xf32>
    %dot_general3A = arith.constant dense<0.000000e+00> : vector<2048x128xf32>
    %dot_general3A_5 = tpu.matmul %get3A_1, %get3A_4, %dot_general3A {dimension_numbers = #tpu.dot_dimension_numbers<[1], [1], [0], [0], [0, 0, 1, 0], [], []>, transpose_lhs_hint = false} : vector<2048x256xf32>, vector<128x256xf32>, vector<2048x128xf32> -> vector<2048x128xf32>
    %get3A_6 = arith.constant 0 : index
    %get3A_7 = arith.constant 0 : index
    %get3A_8 = vector.load %arg2[%get3A_6, %get3A_7] : memref<1x128xf32, #tpu.memory_space<vmem>>, vector<1x128xf32>
    %add3A = vector.broadcast %get3A_8 : vector<1x128xf32> to vector<2048x128xf32>
    %add3A_9 = arith.addf %dot_general3A_5, %add3A : vector<2048x128xf32>
    %get3A_10 = arith.constant 0 : index
    %get3A_11 = arith.constant 0 : index
    %get3A_12 = vector.load %arg3[%get3A_10, %get3A_11] : memref<384x128xf32, #tpu.memory_space<vmem>>, vector<384x128xf32>
    %dot_general3A_13 = arith.constant dense<0.000000e+00> : vector<2048x384xf32>
    %dot_general3A_14 = tpu.matmul %add3A_9, %get3A_12, %dot_general3A_13 {dimension_numbers = #tpu.dot_dimension_numbers<[1], [1], [0], [0], [0, 0, 1, 0], [], []>, transpose_lhs_hint = false} : vector<2048x128xf32>, vector<384x128xf32>, vector<2048x384xf32> -> vector<2048x384xf32>
    %get3A_15 = arith.constant 0 : index
    %get3A_16 = arith.constant 0 : index
    %get3A_17 = vector.load %arg4[%get3A_15, %get3A_16] : memref<1x384xf32, #tpu.memory_space<vmem>>, vector<1x384xf32>
    %add3A_18 = vector.broadcast %get3A_17 : vector<1x384xf32> to vector<2048x384xf32>
    %add3A_19 = arith.addf %dot_general3A_14, %add3A_18 : vector<2048x384xf32>
    %get3A_20 = arith.constant 0 : index
    %get3A_21 = arith.constant 0 : index
    %get3A_22 = vector.load %arg5[%get3A_20, %get3A_21] : memref<1x384xf32, #tpu.memory_space<vmem>>, vector<1x384xf32>
    %slice3A = vector.extract_strided_slice %add3A_19 {offsets = [0, 0], sizes = [2048, 128], strides = [1, 1]} : vector<2048x384xf32> to vector<2048x128xf32>
    %slice3A_23 = vector.extract_strided_slice %get3A_22 {offsets = [0, 0], sizes = [1, 128], strides = [1, 1]} : vector<1x384xf32> to vector<1x128xf32>
    %add3A_24 = vector.broadcast %slice3A_23 : vector<1x128xf32> to vector<2048x128xf32>
    %add3A_25 = arith.addf %slice3A, %add3A_24 : vector<2048x128xf32>
    %logistic3A = arith.negf %add3A_25 : vector<2048x128xf32>
    %logistic3A_26 = math.exp %logistic3A : vector<2048x128xf32>
    %logistic3A_27 = arith.constant 1.000000e+00 : f32
    %logistic3A_28 = vector.broadcast %logistic3A_27 : f32 to vector<2048x128xf32>
    %logistic3A_29 = arith.addf %logistic3A_28, %logistic3A_26 : vector<2048x128xf32>
    %logistic3A_30 = arith.divf %logistic3A_28, %logistic3A_29 : vector<2048x128xf32>
    %slice3A_31 = vector.extract_strided_slice %add3A_19 {offsets = [0, 128], sizes = [2048, 128], strides = [1, 1]} : vector<2048x384xf32> to vector<2048x128xf32>
    %slice3A_32 = vector.extract_strided_slice %get3A_22 {offsets = [0, 128], sizes = [1, 128], strides = [1, 1]} : vector<1x384xf32> to vector<1x128xf32>
    %add3A_33 = vector.broadcast %slice3A_32 : vector<1x128xf32> to vector<2048x128xf32>
    %add3A_34 = arith.addf %slice3A_31, %add3A_33 : vector<2048x128xf32>
    %logistic3A_35 = arith.negf %add3A_34 : vector<2048x128xf32>
    %logistic3A_36 = math.exp %logistic3A_35 : vector<2048x128xf32>
    %logistic3A_37 = arith.constant 1.000000e+00 : f32
    %logistic3A_38 = vector.broadcast %logistic3A_37 : f32 to vector<2048x128xf32>
    %logistic3A_39 = arith.addf %logistic3A_38, %logistic3A_36 : vector<2048x128xf32>
    %logistic3A_40 = arith.divf %logistic3A_38, %logistic3A_39 : vector<2048x128xf32>
    %slice3A_41 = vector.extract_strided_slice %add3A_19 {offsets = [0, 256], sizes = [2048, 128], strides = [1, 1]} : vector<2048x384xf32> to vector<2048x128xf32>
    %slice3A_42 = vector.extract_strided_slice %get3A_22 {offsets = [0, 256], sizes = [1, 128], strides = [1, 1]} : vector<1x384xf32> to vector<1x128xf32>
    %mul3A = vector.broadcast %slice3A_42 : vector<1x128xf32> to vector<2048x128xf32>
    %mul3A_43 = arith.mulf %logistic3A_30, %mul3A : vector<2048x128xf32>
    %add3A_44 = arith.addf %slice3A_41, %mul3A_43 : vector<2048x128xf32>
    %tanh3A = math.tanh %add3A_44 : vector<2048x128xf32>
    %sub3A = arith.constant 1.000000e+00 : f32
    %sub3A_45 = vector.broadcast %sub3A : f32 to vector<2048x128xf32>
    %sub3A_46 = arith.subf %sub3A_45, %logistic3A_40 : vector<2048x128xf32>
    %mul3A_47 = arith.mulf %sub3A_46, %tanh3A : vector<2048x128xf32>
    %swap3A = arith.constant 0 : index
    %swap3A_48 = arith.constant 0 : index
    %swap3A_49 = vector.load %arg6[%swap3A, %swap3A_48] : memref<2048x128xf32, #tpu.memory_space<vmem>>, vector<2048x128xf32>
    tpu.vector_store %arg6[%swap3A, %swap3A_48], %mul3A_47 {strides = array<i32>} : memref<2048x128xf32, #tpu.memory_space<vmem>>, vector<2048x128xf32>,
    return
  }
}

module attributes {stable_mosaic.version = 14 : i64} {
  func.func @_edge_iter_body(%arg0: i32, %arg1: memref<2048x128xf32, #tpu.memory_space<vmem>>, %arg2: memref<2048x128xf32, #tpu.memory_space<vmem>>, %arg3: memref<2048x128xf32, #tpu.memory_space<vmem>>, %arg4: memref<128x128xf32, #tpu.memory_space<vmem>>, %arg5: memref<128x128xf32, #tpu.memory_space<vmem>>, %arg6: memref<1x128xf32, #tpu.memory_space<vmem>>, %arg7: memref<384x128xf32, #tpu.memory_space<vmem>>, %arg8: memref<384x128xf32, #tpu.memory_space<vmem>>, %arg9: memref<1x384xf32, #tpu.memory_space<vmem>>, %arg10: memref<1x384xf32, #tpu.memory_space<vmem>>, %arg11: memref<2048x128xf32, #tpu.memory_space<vmem>>, %arg12: memref<2048x128xf32, #tpu.memory_space<vmem>>, %arg13: memref<2048x128xf32, #tpu.memory_space<vmem>>) attributes {dimension_semantics = [#tpu.dimension_semantics<arbitrary>], iteration_bounds = array<i64: 4>, scalar_prefetch = 0 : i64, scratch_operands = 0 : i64, tpu.core_type = #tpu.core_type<tc>, window_params = [{transform_indices = @transform_0, window_bounds = array<i64: 2048, 128>}, {transform_indices = @transform_1, window_bounds = array<i64: 2048, 128>}, {transform_indices = @transform_2, window_bounds = array<i64: 2048, 128>}, {pipeline_mode = #tpu.pipeline_mode<synchronous>, transform_indices = @transform_3, window_bounds = array<i64: 128, 128>}, {pipeline_mode = #tpu.pipeline_mode<synchronous>, transform_indices = @transform_4, window_bounds = array<i64: 128, 128>}, {pipeline_mode = #tpu.pipeline_mode<synchronous>, transform_indices = @transform_5, window_bounds = array<i64: 1, 128>}, {pipeline_mode = #tpu.pipeline_mode<synchronous>, transform_indices = @transform_6, window_bounds = array<i64: 384, 128>}, {pipeline_mode = #tpu.pipeline_mode<synchronous>, transform_indices = @transform_7, window_bounds = array<i64: 384, 128>}, {pipeline_mode = #tpu.pipeline_mode<synchronous>, transform_indices = @transform_8, window_bounds = array<i64: 1, 384>}, {pipeline_mode = #tpu.pipeline_mode<synchronous>, transform_indices = @transform_9, window_bounds = array<i64: 1, 384>}, {transform_indices = @transform_10, window_bounds = array<i64: 2048, 128>}, {transform_indices = @transform_11, window_bounds = array<i64: 2048, 128>}, {transform_indices = @transform_12, window_bounds = array<i64: 2048, 128>}]} {
    %get3A = arith.constant 0 : index
    %get3A_0 = arith.constant 0 : index
    %get3A_1 = vector.load %arg1[%get3A, %get3A_0] : memref<2048x128xf32, #tpu.memory_space<vmem>>, vector<2048x128xf32>
    %get3A_2 = arith.constant 0 : index
    %get3A_3 = arith.constant 0 : index
    %get3A_4 = vector.load %arg2[%get3A_2, %get3A_3] : memref<2048x128xf32, #tpu.memory_space<vmem>>, vector<2048x128xf32>
    %get3A_5 = arith.constant 0 : index
    %get3A_6 = arith.constant 0 : index
    %get3A_7 = vector.load %arg3[%get3A_5, %get3A_6] : memref<2048x128xf32, #tpu.memory_space<vmem>>, vector<2048x128xf32>
    %get3A_8 = arith.constant 0 : index
    %get3A_9 = arith.constant 0 : index
    %get3A_10 = vector.load %arg4[%get3A_8, %get3A_9] : memref<128x128xf32, #tpu.memory_space<vmem>>, vector<128x128xf32>
    %get3A_11 = arith.constant 0 : index
    %get3A_12 = arith.constant 0 : index
    %get3A_13 = vector.load %arg5[%get3A_11, %get3A_12] : memref<128x128xf32, #tpu.memory_space<vmem>>, vector<128x128xf32>
    %get3A_14 = arith.constant 0 : index
    %get3A_15 = arith.constant 0 : index
    %get3A_16 = vector.load %arg6[%get3A_14, %get3A_15] : memref<1x128xf32, #tpu.memory_space<vmem>>, vector<1x128xf32>
    %dot_general3A = arith.constant dense<0.000000e+00> : vector<2048x128xf32>
    %dot_general3A_17 = tpu.matmul %get3A_1, %get3A_10, %dot_general3A {dimension_numbers = #tpu.dot_dimension_numbers<[1], [0], [0], [1], [0, 0, 1, 1], [], []>, transpose_lhs_hint = false} : vector<2048x128xf32>, vector<128x128xf32>, vector<2048x128xf32> -> vector<2048x128xf32>
    %dot_general3A_18 = arith.constant dense<0.000000e+00> : vector<2048x128xf32>
    %dot_general3A_19 = tpu.matmul %get3A_4, %get3A_10, %dot_general3A_18 {dimension_numbers = #tpu.dot_dimension_numbers<[1], [0], [0], [1], [0, 0, 1, 1], [], []>, transpose_lhs_hint = false} : vector<2048x128xf32>, vector<128x128xf32>, vector<2048x128xf32> -> vector<2048x128xf32>
    %dot_general3A_20 = arith.constant dense<0.000000e+00> : vector<2048x128xf32>
    %dot_general3A_21 = tpu.matmul %get3A_7, %get3A_13, %dot_general3A_20 {dimension_numbers = #tpu.dot_dimension_numbers<[1], [0], [0], [1], [0, 0, 1, 1], [], []>, transpose_lhs_hint = false} : vector<2048x128xf32>, vector<128x128xf32>, vector<2048x128xf32> -> vector<2048x128xf32>
    %slice3A = vector.extract_strided_slice %dot_general3A_17 {offsets = [0, 0], sizes = [2048, 1], strides = [1, 1]} : vector<2048x128xf32> to vector<2048x1xf32>
    %slice3A_22 = vector.extract_strided_slice %dot_general3A_21 {offsets = [0, 0], sizes = [2048, 1], strides = [1, 1]} : vector<2048x128xf32> to vector<2048x1xf32>
    %add3A = arith.addf %slice3A, %slice3A_22 : vector<2048x1xf32>
    %slice3A_23 = vector.extract_strided_slice %get3A_16 {offsets = [0, 0], sizes = [1, 1], strides = [1, 1]} : vector<1x128xf32> to vector<1x1xf32>
    %add3A_24 = vector.broadcast %slice3A_23 : vector<1x1xf32> to vector<2048x1xf32>
    %add3A_25 = arith.addf %add3A, %add3A_24 : vector<2048x1xf32>
    %logistic3A = arith.negf %add3A_25 : vector<2048x1xf32>
    %logistic3A_26 = math.exp %logistic3A : vector<2048x1xf32>
    %logistic3A_27 = arith.constant 1.000000e+00 : f32
    %logistic3A_28 = vector.broadcast %logistic3A_27 : f32 to vector<2048x1xf32>
    %logistic3A_29 = arith.addf %logistic3A_28, %logistic3A_26 : vector<2048x1xf32>
    %logistic3A_30 = arith.divf %logistic3A_28, %logistic3A_29 : vector<2048x1xf32>
    %slice3A_31 = vector.extract_strided_slice %dot_general3A_19 {offsets = [0, 1], sizes = [2048, 1], strides = [1, 1]} : vector<2048x128xf32> to vector<2048x1xf32>
    %slice3A_32 = vector.extract_strided_slice %dot_general3A_21 {offsets = [0, 1], sizes = [2048, 1], strides = [1, 1]} : vector<2048x128xf32> to vector<2048x1xf32>
    %add3A_33 = arith.addf %slice3A_31, %slice3A_32 : vector<2048x1xf32>
    %slice3A_34 = vector.extract_strided_slice %get3A_16 {offsets = [0, 1], sizes = [1, 1], strides = [1, 1]} : vector<1x128xf32> to vector<1x1xf32>
    %add3A_35 = vector.broadcast %slice3A_34 : vector<1x1xf32> to vector<2048x1xf32>
    %add3A_36 = arith.addf %add3A_33, %add3A_35 : vector<2048x1xf32>
    %logistic3A_37 = arith.negf %add3A_36 : vector<2048x1xf32>
    %logistic3A_38 = math.exp %logistic3A_37 : vector<2048x1xf32>
    %logistic3A_39 = arith.constant 1.000000e+00 : f32
    %logistic3A_40 = vector.broadcast %logistic3A_39 : f32 to vector<2048x1xf32>
    %logistic3A_41 = arith.addf %logistic3A_40, %logistic3A_38 : vector<2048x1xf32>
    %logistic3A_42 = arith.divf %logistic3A_40, %logistic3A_41 : vector<2048x1xf32>
    %slice3A_43 = vector.extract_strided_slice %dot_general3A_17 {offsets = [0, 2], sizes = [2048, 1], strides = [1, 1]} : vector<2048x128xf32> to vector<2048x1xf32>
    %slice3A_44 = vector.extract_strided_slice %dot_general3A_21 {offsets = [0, 2], sizes = [2048, 1], strides = [1, 1]} : vector<2048x128xf32> to vector<2048x1xf32>
    %add3A_45 = arith.addf %slice3A_43, %slice3A_44 : vector<2048x1xf32>
    %slice3A_46 = vector.extract_strided_slice %get3A_16 {offsets = [0, 2], sizes = [1, 1], strides = [1, 1]} : vector<1x128xf32> to vector<1x1xf32>
    %add3A_47 = vector.broadcast %slice3A_46 : vector<1x1xf32> to vector<2048x1xf32>
    %add3A_48 = arith.addf %add3A_45, %add3A_47 : vector<2048x1xf32>
    %logistic3A_49 = arith.negf %add3A_48 : vector<2048x1xf32>
    %logistic3A_50 = math.exp %logistic3A_49 : vector<2048x1xf32>
    %logistic3A_51 = arith.constant 1.000000e+00 : f32
    %logistic3A_52 = vector.broadcast %logistic3A_51 : f32 to vector<2048x1xf32>
    %logistic3A_53 = arith.addf %logistic3A_52, %logistic3A_50 : vector<2048x1xf32>
    %logistic3A_54 = arith.divf %logistic3A_52, %logistic3A_53 : vector<2048x1xf32>
    %slice3A_55 = vector.extract_strided_slice %dot_general3A_19 {offsets = [0, 3], sizes = [2048, 1], strides = [1, 1]} : vector<2048x128xf32> to vector<2048x1xf32>
    %slice3A_56 = vector.extract_strided_slice %dot_general3A_21 {offsets = [0, 3], sizes = [2048, 1], strides = [1, 1]} : vector<2048x128xf32> to vector<2048x1xf32>
    %add3A_57 = arith.addf %slice3A_55, %slice3A_56 : vector<2048x1xf32>
    %slice3A_58 = vector.extract_strided_slice %get3A_16 {offsets = [0, 3], sizes = [1, 1], strides = [1, 1]} : vector<1x128xf32> to vector<1x1xf32>
    %add3A_59 = vector.broadcast %slice3A_58 : vector<1x1xf32> to vector<2048x1xf32>
    %add3A_60 = arith.addf %add3A_57, %add3A_59 : vector<2048x1xf32>
    %logistic3A_61 = arith.negf %add3A_60 : vector<2048x1xf32>
    %logistic3A_62 = math.exp %logistic3A_61 : vector<2048x1xf32>
    %logistic3A_63 = arith.constant 1.000000e+00 : f32
    %logistic3A_64 = vector.broadcast %logistic3A_63 : f32 to vector<2048x1xf32>
    %logistic3A_65 = arith.addf %logistic3A_64, %logistic3A_62 : vector<2048x1xf32>
    %logistic3A_66 = arith.divf %logistic3A_64, %logistic3A_65 : vector<2048x1xf32>
    %mul3A = vector.broadcast %logistic3A_30 : vector<2048x1xf32> to vector<2048x128xf32>
    %mul3A_67 = arith.mulf %mul3A, %get3A_1 : vector<2048x128xf32>
    %mul3A_68 = vector.broadcast %logistic3A_42 : vector<2048x1xf32> to vector<2048x128xf32>
    %mul3A_69 = arith.mulf %mul3A_68, %get3A_4 : vector<2048x128xf32>
    %add3A_70 = arith.addf %mul3A_67, %mul3A_69 : vector<2048x128xf32>
    %get3A_71 = arith.constant 0 : index
    %get3A_72 = arith.constant 0 : index
    %get3A_73 = vector.load %arg7[%get3A_71, %get3A_72] : memref<384x128xf32, #tpu.memory_space<vmem>>, vector<384x128xf32>
    %convert_element_type3A = arith.truncf %add3A_70 : vector<2048x128xf32> to vector<2048x128xbf16>
    %convert_element_type3A_74 = arith.truncf %get3A_73 : vector<384x128xf32> to vector<384x128xbf16>
    %dot_general3A_75 = arith.constant dense<0.000000e+00> : vector<2048x384xf32>
    %dot_general3A_76 = tpu.matmul %convert_element_type3A, %convert_element_type3A_74, %dot_general3A_75 {dimension_numbers = #tpu.dot_dimension_numbers<[1], [1], [0], [0], [0, 0, 1, 0], [], []>, transpose_lhs_hint = false} : vector<2048x128xbf16>, vector<384x128xbf16>, vector<2048x384xf32> -> vector<2048x384xf32>
    %get3A_77 = arith.constant 0 : index
    %get3A_78 = arith.constant 0 : index
    %get3A_79 = vector.load %arg9[%get3A_77, %get3A_78] : memref<1x384xf32, #tpu.memory_space<vmem>>, vector<1x384xf32>
    %add3A_80 = vector.broadcast %get3A_79 : vector<1x384xf32> to vector<2048x384xf32>
    %add3A_81 = arith.addf %dot_general3A_76, %add3A_80 : vector<2048x384xf32>
    %get3A_82 = arith.constant 0 : index
    %get3A_83 = arith.constant 0 : index
    %get3A_84 = vector.load %arg8[%get3A_82, %get3A_83] : memref<384x128xf32, #tpu.memory_space<vmem>>, vector<384x128xf32>
    %convert_element_type3A_85 = arith.truncf %get3A_7 : vector<2048x128xf32> to vector<2048x128xbf16>
    %convert_element_type3A_86 = arith.truncf %get3A_84 : vector<384x128xf32> to vector<384x128xbf16>
    %dot_general3A_87 = arith.constant dense<0.000000e+00> : vector<2048x384xf32>
    %dot_general3A_88 = tpu.matmul %convert_element_type3A_85, %convert_element_type3A_86, %dot_general3A_87 {dimension_numbers = #tpu.dot_dimension_numbers<[1], [1], [0], [0], [0, 0, 1, 0], [], []>, transpose_lhs_hint = false} : vector<2048x128xbf16>, vector<384x128xbf16>, vector<2048x384xf32> -> vector<2048x384xf32>
    %get3A_89 = arith.constant 0 : index
    %get3A_90 = arith.constant 0 : index
    %get3A_91 = vector.load %arg10[%get3A_89, %get3A_90] : memref<1x384xf32, #tpu.memory_space<vmem>>, vector<1x384xf32>
    %add3A_92 = vector.broadcast %get3A_91 : vector<1x384xf32> to vector<2048x384xf32>
    %add3A_93 = arith.addf %dot_general3A_88, %add3A_92 : vector<2048x384xf32>
    %slice3A_94 = vector.extract_strided_slice %add3A_81 {offsets = [0, 0], sizes = [2048, 128], strides = [1, 1]} : vector<2048x384xf32> to vector<2048x128xf32>
    %slice3A_95 = vector.extract_strided_slice %add3A_93 {offsets = [0, 0], sizes = [2048, 128], strides = [1, 1]} : vector<2048x384xf32> to vector<2048x128xf32>
    %add3A_96 = arith.addf %slice3A_94, %slice3A_95 : vector<2048x128xf32>
    %logistic3A_97 = arith.negf %add3A_96 : vector<2048x128xf32>
    %logistic3A_98 = math.exp %logistic3A_97 : vector<2048x128xf32>
    %logistic3A_99 = arith.constant 1.000000e+00 : f32
    %logistic3A_100 = vector.broadcast %logistic3A_99 : f32 to vector<2048x128xf32>
    %logistic3A_101 = arith.addf %logistic3A_100, %logistic3A_98 : vector<2048x128xf32>
    %logistic3A_102 = arith.divf %logistic3A_100, %logistic3A_101 : vector<2048x128xf32>
    %slice3A_103 = vector.extract_strided_slice %add3A_81 {offsets = [0, 128], sizes = [2048, 128], strides = [1, 1]} : vector<2048x384xf32> to vector<2048x128xf32>
    %slice3A_104 = vector.extract_strided_slice %add3A_93 {offsets = [0, 128], sizes = [2048, 128], strides = [1, 1]} : vector<2048x384xf32> to vector<2048x128xf32>
    %add3A_105 = arith.addf %slice3A_103, %slice3A_104 : vector<2048x128xf32>
    %logistic3A_106 = arith.negf %add3A_105 : vector<2048x128xf32>
    %logistic3A_107 = math.exp %logistic3A_106 : vector<2048x128xf32>
    %logistic3A_108 = arith.constant 1.000000e+00 : f32
    %logistic3A_109 = vector.broadcast %logistic3A_108 : f32 to vector<2048x128xf32>
    %logistic3A_110 = arith.addf %logistic3A_109, %logistic3A_107 : vector<2048x128xf32>
    %logistic3A_111 = arith.divf %logistic3A_109, %logistic3A_110 : vector<2048x128xf32>
    %slice3A_112 = vector.extract_strided_slice %add3A_81 {offsets = [0, 256], sizes = [2048, 128], strides = [1, 1]} : vector<2048x384xf32> to vector<2048x128xf32>
    %slice3A_113 = vector.extract_strided_slice %add3A_93 {offsets = [0, 256], sizes = [2048, 128], strides = [1, 1]} : vector<2048x384xf32> to vector<2048x128xf32>
    %mul3A_114 = arith.mulf %logistic3A_102, %slice3A_113 : vector<2048x128xf32>
    %add3A_115 = arith.addf %slice3A_112, %mul3A_114 : vector<2048x128xf32>
    %tanh3A = math.tanh %add3A_115 : vector<2048x128xf32>
    %sub3A = arith.constant 1.000000e+00 : f32
    %sub3A_116 = vector.broadcast %sub3A : f32 to vector<2048x128xf32>
    %sub3A_117 = arith.subf %sub3A_116, %logistic3A_111 : vector<2048x128xf32>
    %mul3A_118 = arith.mulf %sub3A_117, %tanh3A : vector<2048x128xf32>
    %mul3A_119 = arith.mulf %logistic3A_111, %get3A_7 : vector<2048x128xf32>
    %add3A_120 = arith.addf %mul3A_118, %mul3A_119 : vector<2048x128xf32>
    %swap3A = arith.constant 0 : index
    %swap3A_121 = arith.constant 0 : index
    %swap3A_122 = vector.load %arg11[%swap3A, %swap3A_121] : memref<2048x128xf32, #tpu.memory_space<vmem>>, vector<2048x128xf32>
    tpu.vector_store %arg11[%swap3A, %swap3A_121], %add3A_120 {strides = array<i32>} : memref<2048x128xf32, #tpu.memory_space<vmem>>, vector<2048x128xf32>,
    %mul3A_123 = vector.broadcast %logistic3A_54 : vector<2048x1xf32> to vector<2048x128xf32>
    %mul3A_124 = arith.mulf %mul3A_123, %get3A_7 : vector<2048x128xf32>
    %swap3A_125 = arith.constant 0 : index
    %swap3A_126 = arith.constant 0 : index
    %swap3A_127 = vector.load %arg12[%swap3A_125, %swap3A_126] : memref<2048x128xf32, #tpu.memory_space<vmem>>, vector<2048x128xf32>
    tpu.vector_store %arg12[%swap3A_125, %swap3A_126], %mul3A_124 {strides = array<i32>} : memref<2048x128xf32, #tpu.memory_space<vmem>>, vector<2048x128xf32>,
    %mul3A_128 = vector.broadcast %logistic3A_66 : vector<2048x1xf32> to vector<2048x128xf32>
    %mul3A_129 = arith.mulf %mul3A_128, %get3A_7 : vector<2048x128xf32>
    %swap3A_130 = arith.constant 0 : index
    %swap3A_131 = arith.constant 0 : index
    %swap3A_132 = vector.load %arg13[%swap3A_130, %swap3A_131] : memref<2048x128xf32, #tpu.memory_space<vmem>>, vector<2048x128xf32>
    tpu.vector_store %arg13[%swap3A_130, %swap3A_131], %mul3A_129 {strides = array<i32>} : memref<2048x128xf32, #tpu.memory_space<vmem>>, vector<2048x128xf32>,
    return
  }
  func.func @transform_0(%arg0: i32) -> (i32, i32) {
    %c0_i32 = arith.constant 0 : i32
    %c0_i32_0 = arith.constant 0 : i32
    return %arg0, %c0_i32 : i32, i32
  }
  func.func @transform_1(%arg0: i32) -> (i32, i32) {
    %c0_i32 = arith.constant 0 : i32
    %c0_i32_0 = arith.constant 0 : i32
    return %arg0, %c0_i32 : i32, i32
  }
  func.func @transform_2(%arg0: i32) -> (i32, i32) {
    %c0_i32 = arith.constant 0 : i32
    %c0_i32_0 = arith.constant 0 : i32
    return %arg0, %c0_i32 : i32, i32
  }
  func.func @transform_3(%arg0: i32) -> (i32, i32) {
    %c0_i32 = arith.constant 0 : i32
    %c0_i32_0 = arith.constant 0 : i32
    %c0_i32_1 = arith.constant 0 : i32
    return %c0_i32, %c0_i32_0 : i32, i32
  }
  func.func @transform_4(%arg0: i32) -> (i32, i32) {
    %c0_i32 = arith.constant 0 : i32
    %c0_i32_0 = arith.constant 0 : i32
    %c0_i32_1 = arith.constant 0 : i32
    return %c0_i32, %c0_i32_0 : i32, i32
  }
  func.func @transform_5(%arg0: i32) -> (i32, i32) {
    %c0_i32 = arith.constant 0 : i32
    %c0_i32_0 = arith.constant 0 : i32
    %c0_i32_1 = arith.constant 0 : i32
    return %c0_i32, %c0_i32_0 : i32, i32
  }
  func.func @transform_6(%arg0: i32) -> (i32, i32) {
    %c0_i32 = arith.constant 0 : i32
    %c0_i32_0 = arith.constant 0 : i32
    %c0_i32_1 = arith.constant 0 : i32
    return %c0_i32, %c0_i32_0 : i32, i32
  }
  func.func @transform_7(%arg0: i32) -> (i32, i32) {
    %c0_i32 = arith.constant 0 : i32
    %c0_i32_0 = arith.constant 0 : i32
    %c0_i32_1 = arith.constant 0 : i32
    return %c0_i32, %c0_i32_0 : i32, i32
  }
  func.func @transform_8(%arg0: i32) -> (i32, i32) {
    %c0_i32 = arith.constant 0 : i32
    %c0_i32_0 = arith.constant 0 : i32
    %c0_i32_1 = arith.constant 0 : i32
    return %c0_i32, %c0_i32_0 : i32, i32
  }
  func.func @transform_9(%arg0: i32) -> (i32, i32) {
    %c0_i32 = arith.constant 0 : i32
    %c0_i32_0 = arith.constant 0 : i32
    %c0_i32_1 = arith.constant 0 : i32
    return %c0_i32, %c0_i32_0 : i32, i32
  }
  func.func @transform_10(%arg0: i32) -> (i32, i32) {
    %c0_i32 = arith.constant 0 : i32
    %c0_i32_0 = arith.constant 0 : i32
    return %arg0, %c0_i32 : i32, i32
  }
  func.func @transform_11(%arg0: i32) -> (i32, i32) {
    %c0_i32 = arith.constant 0 : i32
    %c0_i32_0 = arith.constant 0 : i32
    return %arg0, %c0_i32 : i32, i32
  }
  func.func @transform_12(%arg0: i32) -> (i32, i32) {
    %c0_i32 = arith.constant 0 : i32
    %c0_i32_0 = arith.constant 0 : i32
    return %arg0, %c0_i32 : i32, i32
  }
}

module attributes {stable_mosaic.version = 14 : i64} {
  func.func @_edge_prologue_body(%arg0: i32, %arg1: memref<1024x1024xf32, #tpu.memory_space<vmem>>, %arg2: memref<128x1024xf32, #tpu.memory_space<vmem>>, %arg3: memref<1x128xf32, #tpu.memory_space<vmem>>, %arg4: memref<384x128xf32, #tpu.memory_space<vmem>>, %arg5: memref<1x384xf32, #tpu.memory_space<vmem>>, %arg6: memref<1x384xf32, #tpu.memory_space<vmem>>, %arg7: memref<1024x128xf32, #tpu.memory_space<vmem>>) attributes {dimension_semantics = [#tpu.dimension_semantics<arbitrary>], iteration_bounds = array<i64: 8>, scalar_prefetch = 0 : i64, scratch_operands = 0 : i64, tpu.core_type = #tpu.core_type<tc>, window_params = [{transform_indices = @transform_0, window_bounds = array<i64: 1024, 1024>}, {pipeline_mode = #tpu.pipeline_mode<synchronous>, transform_indices = @transform_1, window_bounds = array<i64: 128, 1024>}, {pipeline_mode = #tpu.pipeline_mode<synchronous>, transform_indices = @transform_2, window_bounds = array<i64: 1, 128>}, {pipeline_mode = #tpu.pipeline_mode<synchronous>, transform_indices = @transform_3, window_bounds = array<i64: 384, 128>}, {pipeline_mode = #tpu.pipeline_mode<synchronous>, transform_indices = @transform_4, window_bounds = array<i64: 1, 384>}, {pipeline_mode = #tpu.pipeline_mode<synchronous>, transform_indices = @transform_5, window_bounds = array<i64: 1, 384>}, {transform_indices = @transform_6, window_bounds = array<i64: 1024, 128>}]} {
    %get3A = arith.constant 0 : index
    %get3A_0 = arith.constant 0 : index
    %get3A_1 = vector.load %arg1[%get3A, %get3A_0] : memref<1024x1024xf32, #tpu.memory_space<vmem>>, vector<1024x1024xf32>
    %get3A_2 = arith.constant 0 : index
    %get3A_3 = arith.constant 0 : index
    %get3A_4 = vector.load %arg2[%get3A_2, %get3A_3] : memref<128x1024xf32, #tpu.memory_space<vmem>>, vector<128x1024xf32>
    %convert_element_type3A = arith.truncf %get3A_1 : vector<1024x1024xf32> to vector<1024x1024xbf16>
    %convert_element_type3A_5 = arith.truncf %get3A_4 : vector<128x1024xf32> to vector<128x1024xbf16>
    %dot_general3A = arith.constant dense<0.000000e+00> : vector<1024x128xf32>
    %dot_general3A_6 = tpu.matmul %convert_element_type3A, %convert_element_type3A_5, %dot_general3A {dimension_numbers = #tpu.dot_dimension_numbers<[1], [1], [0], [0], [0, 0, 1, 0], [], []>, transpose_lhs_hint = false} : vector<1024x1024xbf16>, vector<128x1024xbf16>, vector<1024x128xf32> -> vector<1024x128xf32>
    %get3A_7 = arith.constant 0 : index
    %get3A_8 = arith.constant 0 : index
    %get3A_9 = vector.load %arg3[%get3A_7, %get3A_8] : memref<1x128xf32, #tpu.memory_space<vmem>>, vector<1x128xf32>
    %add3A = vector.broadcast %get3A_9 : vector<1x128xf32> to vector<1024x128xf32>
    %add3A_10 = arith.addf %dot_general3A_6, %add3A : vector<1024x128xf32>
    %max3A = arith.constant 0.000000e+00 : f32
    %max3A_11 = vector.broadcast %max3A : f32 to vector<1024x128xf32>
    %max3A_12 = arith.maximumf %add3A_10, %max3A_11 : vector<1024x128xf32>
    %get3A_13 = arith.constant 0 : index
    %get3A_14 = arith.constant 0 : index
    %get3A_15 = vector.load %arg4[%get3A_13, %get3A_14] : memref<384x128xf32, #tpu.memory_space<vmem>>, vector<384x128xf32>
    %convert_element_type3A_16 = arith.truncf %max3A_12 : vector<1024x128xf32> to vector<1024x128xbf16>
    %convert_element_type3A_17 = arith.truncf %get3A_15 : vector<384x128xf32> to vector<384x128xbf16>
    %dot_general3A_18 = arith.constant dense<0.000000e+00> : vector<1024x384xf32>
    %dot_general3A_19 = tpu.matmul %convert_element_type3A_16, %convert_element_type3A_17, %dot_general3A_18 {dimension_numbers = #tpu.dot_dimension_numbers<[1], [1], [0], [0], [0, 0, 1, 0], [], []>, transpose_lhs_hint = false} : vector<1024x128xbf16>, vector<384x128xbf16>, vector<1024x384xf32> -> vector<1024x384xf32>
    %get3A_20 = arith.constant 0 : index
    %get3A_21 = arith.constant 0 : index
    %get3A_22 = vector.load %arg5[%get3A_20, %get3A_21] : memref<1x384xf32, #tpu.memory_space<vmem>>, vector<1x384xf32>
    %add3A_23 = vector.broadcast %get3A_22 : vector<1x384xf32> to vector<1024x384xf32>
    %add3A_24 = arith.addf %dot_general3A_19, %add3A_23 : vector<1024x384xf32>
    %get3A_25 = arith.constant 0 : index
    %get3A_26 = arith.constant 0 : index
    %get3A_27 = vector.load %arg6[%get3A_25, %get3A_26] : memref<1x384xf32, #tpu.memory_space<vmem>>, vector<1x384xf32>
    %slice3A = vector.extract_strided_slice %add3A_24 {offsets = [0, 0], sizes = [1024, 128], strides = [1, 1]} : vector<1024x384xf32> to vector<1024x128xf32>
    %slice3A_28 = vector.extract_strided_slice %get3A_27 {offsets = [0, 0], sizes = [1, 128], strides = [1, 1]} : vector<1x384xf32> to vector<1x128xf32>
    %add3A_29 = vector.broadcast %slice3A_28 : vector<1x128xf32> to vector<1024x128xf32>
    %add3A_30 = arith.addf %slice3A, %add3A_29 : vector<1024x128xf32>
    %logistic3A = arith.negf %add3A_30 : vector<1024x128xf32>
    %logistic3A_31 = math.exp %logistic3A : vector<1024x128xf32>
    %logistic3A_32 = arith.constant 1.000000e+00 : f32
    %logistic3A_33 = vector.broadcast %logistic3A_32 : f32 to vector<1024x128xf32>
    %logistic3A_34 = arith.addf %logistic3A_33, %logistic3A_31 : vector<1024x128xf32>
    %logistic3A_35 = arith.divf %logistic3A_33, %logistic3A_34 : vector<1024x128xf32>
    %slice3A_36 = vector.extract_strided_slice %add3A_24 {offsets = [0, 128], sizes = [1024, 128], strides = [1, 1]} : vector<1024x384xf32> to vector<1024x128xf32>
    %slice3A_37 = vector.extract_strided_slice %get3A_27 {offsets = [0, 128], sizes = [1, 128], strides = [1, 1]} : vector<1x384xf32> to vector<1x128xf32>
    %add3A_38 = vector.broadcast %slice3A_37 : vector<1x128xf32> to vector<1024x128xf32>
    %add3A_39 = arith.addf %slice3A_36, %add3A_38 : vector<1024x128xf32>
    %logistic3A_40 = arith.negf %add3A_39 : vector<1024x128xf32>
    %logistic3A_41 = math.exp %logistic3A_40 : vector<1024x128xf32>
    %logistic3A_42 = arith.constant 1.000000e+00 : f32
    %logistic3A_43 = vector.broadcast %logistic3A_42 : f32 to vector<1024x128xf32>
    %logistic3A_44 = arith.addf %logistic3A_43, %logistic3A_41 : vector<1024x128xf32>
    %logistic3A_45 = arith.divf %logistic3A_43, %logistic3A_44 : vector<1024x128xf32>
    %slice3A_46 = vector.extract_strided_slice %add3A_24 {offsets = [0, 256], sizes = [1024, 128], strides = [1, 1]} : vector<1024x384xf32> to vector<1024x128xf32>
    %slice3A_47 = vector.extract_strided_slice %get3A_27 {offsets = [0, 256], sizes = [1, 128], strides = [1, 1]} : vector<1x384xf32> to vector<1x128xf32>
    %mul3A = vector.broadcast %slice3A_47 : vector<1x128xf32> to vector<1024x128xf32>
    %mul3A_48 = arith.mulf %logistic3A_35, %mul3A : vector<1024x128xf32>
    %add3A_49 = arith.addf %slice3A_46, %mul3A_48 : vector<1024x128xf32>
    %tanh3A = math.tanh %add3A_49 : vector<1024x128xf32>
    %sub3A = arith.constant 1.000000e+00 : f32
    %sub3A_50 = vector.broadcast %sub3A : f32 to vector<1024x128xf32>
    %sub3A_51 = arith.subf %sub3A_50, %logistic3A_45 : vector<1024x128xf32>
    %mul3A_52 = arith.mulf %sub3A_51, %tanh3A : vector<1024x128xf32>
    %swap3A = arith.constant 0 : index
    %swap3A_53 = arith.constant 0 : index
    %swap3A_54 = vector.load %arg7[%swap3A, %swap3A_53] : memref<1024x128xf32, #tpu.memory_space<vmem>>, vector<1024x128xf32>
    tpu.vector_store %arg7[%swap3A, %swap3A_53], %mul3A_52 {strides = array<i32>} : memref<1024x128xf32, #tpu.memory_space<vmem>>, vector<1024x128xf32>,
    return
  }
  func.func @transform_0(%arg0: i32) -> (i32, i32) {
    %add3A = arith.constant 0 : i32
    %add3A_0 = arith.addi %arg0, %add3A : i32
    %c0_i32 = arith.constant 0 : i32
    %c0_i32_1 = arith.constant 0 : i32
    return %add3A_0, %c0_i32 : i32, i32
  }
  func.func @transform_1(%arg0: i32) -> (i32, i32) {
    %c0_i32 = arith.constant 0 : i32
    %c0_i32_0 = arith.constant 0 : i32
    %c0_i32_1 = arith.constant 0 : i32
    return %c0_i32, %c0_i32_0 : i32, i32
  }
  func.func @transform_2(%arg0: i32) -> (i32, i32) {
    %c0_i32 = arith.constant 0 : i32
    %c0_i32_0 = arith.constant 0 : i32
    %c0_i32_1 = arith.constant 0 : i32
    return %c0_i32, %c0_i32_0 : i32, i32
  }
  func.func @transform_3(%arg0: i32) -> (i32, i32) {
    %c0_i32 = arith.constant 0 : i32
    %c0_i32_0 = arith.constant 0 : i32
    %c0_i32_1 = arith.constant 0 : i32
    return %c0_i32, %c0_i32_0 : i32, i32
  }
  func.func @transform_4(%arg0: i32) -> (i32, i32) {
    %c0_i32 = arith.constant 0 : i32
    %c0_i32_0 = arith.constant 0 : i32
    %c0_i32_1 = arith.constant 0 : i32
    return %c0_i32, %c0_i32_0 : i32, i32
  }
  func.func @transform_5(%arg0: i32) -> (i32, i32) {
    %c0_i32 = arith.constant 0 : i32
    %c0_i32_0 = arith.constant 0 : i32
    %c0_i32_1 = arith.constant 0 : i32
    return %c0_i32, %c0_i32_0 : i32, i32
  }
  func.func @transform_6(%arg0: i32) -> (i32, i32) {
    %c0_i32 = arith.constant 0 : i32
    %c0_i32_0 = arith.constant 0 : i32
    return %arg0, %c0_i32 : i32, i32
  }
}

module attributes {stable_mosaic.version = 14 : i64} {
  func.func @_edge_prologue_body(%arg0: i32, %arg1: memref<1024x1024xf32, #tpu.memory_space<vmem>>, %arg2: memref<128x1024xf32, #tpu.memory_space<vmem>>, %arg3: memref<1x128xf32, #tpu.memory_space<vmem>>, %arg4: memref<384x128xf32, #tpu.memory_space<vmem>>, %arg5: memref<1x384xf32, #tpu.memory_space<vmem>>, %arg6: memref<1x384xf32, #tpu.memory_space<vmem>>, %arg7: memref<1024x128xf32, #tpu.memory_space<vmem>>) attributes {dimension_semantics = [#tpu.dimension_semantics<arbitrary>], iteration_bounds = array<i64: 8>, scalar_prefetch = 0 : i64, scratch_operands = 0 : i64, tpu.core_type = #tpu.core_type<tc>, window_params = [{transform_indices = @transform_0, window_bounds = array<i64: 1024, 1024>}, {pipeline_mode = #tpu.pipeline_mode<synchronous>, transform_indices = @transform_1, window_bounds = array<i64: 128, 1024>}, {pipeline_mode = #tpu.pipeline_mode<synchronous>, transform_indices = @transform_2, window_bounds = array<i64: 1, 128>}, {pipeline_mode = #tpu.pipeline_mode<synchronous>, transform_indices = @transform_3, window_bounds = array<i64: 384, 128>}, {pipeline_mode = #tpu.pipeline_mode<synchronous>, transform_indices = @transform_4, window_bounds = array<i64: 1, 384>}, {pipeline_mode = #tpu.pipeline_mode<synchronous>, transform_indices = @transform_5, window_bounds = array<i64: 1, 384>}, {transform_indices = @transform_6, window_bounds = array<i64: 1024, 128>}]} {
    %get3A = arith.constant 0 : index
    %get3A_0 = arith.constant 0 : index
    %get3A_1 = vector.load %arg1[%get3A, %get3A_0] : memref<1024x1024xf32, #tpu.memory_space<vmem>>, vector<1024x1024xf32>
    %get3A_2 = arith.constant 0 : index
    %get3A_3 = arith.constant 0 : index
    %get3A_4 = vector.load %arg2[%get3A_2, %get3A_3] : memref<128x1024xf32, #tpu.memory_space<vmem>>, vector<128x1024xf32>
    %convert_element_type3A = arith.truncf %get3A_1 : vector<1024x1024xf32> to vector<1024x1024xbf16>
    %convert_element_type3A_5 = arith.truncf %get3A_4 : vector<128x1024xf32> to vector<128x1024xbf16>
    %dot_general3A = arith.constant dense<0.000000e+00> : vector<1024x128xf32>
    %dot_general3A_6 = tpu.matmul %convert_element_type3A, %convert_element_type3A_5, %dot_general3A {dimension_numbers = #tpu.dot_dimension_numbers<[1], [1], [0], [0], [0, 0, 1, 0], [], []>, transpose_lhs_hint = false} : vector<1024x1024xbf16>, vector<128x1024xbf16>, vector<1024x128xf32> -> vector<1024x128xf32>
    %get3A_7 = arith.constant 0 : index
    %get3A_8 = arith.constant 0 : index
    %get3A_9 = vector.load %arg3[%get3A_7, %get3A_8] : memref<1x128xf32, #tpu.memory_space<vmem>>, vector<1x128xf32>
    %add3A = vector.broadcast %get3A_9 : vector<1x128xf32> to vector<1024x128xf32>
    %add3A_10 = arith.addf %dot_general3A_6, %add3A : vector<1024x128xf32>
    %max3A = arith.constant 0.000000e+00 : f32
    %max3A_11 = vector.broadcast %max3A : f32 to vector<1024x128xf32>
    %max3A_12 = arith.maximumf %add3A_10, %max3A_11 : vector<1024x128xf32>
    %get3A_13 = arith.constant 0 : index
    %get3A_14 = arith.constant 0 : index
    %get3A_15 = vector.load %arg4[%get3A_13, %get3A_14] : memref<384x128xf32, #tpu.memory_space<vmem>>, vector<384x128xf32>
    %convert_element_type3A_16 = arith.truncf %max3A_12 : vector<1024x128xf32> to vector<1024x128xbf16>
    %convert_element_type3A_17 = arith.truncf %get3A_15 : vector<384x128xf32> to vector<384x128xbf16>
    %dot_general3A_18 = arith.constant dense<0.000000e+00> : vector<1024x384xf32>
    %dot_general3A_19 = tpu.matmul %convert_element_type3A_16, %convert_element_type3A_17, %dot_general3A_18 {dimension_numbers = #tpu.dot_dimension_numbers<[1], [1], [0], [0], [0, 0, 1, 0], [], []>, transpose_lhs_hint = false} : vector<1024x128xbf16>, vector<384x128xbf16>, vector<1024x384xf32> -> vector<1024x384xf32>
    %get3A_20 = arith.constant 0 : index
    %get3A_21 = arith.constant 0 : index
    %get3A_22 = vector.load %arg5[%get3A_20, %get3A_21] : memref<1x384xf32, #tpu.memory_space<vmem>>, vector<1x384xf32>
    %add3A_23 = vector.broadcast %get3A_22 : vector<1x384xf32> to vector<1024x384xf32>
    %add3A_24 = arith.addf %dot_general3A_19, %add3A_23 : vector<1024x384xf32>
    %get3A_25 = arith.constant 0 : index
    %get3A_26 = arith.constant 0 : index
    %get3A_27 = vector.load %arg6[%get3A_25, %get3A_26] : memref<1x384xf32, #tpu.memory_space<vmem>>, vector<1x384xf32>
    %slice3A = vector.extract_strided_slice %add3A_24 {offsets = [0, 0], sizes = [1024, 128], strides = [1, 1]} : vector<1024x384xf32> to vector<1024x128xf32>
    %slice3A_28 = vector.extract_strided_slice %get3A_27 {offsets = [0, 0], sizes = [1, 128], strides = [1, 1]} : vector<1x384xf32> to vector<1x128xf32>
    %add3A_29 = vector.broadcast %slice3A_28 : vector<1x128xf32> to vector<1024x128xf32>
    %add3A_30 = arith.addf %slice3A, %add3A_29 : vector<1024x128xf32>
    %logistic3A = arith.negf %add3A_30 : vector<1024x128xf32>
    %logistic3A_31 = math.exp %logistic3A : vector<1024x128xf32>
    %logistic3A_32 = arith.constant 1.000000e+00 : f32
    %logistic3A_33 = vector.broadcast %logistic3A_32 : f32 to vector<1024x128xf32>
    %logistic3A_34 = arith.addf %logistic3A_33, %logistic3A_31 : vector<1024x128xf32>
    %logistic3A_35 = arith.divf %logistic3A_33, %logistic3A_34 : vector<1024x128xf32>
    %slice3A_36 = vector.extract_strided_slice %add3A_24 {offsets = [0, 128], sizes = [1024, 128], strides = [1, 1]} : vector<1024x384xf32> to vector<1024x128xf32>
    %slice3A_37 = vector.extract_strided_slice %get3A_27 {offsets = [0, 128], sizes = [1, 128], strides = [1, 1]} : vector<1x384xf32> to vector<1x128xf32>
    %add3A_38 = vector.broadcast %slice3A_37 : vector<1x128xf32> to vector<1024x128xf32>
    %add3A_39 = arith.addf %slice3A_36, %add3A_38 : vector<1024x128xf32>
    %logistic3A_40 = arith.negf %add3A_39 : vector<1024x128xf32>
    %logistic3A_41 = math.exp %logistic3A_40 : vector<1024x128xf32>
    %logistic3A_42 = arith.constant 1.000000e+00 : f32
    %logistic3A_43 = vector.broadcast %logistic3A_42 : f32 to vector<1024x128xf32>
    %logistic3A_44 = arith.addf %logistic3A_43, %logistic3A_41 : vector<1024x128xf32>
    %logistic3A_45 = arith.divf %logistic3A_43, %logistic3A_44 : vector<1024x128xf32>
    %slice3A_46 = vector.extract_strided_slice %add3A_24 {offsets = [0, 256], sizes = [1024, 128], strides = [1, 1]} : vector<1024x384xf32> to vector<1024x128xf32>
    %slice3A_47 = vector.extract_strided_slice %get3A_27 {offsets = [0, 256], sizes = [1, 128], strides = [1, 1]} : vector<1x384xf32> to vector<1x128xf32>
    %mul3A = vector.broadcast %slice3A_47 : vector<1x128xf32> to vector<1024x128xf32>
    %mul3A_48 = arith.mulf %logistic3A_35, %mul3A : vector<1024x128xf32>
    %add3A_49 = arith.addf %slice3A_46, %mul3A_48 : vector<1024x128xf32>
    %tanh3A = math.tanh %add3A_49 : vector<1024x128xf32>
    %sub3A = arith.constant 1.000000e+00 : f32
    %sub3A_50 = vector.broadcast %sub3A : f32 to vector<1024x128xf32>
    %sub3A_51 = arith.subf %sub3A_50, %logistic3A_45 : vector<1024x128xf32>
    %mul3A_52 = arith.mulf %sub3A_51, %tanh3A : vector<1024x128xf32>
    %swap3A = arith.constant 0 : index
    %swap3A_53 = arith.constant 0 : index
    %swap3A_54 = vector.load %arg7[%swap3A, %swap3A_53] : memref<1024x128xf32, #tpu.memory_space<vmem>>, vector<1024x128xf32>
    tpu.vector_store %arg7[%swap3A, %swap3A_53], %mul3A_52 {strides = array<i32>} : memref<1024x128xf32, #tpu.memory_space<vmem>>, vector<1024x128xf32>,
    return
  }
  func.func @transform_0(%arg0: i32) -> (i32, i32) {
    %add3A = arith.constant 8 : i32
    %add3A_0 = arith.addi %arg0, %add3A : i32
    %c0_i32 = arith.constant 0 : i32
    %c0_i32_1 = arith.constant 0 : i32
    return %add3A_0, %c0_i32 : i32, i32
  }
  func.func @transform_1(%arg0: i32) -> (i32, i32) {
    %c0_i32 = arith.constant 0 : i32
    %c0_i32_0 = arith.constant 0 : i32
    %c0_i32_1 = arith.constant 0 : i32
    return %c0_i32, %c0_i32_0 : i32, i32
  }
  func.func @transform_2(%arg0: i32) -> (i32, i32) {
    %c0_i32 = arith.constant 0 : i32
    %c0_i32_0 = arith.constant 0 : i32
    %c0_i32_1 = arith.constant 0 : i32
    return %c0_i32, %c0_i32_0 : i32, i32
  }
  func.func @transform_3(%arg0: i32) -> (i32, i32) {
    %c0_i32 = arith.constant 0 : i32
    %c0_i32_0 = arith.constant 0 : i32
    %c0_i32_1 = arith.constant 0 : i32
    return %c0_i32, %c0_i32_0 : i32, i32
  }
  func.func @transform_4(%arg0: i32) -> (i32, i32) {
    %c0_i32 = arith.constant 0 : i32
    %c0_i32_0 = arith.constant 0 : i32
    %c0_i32_1 = arith.constant 0 : i32
    return %c0_i32, %c0_i32_0 : i32, i32
  }
  func.func @transform_5(%arg0: i32) -> (i32, i32) {
    %c0_i32 = arith.constant 0 : i32
    %c0_i32_0 = arith.constant 0 : i32
    %c0_i32_1 = arith.constant 0 : i32
    return %c0_i32, %c0_i32_0 : i32, i32
  }
  func.func @transform_6(%arg0: i32) -> (i32, i32) {
    %c0_i32 = arith.constant 0 : i32
    %c0_i32_0 = arith.constant 0 : i32
    return %arg0, %c0_i32 : i32, i32
  }
}

module attributes {stable_mosaic.version = 14 : i64} {
  func.func @_node_iter_body(%arg0: memref<4096x128xf32, #tpu.memory_space<vmem>>, %arg1: memref<4096x128xf32, #tpu.memory_space<vmem>>, %arg2: memref<2048x128xf32, #tpu.memory_space<vmem>>, %arg3: memref<384x128xf32, #tpu.memory_space<vmem>>, %arg4: memref<384x128xf32, #tpu.memory_space<vmem>>, %arg5: memref<1x384xf32, #tpu.memory_space<vmem>>, %arg6: memref<1x384xf32, #tpu.memory_space<vmem>>, %arg7: memref<2048x128xf32, #tpu.memory_space<vmem>>) attributes {dimension_semantics = [], scalar_prefetch = 0 : i64, scratch_operands = 0 : i64, tpu.core_type = #tpu.core_type<tc>} {
    %get3A = arith.constant 0 : index
    %get3A_0 = arith.constant 0 : index
    %get3A_1 = vector.load %arg0[%get3A, %get3A_0] : memref<4096x128xf32, #tpu.memory_space<vmem>>, vector<2048x128xf32>
    %get3A_2 = arith.constant 2048 : index
    %get3A_3 = arith.constant 0 : index
    %get3A_4 = vector.load %arg0[%get3A_2, %get3A_3] : memref<4096x128xf32, #tpu.memory_space<vmem>>, vector<2048x128xf32>
    %add3A = arith.addf %get3A_1, %get3A_4 : vector<2048x128xf32>
    %get3A_5 = arith.constant 0 : index
    %get3A_6 = arith.constant 0 : index
    %get3A_7 = vector.load %arg1[%get3A_5, %get3A_6] : memref<4096x128xf32, #tpu.memory_space<vmem>>, vector<2048x128xf32>
    %add3A_8 = arith.addf %add3A, %get3A_7 : vector<2048x128xf32>
    %get3A_9 = arith.constant 2048 : index
    %get3A_10 = arith.constant 0 : index
    %get3A_11 = vector.load %arg1[%get3A_9, %get3A_10] : memref<4096x128xf32, #tpu.memory_space<vmem>>, vector<2048x128xf32>
    %add3A_12 = arith.addf %add3A_8, %get3A_11 : vector<2048x128xf32>
    %get3A_13 = arith.constant 0 : index
    %get3A_14 = arith.constant 0 : index
    %get3A_15 = vector.load %arg2[%get3A_13, %get3A_14] : memref<2048x128xf32, #tpu.memory_space<vmem>>, vector<2048x128xf32>
    %get3A_16 = arith.constant 0 : index
    %get3A_17 = arith.constant 0 : index
    %get3A_18 = vector.load %arg3[%get3A_16, %get3A_17] : memref<384x128xf32, #tpu.memory_space<vmem>>, vector<384x128xf32>
    %dot_general3A = arith.constant dense<0.000000e+00> : vector<2048x384xf32>
    %dot_general3A_19 = tpu.matmul %add3A_12, %get3A_18, %dot_general3A {dimension_numbers = #tpu.dot_dimension_numbers<[1], [1], [0], [0], [0, 0, 1, 0], [], []>, transpose_lhs_hint = false} : vector<2048x128xf32>, vector<384x128xf32>, vector<2048x384xf32> -> vector<2048x384xf32>
    %get3A_20 = arith.constant 0 : index
    %get3A_21 = arith.constant 0 : index
    %get3A_22 = vector.load %arg5[%get3A_20, %get3A_21] : memref<1x384xf32, #tpu.memory_space<vmem>>, vector<1x384xf32>
    %add3A_23 = vector.broadcast %get3A_22 : vector<1x384xf32> to vector<2048x384xf32>
    %add3A_24 = arith.addf %dot_general3A_19, %add3A_23 : vector<2048x384xf32>
    %get3A_25 = arith.constant 0 : index
    %get3A_26 = arith.constant 0 : index
    %get3A_27 = vector.load %arg4[%get3A_25, %get3A_26] : memref<384x128xf32, #tpu.memory_space<vmem>>, vector<384x128xf32>
    %dot_general3A_28 = arith.constant dense<0.000000e+00> : vector<2048x384xf32>
    %dot_general3A_29 = tpu.matmul %get3A_15, %get3A_27, %dot_general3A_28 {dimension_numbers = #tpu.dot_dimension_numbers<[1], [1], [0], [0], [0, 0, 1, 0], [], []>, transpose_lhs_hint = false} : vector<2048x128xf32>, vector<384x128xf32>, vector<2048x384xf32> -> vector<2048x384xf32>
    %get3A_30 = arith.constant 0 : index
    %get3A_31 = arith.constant 0 : index
    %get3A_32 = vector.load %arg6[%get3A_30, %get3A_31] : memref<1x384xf32, #tpu.memory_space<vmem>>, vector<1x384xf32>
    %add3A_33 = vector.broadcast %get3A_32 : vector<1x384xf32> to vector<2048x384xf32>
    %add3A_34 = arith.addf %dot_general3A_29, %add3A_33 : vector<2048x384xf32>
    %slice3A = vector.extract_strided_slice %add3A_24 {offsets = [0, 0], sizes = [2048, 128], strides = [1, 1]} : vector<2048x384xf32> to vector<2048x128xf32>
    %slice3A_35 = vector.extract_strided_slice %add3A_34 {offsets = [0, 0], sizes = [2048, 128], strides = [1, 1]} : vector<2048x384xf32> to vector<2048x128xf32>
    %add3A_36 = arith.addf %slice3A, %slice3A_35 : vector<2048x128xf32>
    %logistic3A = arith.negf %add3A_36 : vector<2048x128xf32>
    %logistic3A_37 = math.exp %logistic3A : vector<2048x128xf32>
    %logistic3A_38 = arith.constant 1.000000e+00 : f32
    %logistic3A_39 = vector.broadcast %logistic3A_38 : f32 to vector<2048x128xf32>
    %logistic3A_40 = arith.addf %logistic3A_39, %logistic3A_37 : vector<2048x128xf32>
    %logistic3A_41 = arith.divf %logistic3A_39, %logistic3A_40 : vector<2048x128xf32>
    %slice3A_42 = vector.extract_strided_slice %add3A_24 {offsets = [0, 128], sizes = [2048, 128], strides = [1, 1]} : vector<2048x384xf32> to vector<2048x128xf32>
    %slice3A_43 = vector.extract_strided_slice %add3A_34 {offsets = [0, 128], sizes = [2048, 128], strides = [1, 1]} : vector<2048x384xf32> to vector<2048x128xf32>
    %add3A_44 = arith.addf %slice3A_42, %slice3A_43 : vector<2048x128xf32>
    %logistic3A_45 = arith.negf %add3A_44 : vector<2048x128xf32>
    %logistic3A_46 = math.exp %logistic3A_45 : vector<2048x128xf32>
    %logistic3A_47 = arith.constant 1.000000e+00 : f32
    %logistic3A_48 = vector.broadcast %logistic3A_47 : f32 to vector<2048x128xf32>
    %logistic3A_49 = arith.addf %logistic3A_48, %logistic3A_46 : vector<2048x128xf32>
    %logistic3A_50 = arith.divf %logistic3A_48, %logistic3A_49 : vector<2048x128xf32>
    %slice3A_51 = vector.extract_strided_slice %add3A_24 {offsets = [0, 256], sizes = [2048, 128], strides = [1, 1]} : vector<2048x384xf32> to vector<2048x128xf32>
    %slice3A_52 = vector.extract_strided_slice %add3A_34 {offsets = [0, 256], sizes = [2048, 128], strides = [1, 1]} : vector<2048x384xf32> to vector<2048x128xf32>
    %mul3A = arith.mulf %logistic3A_41, %slice3A_52 : vector<2048x128xf32>
    %add3A_53 = arith.addf %slice3A_51, %mul3A : vector<2048x128xf32>
    %tanh3A = math.tanh %add3A_53 : vector<2048x128xf32>
    %sub3A = arith.constant 1.000000e+00 : f32
    %sub3A_54 = vector.broadcast %sub3A : f32 to vector<2048x128xf32>
    %sub3A_55 = arith.subf %sub3A_54, %logistic3A_50 : vector<2048x128xf32>
    %mul3A_56 = arith.mulf %sub3A_55, %tanh3A : vector<2048x128xf32>
    %mul3A_57 = arith.mulf %logistic3A_50, %get3A_15 : vector<2048x128xf32>
    %add3A_58 = arith.addf %mul3A_56, %mul3A_57 : vector<2048x128xf32>
    %swap3A = arith.constant 0 : index
    %swap3A_59 = arith.constant 0 : index
    %swap3A_60 = vector.load %arg7[%swap3A, %swap3A_59] : memref<2048x128xf32, #tpu.memory_space<vmem>>, vector<2048x128xf32>
    tpu.vector_store %arg7[%swap3A, %swap3A_59], %add3A_58 {strides = array<i32>} : memref<2048x128xf32, #tpu.memory_space<vmem>>, vector<2048x128xf32>,
    return
  }
}

module attributes {stable_mosaic.version = 14 : i64} {
  func.func @_edge_iter_last_body(%arg0: i32, %arg1: memref<2048x128xf32, #tpu.memory_space<vmem>>, %arg2: memref<2048x128xf32, #tpu.memory_space<vmem>>, %arg3: memref<2048x128xf32, #tpu.memory_space<vmem>>, %arg4: memref<128x128xf32, #tpu.memory_space<vmem>>, %arg5: memref<128x128xf32, #tpu.memory_space<vmem>>, %arg6: memref<1x128xf32, #tpu.memory_space<vmem>>, %arg7: memref<384x128xf32, #tpu.memory_space<vmem>>, %arg8: memref<384x128xf32, #tpu.memory_space<vmem>>, %arg9: memref<1x384xf32, #tpu.memory_space<vmem>>, %arg10: memref<1x384xf32, #tpu.memory_space<vmem>>, %arg11: memref<51x128xf32, #tpu.memory_space<vmem>>, %arg12: memref<1x51xf32, #tpu.memory_space<vmem>>, %arg13: memref<2048x51xf32, #tpu.memory_space<vmem>>, %arg14: memref<2048x128xf32, #tpu.memory_space<vmem>>, %arg15: memref<2048x128xf32, #tpu.memory_space<vmem>>) attributes {dimension_semantics = [#tpu.dimension_semantics<arbitrary>], iteration_bounds = array<i64: 4>, scalar_prefetch = 0 : i64, scratch_operands = 0 : i64, tpu.core_type = #tpu.core_type<tc>, window_params = [{transform_indices = @transform_0, window_bounds = array<i64: 2048, 128>}, {transform_indices = @transform_1, window_bounds = array<i64: 2048, 128>}, {transform_indices = @transform_2, window_bounds = array<i64: 2048, 128>}, {pipeline_mode = #tpu.pipeline_mode<synchronous>, transform_indices = @transform_3, window_bounds = array<i64: 128, 128>}, {pipeline_mode = #tpu.pipeline_mode<synchronous>, transform_indices = @transform_4, window_bounds = array<i64: 128, 128>}, {pipeline_mode = #tpu.pipeline_mode<synchronous>, transform_indices = @transform_5, window_bounds = array<i64: 1, 128>}, {pipeline_mode = #tpu.pipeline_mode<synchronous>, transform_indices = @transform_6, window_bounds = array<i64: 384, 128>}, {pipeline_mode = #tpu.pipeline_mode<synchronous>, transform_indices = @transform_7, window_bounds = array<i64: 384, 128>}, {pipeline_mode = #tpu.pipeline_mode<synchronous>, transform_indices = @transform_8, window_bounds = array<i64: 1, 384>}, {pipeline_mode = #tpu.pipeline_mode<synchronous>, transform_indices = @transform_9, window_bounds = array<i64: 1, 384>}, {pipeline_mode = #tpu.pipeline_mode<synchronous>, transform_indices = @transform_10, window_bounds = array<i64: 51, 128>}, {pipeline_mode = #tpu.pipeline_mode<synchronous>, transform_indices = @transform_11, window_bounds = array<i64: 1, 51>}, {transform_indices = @transform_12, window_bounds = array<i64: 2048, 51>}, {transform_indices = @transform_13, window_bounds = array<i64: 2048, 128>}, {transform_indices = @transform_14, window_bounds = array<i64: 2048, 128>}]} {
    %get3A = arith.constant 0 : index
    %get3A_0 = arith.constant 0 : index
    %get3A_1 = vector.load %arg1[%get3A, %get3A_0] : memref<2048x128xf32, #tpu.memory_space<vmem>>, vector<2048x128xf32>
    %get3A_2 = arith.constant 0 : index
    %get3A_3 = arith.constant 0 : index
    %get3A_4 = vector.load %arg2[%get3A_2, %get3A_3] : memref<2048x128xf32, #tpu.memory_space<vmem>>, vector<2048x128xf32>
    %get3A_5 = arith.constant 0 : index
    %get3A_6 = arith.constant 0 : index
    %get3A_7 = vector.load %arg3[%get3A_5, %get3A_6] : memref<2048x128xf32, #tpu.memory_space<vmem>>, vector<2048x128xf32>
    %get3A_8 = arith.constant 0 : index
    %get3A_9 = arith.constant 0 : index
    %get3A_10 = vector.load %arg4[%get3A_8, %get3A_9] : memref<128x128xf32, #tpu.memory_space<vmem>>, vector<128x128xf32>
    %get3A_11 = arith.constant 0 : index
    %get3A_12 = arith.constant 0 : index
    %get3A_13 = vector.load %arg5[%get3A_11, %get3A_12] : memref<128x128xf32, #tpu.memory_space<vmem>>, vector<128x128xf32>
    %get3A_14 = arith.constant 0 : index
    %get3A_15 = arith.constant 0 : index
    %get3A_16 = vector.load %arg6[%get3A_14, %get3A_15] : memref<1x128xf32, #tpu.memory_space<vmem>>, vector<1x128xf32>
    %dot_general3A = arith.constant dense<0.000000e+00> : vector<2048x128xf32>
    %dot_general3A_17 = tpu.matmul %get3A_1, %get3A_10, %dot_general3A {dimension_numbers = #tpu.dot_dimension_numbers<[1], [0], [0], [1], [0, 0, 1, 1], [], []>, transpose_lhs_hint = false} : vector<2048x128xf32>, vector<128x128xf32>, vector<2048x128xf32> -> vector<2048x128xf32>
    %dot_general3A_18 = arith.constant dense<0.000000e+00> : vector<2048x128xf32>
    %dot_general3A_19 = tpu.matmul %get3A_4, %get3A_10, %dot_general3A_18 {dimension_numbers = #tpu.dot_dimension_numbers<[1], [0], [0], [1], [0, 0, 1, 1], [], []>, transpose_lhs_hint = false} : vector<2048x128xf32>, vector<128x128xf32>, vector<2048x128xf32> -> vector<2048x128xf32>
    %dot_general3A_20 = arith.constant dense<0.000000e+00> : vector<2048x128xf32>
    %dot_general3A_21 = tpu.matmul %get3A_7, %get3A_13, %dot_general3A_20 {dimension_numbers = #tpu.dot_dimension_numbers<[1], [0], [0], [1], [0, 0, 1, 1], [], []>, transpose_lhs_hint = false} : vector<2048x128xf32>, vector<128x128xf32>, vector<2048x128xf32> -> vector<2048x128xf32>
    %slice3A = vector.extract_strided_slice %dot_general3A_17 {offsets = [0, 0], sizes = [2048, 1], strides = [1, 1]} : vector<2048x128xf32> to vector<2048x1xf32>
    %slice3A_22 = vector.extract_strided_slice %dot_general3A_21 {offsets = [0, 0], sizes = [2048, 1], strides = [1, 1]} : vector<2048x128xf32> to vector<2048x1xf32>
    %add3A = arith.addf %slice3A, %slice3A_22 : vector<2048x1xf32>
    %slice3A_23 = vector.extract_strided_slice %get3A_16 {offsets = [0, 0], sizes = [1, 1], strides = [1, 1]} : vector<1x128xf32> to vector<1x1xf32>
    %add3A_24 = vector.broadcast %slice3A_23 : vector<1x1xf32> to vector<2048x1xf32>
    %add3A_25 = arith.addf %add3A, %add3A_24 : vector<2048x1xf32>
    %logistic3A = arith.negf %add3A_25 : vector<2048x1xf32>
    %logistic3A_26 = math.exp %logistic3A : vector<2048x1xf32>
    %logistic3A_27 = arith.constant 1.000000e+00 : f32
    %logistic3A_28 = vector.broadcast %logistic3A_27 : f32 to vector<2048x1xf32>
    %logistic3A_29 = arith.addf %logistic3A_28, %logistic3A_26 : vector<2048x1xf32>
    %logistic3A_30 = arith.divf %logistic3A_28, %logistic3A_29 : vector<2048x1xf32>
    %slice3A_31 = vector.extract_strided_slice %dot_general3A_19 {offsets = [0, 1], sizes = [2048, 1], strides = [1, 1]} : vector<2048x128xf32> to vector<2048x1xf32>
    %slice3A_32 = vector.extract_strided_slice %dot_general3A_21 {offsets = [0, 1], sizes = [2048, 1], strides = [1, 1]} : vector<2048x128xf32> to vector<2048x1xf32>
    %add3A_33 = arith.addf %slice3A_31, %slice3A_32 : vector<2048x1xf32>
    %slice3A_34 = vector.extract_strided_slice %get3A_16 {offsets = [0, 1], sizes = [1, 1], strides = [1, 1]} : vector<1x128xf32> to vector<1x1xf32>
    %add3A_35 = vector.broadcast %slice3A_34 : vector<1x1xf32> to vector<2048x1xf32>
    %add3A_36 = arith.addf %add3A_33, %add3A_35 : vector<2048x1xf32>
    %logistic3A_37 = arith.negf %add3A_36 : vector<2048x1xf32>
    %logistic3A_38 = math.exp %logistic3A_37 : vector<2048x1xf32>
    %logistic3A_39 = arith.constant 1.000000e+00 : f32
    %logistic3A_40 = vector.broadcast %logistic3A_39 : f32 to vector<2048x1xf32>
    %logistic3A_41 = arith.addf %logistic3A_40, %logistic3A_38 : vector<2048x1xf32>
    %logistic3A_42 = arith.divf %logistic3A_40, %logistic3A_41 : vector<2048x1xf32>
    %slice3A_43 = vector.extract_strided_slice %dot_general3A_17 {offsets = [0, 2], sizes = [2048, 1], strides = [1, 1]} : vector<2048x128xf32> to vector<2048x1xf32>
    %slice3A_44 = vector.extract_strided_slice %dot_general3A_21 {offsets = [0, 2], sizes = [2048, 1], strides = [1, 1]} : vector<2048x128xf32> to vector<2048x1xf32>
    %add3A_45 = arith.addf %slice3A_43, %slice3A_44 : vector<2048x1xf32>
    %slice3A_46 = vector.extract_strided_slice %get3A_16 {offsets = [0, 2], sizes = [1, 1], strides = [1, 1]} : vector<1x128xf32> to vector<1x1xf32>
    %add3A_47 = vector.broadcast %slice3A_46 : vector<1x1xf32> to vector<2048x1xf32>
    %add3A_48 = arith.addf %add3A_45, %add3A_47 : vector<2048x1xf32>
    %logistic3A_49 = arith.negf %add3A_48 : vector<2048x1xf32>
    %logistic3A_50 = math.exp %logistic3A_49 : vector<2048x1xf32>
    %logistic3A_51 = arith.constant 1.000000e+00 : f32
    %logistic3A_52 = vector.broadcast %logistic3A_51 : f32 to vector<2048x1xf32>
    %logistic3A_53 = arith.addf %logistic3A_52, %logistic3A_50 : vector<2048x1xf32>
    %logistic3A_54 = arith.divf %logistic3A_52, %logistic3A_53 : vector<2048x1xf32>
    %slice3A_55 = vector.extract_strided_slice %dot_general3A_19 {offsets = [0, 3], sizes = [2048, 1], strides = [1, 1]} : vector<2048x128xf32> to vector<2048x1xf32>
    %slice3A_56 = vector.extract_strided_slice %dot_general3A_21 {offsets = [0, 3], sizes = [2048, 1], strides = [1, 1]} : vector<2048x128xf32> to vector<2048x1xf32>
    %add3A_57 = arith.addf %slice3A_55, %slice3A_56 : vector<2048x1xf32>
    %slice3A_58 = vector.extract_strided_slice %get3A_16 {offsets = [0, 3], sizes = [1, 1], strides = [1, 1]} : vector<1x128xf32> to vector<1x1xf32>
    %add3A_59 = vector.broadcast %slice3A_58 : vector<1x1xf32> to vector<2048x1xf32>
    %add3A_60 = arith.addf %add3A_57, %add3A_59 : vector<2048x1xf32>
    %logistic3A_61 = arith.negf %add3A_60 : vector<2048x1xf32>
    %logistic3A_62 = math.exp %logistic3A_61 : vector<2048x1xf32>
    %logistic3A_63 = arith.constant 1.000000e+00 : f32
    %logistic3A_64 = vector.broadcast %logistic3A_63 : f32 to vector<2048x1xf32>
    %logistic3A_65 = arith.addf %logistic3A_64, %logistic3A_62 : vector<2048x1xf32>
    %logistic3A_66 = arith.divf %logistic3A_64, %logistic3A_65 : vector<2048x1xf32>
    %mul3A = vector.broadcast %logistic3A_30 : vector<2048x1xf32> to vector<2048x128xf32>
    %mul3A_67 = arith.mulf %mul3A, %get3A_1 : vector<2048x128xf32>
    %mul3A_68 = vector.broadcast %logistic3A_42 : vector<2048x1xf32> to vector<2048x128xf32>
    %mul3A_69 = arith.mulf %mul3A_68, %get3A_4 : vector<2048x128xf32>
    %add3A_70 = arith.addf %mul3A_67, %mul3A_69 : vector<2048x128xf32>
    %get3A_71 = arith.constant 0 : index
    %get3A_72 = arith.constant 0 : index
    %get3A_73 = vector.load %arg7[%get3A_71, %get3A_72] : memref<384x128xf32, #tpu.memory_space<vmem>>, vector<384x128xf32>
    %convert_element_type3A = arith.truncf %add3A_70 : vector<2048x128xf32> to vector<2048x128xbf16>
    %convert_element_type3A_74 = arith.truncf %get3A_73 : vector<384x128xf32> to vector<384x128xbf16>
    %dot_general3A_75 = arith.constant dense<0.000000e+00> : vector<2048x384xf32>
    %dot_general3A_76 = tpu.matmul %convert_element_type3A, %convert_element_type3A_74, %dot_general3A_75 {dimension_numbers = #tpu.dot_dimension_numbers<[1], [1], [0], [0], [0, 0, 1, 0], [], []>, transpose_lhs_hint = false} : vector<2048x128xbf16>, vector<384x128xbf16>, vector<2048x384xf32> -> vector<2048x384xf32>
    %get3A_77 = arith.constant 0 : index
    %get3A_78 = arith.constant 0 : index
    %get3A_79 = vector.load %arg9[%get3A_77, %get3A_78] : memref<1x384xf32, #tpu.memory_space<vmem>>, vector<1x384xf32>
    %add3A_80 = vector.broadcast %get3A_79 : vector<1x384xf32> to vector<2048x384xf32>
    %add3A_81 = arith.addf %dot_general3A_76, %add3A_80 : vector<2048x384xf32>
    %get3A_82 = arith.constant 0 : index
    %get3A_83 = arith.constant 0 : index
    %get3A_84 = vector.load %arg8[%get3A_82, %get3A_83] : memref<384x128xf32, #tpu.memory_space<vmem>>, vector<384x128xf32>
    %convert_element_type3A_85 = arith.truncf %get3A_7 : vector<2048x128xf32> to vector<2048x128xbf16>
    %convert_element_type3A_86 = arith.truncf %get3A_84 : vector<384x128xf32> to vector<384x128xbf16>
    %dot_general3A_87 = arith.constant dense<0.000000e+00> : vector<2048x384xf32>
    %dot_general3A_88 = tpu.matmul %convert_element_type3A_85, %convert_element_type3A_86, %dot_general3A_87 {dimension_numbers = #tpu.dot_dimension_numbers<[1], [1], [0], [0], [0, 0, 1, 0], [], []>, transpose_lhs_hint = false} : vector<2048x128xbf16>, vector<384x128xbf16>, vector<2048x384xf32> -> vector<2048x384xf32>
    %get3A_89 = arith.constant 0 : index
    %get3A_90 = arith.constant 0 : index
    %get3A_91 = vector.load %arg10[%get3A_89, %get3A_90] : memref<1x384xf32, #tpu.memory_space<vmem>>, vector<1x384xf32>
    %add3A_92 = vector.broadcast %get3A_91 : vector<1x384xf32> to vector<2048x384xf32>
    %add3A_93 = arith.addf %dot_general3A_88, %add3A_92 : vector<2048x384xf32>
    %slice3A_94 = vector.extract_strided_slice %add3A_81 {offsets = [0, 0], sizes = [2048, 128], strides = [1, 1]} : vector<2048x384xf32> to vector<2048x128xf32>
    %slice3A_95 = vector.extract_strided_slice %add3A_93 {offsets = [0, 0], sizes = [2048, 128], strides = [1, 1]} : vector<2048x384xf32> to vector<2048x128xf32>
    %add3A_96 = arith.addf %slice3A_94, %slice3A_95 : vector<2048x128xf32>
    %logistic3A_97 = arith.negf %add3A_96 : vector<2048x128xf32>
    %logistic3A_98 = math.exp %logistic3A_97 : vector<2048x128xf32>
    %logistic3A_99 = arith.constant 1.000000e+00 : f32
    %logistic3A_100 = vector.broadcast %logistic3A_99 : f32 to vector<2048x128xf32>
    %logistic3A_101 = arith.addf %logistic3A_100, %logistic3A_98 : vector<2048x128xf32>
    %logistic3A_102 = arith.divf %logistic3A_100, %logistic3A_101 : vector<2048x128xf32>
    %slice3A_103 = vector.extract_strided_slice %add3A_81 {offsets = [0, 128], sizes = [2048, 128], strides = [1, 1]} : vector<2048x384xf32> to vector<2048x128xf32>
    %slice3A_104 = vector.extract_strided_slice %add3A_93 {offsets = [0, 128], sizes = [2048, 128], strides = [1, 1]} : vector<2048x384xf32> to vector<2048x128xf32>
    %add3A_105 = arith.addf %slice3A_103, %slice3A_104 : vector<2048x128xf32>
    %logistic3A_106 = arith.negf %add3A_105 : vector<2048x128xf32>
    %logistic3A_107 = math.exp %logistic3A_106 : vector<2048x128xf32>
    %logistic3A_108 = arith.constant 1.000000e+00 : f32
    %logistic3A_109 = vector.broadcast %logistic3A_108 : f32 to vector<2048x128xf32>
    %logistic3A_110 = arith.addf %logistic3A_109, %logistic3A_107 : vector<2048x128xf32>
    %logistic3A_111 = arith.divf %logistic3A_109, %logistic3A_110 : vector<2048x128xf32>
    %slice3A_112 = vector.extract_strided_slice %add3A_81 {offsets = [0, 256], sizes = [2048, 128], strides = [1, 1]} : vector<2048x384xf32> to vector<2048x128xf32>
    %slice3A_113 = vector.extract_strided_slice %add3A_93 {offsets = [0, 256], sizes = [2048, 128], strides = [1, 1]} : vector<2048x384xf32> to vector<2048x128xf32>
    %mul3A_114 = arith.mulf %logistic3A_102, %slice3A_113 : vector<2048x128xf32>
    %add3A_115 = arith.addf %slice3A_112, %mul3A_114 : vector<2048x128xf32>
    %tanh3A = math.tanh %add3A_115 : vector<2048x128xf32>
    %sub3A = arith.constant 1.000000e+00 : f32
    %sub3A_116 = vector.broadcast %sub3A : f32 to vector<2048x128xf32>
    %sub3A_117 = arith.subf %sub3A_116, %logistic3A_111 : vector<2048x128xf32>
    %mul3A_118 = arith.mulf %sub3A_117, %tanh3A : vector<2048x128xf32>
    %mul3A_119 = arith.mulf %logistic3A_111, %get3A_7 : vector<2048x128xf32>
    %add3A_120 = arith.addf %mul3A_118, %mul3A_119 : vector<2048x128xf32>
    %get3A_121 = arith.constant 0 : index
    %get3A_122 = arith.constant 0 : index
    %get3A_123 = vector.load %arg11[%get3A_121, %get3A_122] : memref<51x128xf32, #tpu.memory_space<vmem>>, vector<51x128xf32>
    %dot_general3A_124 = arith.constant dense<0.000000e+00> : vector<2048x51xf32>
    %dot_general3A_125 = tpu.matmul %add3A_120, %get3A_123, %dot_general3A_124 {dimension_numbers = #tpu.dot_dimension_numbers<[1], [1], [0], [0], [0, 0, 1, 0], [], []>, transpose_lhs_hint = false} : vector<2048x128xf32>, vector<51x128xf32>, vector<2048x51xf32> -> vector<2048x51xf32>
    %get3A_126 = arith.constant 0 : index
    %get3A_127 = arith.constant 0 : index
    %get3A_128 = vector.load %arg12[%get3A_126, %get3A_127] : memref<1x51xf32, #tpu.memory_space<vmem>>, vector<1x51xf32>
    %add3A_129 = vector.broadcast %get3A_128 : vector<1x51xf32> to vector<2048x51xf32>
    %add3A_130 = arith.addf %dot_general3A_125, %add3A_129 : vector<2048x51xf32>
    %swap3A = arith.constant 0 : index
    %swap3A_131 = arith.constant 0 : index
    %swap3A_132 = vector.load %arg13[%swap3A, %swap3A_131] : memref<2048x51xf32, #tpu.memory_space<vmem>>, vector<2048x51xf32>
    tpu.vector_store %arg13[%swap3A, %swap3A_131], %add3A_130 {strides = array<i32>} : memref<2048x51xf32, #tpu.memory_space<vmem>>, vector<2048x51xf32>,
    %mul3A_133 = vector.broadcast %logistic3A_54 : vector<2048x1xf32> to vector<2048x128xf32>
    %mul3A_134 = arith.mulf %mul3A_133, %get3A_7 : vector<2048x128xf32>
    %swap3A_135 = arith.constant 0 : index
    %swap3A_136 = arith.constant 0 : index
    %swap3A_137 = vector.load %arg14[%swap3A_135, %swap3A_136] : memref<2048x128xf32, #tpu.memory_space<vmem>>, vector<2048x128xf32>
    tpu.vector_store %arg14[%swap3A_135, %swap3A_136], %mul3A_134 {strides = array<i32>} : memref<2048x128xf32, #tpu.memory_space<vmem>>, vector<2048x128xf32>,
    %mul3A_138 = vector.broadcast %logistic3A_66 : vector<2048x1xf32> to vector<2048x128xf32>
    %mul3A_139 = arith.mulf %mul3A_138, %get3A_7 : vector<2048x128xf32>
    %swap3A_140 = arith.constant 0 : index
    %swap3A_141 = arith.constant 0 : index
    %swap3A_142 = vector.load %arg15[%swap3A_140, %swap3A_141] : memref<2048x128xf32, #tpu.memory_space<vmem>>, vector<2048x128xf32>
    tpu.vector_store %arg15[%swap3A_140, %swap3A_141], %mul3A_139 {strides = array<i32>} : memref<2048x128xf32, #tpu.memory_space<vmem>>, vector<2048x128xf32>,
    return
  }
  func.func @transform_0(%arg0: i32) -> (i32, i32) {
    %c0_i32 = arith.constant 0 : i32
    %c0_i32_0 = arith.constant 0 : i32
    return %arg0, %c0_i32 : i32, i32
  }
  func.func @transform_1(%arg0: i32) -> (i32, i32) {
    %c0_i32 = arith.constant 0 : i32
    %c0_i32_0 = arith.constant 0 : i32
    return %arg0, %c0_i32 : i32, i32
  }
  func.func @transform_2(%arg0: i32) -> (i32, i32) {
    %c0_i32 = arith.constant 0 : i32
    %c0_i32_0 = arith.constant 0 : i32
    return %arg0, %c0_i32 : i32, i32
  }
  func.func @transform_3(%arg0: i32) -> (i32, i32) {
    %c0_i32 = arith.constant 0 : i32
    %c0_i32_0 = arith.constant 0 : i32
    %c0_i32_1 = arith.constant 0 : i32
    return %c0_i32, %c0_i32_0 : i32, i32
  }
  func.func @transform_4(%arg0: i32) -> (i32, i32) {
    %c0_i32 = arith.constant 0 : i32
    %c0_i32_0 = arith.constant 0 : i32
    %c0_i32_1 = arith.constant 0 : i32
    return %c0_i32, %c0_i32_0 : i32, i32
  }
  func.func @transform_5(%arg0: i32) -> (i32, i32) {
    %c0_i32 = arith.constant 0 : i32
    %c0_i32_0 = arith.constant 0 : i32
    %c0_i32_1 = arith.constant 0 : i32
    return %c0_i32, %c0_i32_0 : i32, i32
  }
  func.func @transform_6(%arg0: i32) -> (i32, i32) {
    %c0_i32 = arith.constant 0 : i32
    %c0_i32_0 = arith.constant 0 : i32
    %c0_i32_1 = arith.constant 0 : i32
    return %c0_i32, %c0_i32_0 : i32, i32
  }
  func.func @transform_7(%arg0: i32) -> (i32, i32) {
    %c0_i32 = arith.constant 0 : i32
    %c0_i32_0 = arith.constant 0 : i32
    %c0_i32_1 = arith.constant 0 : i32
    return %c0_i32, %c0_i32_0 : i32, i32
  }
  func.func @transform_8(%arg0: i32) -> (i32, i32) {
    %c0_i32 = arith.constant 0 : i32
    %c0_i32_0 = arith.constant 0 : i32
    %c0_i32_1 = arith.constant 0 : i32
    return %c0_i32, %c0_i32_0 : i32, i32
  }
  func.func @transform_9(%arg0: i32) -> (i32, i32) {
    %c0_i32 = arith.constant 0 : i32
    %c0_i32_0 = arith.constant 0 : i32
    %c0_i32_1 = arith.constant 0 : i32
    return %c0_i32, %c0_i32_0 : i32, i32
  }
  func.func @transform_10(%arg0: i32) -> (i32, i32) {
    %c0_i32 = arith.constant 0 : i32
    %c0_i32_0 = arith.constant 0 : i32
    %c0_i32_1 = arith.constant 0 : i32
    return %c0_i32, %c0_i32_0 : i32, i32
  }
  func.func @transform_11(%arg0: i32) -> (i32, i32) {
    %c0_i32 = arith.constant 0 : i32
    %c0_i32_0 = arith.constant 0 : i32
    %c0_i32_1 = arith.constant 0 : i32
    return %c0_i32, %c0_i32_0 : i32, i32
  }
  func.func @transform_12(%arg0: i32) -> (i32, i32) {
    %c0_i32 = arith.constant 0 : i32
    %c0_i32_0 = arith.constant 0 : i32
    return %arg0, %c0_i32 : i32, i32
  }
  func.func @transform_13(%arg0: i32) -> (i32, i32) {
    %c0_i32 = arith.constant 0 : i32
    %c0_i32_0 = arith.constant 0 : i32
    return %arg0, %c0_i32 : i32, i32
  }
  func.func @transform_14(%arg0: i32) -> (i32, i32) {
    %c0_i32 = arith.constant 0 : i32
    %c0_i32_0 = arith.constant 0 : i32
    return %arg0, %c0_i32 : i32, i32
  }
}

module attributes {stable_mosaic.version = 14 : i64} {
  func.func @_node_iter_last_body(%arg0: memref<4096x128xf32, #tpu.memory_space<vmem>>, %arg1: memref<4096x128xf32, #tpu.memory_space<vmem>>, %arg2: memref<2048x128xf32, #tpu.memory_space<vmem>>, %arg3: memref<384x128xf32, #tpu.memory_space<vmem>>, %arg4: memref<384x128xf32, #tpu.memory_space<vmem>>, %arg5: memref<1x384xf32, #tpu.memory_space<vmem>>, %arg6: memref<1x384xf32, #tpu.memory_space<vmem>>, %arg7: memref<151x128xf32, #tpu.memory_space<vmem>>, %arg8: memref<1x151xf32, #tpu.memory_space<vmem>>, %arg9: memref<2048x151xf32, #tpu.memory_space<vmem>>) attributes {dimension_semantics = [], scalar_prefetch = 0 : i64, scratch_operands = 0 : i64, tpu.core_type = #tpu.core_type<tc>} {
    %get3A = arith.constant 0 : index
    %get3A_0 = arith.constant 0 : index
    %get3A_1 = vector.load %arg0[%get3A, %get3A_0] : memref<4096x128xf32, #tpu.memory_space<vmem>>, vector<2048x128xf32>
    %get3A_2 = arith.constant 2048 : index
    %get3A_3 = arith.constant 0 : index
    %get3A_4 = vector.load %arg0[%get3A_2, %get3A_3] : memref<4096x128xf32, #tpu.memory_space<vmem>>, vector<2048x128xf32>
    %add3A = arith.addf %get3A_1, %get3A_4 : vector<2048x128xf32>
    %get3A_5 = arith.constant 0 : index
    %get3A_6 = arith.constant 0 : index
    %get3A_7 = vector.load %arg1[%get3A_5, %get3A_6] : memref<4096x128xf32, #tpu.memory_space<vmem>>, vector<2048x128xf32>
    %add3A_8 = arith.addf %add3A, %get3A_7 : vector<2048x128xf32>
    %get3A_9 = arith.constant 2048 : index
    %get3A_10 = arith.constant 0 : index
    %get3A_11 = vector.load %arg1[%get3A_9, %get3A_10] : memref<4096x128xf32, #tpu.memory_space<vmem>>, vector<2048x128xf32>
    %add3A_12 = arith.addf %add3A_8, %get3A_11 : vector<2048x128xf32>
    %get3A_13 = arith.constant 0 : index
    %get3A_14 = arith.constant 0 : index
    %get3A_15 = vector.load %arg2[%get3A_13, %get3A_14] : memref<2048x128xf32, #tpu.memory_space<vmem>>, vector<2048x128xf32>
    %get3A_16 = arith.constant 0 : index
    %get3A_17 = arith.constant 0 : index
    %get3A_18 = vector.load %arg3[%get3A_16, %get3A_17] : memref<384x128xf32, #tpu.memory_space<vmem>>, vector<384x128xf32>
    %dot_general3A = arith.constant dense<0.000000e+00> : vector<2048x384xf32>
    %dot_general3A_19 = tpu.matmul %add3A_12, %get3A_18, %dot_general3A {dimension_numbers = #tpu.dot_dimension_numbers<[1], [1], [0], [0], [0, 0, 1, 0], [], []>, transpose_lhs_hint = false} : vector<2048x128xf32>, vector<384x128xf32>, vector<2048x384xf32> -> vector<2048x384xf32>
    %get3A_20 = arith.constant 0 : index
    %get3A_21 = arith.constant 0 : index
    %get3A_22 = vector.load %arg5[%get3A_20, %get3A_21] : memref<1x384xf32, #tpu.memory_space<vmem>>, vector<1x384xf32>
    %add3A_23 = vector.broadcast %get3A_22 : vector<1x384xf32> to vector<2048x384xf32>
    %add3A_24 = arith.addf %dot_general3A_19, %add3A_23 : vector<2048x384xf32>
    %get3A_25 = arith.constant 0 : index
    %get3A_26 = arith.constant 0 : index
    %get3A_27 = vector.load %arg4[%get3A_25, %get3A_26] : memref<384x128xf32, #tpu.memory_space<vmem>>, vector<384x128xf32>
    %dot_general3A_28 = arith.constant dense<0.000000e+00> : vector<2048x384xf32>
    %dot_general3A_29 = tpu.matmul %get3A_15, %get3A_27, %dot_general3A_28 {dimension_numbers = #tpu.dot_dimension_numbers<[1], [1], [0], [0], [0, 0, 1, 0], [], []>, transpose_lhs_hint = false} : vector<2048x128xf32>, vector<384x128xf32>, vector<2048x384xf32> -> vector<2048x384xf32>
    %get3A_30 = arith.constant 0 : index
    %get3A_31 = arith.constant 0 : index
    %get3A_32 = vector.load %arg6[%get3A_30, %get3A_31] : memref<1x384xf32, #tpu.memory_space<vmem>>, vector<1x384xf32>
    %add3A_33 = vector.broadcast %get3A_32 : vector<1x384xf32> to vector<2048x384xf32>
    %add3A_34 = arith.addf %dot_general3A_29, %add3A_33 : vector<2048x384xf32>
    %slice3A = vector.extract_strided_slice %add3A_24 {offsets = [0, 0], sizes = [2048, 128], strides = [1, 1]} : vector<2048x384xf32> to vector<2048x128xf32>
    %slice3A_35 = vector.extract_strided_slice %add3A_34 {offsets = [0, 0], sizes = [2048, 128], strides = [1, 1]} : vector<2048x384xf32> to vector<2048x128xf32>
    %add3A_36 = arith.addf %slice3A, %slice3A_35 : vector<2048x128xf32>
    %logistic3A = arith.negf %add3A_36 : vector<2048x128xf32>
    %logistic3A_37 = math.exp %logistic3A : vector<2048x128xf32>
    %logistic3A_38 = arith.constant 1.000000e+00 : f32
    %logistic3A_39 = vector.broadcast %logistic3A_38 : f32 to vector<2048x128xf32>
    %logistic3A_40 = arith.addf %logistic3A_39, %logistic3A_37 : vector<2048x128xf32>
    %logistic3A_41 = arith.divf %logistic3A_39, %logistic3A_40 : vector<2048x128xf32>
    %slice3A_42 = vector.extract_strided_slice %add3A_24 {offsets = [0, 128], sizes = [2048, 128], strides = [1, 1]} : vector<2048x384xf32> to vector<2048x128xf32>
    %slice3A_43 = vector.extract_strided_slice %add3A_34 {offsets = [0, 128], sizes = [2048, 128], strides = [1, 1]} : vector<2048x384xf32> to vector<2048x128xf32>
    %add3A_44 = arith.addf %slice3A_42, %slice3A_43 : vector<2048x128xf32>
    %logistic3A_45 = arith.negf %add3A_44 : vector<2048x128xf32>
    %logistic3A_46 = math.exp %logistic3A_45 : vector<2048x128xf32>
    %logistic3A_47 = arith.constant 1.000000e+00 : f32
    %logistic3A_48 = vector.broadcast %logistic3A_47 : f32 to vector<2048x128xf32>
    %logistic3A_49 = arith.addf %logistic3A_48, %logistic3A_46 : vector<2048x128xf32>
    %logistic3A_50 = arith.divf %logistic3A_48, %logistic3A_49 : vector<2048x128xf32>
    %slice3A_51 = vector.extract_strided_slice %add3A_24 {offsets = [0, 256], sizes = [2048, 128], strides = [1, 1]} : vector<2048x384xf32> to vector<2048x128xf32>
    %slice3A_52 = vector.extract_strided_slice %add3A_34 {offsets = [0, 256], sizes = [2048, 128], strides = [1, 1]} : vector<2048x384xf32> to vector<2048x128xf32>
    %mul3A = arith.mulf %logistic3A_41, %slice3A_52 : vector<2048x128xf32>
    %add3A_53 = arith.addf %slice3A_51, %mul3A : vector<2048x128xf32>
    %tanh3A = math.tanh %add3A_53 : vector<2048x128xf32>
    %sub3A = arith.constant 1.000000e+00 : f32
    %sub3A_54 = vector.broadcast %sub3A : f32 to vector<2048x128xf32>
    %sub3A_55 = arith.subf %sub3A_54, %logistic3A_50 : vector<2048x128xf32>
    %mul3A_56 = arith.mulf %sub3A_55, %tanh3A : vector<2048x128xf32>
    %mul3A_57 = arith.mulf %logistic3A_50, %get3A_15 : vector<2048x128xf32>
    %add3A_58 = arith.addf %mul3A_56, %mul3A_57 : vector<2048x128xf32>
    %get3A_59 = arith.constant 0 : index
    %get3A_60 = arith.constant 0 : index
    %get3A_61 = vector.load %arg7[%get3A_59, %get3A_60] : memref<151x128xf32, #tpu.memory_space<vmem>>, vector<151x128xf32>
    %dot_general3A_62 = arith.constant dense<0.000000e+00> : vector<2048x151xf32>
    %dot_general3A_63 = tpu.matmul %add3A_58, %get3A_61, %dot_general3A_62 {dimension_numbers = #tpu.dot_dimension_numbers<[1], [1], [0], [0], [0, 0, 1, 0], [], []>, transpose_lhs_hint = false} : vector<2048x128xf32>, vector<151x128xf32>, vector<2048x151xf32> -> vector<2048x151xf32>
    %get3A_64 = arith.constant 0 : index
    %get3A_65 = arith.constant 0 : index
    %get3A_66 = vector.load %arg8[%get3A_64, %get3A_65] : memref<1x151xf32, #tpu.memory_space<vmem>>, vector<1x151xf32>
    %add3A_67 = vector.broadcast %get3A_66 : vector<1x151xf32> to vector<2048x151xf32>
    %add3A_68 = arith.addf %dot_general3A_63, %add3A_67 : vector<2048x151xf32>
    %swap3A = arith.constant 0 : index
    %swap3A_69 = arith.constant 0 : index
    %swap3A_70 = vector.load %arg9[%swap3A, %swap3A_69] : memref<2048x151xf32, #tpu.memory_space<vmem>>, vector<2048x151xf32>
    tpu.vector_store %arg9[%swap3A, %swap3A_69], %add3A_68 {strides = array<i32>} : memref<2048x151xf32, #tpu.memory_space<vmem>>, vector<2048x151xf32>,
    return
  }
}

</mosaic_0001>

<sc_bundles>
// kernel: kernel.26.cloned.1.call-start
scs
__scs_entry_jumppad:
0x0: {  	(pc) =	sbr.rel $0x88, $3  }
0x1: {  	(tag) =	ssettag $0x0;
	lr =	simm.s32 $0x1  }
0x2: {  	[smem:$0x3F86] =	sst lr;
	_ =	strace $0xD0000000  }
0x3: {  	_ = 	snop  }
0x4: {  	_ = 	snop  }
0x5: {  	_ = 	snop  }
0x6: {  	_ = 	snop  }
0x7: {  	_ = 	snop  }
__scs_overlays_trampoline_lowered:
0x8: {  	[smem:$0x3F95] =	sst s0  }
0x9: {  	[smem:$0x3F96] =	sst s1  }
0xa: {  	[smem:$0x3F97] =	sst s2  }
0xb: {  	[smem:$0x3F98] =	sst s3  }
0xc: {  	[smem:$0x3F99] =	sst s4  }
0xd: {  	[smem:$0x3F9A] =	sst s5  }
0xe: {  	[smem:$0x3F9B] =	sst s6  }
0xf: {  	[smem:$0x3F9C] =	sst s7  }
0x10: {  	[smem:$0x3F9D] =	sst s8  }
0x11: {  	[smem:$0x3F9E] =	sst s9;
	s0 =	simm.s32 @!p0 $0x0  }
0x12: {  	s1 =	sld [smem:$0x3F84];
	s0 =	simm.s32 @p0 $0x1  }
0x13: {  	[smem:$0x3F9F] =	sst s0;
	s0 =	simm.s32 @!p1 $0x0  }
0x14: {  	s2 =	sld [smem:$0x3F83];
	s0 =	simm.s32 @p1 $0x1  }
0x15: {  	[smem:$0x3FA0] =	sst s0;
	s0 =	simm.s32 @!p2 $0x0  }
0x16: {  	s3 =	sld [smem:$0x3FDB];
	s0 =	simm.s32 @p2 $0x1  }
0x17: {  	s4 =	simm.s32 $0x1BF5;
	[smem:$0x3FA2] =	sst s0  }
0x18: {  	s0 =	sld [smem:$0x3F85];
	_ =	swait.ge [sflag:s4], $0x0  }
0x19: {  	s7 =	sld [smem:$0x3F86]  }
0x1a: {  	s8 =	sadd.s32 $0xFFFFE003, lr  }
0x1b: {  	s9 =	sadd.s32 $0xFFFFFEF7, lr;
	s5 =	simm.s32 $0xFFFFFFFF;
	p2 =	slt.u32 s8, $0xFFFFF086  }
0x1c: {  	p1 =	slt.u32 s9, $0xF7A;
	s5 =	simm.s32 @!p2 $0x0  }
0x1d: {  	s5 =	simm.s32 @p1 $0x1;
	p0 =	seq.s32 s7, s2  }
0x1e: {  	s7 =	smul.u32 @!p0 $0xF7A, s2;
	p2 =	seq.s32 @!p0 s5, $0x0  }
0x1f: {  	s9 =	smul.u32 $0xF7A, s1;
	s8 =	simm.s32 @!p0 $0x1BF5;
	p2 =	por !p2, p0  }
0x20: {  	[sflag:s8] =	ssyncset.s32 @!p0 $0xFFFFF086;
	s6 =	sadd.s32 @!p0 s3, s7;
	s7 =	simm.s32 @!p0 $0x108  }
0x21: {  	s3 =	sadd.s32 s3, s9;
	s6 =	sadd.s32 @!p0 $0x88, s6;
	s7 =	simm.s32 @p2 $0x1082  }
0x22: {  	[simem:s7], [sflag:s8] =	dma.local @!p0 [hbm:s6], $0xF7A  }
0x23: {  	s9 =	sor.u32 $0xD0000000, s2;
	s6 =	simm.s32 $0x108;
	_ =	swait.ge @!p0 [sflag:s8], $0x0  }
0x24: {  	s3 =	sadd.s32 $0x88, s3;
	s6 =	simm.s32 @!p1 $0x1082;
	[sflag:s4] =	ssyncset.s32 $0xFFFFF086  }
0x25: {  	[simem:s6], [sflag:s4] =	dma.local [hbm:s3], $0xF7A  }
0x26: {  	[smem:$0x3F86] =	sst s1;
	(tag) =	ssettag s2;
	_ =	strace s9  }
0x27: {  	s1 =	sld [smem:$0x3F96]  }
0x28: {  	s2 =	sld [smem:$0x3F97]  }
0x29: {  	s4 =	sld [smem:$0x3F99]  }
0x2a: {  	p0 =	seq.s32 s5, $0x0;
	s5 =	sld [smem:$0x3F9A]  }
0x2b: {  	s6 =	sld [smem:$0x3F9B]  }
0x2c: {  	s7 =	sld [smem:$0x3F9C]  }
0x2d: {  	s3 =	simm.s32 $0x108;
	s8 =	sld [smem:$0x3F9D]  }
0x2e: {  	s3 =	simm.s32 @!p0 $0x1082;
	s9 =	sld [smem:$0x3F9E]  }
0x2f: {  	lr =	sadd.s32 s0, s3;
	s0 =	sld [smem:$0x3F95]  }
0x30: {  	s3 =	sld [smem:$0x3F98]  }
0x31: {  	[smem:$0x3FA1] =	sst s10  }
0x32: {  	s10 =	sld [smem:$0x3F9F];
	_ =	sdelay $0x3  }
0x33: {  	p0 =	seq.s32 s10, $0x1;
	s10 =	sld [smem:$0x3FA1];
	_ =	sdelay $0x3  }
0x34: {  	[smem:$0x3FA1] =	sst s10  }
0x35: {  	s10 =	sld [smem:$0x3FA0];
	_ =	sdelay $0x3  }
0x36: {  	p1 =	seq.s32 s10, $0x1;
	s10 =	sld [smem:$0x3FA1];
	_ =	sdelay $0x3  }
0x37: {  	[smem:$0x3FA1] =	sst s10  }
0x38: {  	s10 =	sld [smem:$0x3FA2]  }
0x39: {  	_ = 	snop;
	(pc) =	sbr.ind lr, $3  }
0x3a: {  	_ = 	snop  }
0x3b: {  	_ = 	snop  }
0x3c: {  	p2 =	seq.s32 s10, $0x1;
	s10 =	sld [smem:$0x3FA1]  }
0x3d: {  	_ =	shalt  }
0x3e: {  	_ =	shalt  }
0x3f: {  	_ =	shalt  }
0x40: {  	_ =	shalt  }
0x41: {  	_ =	shalt  }
0x42: {  	_ =	shalt  }
0x43: {  	_ =	shalt  }
0x44: {  	_ =	shalt  }
0x45: {  	_ =	shalt  }
0x46: {  	_ =	shalt  }
0x47: {  	_ =	shalt  }
0x48: {  	_ =	shalt  }
0x49: {  	_ =	shalt  }
0x4a: {  	_ =	shalt  }
0x4b: {  	_ =	shalt  }
0x4c: {  	_ =	shalt  }
0x4d: {  	_ =	shalt  }
0x4e: {  	_ =	shalt  }
0x4f: {  	_ =	shalt  }
0x50: {  	_ =	shalt  }
0x51: {  	_ =	shalt  }
0x52: {  	_ =	shalt  }
0x53: {  	_ =	shalt  }
0x54: {  	_ =	shalt  }
0x55: {  	_ =	shalt  }
0x56: {  	_ =	shalt  }
0x57: {  	_ =	shalt  }
0x58: {  	_ =	shalt  }
0x59: {  	_ =	shalt  }
0x5a: {  	_ =	shalt  }
0x5b: {  	_ =	shalt  }
0x5c: {  	_ =	shalt  }
0x5d: {  	_ =	shalt  }
0x5e: {  	_ =	shalt  }
0x5f: {  	_ =	shalt  }
0x60: {  	_ =	shalt  }
0x61: {  	_ =	shalt  }
0x62: {  	_ =	shalt  }
0x63: {  	_ =	shalt  }
0x64: {  	_ =	shalt  }
0x65: {  	_ =	shalt  }
0x66: {  	_ =	shalt  }
0x67: {  	_ =	shalt  }
0x68: {  	_ =	shalt  }
0x69: {  	_ =	shalt  }
0x6a: {  	_ =	shalt  }
0x6b: {  	_ =	shalt  }
0x6c: {  	_ =	shalt  }
0x6d: {  	_ =	shalt  }
0x6e: {  	_ =	shalt  }
0x6f: {  	_ =	shalt  }
0x70: {  	_ =	shalt  }
0x71: {  	_ =	shalt  }
0x72: {  	_ =	shalt  }
0x73: {  	_ =	shalt  }
0x74: {  	_ =	shalt  }
0x75: {  	_ =	shalt  }
0x76: {  	_ =	shalt  }
0x77: {  	_ =	shalt  }
0x78: {  	_ =	shalt  }
0x79: {  	_ =	shalt  }
0x7a: {  	_ =	shalt  }
0x7b: {  	_ =	shalt  }
0x7c: {  	_ =	shalt  }
0x7d: {  	_ =	shalt  }
0x7e: {  	_ =	shalt  }
0x7f: {  	_ =	shalt  }
0x80: {  	_ =	shalt  }
0x81: {  	_ =	shalt  }
0x82: {  	_ =	shalt  }
0x83: {  	_ =	shalt  }
0x84: {  	_ =	shalt  }
0x85: {  	_ =	shalt  }
0x86: {  	_ =	shalt  }
0x87: {  	_ =	shalt  }
.Lfunc_end0:
.L_simem_size_0:
called_computation_lowered:
.L_overlay_start_0:
0x88: {  	s2 =	sld [smem:$0x3FD9]  }
0x89: {  	s3 =	sld [smem:$0x3FFE];
	_ =	sdelay $0x1  }
0x8a: {  	s1 =	srdreg.scid  }
0x8b: {  	s0 =	sand.u32 $0x1, s1  }
0x8c: {  	s15 =	sshll.u32 s0, $0xA;
	s2 =	sadd.s32 s3, s2  }
0x8d: {  	s2 =	sadd.s32 s2, s15  }
0x8e: {  	[smem:$0x3FAD] =	sst s2  }
0x8f: {  	_ = 	snop  }
0x90: {  	s2 =	sld [smem:$0x3FD0];
	_ =	sdelay $0x2  }
0x91: {  	s16 =	simm.s32 $0xB;
	s4 =	simm.s32 $0x10  }
0x92: {  	[smem:s4], [sflag:s16] =	dma.local [hbm:s2], $0x1  }
0x93: {  	_ =	swait.eq [sflag:s16], $0x1  }
0x94: {  	[sflag:s16] =	ssyncset.done $0x0  }
0x95: {  	[sflag:s16] =	ssyncadd.s32 $0xFFFFFFFF  }
0x96: {  	s17 =	sld [smem:$0x10];
	(tm) =	ssettm $0x1  }
0x97: {  	s18 =	sld [smem:$0x3FFB];
	_ =	sdelay $0x3  }
0x98: {  	_ =	strace s18  }
0x99: {  	s2 =	sld [smem:$0x3FFC];
	_ =	sdelay $0x3  }
0x9a: {  	_ =	strace s2  }
0x9b: {  	s2 =	sld [smem:$0x3FFD];
	_ =	sdelay $0x3  }
0x9c: {  	_ =	strace s2  }
0x9d: {  	_ =	strace $0x8FFFFFFF  }
0x9e: {  	s19 =	sld [smem:$0x3FDB];
	_ =	sdelay $0x1  }
0x9f: {  	s20 =	simm.s32 $_scs_section_size  }
0xa0: {  	s5 =	simm.s32 $_size__tile_overlayer_lowered;
	s6 =	simm.s32 $_tile_overlayer_lowered  }
0xa1: {  	s7 =	simm.s32 $0x1BFF;
	s21 =	sshll.u32 s6, $0x1;
	s4 =	sadd.s32 s20, s19  }
0xa2: {  	s22 =	simm.s32 $0x0;
	s5 =	sshll.u32 s5, $0x1;
	s6 =	sadd.s32 s21, s4  }
0xa3: {  	[timem:s22], [sflag:s7] =	dma.local [hbm:s6], s5  }
0xa4: {  	_ =	swait.ge [sflag:s7], s5  }
0xa5: {  	s5 =	ssub.s32 $0x0, s5;
	[sflag:s7] =	ssyncset.done $0x0  }
0xa6: {  	[sflag:s7] =	ssyncadd.s32 s5;
	_ =	sdelay $0x1  }
0xa7: {  	s23 =	simm.s32 $0x1B8B  }
0xa8: {  	_ =	swait.ge [sflag:s23], $0x1  }
0xa9: {  	[sflag:s23] =	ssyncset.done $0x0  }
0xaa: {  	[sflag:s23] =	ssyncadd.s32 $0xFFFFFFFF  }
0xab: {  	s5 =	sld [smem:$0x0]  }
0xac: {  	s6 =	sand.u32 $0xFFFFFFFE, s1  }
0xad: {  	p0 =	sne.s32 s1, s6  }
0xae: {  	s6 =	sshll.u32 @p0 s6, $0xE  }
0xaf: {  	s6 =	sadd.s32 @p0 $0x11B8D, s6;
	s7 =	sshll.u32 @p0 s5, $0x11  }
0xb0: {  	s6 =	sor.u32 @p0 s7, s6  }
0xb1: {  	[sflag:s6] =	ssyncadd.remote.s32 @p0 $0x1;
	_ =	sdelay $0x1  }
0xb2: {  	s6 =	simm.s32 @p0 $0x1B8D  }
0xb3: {  	_ =	swait.eq @p0 [sflag:s6], $0x1  }
0xb4: {  	[sflag:s6] =	ssyncadd.s32 @p0 $0xFFFFFFFF  }
0xb5: {  	s7 =	sshll.u32 @!p0 s1, $0xE  }
0xb6: {  	s7 =	sor.u32 @!p0 $0x4000, s7;
	s6 =	simm.s32 @!p0 $0x1B8D  }
0xb7: {  	s5 =	sshll.u32 @!p0 s5, $0x11;
	s7 =	sadd.s32 @!p0 $0x11B8D, s7;
	_ =	swait.eq @!p0 [sflag:s6], $0x1  }
0xb8: {  	s5 =	sor.u32 @!p0 s5, s7;
	[sflag:s6] =	ssyncadd.s32 @!p0 $0xFFFFFFFF  }
0xb9: {  	s25 =	simm.s32 $0x1B8E;
	s24 =	sld [smem:$0x3FFE];
	[sflag:s5] =	ssyncadd.remote.s32 @!p0 $0x1  }
0xba: {  	s26 =	simm.s32 $execute0_lowered;
	[smem:$0x3FD2] =	sst s25  }
0xbb: {  	s6 =	sshll.u32 s26, $0x1;
	_ =	strace $0x80000049;
	[dreg:$0x1] =	wrdreg $0xFFFFFFFF  }
0xbc: {  	s28 =	simm.s32 $_size_execute0_lowered;
	s4 =	sadd.s32 s4, s6;
	[dreg:$0x0] =	wrdreg $0x0  }
0xbd: {  	s6 =	sshll.u32 s28, $0x1;
	[dreg:$0x2] =	wrdreg s4  }
0xbe: {  	[dreg:$0x3] =	wrdreg s6  }
0xbf: {  	[dreg:$0x4] =	wrdreg $0xC0  }
0xc0: {  	_ =	task [dreg:s22], $0x5FFFF  }
0xc1: {  	[dreg:$0x1] =	wrdreg $0xFFFFFFFF  }
0xc2: {  	[dreg:$0x0] =	wrdreg $0x60  }
0xc3: {  	[dreg:$0x2] =	wrdreg s17  }
0xc4: {  	[dreg:$0x3] =	wrdreg s24  }
0xc5: {  	[dreg:$0x4] =	wrdreg $0x9  }
0xc6: {  	_ =	task.clear_ibuf [dreg:s22], $0x5FFFF;
	_ =	strace $0x90000049  }
0xc7: {  	s29 =	simm.s32 $0x9;
	_ =	strace $0x8000004B  }
0xc8: {  	_ =	swait.ge [sflag:s29], $0x1  }
0xc9: {  	[sflag:s29] =	ssyncadd.s32 $0xFFFFFFFF  }
0xca: {  	_ =	strace $0x9000004B  }
0xcb: {  	_ =	sfence  }
0xcc: {  	s30 =	sld [smem:$0x0];
	_ =	sdelay $0x2  }
0xcd: {  	s31 =	sshll.u32 s1, $0xD;
	s1 =	sshrl.u32 s1, $0x2  }
0xce: {  	s4 =	sand.u32 $0x4000, s31;
	s1 =	sadd.s32 s1, s30  }
0xcf: {  	s0 =	sor.u32 s4, s0;
	s1 =	sshll.u32 s1, $0x11  }
0xd0: {  	s0 =	sor.u32 s1, s0  }
0xd1: {  	s0 =	sadd.s32 $0x8F2B, s0  }
0xd2: {  	[sflag:s0] =	ssyncadd.remote.s32 $0x1  }
0xd3: {  	_ =	sfence.sel $0xFFFF  }
0xd4: {  	[dreg:$0x0] =	wrdreg $0xFFFFFFFF;
	(pc) =	sbr.abs _section_cstart, $3  }
0xd5: {  	[dreg:$0x1] =	wrdreg $0xFFFFFFFF  }
0xd6: {  	_ =	task.clear_ibuf [dreg:s22], $0x2FFFF;
	_ =	strace $0x9FFFFFFF  }
0xd7: {  	(tm) =	ssettm $0x7FFFFFFF  }
tec
execute0_lowered:
.L_overlay_start_1:
0x0: {  	(tag) =	ssettag $0x1  }
0x1: {  	s1 =	srdreg.scid  }
0x2: {  	s0 =	stileid.u32;
	s12 =	sand.u32 $0x1, s1  }
0x3: {  	s31 =	sshll.u32 s0, $0x9;
	s3 =	sshll.u32 s12, $0x8  }
0x4: {  	s2 =	rddreg [dreg:$0x0];
	s13 =	sor.u32 s3, s31  }
0x5: {  	s11 =	rddreg [dreg:$0x1];
	s3 =	simm.s32 $0x0;
	s4 =	sshrl.u32 s13, $0x3  }
0x6: {  	[smem:$0x7FF] =	sst s3;
	s5 =	sadd.s32 s4, s11  }
0x7: {  	s1 =	rddreg [dreg:$0x2];
	_ =	strace $0x8000004A;
	s4 =	sadd.s32 $0xE000, s5  }
0x8: {  	[tilespmem:s3], [sflag:$0x1] =	stream.linear.gather [hbm4b:s4+s3], $0x100, $0x38;
	[tilespmem:$0x10200] =	vst v63  }
0x9: {  	s6 =	simm.s32 $0x100;
	s7 =	simm.s32 $0x1;
	s5 =	sadd.s32 $0xD800, s5  }
0xa: {  	[tilespmem:s6], [sflag:$0x2] =	stream.linear.gather [hbm4b:s5+s3], $0x100, $0x38;
	[tilespmem:$0x10200] =	vst v63  }
0xb: {  	_ =	swait.ge [sflag:s7], $0x100  }
0xc: {  	[sflag:s7] =	ssyncset.done $0x0  }
0xd: {  	s8 =	simm.s32 $0x200;
	s9 =	simm.s32 $0x2;
	[sflag:s7] =	ssyncadd.s32 $0xFFFFFF00  }
0xe: {  	[tilespmem:s8], [sflag:$0x1] =	stream.indirect.gather [hbm4b:s2+s6], $0x80, s3, s6, $0xb8;
	[tilespmem:$0x10200] =	vst v63  }
0xf: {  	_ =	swait.ge [sflag:s9], $0x100  }
0x10: {  	[sflag:s9] =	ssyncset.done $0x0  }
0x11: {  	s10 =	simm.s32 $0x8200;
	[sflag:s9] =	ssyncadd.s32 $0xFFFFFF00  }
0x12: {  	[tilespmem:s10], [sflag:$0x2] =	stream.indirect.gather [hbm4b:s2+s6], $0x80, s6, s6, $0xb8;
	[tilespmem:$0x10200] =	vst v63  }
0x13: {  	s13 =	sshll.u32 s13, $0x4;
	_ =	swait.ge [sflag:s7], $0x8000  }
0x14: {  	s14 =	ssub.s32 $0x2, s12;
	s13 =	sadd.s32 s13, s11;
	[sflag:s7] =	ssyncset.done $0x0  }
0x15: {  	s15 =	sshrl.u32 s14, $0x1;
	s11 =	sadd.s32 $0x4E800, s13;
	[sflag:s7] =	ssyncadd.s32 $0xFFFF8000  }
0x16: {  	[hbm4b:s11+s3] =	stream.linear.scatter [tilespmem:s8], [sflag:$0x3], $0x8000, $0x38;
	[tilespmem:$0x10200] =	vst v63  }
0x17: {  	s14 =	ssub.s32 s14, s15;
	_ =	swait.ge [sflag:s9], $0x8000  }
0x18: {  	s15 =	smax.u32 s14, $0x1;
	s12 =	sadd.s32 $0x6E800, s13;
	[sflag:s9] =	ssyncset.done $0x0  }
0x19: {  	s13 =	simm.s32 $0x3;
	p0 =	sne.s32 s15, $0x1;
	[sflag:s9] =	ssyncadd.s32 $0xFFFF8000  }
0x1a: {  	[hbm4b:s12+s3] =	stream.linear.scatter [tilespmem:s10], [sflag:$0x4], $0x8000, $0x38;
	[tilespmem:$0x10200] =	vst v63  }
.Ltmp0:
0x1b: {  	_ =	swait.ge [sflag:s13], $0x8000;
	(pc) =	sbr.rel @!p0 .LBB2_2-.Ltmp0, $4  }
0x1c: {  	[sflag:s13] =	ssyncset.done $0x0  }
0x1d: {  	s14 =	simm.s32 $0x4;
	[sflag:s13] =	ssyncadd.s32 $0xFFFF8000  }
0x1e: {  	_ =	swait.ge [sflag:s14], $0x8000  }
0x1f: {  	s15 =	sadd.s32 $0xFFFFFFFF, s15;
	[sflag:s14] =	ssyncset.done $0x0  }
.LBB2_1:
0x20: {  	p0 =	sne.s32 s15, $0x1;
	s15 =	sadd.s32 $0xFFFFFFFF, s15;
	[sflag:s14] =	ssyncadd.s32 $0xFFFF8000  }
0x21: {  	[tilespmem:s3], [sflag:$0x1] =	stream.linear.gather [hbm4b:s4+s3], $0x100, $0x38;
	[tilespmem:$0x10200] =	vst v63  }
0x22: {  	_ = 	snop  }
0x23: {  	[tilespmem:s6], [sflag:$0x2] =	stream.linear.gather [hbm4b:s5+s3], $0x100, $0x38;
	[tilespmem:$0x10200] =	vst v63  }
0x24: {  	_ =	swait.ge [sflag:s7], $0x100  }
0x25: {  	[sflag:s7] =	ssyncset.done $0x0  }
0x26: {  	[sflag:s7] =	ssyncadd.s32 $0xFFFFFF00  }
0x27: {  	[tilespmem:s8], [sflag:$0x1] =	stream.indirect.gather [hbm4b:s2+s6], $0x80, s3, s6, $0xb8;
	[tilespmem:$0x10200] =	vst v63  }
0x28: {  	_ =	swait.ge [sflag:s9], $0x100  }
0x29: {  	[sflag:s9] =	ssyncset.done $0x0  }
0x2a: {  	[sflag:s9] =	ssyncadd.s32 $0xFFFFFF00  }
0x2b: {  	[tilespmem:s10], [sflag:$0x2] =	stream.indirect.gather [hbm4b:s2+s6], $0x80, s6, s6, $0xb8;
	[tilespmem:$0x10200] =	vst v63  }
0x2c: {  	_ =	swait.ge [sflag:s7], $0x8000  }
0x2d: {  	[sflag:s7] =	ssyncset.done $0x0  }
0x2e: {  	[sflag:s7] =	ssyncadd.s32 $0xFFFF8000  }
0x2f: {  	[hbm4b:s11+s3] =	stream.linear.scatter [tilespmem:s8], [sflag:$0x3], $0x8000, $0x38;
	[tilespmem:$0x10200] =	vst v63  }
0x30: {  	_ =	swait.ge [sflag:s9], $0x8000  }
0x31: {  	[sflag:s9] =	ssyncset.done $0x0  }
0x32: {  	[sflag:s9] =	ssyncadd.s32 $0xFFFF8000  }
0x33: {  	[hbm4b:s12+s3] =	stream.linear.scatter [tilespmem:s10], [sflag:$0x4], $0x8000, $0x38;
	[tilespmem:$0x10200] =	vst v63  }
.Ltmp1:
0x34: {  	_ =	swait.ge [sflag:s13], $0x8000;
	(pc) =	sbr.rel @p0 .LBB2_1-.Ltmp1, $4  }
0x35: {  	[sflag:s13] =	ssyncset.done $0x0  }
0x36: {  	[sflag:s13] =	ssyncadd.s32 $0xFFFF8000  }
0x37: {  	_ =	swait.ge [sflag:s14], $0x8000  }
0x38: {  	[sflag:s14] =	ssyncset.done $0x0  }
.LBB2_2:
0x39: {  	[sflag:s14] =	ssyncadd.s32 $0xFFFF8000  }
0x3a: {  	_ =	sfence.sel $0x180000  }
0x3b: {  	[bflag:$0x0] =	sbarrier.arrive $0xFFFF  }
0x3c: {  	p0 =	sne.s32 s0, $0x0;
	_ =	strace $0x9000004A  }
0x3d: {  	s0 =	sadd.s32 @!p0 $0x100000, s1;
	[bflag:$0x2] =	sbarrier.arrive $0xFFFF  }
0x3e: {  	[sflag:s0] =	ssyncadd.tile.s32 @!p0 $0x1;
	_ =	shalt  }
.Lfunc_end2:
_tile_overlayer_lowered:
.L_overlay_start_2:
0x3f: {  	(tag) =	ssettag $0x2  }
0x40: {  	s0 =	rddreg [dreg:$0x0];
	s2 =	stileid.u32  }
0x41: {  	s1 =	rddreg [dreg:$0x1];
	p0 =	sne.s32 s2, $0x0  }
0x42: {  	s3 =	rddreg [dreg:$0x2];
	[bflag:$0x3] =	sbarrier.arrive $0xFFFF;
	s2 =	simm.s32 @!p0 $0x1C05  }
0x43: {  	[timem:s3], [sflag:s2] =	dma.local @!p0 [hbm:s0], s1  }
0x44: {  	s0 =	simm.s32 @!p0 $0x5  }
0x45: {  	_ =	swait.ge @!p0 [sflag:s0], s1  }
0x46: {  	s1 =	ssub.s32 @!p0 $0x0, s1;
	[sflag:s0] =	ssyncset.done @!p0 $0x0  }
0x47: {  	[sflag:s0] =	ssyncadd.s32 @!p0 s1  }
0x48: {  	[bflag:$0x3] =	sbarrier.arrive $0xFFFF  }
0x49: {  	_ =	shalt  }

// kernel: kernel.29.cloned.1.call-start
scs
__scs_entry_jumppad:
0x0: {  	(pc) =	sbr.rel $0x88, $3  }
0x1: {  	(tag) =	ssettag $0x0;
	lr =	simm.s32 $0x1  }
0x2: {  	[smem:$0x3F86] =	sst lr;
	_ =	strace $0xD0000000  }
0x3: {  	_ = 	snop  }
0x4: {  	_ = 	snop  }
0x5: {  	_ = 	snop  }
0x6: {  	_ = 	snop  }
0x7: {  	_ = 	snop  }
__scs_overlays_trampoline_lowered:
0x8: {  	[smem:$0x3F95] =	sst s0  }
0x9: {  	[smem:$0x3F96] =	sst s1  }
0xa: {  	[smem:$0x3F97] =	sst s2  }
0xb: {  	[smem:$0x3F98] =	sst s3  }
0xc: {  	[smem:$0x3F99] =	sst s4  }
0xd: {  	[smem:$0x3F9A] =	sst s5  }
0xe: {  	[smem:$0x3F9B] =	sst s6  }
0xf: {  	[smem:$0x3F9C] =	sst s7  }
0x10: {  	[smem:$0x3F9D] =	sst s8  }
0x11: {  	[smem:$0x3F9E] =	sst s9;
	s0 =	simm.s32 @!p0 $0x0  }
0x12: {  	s1 =	sld [smem:$0x3F84];
	s0 =	simm.s32 @p0 $0x1  }
0x13: {  	[smem:$0x3F9F] =	sst s0;
	s0 =	simm.s32 @!p1 $0x0  }
0x14: {  	s2 =	sld [smem:$0x3F83];
	s0 =	simm.s32 @p1 $0x1  }
0x15: {  	[smem:$0x3FA0] =	sst s0;
	s0 =	simm.s32 @!p2 $0x0  }
0x16: {  	s3 =	sld [smem:$0x3FDB];
	s0 =	simm.s32 @p2 $0x1  }
0x17: {  	s4 =	simm.s32 $0x1BF5;
	[smem:$0x3FA2] =	sst s0  }
0x18: {  	s0 =	sld [smem:$0x3F85];
	_ =	swait.ge [sflag:s4], $0x0  }
0x19: {  	s7 =	sld [smem:$0x3F86]  }
0x1a: {  	s8 =	sadd.s32 $0xFFFFE003, lr  }
0x1b: {  	s9 =	sadd.s32 $0xFFFFFEF7, lr;
	s5 =	simm.s32 $0xFFFFFFFF;
	p2 =	slt.u32 s8, $0xFFFFF086  }
0x1c: {  	p1 =	slt.u32 s9, $0xF7A;
	s5 =	simm.s32 @!p2 $0x0  }
0x1d: {  	s5 =	simm.s32 @p1 $0x1;
	p0 =	seq.s32 s7, s2  }
0x1e: {  	s7 =	smul.u32 @!p0 $0xF7A, s2;
	p2 =	seq.s32 @!p0 s5, $0x0  }
0x1f: {  	s9 =	smul.u32 $0xF7A, s1;
	s8 =	simm.s32 @!p0 $0x1BF5;
	p2 =	por !p2, p0  }
0x20: {  	[sflag:s8] =	ssyncset.s32 @!p0 $0xFFFFF086;
	s6 =	sadd.s32 @!p0 s3, s7;
	s7 =	simm.s32 @!p0 $0x108  }
0x21: {  	s3 =	sadd.s32 s3, s9;
	s6 =	sadd.s32 @!p0 $0x88, s6;
	s7 =	simm.s32 @p2 $0x1082  }
0x22: {  	[simem:s7], [sflag:s8] =	dma.local @!p0 [hbm:s6], $0xF7A  }
0x23: {  	s9 =	sor.u32 $0xD0000000, s2;
	s6 =	simm.s32 $0x108;
	_ =	swait.ge @!p0 [sflag:s8], $0x0  }
0x24: {  	s3 =	sadd.s32 $0x88, s3;
	s6 =	simm.s32 @!p1 $0x1082;
	[sflag:s4] =	ssyncset.s32 $0xFFFFF086  }
0x25: {  	[simem:s6], [sflag:s4] =	dma.local [hbm:s3], $0xF7A  }
0x26: {  	[smem:$0x3F86] =	sst s1;
	(tag) =	ssettag s2;
	_ =	strace s9  }
0x27: {  	s1 =	sld [smem:$0x3F96]  }
0x28: {  	s2 =	sld [smem:$0x3F97]  }
0x29: {  	s4 =	sld [smem:$0x3F99]  }
0x2a: {  	p0 =	seq.s32 s5, $0x0;
	s5 =	sld [smem:$0x3F9A]  }
0x2b: {  	s6 =	sld [smem:$0x3F9B]  }
0x2c: {  	s7 =	sld [smem:$0x3F9C]  }
0x2d: {  	s3 =	simm.s32 $0x108;
	s8 =	sld [smem:$0x3F9D]  }
0x2e: {  	s3 =	simm.s32 @!p0 $0x1082;
	s9 =	sld [smem:$0x3F9E]  }
0x2f: {  	lr =	sadd.s32 s0, s3;
	s0 =	sld [smem:$0x3F95]  }
0x30: {  	s3 =	sld [smem:$0x3F98]  }
0x31: {  	[smem:$0x3FA1] =	sst s10  }
0x32: {  	s10 =	sld [smem:$0x3F9F];
	_ =	sdelay $0x3  }
0x33: {  	p0 =	seq.s32 s10, $0x1;
	s10 =	sld [smem:$0x3FA1];
	_ =	sdelay $0x3  }
0x34: {  	[smem:$0x3FA1] =	sst s10  }
0x35: {  	s10 =	sld [smem:$0x3FA0];
	_ =	sdelay $0x3  }
0x36: {  	p1 =	seq.s32 s10, $0x1;
	s10 =	sld [smem:$0x3FA1];
	_ =	sdelay $0x3  }
0x37: {  	[smem:$0x3FA1] =	sst s10  }
0x38: {  	s10 =	sld [smem:$0x3FA2]  }
0x39: {  	_ = 	snop;
	(pc) =	sbr.ind lr, $3  }
0x3a: {  	_ = 	snop  }
0x3b: {  	_ = 	snop  }
0x3c: {  	p2 =	seq.s32 s10, $0x1;
	s10 =	sld [smem:$0x3FA1]  }
0x3d: {  	_ =	shalt  }
0x3e: {  	_ =	shalt  }
0x3f: {  	_ =	shalt  }
0x40: {  	_ =	shalt  }
0x41: {  	_ =	shalt  }
0x42: {  	_ =	shalt  }
0x43: {  	_ =	shalt  }
0x44: {  	_ =	shalt  }
0x45: {  	_ =	shalt  }
0x46: {  	_ =	shalt  }
0x47: {  	_ =	shalt  }
0x48: {  	_ =	shalt  }
0x49: {  	_ =	shalt  }
0x4a: {  	_ =	shalt  }
0x4b: {  	_ =	shalt  }
0x4c: {  	_ =	shalt  }
0x4d: {  	_ =	shalt  }
0x4e: {  	_ =	shalt  }
0x4f: {  	_ =	shalt  }
0x50: {  	_ =	shalt  }
0x51: {  	_ =	shalt  }
0x52: {  	_ =	shalt  }
0x53: {  	_ =	shalt  }
0x54: {  	_ =	shalt  }
0x55: {  	_ =	shalt  }
0x56: {  	_ =	shalt  }
0x57: {  	_ =	shalt  }
0x58: {  	_ =	shalt  }
0x59: {  	_ =	shalt  }
0x5a: {  	_ =	shalt  }
0x5b: {  	_ =	shalt  }
0x5c: {  	_ =	shalt  }
0x5d: {  	_ =	shalt  }
0x5e: {  	_ =	shalt  }
0x5f: {  	_ =	shalt  }
0x60: {  	_ =	shalt  }
0x61: {  	_ =	shalt  }
0x62: {  	_ =	shalt  }
0x63: {  	_ =	shalt  }
0x64: {  	_ =	shalt  }
0x65: {  	_ =	shalt  }
0x66: {  	_ =	shalt  }
0x67: {  	_ =	shalt  }
0x68: {  	_ =	shalt  }
0x69: {  	_ =	shalt  }
0x6a: {  	_ =	shalt  }
0x6b: {  	_ =	shalt  }
0x6c: {  	_ =	shalt  }
0x6d: {  	_ =	shalt  }
0x6e: {  	_ =	shalt  }
0x6f: {  	_ =	shalt  }
0x70: {  	_ =	shalt  }
0x71: {  	_ =	shalt  }
0x72: {  	_ =	shalt  }
0x73: {  	_ =	shalt  }
0x74: {  	_ =	shalt  }
0x75: {  	_ =	shalt  }
0x76: {  	_ =	shalt  }
0x77: {  	_ =	shalt  }
0x78: {  	_ =	shalt  }
0x79: {  	_ =	shalt  }
0x7a: {  	_ =	shalt  }
0x7b: {  	_ =	shalt  }
0x7c: {  	_ =	shalt  }
0x7d: {  	_ =	shalt  }
0x7e: {  	_ =	shalt  }
0x7f: {  	_ =	shalt  }
0x80: {  	_ =	shalt  }
0x81: {  	_ =	shalt  }
0x82: {  	_ =	shalt  }
0x83: {  	_ =	shalt  }
0x84: {  	_ =	shalt  }
0x85: {  	_ =	shalt  }
0x86: {  	_ =	shalt  }
0x87: {  	_ =	shalt  }
.Lfunc_end0:
.L_simem_size_0:
called_computation.1_lowered:
.L_overlay_start_0:
0x88: {  	s2 =	sld [smem:$0x3FD9]  }
0x89: {  	s3 =	sld [smem:$0x3FFE];
	_ =	sdelay $0x1  }
0x8a: {  	s1 =	srdreg.scid  }
0x8b: {  	s0 =	sand.u32 $0x1, s1  }
0x8c: {  	s15 =	sshll.u32 s0, $0xA;
	s2 =	sadd.s32 s3, s2  }
0x8d: {  	s2 =	sadd.s32 s2, s15  }
0x8e: {  	[smem:$0x3FAD] =	sst s2  }
0x8f: {  	_ = 	snop  }
0x90: {  	s2 =	sld [smem:$0x3FD0];
	_ =	sdelay $0x2  }
0x91: {  	s16 =	simm.s32 $0xB;
	s4 =	simm.s32 $0x10  }
0x92: {  	[smem:s4], [sflag:s16] =	dma.local [hbm:s2], $0x1  }
0x93: {  	_ =	swait.eq [sflag:s16], $0x1  }
0x94: {  	[sflag:s16] =	ssyncset.done $0x0  }
0x95: {  	[sflag:s16] =	ssyncadd.s32 $0xFFFFFFFF  }
0x96: {  	s17 =	sld [smem:$0x11];
	(tm) =	ssettm $0x1  }
0x97: {  	s18 =	sld [smem:$0x3FFB];
	_ =	sdelay $0x3  }
0x98: {  	_ =	strace s18  }
0x99: {  	s2 =	sld [smem:$0x3FFC];
	_ =	sdelay $0x3  }
0x9a: {  	_ =	strace s2  }
0x9b: {  	s2 =	sld [smem:$0x3FFD];
	_ =	sdelay $0x3  }
0x9c: {  	_ =	strace s2  }
0x9d: {  	_ =	strace $0x8FFFFFFF  }
0x9e: {  	s19 =	sld [smem:$0x3FDB];
	_ =	sdelay $0x1  }
0x9f: {  	s20 =	simm.s32 $_scs_section_size  }
0xa0: {  	s5 =	simm.s32 $_size__tile_overlayer_lowered;
	s6 =	simm.s32 $_tile_overlayer_lowered  }
0xa1: {  	s7 =	simm.s32 $0x1BFF;
	s21 =	sshll.u32 s6, $0x1;
	s4 =	sadd.s32 s20, s19  }
0xa2: {  	s22 =	simm.s32 $0x0;
	s5 =	sshll.u32 s5, $0x1;
	s6 =	sadd.s32 s21, s4  }
0xa3: {  	[timem:s22], [sflag:s7] =	dma.local [hbm:s6], s5  }
0xa4: {  	_ =	swait.ge [sflag:s7], s5  }
0xa5: {  	s5 =	ssub.s32 $0x0, s5;
	[sflag:s7] =	ssyncset.done $0x0  }
0xa6: {  	[sflag:s7] =	ssyncadd.s32 s5;
	_ =	sdelay $0x1  }
0xa7: {  	s23 =	simm.s32 $0x1B8B  }
0xa8: {  	_ =	swait.ge [sflag:s23], $0x1  }
0xa9: {  	[sflag:s23] =	ssyncset.done $0x0  }
0xaa: {  	[sflag:s23] =	ssyncadd.s32 $0xFFFFFFFF  }
0xab: {  	s5 =	sld [smem:$0x0]  }
0xac: {  	s6 =	sand.u32 $0xFFFFFFFE, s1  }
0xad: {  	p0 =	sne.s32 s1, s6  }
0xae: {  	s6 =	sshll.u32 @p0 s6, $0xE  }
0xaf: {  	s6 =	sadd.s32 @p0 $0x11B8D, s6;
	s7 =	sshll.u32 @p0 s5, $0x11  }
0xb0: {  	s6 =	sor.u32 @p0 s7, s6  }
0xb1: {  	[sflag:s6] =	ssyncadd.remote.s32 @p0 $0x1;
	_ =	sdelay $0x1  }
0xb2: {  	s6 =	simm.s32 @p0 $0x1B8D  }
0xb3: {  	_ =	swait.eq @p0 [sflag:s6], $0x1  }
0xb4: {  	[sflag:s6] =	ssyncadd.s32 @p0 $0xFFFFFFFF  }
0xb5: {  	s7 =	sshll.u32 @!p0 s1, $0xE  }
0xb6: {  	s7 =	sor.u32 @!p0 $0x4000, s7;
	s6 =	simm.s32 @!p0 $0x1B8D  }
0xb7: {  	s5 =	sshll.u32 @!p0 s5, $0x11;
	s7 =	sadd.s32 @!p0 $0x11B8D, s7;
	_ =	swait.eq @!p0 [sflag:s6], $0x1  }
0xb8: {  	s5 =	sor.u32 @!p0 s5, s7;
	[sflag:s6] =	ssyncadd.s32 @!p0 $0xFFFFFFFF  }
0xb9: {  	s25 =	simm.s32 $0x1B8E;
	s24 =	sld [smem:$0x3FFE];
	[sflag:s5] =	ssyncadd.remote.s32 @!p0 $0x1  }
0xba: {  	s26 =	simm.s32 $execute0_lowered;
	[smem:$0x3FD2] =	sst s25  }
0xbb: {  	s6 =	sshll.u32 s26, $0x1;
	_ =	strace $0x8000004F;
	[dreg:$0x1] =	wrdreg $0xFFFFFFFF  }
0xbc: {  	s28 =	simm.s32 $_size_execute0_lowered;
	s4 =	sadd.s32 s4, s6;
	[dreg:$0x0] =	wrdreg $0x0  }
0xbd: {  	s6 =	sshll.u32 s28, $0x1;
	[dreg:$0x2] =	wrdreg s4  }
0xbe: {  	[dreg:$0x3] =	wrdreg s6  }
0xbf: {  	[dreg:$0x4] =	wrdreg $0xC0  }
0xc0: {  	_ =	task [dreg:s22], $0x5FFFF  }
0xc1: {  	[dreg:$0x1] =	wrdreg $0xFFFFFFFF  }
0xc2: {  	[dreg:$0x0] =	wrdreg $0x60  }
0xc3: {  	[dreg:$0x2] =	wrdreg s24  }
0xc4: {  	[dreg:$0x3] =	wrdreg s17  }
0xc5: {  	[dreg:$0x4] =	wrdreg $0x102000  }
0xc6: {  	[dreg:$0x5] =	wrdreg $0x9  }
0xc7: {  	_ =	task.clear_ibuf [dreg:s22], $0x6FFFF;
	_ =	strace $0x9000004F  }
0xc8: {  	s29 =	simm.s32 $0x9;
	_ =	strace $0x80000051  }
0xc9: {  	_ =	swait.ge [sflag:s29], $0x1  }
0xca: {  	[sflag:s29] =	ssyncadd.s32 $0xFFFFFFFF  }
0xcb: {  	_ =	strace $0x90000051  }
0xcc: {  	_ =	sfence  }
0xcd: {  	s30 =	sld [smem:$0x0];
	_ =	sdelay $0x2  }
0xce: {  	s31 =	sshll.u32 s1, $0xD;
	s1 =	sshrl.u32 s1, $0x2  }
0xcf: {  	s4 =	sand.u32 $0x4000, s31;
	s1 =	sadd.s32 s1, s30  }
0xd0: {  	s0 =	sor.u32 s4, s0;
	s1 =	sshll.u32 s1, $0x11  }
0xd1: {  	s0 =	sor.u32 s1, s0  }
0xd2: {  	s0 =	sadd.s32 $0x8F2B, s0  }
0xd3: {  	[sflag:s0] =	ssyncadd.remote.s32 $0x1  }
0xd4: {  	_ =	sfence.sel $0xFFFF  }
0xd5: {  	[dreg:$0x0] =	wrdreg $0xFFFFFFFF;
	(pc) =	sbr.abs _section_cstart, $3  }
0xd6: {  	[dreg:$0x1] =	wrdreg $0xFFFFFFFF  }
0xd7: {  	_ =	task.clear_ibuf [dreg:s22], $0x2FFFF;
	_ =	strace $0x9FFFFFFF  }
0xd8: {  	(tm) =	ssettm $0x7FFFFFFF  }
0xd9: {  	_ =	shalt  }
tec
execute0_lowered:
.L_overlay_start_1:
0x0: {  	(tag) =	ssettag $0x1  }
0x1: {  	s12 =	rddreg [dreg:$0x0];
	s1 =	srdreg.scid  }
0x2: {  	s18 =	rddreg [dreg:$0x1];
	s0 =	stileid.u32  }
0x3: {  	s2 =	rddreg [dreg:$0x2];
	s3 =	simm.s32 $0x0;
	s19 =	sand.u32 $0x1, s1  }
0x4: {  	s5 =	sshll.u32 s0, $0x8;
	s1 =	rddreg [dreg:$0x3];
	s4 =	sshll.u32 s19, $0xC  }
0x5: {  	[smem:$0x7FF] =	sst s3;
	s30 =	sshll.u32 s0, $0xE;
	s13 =	sor.u32 s5, s4  }
0x6: {  	s20 =	sshll.u32 s0, $0x6;
	_ =	strace $0x80000050;
	s4 =	sshrl.u32 s13, $0x3  }
0x7: {  	s7 =	sadd.s32 s30, s2;
	s5 =	sor.u32 $0x1C03, s20;
	s8 =	sadd.s32 s4, s12  }
0x8: {  	s7 =	sshrl.u32 s7, $0x3;
	s4 =	sadd.s32 $0xAE800, s12;
	s6 =	sadd.s32 $0xE000, s8  }
0x9: {  	[spmem:s7], [sflag:s5] =	dma.local [hbm:s4], $0x800  }
0xa: {  	[tilespmem:s3], [sflag:$0x1] =	stream.linear.gather [hbm4b:s6+s3], $0x100, $0x38;
	[tilespmem:$0x14200] =	vst v63  }
0xb: {  	s9 =	simm.s32 $0x100;
	s10 =	simm.s32 $0x1;
	s8 =	sadd.s32 $0xD800, s8  }
0xc: {  	[tilespmem:s9], [sflag:$0x2] =	stream.linear.gather [hbm4b:s8+s3], $0x100, $0x38;
	[tilespmem:$0x14200] =	vst v63  }
0xd: {  	_ =	swait.ge [sflag:s10], $0x100  }
0xe: {  	[sflag:s10] =	ssyncset.done $0x0  }
0xf: {  	s11 =	simm.s32 $0x2;
	[sflag:s10] =	ssyncadd.s32 $0xFFFFFF00  }
0x10: {  	s13 =	sshll.u32 s13, $0x4;
	_ =	swait.ge [sflag:s11], $0x100  }
0x11: {  	s14 =	sadd.s32 s13, s12;
	[sflag:s11] =	ssyncset.done $0x0  }
0x12: {  	s13 =	simm.s32 $0x200;
	s12 =	sadd.s32 $0x4E800, s14;
	[sflag:s11] =	ssyncadd.s32 $0xFFFFFF00  }
0x13: {  	[tilespmem:s13], [sflag:$0x1] =	stream.linear.gather [hbm4b:s12+s3], $0x8000, $0x38;
	[tilespmem:$0x14200] =	vst v63  }
0x14: {  	s15 =	simm.s32 $0x8200;
	s16 =	simm.s32 $0x3;
	s14 =	sadd.s32 $0x6E800, s14  }
0x15: {  	[tilespmem:s15], [sflag:$0x2] =	stream.linear.gather [hbm4b:s14+s3], $0x8000, $0x38;
	[tilespmem:$0x14200] =	vst v63  }
0x16: {  	_ =	swait.ge [sflag:s16], $0x800  }
0x17: {  	[sflag:s16] =	ssyncset.done $0x0  }
0x18: {  	[sflag:s16] =	ssyncadd.s32 $0xFFFFF800  }
0x19: {  	[bflag:$0x0] =	sbarrier.arrive $0xFFFF  }
0x1a: {  	_ =	swait.ge [sflag:s10], $0x8000  }
0x1b: {  	[sflag:s10] =	ssyncset.done $0x0  }
0x1c: {  	s17 =	simm.s32 $0x4;
	[sflag:s10] =	ssyncadd.s32 $0xFFFF8000  }
0x1d: {  	[spmem:s2] =	stream.indirect.scatter.add.f32 [tilespmem:s13], [sflag:$0x4], $0x80, s3, s9, $0xb8;
	[tilespmem:$0x14200] =	vst v63  }
0x1e: {  	_ =	swait.ge [sflag:s17], $0x8000  }
0x1f: {  	[sflag:s17] =	ssyncset.done $0x0  }
0x20: {  	[sflag:s17] =	ssyncadd.s32 $0xFFFF8000  }
0x21: {  	s22 =	ssub.s32 $0x2, s19;
	_ =	swait.ge [sflag:s11], $0x8000  }
0x22: {  	s21 =	sshll.u32 s0, $0xB;
	s31 =	sshrl.u32 s22, $0x1;
	[sflag:s11] =	ssyncset.done $0x0  }
0x23: {  	s18 =	sadd.s32 s18, s21;
	s21 =	ssub.s32 s22, s31;
	[sflag:s11] =	ssyncadd.s32 $0xFFFF8000  }
0x24: {  	[spmem:s2] =	stream.indirect.scatter.add.f32 [tilespmem:s15], [sflag:$0x4], $0x80, s9, s9, $0xb8;
	[tilespmem:$0x14200] =	vst v63  }
0x25: {  	s21 =	smax.u32 s21, $0x1;
	_ =	swait.ge [sflag:s17], $0x8000  }
0x26: {  	p0 =	sne.s32 s21, $0x1;
	[sflag:s17] =	ssyncset.done $0x0  }
.Ltmp0:
0x27: {  	s19 =	sshll.u32 s19, $0xF;
	[sflag:s17] =	ssyncadd.s32 $0xFFFF8000;
	(pc) =	sbr.rel @!p0 .LBB2_2-.Ltmp0, $4  }
0x28: {  	s18 =	sadd.s32 s19, s18;
	s19 =	sor.u32 $0x1C04, s20;
	[bflag:$0x0] =	sbarrier.arrive $0xFFFF  }
0x29: {  	[hbm:s18], [sflag:s19] =	dma.local [spmem:s7], $0x800  }
0x2a: {  	_ =	swait.ge [sflag:s17], $0x800  }
0x2b: {  	s20 =	sadd.s32 $0xFFFFFFFF, s21;
	[sflag:s17] =	ssyncset.done $0x0  }
.LBB2_1:
0x2c: {  	p0 =	sne.s32 s20, $0x1;
	s20 =	sadd.s32 $0xFFFFFFFF, s20;
	[sflag:s17] =	ssyncadd.s32 $0xFFFFF800  }
0x2d: {  	[spmem:s7], [sflag:s5] =	dma.local [hbm:s4], $0x800  }
0x2e: {  	[tilespmem:s3], [sflag:$0x1] =	stream.linear.gather [hbm4b:s6+s3], $0x100, $0x38;
	[tilespmem:$0x14200] =	vst v63  }
0x2f: {  	_ = 	snop  }
0x30: {  	[tilespmem:s9], [sflag:$0x2] =	stream.linear.gather [hbm4b:s8+s3], $0x100, $0x38;
	[tilespmem:$0x14200] =	vst v63  }
0x31: {  	_ =	swait.ge [sflag:s10], $0x100  }
0x32: {  	[sflag:s10] =	ssyncset.done $0x0  }
0x33: {  	[sflag:s10] =	ssyncadd.s32 $0xFFFFFF00  }
0x34: {  	_ =	swait.ge [sflag:s11], $0x100  }
0x35: {  	[sflag:s11] =	ssyncset.done $0x0  }
0x36: {  	[sflag:s11] =	ssyncadd.s32 $0xFFFFFF00  }
0x37: {  	[tilespmem:s13], [sflag:$0x1] =	stream.linear.gather [hbm4b:s12+s3], $0x8000, $0x38;
	[tilespmem:$0x14200] =	vst v63  }
0x38: {  	_ = 	snop  }
0x39: {  	[tilespmem:s15], [sflag:$0x2] =	stream.linear.gather [hbm4b:s14+s3], $0x8000, $0x38;
	[tilespmem:$0x14200] =	vst v63  }
0x3a: {  	_ =	swait.ge [sflag:s16], $0x800  }
0x3b: {  	[sflag:s16] =	ssyncset.done $0x0  }
0x3c: {  	[sflag:s16] =	ssyncadd.s32 $0xFFFFF800  }
0x3d: {  	[bflag:$0x0] =	sbarrier.arrive $0xFFFF  }
0x3e: {  	_ =	swait.ge [sflag:s10], $0x8000  }
0x3f: {  	[sflag:s10] =	ssyncset.done $0x0  }
0x40: {  	[sflag:s10] =	ssyncadd.s32 $0xFFFF8000  }
0x41: {  	[spmem:s2] =	stream.indirect.scatter.add.f32 [tilespmem:s13], [sflag:$0x4], $0x80, s3, s9, $0xb8;
	[tilespmem:$0x14200] =	vst v63  }
0x42: {  	_ =	swait.ge [sflag:s17], $0x8000  }
0x43: {  	[sflag:s17] =	ssyncset.done $0x0  }
0x44: {  	[sflag:s17] =	ssyncadd.s32 $0xFFFF8000  }
0x45: {  	_ =	swait.ge [sflag:s11], $0x8000  }
0x46: {  	[sflag:s11] =	ssyncset.done $0x0  }
0x47: {  	[sflag:s11] =	ssyncadd.s32 $0xFFFF8000  }
0x48: {  	[spmem:s2] =	stream.indirect.scatter.add.f32 [tilespmem:s15], [sflag:$0x4], $0x80, s9, s9, $0xb8;
	[tilespmem:$0x14200] =	vst v63  }
0x49: {  	_ =	swait.ge [sflag:s17], $0x8000  }
0x4a: {  	[sflag:s17] =	ssyncset.done $0x0  }
.Ltmp1:
0x4b: {  	[sflag:s17] =	ssyncadd.s32 $0xFFFF8000;
	(pc) =	sbr.rel @p0 .LBB2_1-.Ltmp1, $4  }
0x4c: {  	[bflag:$0x0] =	sbarrier.arrive $0xFFFF  }
0x4d: {  	[hbm:s18], [sflag:s19] =	dma.local [spmem:s7], $0x800  }
0x4e: {  	_ =	swait.ge [sflag:s17], $0x800  }
0x4f: {  	[sflag:s17] =	ssyncset.done $0x0  }
.LBB2_2:
0x50: {  	[sflag:s17] =	ssyncadd.s32 $0xFFFFF800  }
0x51: {  	_ =	sfence.sel $0x180000  }
0x52: {  	[bflag:$0x0] =	sbarrier.arrive $0xFFFF  }
0x53: {  	p0 =	sne.s32 s0, $0x0;
	_ =	strace $0x90000050  }
0x54: {  	s0 =	sadd.s32 @!p0 $0x100000, s1;
	[bflag:$0x2] =	sbarrier.arrive $0xFFFF  }
0x55: {  	[sflag:s0] =	ssyncadd.tile.s32 @!p0 $0x1;
	_ =	shalt  }
.Lfunc_end2:
_tile_overlayer_lowered:
.L_overlay_start_2:
0x56: {  	(tag) =	ssettag $0x2  }
0x57: {  	s0 =	rddreg [dreg:$0x0];
	s2 =	stileid.u32  }
0x58: {  	s1 =	rddreg [dreg:$0x1];
	p0 =	sne.s32 s2, $0x0  }
0x59: {  	s3 =	rddreg [dreg:$0x2];
	[bflag:$0x3] =	sbarrier.arrive $0xFFFF;
	s2 =	simm.s32 @!p0 $0x1C04  }
0x5a: {  	[timem:s3], [sflag:s2] =	dma.local @!p0 [hbm:s0], s1  }
0x5b: {  	s0 =	simm.s32 @!p0 $0x4  }
0x5c: {  	_ =	swait.ge @!p0 [sflag:s0], s1  }
0x5d: {  	s1 =	ssub.s32 @!p0 $0x0, s1;
	[sflag:s0] =	ssyncset.done @!p0 $0x0  }
0x5e: {  	[sflag:s0] =	ssyncadd.s32 @!p0 s1  }
0x5f: {  	[bflag:$0x3] =	sbarrier.arrive $0xFFFF  }
0x60: {  	_ =	shalt  }

// kernel: kernel.32.cloned.1.call-start
scs
__scs_entry_jumppad:
0x0: {  	(pc) =	sbr.rel $0x88, $3  }
0x1: {  	(tag) =	ssettag $0x0;
	lr =	simm.s32 $0x1  }
0x2: {  	[smem:$0x3F86] =	sst lr;
	_ =	strace $0xD0000000  }
0x3: {  	_ = 	snop  }
0x4: {  	_ = 	snop  }
0x5: {  	_ = 	snop  }
0x6: {  	_ = 	snop  }
0x7: {  	_ = 	snop  }
__scs_overlays_trampoline_lowered:
0x8: {  	[smem:$0x3F95] =	sst s0  }
0x9: {  	[smem:$0x3F96] =	sst s1  }
0xa: {  	[smem:$0x3F97] =	sst s2  }
0xb: {  	[smem:$0x3F98] =	sst s3  }
0xc: {  	[smem:$0x3F99] =	sst s4  }
0xd: {  	[smem:$0x3F9A] =	sst s5  }
0xe: {  	[smem:$0x3F9B] =	sst s6  }
0xf: {  	[smem:$0x3F9C] =	sst s7  }
0x10: {  	[smem:$0x3F9D] =	sst s8  }
0x11: {  	[smem:$0x3F9E] =	sst s9;
	s0 =	simm.s32 @!p0 $0x0  }
0x12: {  	s1 =	sld [smem:$0x3F84];
	s0 =	simm.s32 @p0 $0x1  }
0x13: {  	[smem:$0x3F9F] =	sst s0;
	s0 =	simm.s32 @!p1 $0x0  }
0x14: {  	s2 =	sld [smem:$0x3F83];
	s0 =	simm.s32 @p1 $0x1  }
0x15: {  	[smem:$0x3FA0] =	sst s0;
	s0 =	simm.s32 @!p2 $0x0  }
0x16: {  	s3 =	sld [smem:$0x3FDB];
	s0 =	simm.s32 @p2 $0x1  }
0x17: {  	s4 =	simm.s32 $0x1BF5;
	[smem:$0x3FA2] =	sst s0  }
0x18: {  	s0 =	sld [smem:$0x3F85];
	_ =	swait.ge [sflag:s4], $0x0  }
0x19: {  	s7 =	sld [smem:$0x3F86]  }
0x1a: {  	s8 =	sadd.s32 $0xFFFFE003, lr  }
0x1b: {  	s9 =	sadd.s32 $0xFFFFFEF7, lr;
	s5 =	simm.s32 $0xFFFFFFFF;
	p2 =	slt.u32 s8, $0xFFFFF086  }
0x1c: {  	p1 =	slt.u32 s9, $0xF7A;
	s5 =	simm.s32 @!p2 $0x0  }
0x1d: {  	s5 =	simm.s32 @p1 $0x1;
	p0 =	seq.s32 s7, s2  }
0x1e: {  	s7 =	smul.u32 @!p0 $0xF7A, s2;
	p2 =	seq.s32 @!p0 s5, $0x0  }
0x1f: {  	s9 =	smul.u32 $0xF7A, s1;
	s8 =	simm.s32 @!p0 $0x1BF5;
	p2 =	por !p2, p0  }
0x20: {  	[sflag:s8] =	ssyncset.s32 @!p0 $0xFFFFF086;
	s6 =	sadd.s32 @!p0 s3, s7;
	s7 =	simm.s32 @!p0 $0x108  }
0x21: {  	s3 =	sadd.s32 s3, s9;
	s6 =	sadd.s32 @!p0 $0x88, s6;
	s7 =	simm.s32 @p2 $0x1082  }
0x22: {  	[simem:s7], [sflag:s8] =	dma.local @!p0 [hbm:s6], $0xF7A  }
0x23: {  	s9 =	sor.u32 $0xD0000000, s2;
	s6 =	simm.s32 $0x108;
	_ =	swait.ge @!p0 [sflag:s8], $0x0  }
0x24: {  	s3 =	sadd.s32 $0x88, s3;
	s6 =	simm.s32 @!p1 $0x1082;
	[sflag:s4] =	ssyncset.s32 $0xFFFFF086  }
0x25: {  	[simem:s6], [sflag:s4] =	dma.local [hbm:s3], $0xF7A  }
0x26: {  	[smem:$0x3F86] =	sst s1;
	(tag) =	ssettag s2;
	_ =	strace s9  }
0x27: {  	s1 =	sld [smem:$0x3F96]  }
0x28: {  	s2 =	sld [smem:$0x3F97]  }
0x29: {  	s4 =	sld [smem:$0x3F99]  }
0x2a: {  	p0 =	seq.s32 s5, $0x0;
	s5 =	sld [smem:$0x3F9A]  }
0x2b: {  	s6 =	sld [smem:$0x3F9B]  }
0x2c: {  	s7 =	sld [smem:$0x3F9C]  }
0x2d: {  	s3 =	simm.s32 $0x108;
	s8 =	sld [smem:$0x3F9D]  }
0x2e: {  	s3 =	simm.s32 @!p0 $0x1082;
	s9 =	sld [smem:$0x3F9E]  }
0x2f: {  	lr =	sadd.s32 s0, s3;
	s0 =	sld [smem:$0x3F95]  }
0x30: {  	s3 =	sld [smem:$0x3F98]  }
0x31: {  	[smem:$0x3FA1] =	sst s10  }
0x32: {  	s10 =	sld [smem:$0x3F9F];
	_ =	sdelay $0x3  }
0x33: {  	p0 =	seq.s32 s10, $0x1;
	s10 =	sld [smem:$0x3FA1];
	_ =	sdelay $0x3  }
0x34: {  	[smem:$0x3FA1] =	sst s10  }
0x35: {  	s10 =	sld [smem:$0x3FA0];
	_ =	sdelay $0x3  }
0x36: {  	p1 =	seq.s32 s10, $0x1;
	s10 =	sld [smem:$0x3FA1];
	_ =	sdelay $0x3  }
0x37: {  	[smem:$0x3FA1] =	sst s10  }
0x38: {  	s10 =	sld [smem:$0x3FA2]  }
0x39: {  	_ = 	snop;
	(pc) =	sbr.ind lr, $3  }
0x3a: {  	_ = 	snop  }
0x3b: {  	_ = 	snop  }
0x3c: {  	p2 =	seq.s32 s10, $0x1;
	s10 =	sld [smem:$0x3FA1]  }
0x3d: {  	_ =	shalt  }
0x3e: {  	_ =	shalt  }
0x3f: {  	_ =	shalt  }
0x40: {  	_ =	shalt  }
0x41: {  	_ =	shalt  }
0x42: {  	_ =	shalt  }
0x43: {  	_ =	shalt  }
0x44: {  	_ =	shalt  }
0x45: {  	_ =	shalt  }
0x46: {  	_ =	shalt  }
0x47: {  	_ =	shalt  }
0x48: {  	_ =	shalt  }
0x49: {  	_ =	shalt  }
0x4a: {  	_ =	shalt  }
0x4b: {  	_ =	shalt  }
0x4c: {  	_ =	shalt  }
0x4d: {  	_ =	shalt  }
0x4e: {  	_ =	shalt  }
0x4f: {  	_ =	shalt  }
0x50: {  	_ =	shalt  }
0x51: {  	_ =	shalt  }
0x52: {  	_ =	shalt  }
0x53: {  	_ =	shalt  }
0x54: {  	_ =	shalt  }
0x55: {  	_ =	shalt  }
0x56: {  	_ =	shalt  }
0x57: {  	_ =	shalt  }
0x58: {  	_ =	shalt  }
0x59: {  	_ =	shalt  }
0x5a: {  	_ =	shalt  }
0x5b: {  	_ =	shalt  }
0x5c: {  	_ =	shalt  }
0x5d: {  	_ =	shalt  }
0x5e: {  	_ =	shalt  }
0x5f: {  	_ =	shalt  }
0x60: {  	_ =	shalt  }
0x61: {  	_ =	shalt  }
0x62: {  	_ =	shalt  }
0x63: {  	_ =	shalt  }
0x64: {  	_ =	shalt  }
0x65: {  	_ =	shalt  }
0x66: {  	_ =	shalt  }
0x67: {  	_ =	shalt  }
0x68: {  	_ =	shalt  }
0x69: {  	_ =	shalt  }
0x6a: {  	_ =	shalt  }
0x6b: {  	_ =	shalt  }
0x6c: {  	_ =	shalt  }
0x6d: {  	_ =	shalt  }
0x6e: {  	_ =	shalt  }
0x6f: {  	_ =	shalt  }
0x70: {  	_ =	shalt  }
0x71: {  	_ =	shalt  }
0x72: {  	_ =	shalt  }
0x73: {  	_ =	shalt  }
0x74: {  	_ =	shalt  }
0x75: {  	_ =	shalt  }
0x76: {  	_ =	shalt  }
0x77: {  	_ =	shalt  }
0x78: {  	_ =	shalt  }
0x79: {  	_ =	shalt  }
0x7a: {  	_ =	shalt  }
0x7b: {  	_ =	shalt  }
0x7c: {  	_ =	shalt  }
0x7d: {  	_ =	shalt  }
0x7e: {  	_ =	shalt  }
0x7f: {  	_ =	shalt  }
0x80: {  	_ =	shalt  }
0x81: {  	_ =	shalt  }
0x82: {  	_ =	shalt  }
0x83: {  	_ =	shalt  }
0x84: {  	_ =	shalt  }
0x85: {  	_ =	shalt  }
0x86: {  	_ =	shalt  }
0x87: {  	_ =	shalt  }
.Lfunc_end0:
.L_simem_size_0:
called_computation.2_lowered:
.L_overlay_start_0:
0x88: {  	s2 =	sld [smem:$0x3FD9]  }
0x89: {  	s3 =	sld [smem:$0x3FFE];
	_ =	sdelay $0x1  }
0x8a: {  	s1 =	srdreg.scid  }
0x8b: {  	s0 =	sand.u32 $0x1, s1  }
0x8c: {  	s14 =	sshll.u32 s0, $0xA;
	s2 =	sadd.s32 s3, s2  }
0x8d: {  	s2 =	sadd.s32 s2, s14  }
0x8e: {  	[smem:$0x3FAD] =	sst s2  }
0x8f: {  	_ = 	snop  }
0x90: {  	s2 =	sld [smem:$0x3FD0];
	_ =	sdelay $0x2  }
0x91: {  	s15 =	simm.s32 $0xB;
	s4 =	simm.s32 $0x10  }
0x92: {  	[smem:s4], [sflag:s15] =	dma.local [hbm:s2], $0x1  }
0x93: {  	_ =	swait.eq [sflag:s15], $0x1  }
0x94: {  	[sflag:s15] =	ssyncset.done $0x0  }
0x95: {  	[sflag:s15] =	ssyncadd.s32 $0xFFFFFFFF  }
0x96: {  	s16 =	sld [smem:$0x10];
	(tm) =	ssettm $0x1  }
0x97: {  	s17 =	sld [smem:$0x3FFB];
	_ =	sdelay $0x3  }
0x98: {  	_ =	strace s17  }
0x99: {  	s3 =	sld [smem:$0x3FFC];
	_ =	sdelay $0x3  }
0x9a: {  	_ =	strace s3  }
0x9b: {  	s3 =	sld [smem:$0x3FFD];
	_ =	sdelay $0x3  }
0x9c: {  	_ =	strace s3  }
0x9d: {  	_ =	strace $0x8FFFFFFF  }
0x9e: {  	s18 =	sld [smem:$0x3FDB];
	_ =	sdelay $0x1  }
0x9f: {  	s19 =	simm.s32 $_scs_section_size  }
0xa0: {  	s5 =	simm.s32 $_size__tile_overlayer_lowered;
	s6 =	simm.s32 $_tile_overlayer_lowered  }
0xa1: {  	s22 =	simm.s32 $0x1BFF;
	s21 =	sshll.u32 s6, $0x1;
	s3 =	sadd.s32 s19, s18  }
0xa2: {  	s7 =	simm.s32 $0x0;
	s20 =	sshll.u32 s5, $0x1;
	s5 =	sadd.s32 s21, s3  }
0xa3: {  	[timem:s7], [sflag:s22] =	dma.local [hbm:s5], s20  }
0xa4: {  	_ =	swait.ge [sflag:s22], s20  }
0xa5: {  	s4 =	ssub.s32 $0x0, s20;
	[sflag:s22] =	ssyncset.done $0x0  }
0xa6: {  	[sflag:s22] =	ssyncadd.s32 s4;
	_ =	sdelay $0x1  }
0xa7: {  	s23 =	simm.s32 $0x1B8B  }
0xa8: {  	_ =	swait.ge [sflag:s23], $0x1  }
0xa9: {  	[sflag:s23] =	ssyncset.done $0x0  }
0xaa: {  	s25 =	simm.s32 $0x1B8E;
	s24 =	sld [smem:$0x3FFE];
	[sflag:s23] =	ssyncadd.s32 $0xFFFFFFFF  }
0xab: {  	s26 =	simm.s32 $execute0_lowered;
	[smem:$0x3FD2] =	sst s25  }
0xac: {  	s5 =	sshll.u32 s26, $0x1;
	_ =	strace $0x80000046;
	[dreg:$0x1] =	wrdreg $0xFFFFFFFF  }
0xad: {  	s28 =	simm.s32 $_size_execute0_lowered;
	s3 =	sadd.s32 s3, s5;
	[dreg:$0x0] =	wrdreg $0x0  }
0xae: {  	s5 =	sshll.u32 s28, $0x1;
	[dreg:$0x2] =	wrdreg s3  }
0xaf: {  	[dreg:$0x3] =	wrdreg s5  }
0xb0: {  	[dreg:$0x4] =	wrdreg $0xC0  }
0xb1: {  	_ =	task [dreg:s7], $0x5FFFF  }
0xb2: {  	[dreg:$0x1] =	wrdreg $0xFFFFFFFF  }
0xb3: {  	[dreg:$0x0] =	wrdreg $0x60  }
0xb4: {  	[dreg:$0x2] =	wrdreg s16  }
0xb5: {  	[dreg:$0x3] =	wrdreg s24  }
0xb6: {  	[dreg:$0x4] =	wrdreg $0xA  }
0xb7: {  	_ =	task.clear_ibuf [dreg:s7], $0x5FFFF;
	_ =	strace $0x90000046  }
0xb8: {  	s29 =	simm.s32 $0xA;
	_ =	strace $0x80000048  }
0xb9: {  	_ =	swait.ge [sflag:s29], $0x1  }
0xba: {  	[sflag:s29] =	ssyncadd.s32 $0xFFFFFFFF  }
0xbb: {  	_ =	strace $0x90000048  }
0xbc: {  	_ =	sfence  }
0xbd: {  	s30 =	sld [smem:$0x0];
	_ =	sdelay $0x2  }
0xbe: {  	s31 =	sshll.u32 s1, $0xD;
	s1 =	sshrl.u32 s1, $0x2  }
0xbf: {  	s3 =	sand.u32 $0x4000, s31;
	s1 =	sadd.s32 s1, s30  }
0xc0: {  	s0 =	sor.u32 s3, s0;
	s1 =	sshll.u32 s1, $0x11  }
0xc1: {  	s0 =	sor.u32 s1, s0  }
0xc2: {  	s0 =	sadd.s32 $0x8F2B, s0  }
0xc3: {  	[sflag:s0] =	ssyncadd.remote.s32 $0x1  }
0xc4: {  	_ =	sfence.sel $0xFFFF  }
0xc5: {  	[dreg:$0x0] =	wrdreg $0xFFFFFFFF;
	(pc) =	sbr.abs _section_cstart, $3  }
0xc6: {  	[dreg:$0x1] =	wrdreg $0xFFFFFFFF  }
0xc7: {  	_ =	task.clear_ibuf [dreg:s7], $0x2FFFF;
	_ =	strace $0x9FFFFFFF  }
0xc8: {  	(tm) =	ssettm $0x7FFFFFFF  }
0xc9: {  	_ =	shalt  }
tec
execute0_lowered:
.L_overlay_start_1:
0x0: {  	(tag) =	ssettag $0x1  }
0x1: {  	s1 =	srdreg.scid  }
0x2: {  	s0 =	stileid.u32;
	s12 =	sand.u32 $0x1, s1  }
0x3: {  	s31 =	sshll.u32 s0, $0x9;
	s3 =	sshll.u32 s12, $0x8  }
0x4: {  	s2 =	rddreg [dreg:$0x0];
	s13 =	sor.u32 s3, s31  }
0x5: {  	s11 =	rddreg [dreg:$0x1];
	s3 =	simm.s32 $0x0;
	s4 =	sshrl.u32 s13, $0x3  }
0x6: {  	[smem:$0x7FF] =	sst s3;
	s5 =	sadd.s32 s4, s11  }
0x7: {  	s1 =	rddreg [dreg:$0x2];
	_ =	strace $0x80000047;
	s4 =	sadd.s32 $0xE400, s5  }
0x8: {  	[tilespmem:s3], [sflag:$0x1] =	stream.linear.gather [hbm4b:s4+s3], $0x100, $0x38;
	[tilespmem:$0x10200] =	vst v63  }
0x9: {  	s6 =	simm.s32 $0x100;
	s7 =	simm.s32 $0x1;
	s5 =	sadd.s32 $0xDC00, s5  }
0xa: {  	[tilespmem:s6], [sflag:$0x2] =	stream.linear.gather [hbm4b:s5+s3], $0x100, $0x38;
	[tilespmem:$0x10200] =	vst v63  }
0xb: {  	_ =	swait.ge [sflag:s7], $0x100  }
0xc: {  	[sflag:s7] =	ssyncset.done $0x0  }
0xd: {  	s8 =	simm.s32 $0x200;
	s9 =	simm.s32 $0x2;
	[sflag:s7] =	ssyncadd.s32 $0xFFFFFF00  }
0xe: {  	[tilespmem:s8], [sflag:$0x1] =	stream.indirect.gather [hbm4b:s2+s6], $0x80, s3, s6, $0xb8;
	[tilespmem:$0x10200] =	vst v63  }
0xf: {  	_ =	swait.ge [sflag:s9], $0x100  }
0x10: {  	[sflag:s9] =	ssyncset.done $0x0  }
0x11: {  	s10 =	simm.s32 $0x8200;
	[sflag:s9] =	ssyncadd.s32 $0xFFFFFF00  }
0x12: {  	[tilespmem:s10], [sflag:$0x2] =	stream.indirect.gather [hbm4b:s2+s6], $0x80, s6, s6, $0xb8;
	[tilespmem:$0x10200] =	vst v63  }
0x13: {  	s13 =	sshll.u32 s13, $0x4;
	_ =	swait.ge [sflag:s7], $0x8000  }
0x14: {  	s14 =	ssub.s32 $0x2, s12;
	s13 =	sadd.s32 s13, s11;
	[sflag:s7] =	ssyncset.done $0x0  }
0x15: {  	s15 =	sshrl.u32 s14, $0x1;
	s11 =	sadd.s32 $0xE800, s13;
	[sflag:s7] =	ssyncadd.s32 $0xFFFF8000  }
0x16: {  	[hbm4b:s11+s3] =	stream.linear.scatter [tilespmem:s8], [sflag:$0x3], $0x8000, $0x38;
	[tilespmem:$0x10200] =	vst v63  }
0x17: {  	s14 =	ssub.s32 s14, s15;
	_ =	swait.ge [sflag:s9], $0x8000  }
0x18: {  	s15 =	smax.u32 s14, $0x1;
	s12 =	sadd.s32 $0x2E800, s13;
	[sflag:s9] =	ssyncset.done $0x0  }
0x19: {  	s13 =	simm.s32 $0x3;
	p0 =	sne.s32 s15, $0x1;
	[sflag:s9] =	ssyncadd.s32 $0xFFFF8000  }
0x1a: {  	[hbm4b:s12+s3] =	stream.linear.scatter [tilespmem:s10], [sflag:$0x4], $0x8000, $0x38;
	[tilespmem:$0x10200] =	vst v63  }
.Ltmp0:
0x1b: {  	_ =	swait.ge [sflag:s13], $0x8000;
	(pc) =	sbr.rel @!p0 .LBB2_2-.Ltmp0, $4  }
0x1c: {  	[sflag:s13] =	ssyncset.done $0x0  }
0x1d: {  	s14 =	simm.s32 $0x4;
	[sflag:s13] =	ssyncadd.s32 $0xFFFF8000  }
0x1e: {  	_ =	swait.ge [sflag:s14], $0x8000  }
0x1f: {  	s15 =	sadd.s32 $0xFFFFFFFF, s15;
	[sflag:s14] =	ssyncset.done $0x0  }
.LBB2_1:
0x20: {  	p0 =	sne.s32 s15, $0x1;
	s15 =	sadd.s32 $0xFFFFFFFF, s15;
	[sflag:s14] =	ssyncadd.s32 $0xFFFF8000  }
0x21: {  	[tilespmem:s3], [sflag:$0x1] =	stream.linear.gather [hbm4b:s4+s3], $0x100, $0x38;
	[tilespmem:$0x10200] =	vst v63  }
0x22: {  	_ = 	snop  }
0x23: {  	[tilespmem:s6], [sflag:$0x2] =	stream.linear.gather [hbm4b:s5+s3], $0x100, $0x38;
	[tilespmem:$0x10200] =	vst v63  }
0x24: {  	_ =	swait.ge [sflag:s7], $0x100  }
0x25: {  	[sflag:s7] =	ssyncset.done $0x0  }
0x26: {  	[sflag:s7] =	ssyncadd.s32 $0xFFFFFF00  }
0x27: {  	[tilespmem:s8], [sflag:$0x1] =	stream.indirect.gather [hbm4b:s2+s6], $0x80, s3, s6, $0xb8;
	[tilespmem:$0x10200] =	vst v63  }
0x28: {  	_ =	swait.ge [sflag:s9], $0x100  }
0x29: {  	[sflag:s9] =	ssyncset.done $0x0  }
0x2a: {  	[sflag:s9] =	ssyncadd.s32 $0xFFFFFF00  }
0x2b: {  	[tilespmem:s10], [sflag:$0x2] =	stream.indirect.gather [hbm4b:s2+s6], $0x80, s6, s6, $0xb8;
	[tilespmem:$0x10200] =	vst v63  }
0x2c: {  	_ =	swait.ge [sflag:s7], $0x8000  }
0x2d: {  	[sflag:s7] =	ssyncset.done $0x0  }
0x2e: {  	[sflag:s7] =	ssyncadd.s32 $0xFFFF8000  }
0x2f: {  	[hbm4b:s11+s3] =	stream.linear.scatter [tilespmem:s8], [sflag:$0x3], $0x8000, $0x38;
	[tilespmem:$0x10200] =	vst v63  }
0x30: {  	_ =	swait.ge [sflag:s9], $0x8000  }
0x31: {  	[sflag:s9] =	ssyncset.done $0x0  }
0x32: {  	[sflag:s9] =	ssyncadd.s32 $0xFFFF8000  }
0x33: {  	[hbm4b:s12+s3] =	stream.linear.scatter [tilespmem:s10], [sflag:$0x4], $0x8000, $0x38;
	[tilespmem:$0x10200] =	vst v63  }
.Ltmp1:
0x34: {  	_ =	swait.ge [sflag:s13], $0x8000;
	(pc) =	sbr.rel @p0 .LBB2_1-.Ltmp1, $4  }
0x35: {  	[sflag:s13] =	ssyncset.done $0x0  }
0x36: {  	[sflag:s13] =	ssyncadd.s32 $0xFFFF8000  }
0x37: {  	_ =	swait.ge [sflag:s14], $0x8000  }
0x38: {  	[sflag:s14] =	ssyncset.done $0x0  }
.LBB2_2:
0x39: {  	[sflag:s14] =	ssyncadd.s32 $0xFFFF8000  }
0x3a: {  	_ =	sfence.sel $0x180000  }
0x3b: {  	[bflag:$0x0] =	sbarrier.arrive $0xFFFF  }
0x3c: {  	p0 =	sne.s32 s0, $0x0;
	_ =	strace $0x90000047  }
0x3d: {  	s0 =	sadd.s32 @!p0 $0x100000, s1;
	[bflag:$0x2] =	sbarrier.arrive $0xFFFF  }
0x3e: {  	[sflag:s0] =	ssyncadd.tile.s32 @!p0 $0x1;
	_ =	shalt  }
.Lfunc_end2:
_tile_overlayer_lowered:
.L_overlay_start_2:
0x3f: {  	(tag) =	ssettag $0x2  }
0x40: {  	s0 =	rddreg [dreg:$0x0];
	s2 =	stileid.u32  }
0x41: {  	s1 =	rddreg [dreg:$0x1];
	p0 =	sne.s32 s2, $0x0  }
0x42: {  	s3 =	rddreg [dreg:$0x2];
	[bflag:$0x3] =	sbarrier.arrive $0xFFFF;
	s2 =	simm.s32 @!p0 $0x1C05  }
0x43: {  	[timem:s3], [sflag:s2] =	dma.local @!p0 [hbm:s0], s1  }
0x44: {  	s0 =	simm.s32 @!p0 $0x5  }
0x45: {  	_ =	swait.ge @!p0 [sflag:s0], s1  }
0x46: {  	s1 =	ssub.s32 @!p0 $0x0, s1;
	[sflag:s0] =	ssyncset.done @!p0 $0x0  }
0x47: {  	[sflag:s0] =	ssyncadd.s32 @!p0 s1  }
0x48: {  	[bflag:$0x3] =	sbarrier.arrive $0xFFFF  }
0x49: {  	_ =	shalt  }

// kernel: kernel.35.cloned.1.call-start
scs
__scs_entry_jumppad:
0x0: {  	(pc) =	sbr.rel $0x88, $3  }
0x1: {  	(tag) =	ssettag $0x0;
	lr =	simm.s32 $0x1  }
0x2: {  	[smem:$0x3F86] =	sst lr;
	_ =	strace $0xD0000000  }
0x3: {  	_ = 	snop  }
0x4: {  	_ = 	snop  }
0x5: {  	_ = 	snop  }
0x6: {  	_ = 	snop  }
0x7: {  	_ = 	snop  }
__scs_overlays_trampoline_lowered:
0x8: {  	[smem:$0x3F95] =	sst s0  }
0x9: {  	[smem:$0x3F96] =	sst s1  }
0xa: {  	[smem:$0x3F97] =	sst s2  }
0xb: {  	[smem:$0x3F98] =	sst s3  }
0xc: {  	[smem:$0x3F99] =	sst s4  }
0xd: {  	[smem:$0x3F9A] =	sst s5  }
0xe: {  	[smem:$0x3F9B] =	sst s6  }
0xf: {  	[smem:$0x3F9C] =	sst s7  }
0x10: {  	[smem:$0x3F9D] =	sst s8  }
0x11: {  	[smem:$0x3F9E] =	sst s9;
	s0 =	simm.s32 @!p0 $0x0  }
0x12: {  	s1 =	sld [smem:$0x3F84];
	s0 =	simm.s32 @p0 $0x1  }
0x13: {  	[smem:$0x3F9F] =	sst s0;
	s0 =	simm.s32 @!p1 $0x0  }
0x14: {  	s2 =	sld [smem:$0x3F83];
	s0 =	simm.s32 @p1 $0x1  }
0x15: {  	[smem:$0x3FA0] =	sst s0;
	s0 =	simm.s32 @!p2 $0x0  }
0x16: {  	s3 =	sld [smem:$0x3FDB];
	s0 =	simm.s32 @p2 $0x1  }
0x17: {  	s4 =	simm.s32 $0x1BF5;
	[smem:$0x3FA2] =	sst s0  }
0x18: {  	s0 =	sld [smem:$0x3F85];
	_ =	swait.ge [sflag:s4], $0x0  }
0x19: {  	s7 =	sld [smem:$0x3F86]  }
0x1a: {  	s8 =	sadd.s32 $0xFFFFE003, lr  }
0x1b: {  	s9 =	sadd.s32 $0xFFFFFEF7, lr;
	s5 =	simm.s32 $0xFFFFFFFF;
	p2 =	slt.u32 s8, $0xFFFFF086  }
0x1c: {  	p1 =	slt.u32 s9, $0xF7A;
	s5 =	simm.s32 @!p2 $0x0  }
0x1d: {  	s5 =	simm.s32 @p1 $0x1;
	p0 =	seq.s32 s7, s2  }
0x1e: {  	s7 =	smul.u32 @!p0 $0xF7A, s2;
	p2 =	seq.s32 @!p0 s5, $0x0  }
0x1f: {  	s9 =	smul.u32 $0xF7A, s1;
	s8 =	simm.s32 @!p0 $0x1BF5;
	p2 =	por !p2, p0  }
0x20: {  	[sflag:s8] =	ssyncset.s32 @!p0 $0xFFFFF086;
	s6 =	sadd.s32 @!p0 s3, s7;
	s7 =	simm.s32 @!p0 $0x108  }
0x21: {  	s3 =	sadd.s32 s3, s9;
	s6 =	sadd.s32 @!p0 $0x88, s6;
	s7 =	simm.s32 @p2 $0x1082  }
0x22: {  	[simem:s7], [sflag:s8] =	dma.local @!p0 [hbm:s6], $0xF7A  }
0x23: {  	s9 =	sor.u32 $0xD0000000, s2;
	s6 =	simm.s32 $0x108;
	_ =	swait.ge @!p0 [sflag:s8], $0x0  }
0x24: {  	s3 =	sadd.s32 $0x88, s3;
	s6 =	simm.s32 @!p1 $0x1082;
	[sflag:s4] =	ssyncset.s32 $0xFFFFF086  }
0x25: {  	[simem:s6], [sflag:s4] =	dma.local [hbm:s3], $0xF7A  }
0x26: {  	[smem:$0x3F86] =	sst s1;
	(tag) =	ssettag s2;
	_ =	strace s9  }
0x27: {  	s1 =	sld [smem:$0x3F96]  }
0x28: {  	s2 =	sld [smem:$0x3F97]  }
0x29: {  	s4 =	sld [smem:$0x3F99]  }
0x2a: {  	p0 =	seq.s32 s5, $0x0;
	s5 =	sld [smem:$0x3F9A]  }
0x2b: {  	s6 =	sld [smem:$0x3F9B]  }
0x2c: {  	s7 =	sld [smem:$0x3F9C]  }
0x2d: {  	s3 =	simm.s32 $0x108;
	s8 =	sld [smem:$0x3F9D]  }
0x2e: {  	s3 =	simm.s32 @!p0 $0x1082;
	s9 =	sld [smem:$0x3F9E]  }
0x2f: {  	lr =	sadd.s32 s0, s3;
	s0 =	sld [smem:$0x3F95]  }
0x30: {  	s3 =	sld [smem:$0x3F98]  }
0x31: {  	[smem:$0x3FA1] =	sst s10  }
0x32: {  	s10 =	sld [smem:$0x3F9F];
	_ =	sdelay $0x3  }
0x33: {  	p0 =	seq.s32 s10, $0x1;
	s10 =	sld [smem:$0x3FA1];
	_ =	sdelay $0x3  }
0x34: {  	[smem:$0x3FA1] =	sst s10  }
0x35: {  	s10 =	sld [smem:$0x3FA0];
	_ =	sdelay $0x3  }
0x36: {  	p1 =	seq.s32 s10, $0x1;
	s10 =	sld [smem:$0x3FA1];
	_ =	sdelay $0x3  }
0x37: {  	[smem:$0x3FA1] =	sst s10  }
0x38: {  	s10 =	sld [smem:$0x3FA2]  }
0x39: {  	_ = 	snop;
	(pc) =	sbr.ind lr, $3  }
0x3a: {  	_ = 	snop  }
0x3b: {  	_ = 	snop  }
0x3c: {  	p2 =	seq.s32 s10, $0x1;
	s10 =	sld [smem:$0x3FA1]  }
0x3d: {  	_ =	shalt  }
0x3e: {  	_ =	shalt  }
0x3f: {  	_ =	shalt  }
0x40: {  	_ =	shalt  }
0x41: {  	_ =	shalt  }
0x42: {  	_ =	shalt  }
0x43: {  	_ =	shalt  }
0x44: {  	_ =	shalt  }
0x45: {  	_ =	shalt  }
0x46: {  	_ =	shalt  }
0x47: {  	_ =	shalt  }
0x48: {  	_ =	shalt  }
0x49: {  	_ =	shalt  }
0x4a: {  	_ =	shalt  }
0x4b: {  	_ =	shalt  }
0x4c: {  	_ =	shalt  }
0x4d: {  	_ =	shalt  }
0x4e: {  	_ =	shalt  }
0x4f: {  	_ =	shalt  }
0x50: {  	_ =	shalt  }
0x51: {  	_ =	shalt  }
0x52: {  	_ =	shalt  }
0x53: {  	_ =	shalt  }
0x54: {  	_ =	shalt  }
0x55: {  	_ =	shalt  }
0x56: {  	_ =	shalt  }
0x57: {  	_ =	shalt  }
0x58: {  	_ =	shalt  }
0x59: {  	_ =	shalt  }
0x5a: {  	_ =	shalt  }
0x5b: {  	_ =	shalt  }
0x5c: {  	_ =	shalt  }
0x5d: {  	_ =	shalt  }
0x5e: {  	_ =	shalt  }
0x5f: {  	_ =	shalt  }
0x60: {  	_ =	shalt  }
0x61: {  	_ =	shalt  }
0x62: {  	_ =	shalt  }
0x63: {  	_ =	shalt  }
0x64: {  	_ =	shalt  }
0x65: {  	_ =	shalt  }
0x66: {  	_ =	shalt  }
0x67: {  	_ =	shalt  }
0x68: {  	_ =	shalt  }
0x69: {  	_ =	shalt  }
0x6a: {  	_ =	shalt  }
0x6b: {  	_ =	shalt  }
0x6c: {  	_ =	shalt  }
0x6d: {  	_ =	shalt  }
0x6e: {  	_ =	shalt  }
0x6f: {  	_ =	shalt  }
0x70: {  	_ =	shalt  }
0x71: {  	_ =	shalt  }
0x72: {  	_ =	shalt  }
0x73: {  	_ =	shalt  }
0x74: {  	_ =	shalt  }
0x75: {  	_ =	shalt  }
0x76: {  	_ =	shalt  }
0x77: {  	_ =	shalt  }
0x78: {  	_ =	shalt  }
0x79: {  	_ =	shalt  }
0x7a: {  	_ =	shalt  }
0x7b: {  	_ =	shalt  }
0x7c: {  	_ =	shalt  }
0x7d: {  	_ =	shalt  }
0x7e: {  	_ =	shalt  }
0x7f: {  	_ =	shalt  }
0x80: {  	_ =	shalt  }
0x81: {  	_ =	shalt  }
0x82: {  	_ =	shalt  }
0x83: {  	_ =	shalt  }
0x84: {  	_ =	shalt  }
0x85: {  	_ =	shalt  }
0x86: {  	_ =	shalt  }
0x87: {  	_ =	shalt  }
.Lfunc_end0:
.L_simem_size_0:
called_computation.3_lowered:
.L_overlay_start_0:
0x88: {  	s2 =	sld [smem:$0x3FD9]  }
0x89: {  	s3 =	sld [smem:$0x3FFE];
	_ =	sdelay $0x1  }
0x8a: {  	s1 =	srdreg.scid  }
0x8b: {  	s0 =	sand.u32 $0x1, s1  }
0x8c: {  	s17 =	sshll.u32 s0, $0xA;
	s2 =	sadd.s32 s3, s2  }
0x8d: {  	s2 =	sadd.s32 s2, s17  }
0x8e: {  	[smem:$0x3FAD] =	sst s2  }
0x8f: {  	_ = 	snop  }
0x90: {  	(tm) =	ssettm $0x1  }
0x91: {  	s18 =	sld [smem:$0x3FFB];
	_ =	sdelay $0x3  }
0x92: {  	_ =	strace s18  }
0x93: {  	s2 =	sld [smem:$0x3FFC];
	_ =	sdelay $0x3  }
0x94: {  	_ =	strace s2  }
0x95: {  	s2 =	sld [smem:$0x3FFD];
	_ =	sdelay $0x3  }
0x96: {  	_ =	strace s2  }
0x97: {  	_ =	strace $0x8FFFFFFF  }
0x98: {  	s19 =	sld [smem:$0x3FDB];
	_ =	sdelay $0x1  }
0x99: {  	s20 =	simm.s32 $_scs_section_size  }
0x9a: {  	s4 =	simm.s32 $_size__tile_overlayer_lowered;
	s5 =	simm.s32 $_tile_overlayer_lowered  }
0x9b: {  	s6 =	simm.s32 $0x1BFF;
	s21 =	sshll.u32 s5, $0x1;
	s3 =	sadd.s32 s20, s19  }
0x9c: {  	s22 =	simm.s32 $0x0;
	s4 =	sshll.u32 s4, $0x1;
	s5 =	sadd.s32 s21, s3  }
0x9d: {  	[timem:s22], [sflag:s6] =	dma.local [hbm:s5], s4  }
0x9e: {  	_ =	swait.ge [sflag:s6], s4  }
0x9f: {  	s4 =	ssub.s32 $0x0, s4;
	[sflag:s6] =	ssyncset.done $0x0  }
0xa0: {  	[sflag:s6] =	ssyncadd.s32 s4;
	_ =	sdelay $0x1  }
0xa1: {  	s23 =	simm.s32 $0x1B8B  }
0xa2: {  	_ =	swait.ge [sflag:s23], $0x1  }
0xa3: {  	[sflag:s23] =	ssyncset.done $0x0  }
0xa4: {  	[sflag:s23] =	ssyncadd.s32 $0xFFFFFFFF  }
0xa5: {  	s4 =	sld [smem:$0x0]  }
0xa6: {  	s5 =	sand.u32 $0xFFFFFFFE, s1  }
0xa7: {  	p0 =	sne.s32 s1, s5  }
0xa8: {  	s5 =	sshll.u32 @p0 s5, $0xE  }
0xa9: {  	s5 =	sadd.s32 @p0 $0x11B8D, s5;
	s6 =	sshll.u32 @p0 s4, $0x11  }
0xaa: {  	s5 =	sor.u32 @p0 s6, s5  }
0xab: {  	[sflag:s5] =	ssyncadd.remote.s32 @p0 $0x1;
	_ =	sdelay $0x1  }
0xac: {  	s5 =	simm.s32 @p0 $0x1B8D  }
0xad: {  	_ =	swait.eq @p0 [sflag:s5], $0x1  }
0xae: {  	[sflag:s5] =	ssyncadd.s32 @p0 $0xFFFFFFFF  }
0xaf: {  	s6 =	sshll.u32 @!p0 s1, $0xE  }
0xb0: {  	s6 =	sor.u32 @!p0 $0x4000, s6;
	s5 =	simm.s32 @!p0 $0x1B8D  }
0xb1: {  	s4 =	sshll.u32 @!p0 s4, $0x11;
	s6 =	sadd.s32 @!p0 $0x11B8D, s6;
	_ =	swait.eq @!p0 [sflag:s5], $0x1  }
0xb2: {  	s4 =	sor.u32 @!p0 s4, s6;
	[sflag:s5] =	ssyncadd.s32 @!p0 $0xFFFFFFFF  }
0xb3: {  	s25 =	simm.s32 $0x1B8E;
	s24 =	sld [smem:$0x3FFE];
	[sflag:s4] =	ssyncadd.remote.s32 @!p0 $0x1  }
0xb4: {  	s26 =	simm.s32 $execute0_lowered;
	[smem:$0x3FD2] =	sst s25  }
0xb5: {  	s5 =	sshll.u32 s26, $0x1;
	_ =	strace $0x8000004C;
	[dreg:$0x1] =	wrdreg $0xFFFFFFFF  }
0xb6: {  	s28 =	simm.s32 $_size_execute0_lowered;
	s3 =	sadd.s32 s3, s5;
	[dreg:$0x0] =	wrdreg $0x0  }
0xb7: {  	s5 =	sshll.u32 s28, $0x1;
	[dreg:$0x2] =	wrdreg s3  }
0xb8: {  	[dreg:$0x3] =	wrdreg s5  }
0xb9: {  	[dreg:$0x4] =	wrdreg $0xC0  }
0xba: {  	_ =	task [dreg:s22], $0x5FFFF  }
0xbb: {  	[dreg:$0x1] =	wrdreg $0xFFFFFFFF  }
0xbc: {  	[dreg:$0x0] =	wrdreg $0x60  }
0xbd: {  	[dreg:$0x2] =	wrdreg s24  }
0xbe: {  	[dreg:$0x3] =	wrdreg $0x102000  }
0xbf: {  	[dreg:$0x4] =	wrdreg $0xA  }
0xc0: {  	_ =	task.clear_ibuf [dreg:s22], $0x5FFFF;
	_ =	strace $0x9000004C  }
0xc1: {  	s29 =	simm.s32 $0xA;
	_ =	strace $0x8000004E  }
0xc2: {  	_ =	swait.ge [sflag:s29], $0x1  }
0xc3: {  	[sflag:s29] =	ssyncadd.s32 $0xFFFFFFFF  }
0xc4: {  	_ =	strace $0x9000004E  }
0xc5: {  	_ =	sfence  }
0xc6: {  	s30 =	sld [smem:$0x0];
	_ =	sdelay $0x2  }
0xc7: {  	s31 =	sshll.u32 s1, $0xD;
	s1 =	sshrl.u32 s1, $0x2  }
0xc8: {  	s4 =	sand.u32 $0x4000, s31;
	s1 =	sadd.s32 s1, s30  }
0xc9: {  	s0 =	sor.u32 s4, s0;
	s1 =	sshll.u32 s1, $0x11  }
0xca: {  	s0 =	sor.u32 s1, s0  }
0xcb: {  	s0 =	sadd.s32 $0x8F2B, s0  }
0xcc: {  	[sflag:s0] =	ssyncadd.remote.s32 $0x1  }
0xcd: {  	_ =	sfence.sel $0xFFFF  }
0xce: {  	[dreg:$0x0] =	wrdreg $0xFFFFFFFF;
	(pc) =	sbr.abs _section_cstart, $3  }
0xcf: {  	[dreg:$0x1] =	wrdreg $0xFFFFFFFF  }
0xd0: {  	_ =	task.clear_ibuf [dreg:s22], $0x2FFFF;
	_ =	strace $0x9FFFFFFF  }
0xd1: {  	(tm) =	ssettm $0x7FFFFFFF  }
tec
execute0_lowered:
.L_overlay_start_1:
0x0: {  	(tag) =	ssettag $0x1  }
0x1: {  	s1 =	srdreg.scid  }
0x2: {  	s18 =	rddreg [dreg:$0x0];
	s0 =	stileid.u32  }
0x3: {  	s2 =	rddreg [dreg:$0x1];
	s3 =	simm.s32 $0x0;
	s19 =	sand.u32 $0x1, s1  }
0x4: {  	s5 =	sshll.u32 s0, $0x8;
	s1 =	rddreg [dreg:$0x2];
	s4 =	sshll.u32 s19, $0xC  }
0x5: {  	[smem:$0x7FF] =	sst s3;
	s29 =	sshll.u32 s0, $0xE;
	s12 =	sor.u32 s5, s4  }
0x6: {  	s20 =	sshll.u32 s0, $0x6;
	_ =	strace $0x8000004D;
	s4 =	sshrl.u32 s12, $0x3  }
0x7: {  	s7 =	sadd.s32 s29, s2;
	s5 =	sor.u32 $0x1C03, s20;
	s8 =	sadd.s32 s4, s18  }
0x8: {  	s7 =	sshrl.u32 s7, $0x3;
	s4 =	sadd.s32 $0xAE800, s18;
	s6 =	sadd.s32 $0xE400, s8  }
0x9: {  	[spmem:s7], [sflag:s5] =	dma.local [hbm:s4], $0x800  }
0xa: {  	[tilespmem:s3], [sflag:$0x1] =	stream.linear.gather [hbm4b:s6+s3], $0x100, $0x38;
	[tilespmem:$0x14200] =	vst v63  }
0xb: {  	s9 =	simm.s32 $0x100;
	s10 =	simm.s32 $0x1;
	s8 =	sadd.s32 $0xDC00, s8  }
0xc: {  	[tilespmem:s9], [sflag:$0x2] =	stream.linear.gather [hbm4b:s8+s3], $0x100, $0x38;
	[tilespmem:$0x14200] =	vst v63  }
0xd: {  	_ =	swait.ge [sflag:s10], $0x100  }
0xe: {  	[sflag:s10] =	ssyncset.done $0x0  }
0xf: {  	s11 =	simm.s32 $0x2;
	[sflag:s10] =	ssyncadd.s32 $0xFFFFFF00  }
0x10: {  	s12 =	sshll.u32 s12, $0x4;
	_ =	swait.ge [sflag:s11], $0x100  }
0x11: {  	s14 =	sadd.s32 s12, s18;
	[sflag:s11] =	ssyncset.done $0x0  }
0x12: {  	s13 =	simm.s32 $0x200;
	s12 =	sadd.s32 $0xE800, s14;
	[sflag:s11] =	ssyncadd.s32 $0xFFFFFF00  }
0x13: {  	[tilespmem:s13], [sflag:$0x1] =	stream.linear.gather [hbm4b:s12+s3], $0x8000, $0x38;
	[tilespmem:$0x14200] =	vst v63  }
0x14: {  	s15 =	simm.s32 $0x8200;
	s16 =	simm.s32 $0x3;
	s14 =	sadd.s32 $0x2E800, s14  }
0x15: {  	[tilespmem:s15], [sflag:$0x2] =	stream.linear.gather [hbm4b:s14+s3], $0x8000, $0x38;
	[tilespmem:$0x14200] =	vst v63  }
0x16: {  	_ =	swait.ge [sflag:s16], $0x800  }
0x17: {  	[sflag:s16] =	ssyncset.done $0x0  }
0x18: {  	[sflag:s16] =	ssyncadd.s32 $0xFFFFF800  }
0x19: {  	[bflag:$0x0] =	sbarrier.arrive $0xFFFF  }
0x1a: {  	_ =	swait.ge [sflag:s10], $0x8000  }
0x1b: {  	[sflag:s10] =	ssyncset.done $0x0  }
0x1c: {  	s17 =	simm.s32 $0x4;
	[sflag:s10] =	ssyncadd.s32 $0xFFFF8000  }
0x1d: {  	[spmem:s2] =	stream.indirect.scatter.add.f32 [tilespmem:s13], [sflag:$0x4], $0x80, s3, s9, $0xb8;
	[tilespmem:$0x14200] =	vst v63  }
0x1e: {  	_ =	swait.ge [sflag:s17], $0x8000  }
0x1f: {  	[sflag:s17] =	ssyncset.done $0x0  }
0x20: {  	s21 =	sshll.u32 s0, $0xB;
	[sflag:s17] =	ssyncadd.s32 $0xFFFF8000  }
0x21: {  	s30 =	ssub.s32 $0x2, s19;
	s19 =	sshll.u32 s19, $0xF;
	_ =	swait.ge [sflag:s11], $0x8000  }
0x22: {  	s31 =	sshrl.u32 s30, $0x1;
	s18 =	sadd.s32 s21, s18;
	[sflag:s11] =	ssyncset.done $0x0  }
0x23: {  	s18 =	sadd.s32 s19, s18;
	s19 =	ssub.s32 s30, s31;
	[sflag:s11] =	ssyncadd.s32 $0xFFFF8000  }
0x24: {  	[spmem:s2] =	stream.indirect.scatter.add.f32 [tilespmem:s15], [sflag:$0x4], $0x80, s9, s9, $0xb8;
	[tilespmem:$0x14200] =	vst v63  }
0x25: {  	s21 =	smax.u32 s19, $0x1;
	_ =	swait.ge [sflag:s17], $0x8000  }
0x26: {  	p0 =	sne.s32 s21, $0x1;
	[sflag:s17] =	ssyncset.done $0x0  }
.Ltmp0:
0x27: {  	[sflag:s17] =	ssyncadd.s32 $0xFFFF8000;
	(pc) =	sbr.rel @!p0 .LBB2_2-.Ltmp0, $4  }
0x28: {  	s18 =	sadd.s32 $0xAF000, s18;
	s19 =	sor.u32 $0x1C04, s20;
	[bflag:$0x0] =	sbarrier.arrive $0xFFFF  }
0x29: {  	[hbm:s18], [sflag:s19] =	dma.local [spmem:s7], $0x800  }
0x2a: {  	_ =	swait.ge [sflag:s17], $0x800  }
0x2b: {  	s20 =	sadd.s32 $0xFFFFFFFF, s21;
	[sflag:s17] =	ssyncset.done $0x0  }
.LBB2_1:
0x2c: {  	p0 =	sne.s32 s20, $0x1;
	s20 =	sadd.s32 $0xFFFFFFFF, s20;
	[sflag:s17] =	ssyncadd.s32 $0xFFFFF800  }
0x2d: {  	[spmem:s7], [sflag:s5] =	dma.local [hbm:s4], $0x800  }
0x2e: {  	[tilespmem:s3], [sflag:$0x1] =	stream.linear.gather [hbm4b:s6+s3], $0x100, $0x38;
	[tilespmem:$0x14200] =	vst v63  }
0x2f: {  	_ = 	snop  }
0x30: {  	[tilespmem:s9], [sflag:$0x2] =	stream.linear.gather [hbm4b:s8+s3], $0x100, $0x38;
	[tilespmem:$0x14200] =	vst v63  }
0x31: {  	_ =	swait.ge [sflag:s10], $0x100  }
0x32: {  	[sflag:s10] =	ssyncset.done $0x0  }
0x33: {  	[sflag:s10] =	ssyncadd.s32 $0xFFFFFF00  }
0x34: {  	_ =	swait.ge [sflag:s11], $0x100  }
0x35: {  	[sflag:s11] =	ssyncset.done $0x0  }
0x36: {  	[sflag:s11] =	ssyncadd.s32 $0xFFFFFF00  }
0x37: {  	[tilespmem:s13], [sflag:$0x1] =	stream.linear.gather [hbm4b:s12+s3], $0x8000, $0x38;
	[tilespmem:$0x14200] =	vst v63  }
0x38: {  	_ = 	snop  }
0x39: {  	[tilespmem:s15], [sflag:$0x2] =	stream.linear.gather [hbm4b:s14+s3], $0x8000, $0x38;
	[tilespmem:$0x14200] =	vst v63  }
0x3a: {  	_ =	swait.ge [sflag:s16], $0x800  }
0x3b: {  	[sflag:s16] =	ssyncset.done $0x0  }
0x3c: {  	[sflag:s16] =	ssyncadd.s32 $0xFFFFF800  }
0x3d: {  	[bflag:$0x0] =	sbarrier.arrive $0xFFFF  }
0x3e: {  	_ =	swait.ge [sflag:s10], $0x8000  }
0x3f: {  	[sflag:s10] =	ssyncset.done $0x0  }
0x40: {  	[sflag:s10] =	ssyncadd.s32 $0xFFFF8000  }
0x41: {  	[spmem:s2] =	stream.indirect.scatter.add.f32 [tilespmem:s13], [sflag:$0x4], $0x80, s3, s9, $0xb8;
	[tilespmem:$0x14200] =	vst v63  }
0x42: {  	_ =	swait.ge [sflag:s17], $0x8000  }
0x43: {  	[sflag:s17] =	ssyncset.done $0x0  }
0x44: {  	[sflag:s17] =	ssyncadd.s32 $0xFFFF8000  }
0x45: {  	_ =	swait.ge [sflag:s11], $0x8000  }
0x46: {  	[sflag:s11] =	ssyncset.done $0x0  }
0x47: {  	[sflag:s11] =	ssyncadd.s32 $0xFFFF8000  }
0x48: {  	[spmem:s2] =	stream.indirect.scatter.add.f32 [tilespmem:s15], [sflag:$0x4], $0x80, s9, s9, $0xb8;
	[tilespmem:$0x14200] =	vst v63  }
0x49: {  	_ =	swait.ge [sflag:s17], $0x8000  }
0x4a: {  	[sflag:s17] =	ssyncset.done $0x0  }
.Ltmp1:
0x4b: {  	[sflag:s17] =	ssyncadd.s32 $0xFFFF8000;
	(pc) =	sbr.rel @p0 .LBB2_1-.Ltmp1, $4  }
0x4c: {  	[bflag:$0x0] =	sbarrier.arrive $0xFFFF  }
0x4d: {  	[hbm:s18], [sflag:s19] =	dma.local [spmem:s7], $0x800  }
0x4e: {  	_ =	swait.ge [sflag:s17], $0x800  }
0x4f: {  	[sflag:s17] =	ssyncset.done $0x0  }
.LBB2_2:
0x50: {  	[sflag:s17] =	ssyncadd.s32 $0xFFFFF800  }
0x51: {  	_ =	sfence.sel $0x180000  }
0x52: {  	[bflag:$0x0] =	sbarrier.arrive $0xFFFF  }
0x53: {  	p0 =	sne.s32 s0, $0x0;
	_ =	strace $0x9000004D  }
0x54: {  	s0 =	sadd.s32 @!p0 $0x100000, s1;
	[bflag:$0x2] =	sbarrier.arrive $0xFFFF  }
0x55: {  	[sflag:s0] =	ssyncadd.tile.s32 @!p0 $0x1;
	_ =	shalt  }
.Lfunc_end2:
_tile_overlayer_lowered:
.L_overlay_start_2:
0x56: {  	(tag) =	ssettag $0x2  }
0x57: {  	s0 =	rddreg [dreg:$0x0];
	s2 =	stileid.u32  }
0x58: {  	s1 =	rddreg [dreg:$0x1];
	p0 =	sne.s32 s2, $0x0  }
0x59: {  	s3 =	rddreg [dreg:$0x2];
	[bflag:$0x3] =	sbarrier.arrive $0xFFFF;
	s2 =	simm.s32 @!p0 $0x1C04  }
0x5a: {  	[timem:s3], [sflag:s2] =	dma.local @!p0 [hbm:s0], s1  }
0x5b: {  	s0 =	simm.s32 @!p0 $0x4  }
0x5c: {  	_ =	swait.ge @!p0 [sflag:s0], s1  }
0x5d: {  	s1 =	ssub.s32 @!p0 $0x0, s1;
	[sflag:s0] =	ssyncset.done @!p0 $0x0  }
0x5e: {  	[sflag:s0] =	ssyncadd.s32 @!p0 s1  }
0x5f: {  	[bflag:$0x3] =	sbarrier.arrive $0xFFFF  }
0x60: {  	_ =	shalt  }

// kernel: kernel.38.cloned.1.call-start
scs
__scs_entry_jumppad:
0x0: {  	(pc) =	sbr.rel $0x88, $3  }
0x1: {  	(tag) =	ssettag $0x0;
	lr =	simm.s32 $0x1  }
0x2: {  	[smem:$0x3F86] =	sst lr;
	_ =	strace $0xD0000000  }
0x3: {  	_ = 	snop  }
0x4: {  	_ = 	snop  }
0x5: {  	_ = 	snop  }
0x6: {  	_ = 	snop  }
0x7: {  	_ = 	snop  }
__scs_overlays_trampoline_lowered:
0x8: {  	[smem:$0x3F95] =	sst s0  }
0x9: {  	[smem:$0x3F96] =	sst s1  }
0xa: {  	[smem:$0x3F97] =	sst s2  }
0xb: {  	[smem:$0x3F98] =	sst s3  }
0xc: {  	[smem:$0x3F99] =	sst s4  }
0xd: {  	[smem:$0x3F9A] =	sst s5  }
0xe: {  	[smem:$0x3F9B] =	sst s6  }
0xf: {  	[smem:$0x3F9C] =	sst s7  }
0x10: {  	[smem:$0x3F9D] =	sst s8  }
0x11: {  	[smem:$0x3F9E] =	sst s9;
	s0 =	simm.s32 @!p0 $0x0  }
0x12: {  	s1 =	sld [smem:$0x3F84];
	s0 =	simm.s32 @p0 $0x1  }
0x13: {  	[smem:$0x3F9F] =	sst s0;
	s0 =	simm.s32 @!p1 $0x0  }
0x14: {  	s2 =	sld [smem:$0x3F83];
	s0 =	simm.s32 @p1 $0x1  }
0x15: {  	[smem:$0x3FA0] =	sst s0;
	s0 =	simm.s32 @!p2 $0x0  }
0x16: {  	s3 =	sld [smem:$0x3FDB];
	s0 =	simm.s32 @p2 $0x1  }
0x17: {  	s4 =	simm.s32 $0x1BF5;
	[smem:$0x3FA2] =	sst s0  }
0x18: {  	s0 =	sld [smem:$0x3F85];
	_ =	swait.ge [sflag:s4], $0x0  }
0x19: {  	s7 =	sld [smem:$0x3F86]  }
0x1a: {  	s8 =	sadd.s32 $0xFFFFE003, lr  }
0x1b: {  	s9 =	sadd.s32 $0xFFFFFEF7, lr;
	s5 =	simm.s32 $0xFFFFFFFF;
	p2 =	slt.u32 s8, $0xFFFFF086  }
0x1c: {  	p1 =	slt.u32 s9, $0xF7A;
	s5 =	simm.s32 @!p2 $0x0  }
0x1d: {  	s5 =	simm.s32 @p1 $0x1;
	p0 =	seq.s32 s7, s2  }
0x1e: {  	s7 =	smul.u32 @!p0 $0xF7A, s2;
	p2 =	seq.s32 @!p0 s5, $0x0  }
0x1f: {  	s9 =	smul.u32 $0xF7A, s1;
	s8 =	simm.s32 @!p0 $0x1BF5;
	p2 =	por !p2, p0  }
0x20: {  	[sflag:s8] =	ssyncset.s32 @!p0 $0xFFFFF086;
	s6 =	sadd.s32 @!p0 s3, s7;
	s7 =	simm.s32 @!p0 $0x108  }
0x21: {  	s3 =	sadd.s32 s3, s9;
	s6 =	sadd.s32 @!p0 $0x88, s6;
	s7 =	simm.s32 @p2 $0x1082  }
0x22: {  	[simem:s7], [sflag:s8] =	dma.local @!p0 [hbm:s6], $0xF7A  }
0x23: {  	s9 =	sor.u32 $0xD0000000, s2;
	s6 =	simm.s32 $0x108;
	_ =	swait.ge @!p0 [sflag:s8], $0x0  }
0x24: {  	s3 =	sadd.s32 $0x88, s3;
	s6 =	simm.s32 @!p1 $0x1082;
	[sflag:s4] =	ssyncset.s32 $0xFFFFF086  }
0x25: {  	[simem:s6], [sflag:s4] =	dma.local [hbm:s3], $0xF7A  }
0x26: {  	[smem:$0x3F86] =	sst s1;
	(tag) =	ssettag s2;
	_ =	strace s9  }
0x27: {  	s1 =	sld [smem:$0x3F96]  }
0x28: {  	s2 =	sld [smem:$0x3F97]  }
0x29: {  	s4 =	sld [smem:$0x3F99]  }
0x2a: {  	p0 =	seq.s32 s5, $0x0;
	s5 =	sld [smem:$0x3F9A]  }
0x2b: {  	s6 =	sld [smem:$0x3F9B]  }
0x2c: {  	s7 =	sld [smem:$0x3F9C]  }
0x2d: {  	s3 =	simm.s32 $0x108;
	s8 =	sld [smem:$0x3F9D]  }
0x2e: {  	s3 =	simm.s32 @!p0 $0x1082;
	s9 =	sld [smem:$0x3F9E]  }
0x2f: {  	lr =	sadd.s32 s0, s3;
	s0 =	sld [smem:$0x3F95]  }
0x30: {  	s3 =	sld [smem:$0x3F98]  }
0x31: {  	[smem:$0x3FA1] =	sst s10  }
0x32: {  	s10 =	sld [smem:$0x3F9F];
	_ =	sdelay $0x3  }
0x33: {  	p0 =	seq.s32 s10, $0x1;
	s10 =	sld [smem:$0x3FA1];
	_ =	sdelay $0x3  }
0x34: {  	[smem:$0x3FA1] =	sst s10  }
0x35: {  	s10 =	sld [smem:$0x3FA0];
	_ =	sdelay $0x3  }
0x36: {  	p1 =	seq.s32 s10, $0x1;
	s10 =	sld [smem:$0x3FA1];
	_ =	sdelay $0x3  }
0x37: {  	[smem:$0x3FA1] =	sst s10  }
0x38: {  	s10 =	sld [smem:$0x3FA2]  }
0x39: {  	_ = 	snop;
	(pc) =	sbr.ind lr, $3  }
0x3a: {  	_ = 	snop  }
0x3b: {  	_ = 	snop  }
0x3c: {  	p2 =	seq.s32 s10, $0x1;
	s10 =	sld [smem:$0x3FA1]  }
0x3d: {  	_ =	shalt  }
0x3e: {  	_ =	shalt  }
0x3f: {  	_ =	shalt  }
0x40: {  	_ =	shalt  }
0x41: {  	_ =	shalt  }
0x42: {  	_ =	shalt  }
0x43: {  	_ =	shalt  }
0x44: {  	_ =	shalt  }
0x45: {  	_ =	shalt  }
0x46: {  	_ =	shalt  }
0x47: {  	_ =	shalt  }
0x48: {  	_ =	shalt  }
0x49: {  	_ =	shalt  }
0x4a: {  	_ =	shalt  }
0x4b: {  	_ =	shalt  }
0x4c: {  	_ =	shalt  }
0x4d: {  	_ =	shalt  }
0x4e: {  	_ =	shalt  }
0x4f: {  	_ =	shalt  }
0x50: {  	_ =	shalt  }
0x51: {  	_ =	shalt  }
0x52: {  	_ =	shalt  }
0x53: {  	_ =	shalt  }
0x54: {  	_ =	shalt  }
0x55: {  	_ =	shalt  }
0x56: {  	_ =	shalt  }
0x57: {  	_ =	shalt  }
0x58: {  	_ =	shalt  }
0x59: {  	_ =	shalt  }
0x5a: {  	_ =	shalt  }
0x5b: {  	_ =	shalt  }
0x5c: {  	_ =	shalt  }
0x5d: {  	_ =	shalt  }
0x5e: {  	_ =	shalt  }
0x5f: {  	_ =	shalt  }
0x60: {  	_ =	shalt  }
0x61: {  	_ =	shalt  }
0x62: {  	_ =	shalt  }
0x63: {  	_ =	shalt  }
0x64: {  	_ =	shalt  }
0x65: {  	_ =	shalt  }
0x66: {  	_ =	shalt  }
0x67: {  	_ =	shalt  }
0x68: {  	_ =	shalt  }
0x69: {  	_ =	shalt  }
0x6a: {  	_ =	shalt  }
0x6b: {  	_ =	shalt  }
0x6c: {  	_ =	shalt  }
0x6d: {  	_ =	shalt  }
0x6e: {  	_ =	shalt  }
0x6f: {  	_ =	shalt  }
0x70: {  	_ =	shalt  }
0x71: {  	_ =	shalt  }
0x72: {  	_ =	shalt  }
0x73: {  	_ =	shalt  }
0x74: {  	_ =	shalt  }
0x75: {  	_ =	shalt  }
0x76: {  	_ =	shalt  }
0x77: {  	_ =	shalt  }
0x78: {  	_ =	shalt  }
0x79: {  	_ =	shalt  }
0x7a: {  	_ =	shalt  }
0x7b: {  	_ =	shalt  }
0x7c: {  	_ =	shalt  }
0x7d: {  	_ =	shalt  }
0x7e: {  	_ =	shalt  }
0x7f: {  	_ =	shalt  }
0x80: {  	_ =	shalt  }
0x81: {  	_ =	shalt  }
0x82: {  	_ =	shalt  }
0x83: {  	_ =	shalt  }
0x84: {  	_ =	shalt  }
0x85: {  	_ =	shalt  }
0x86: {  	_ =	shalt  }
0x87: {  	_ =	shalt  }
.Lfunc_end0:
.L_simem_size_0:
called_computation.4_lowered:
.L_overlay_start_0:
0x88: {  	s2 =	sld [smem:$0x3FD9]  }
0x89: {  	s3 =	sld [smem:$0x3FFE];
	_ =	sdelay $0x1  }
0x8a: {  	s1 =	srdreg.scid  }
0x8b: {  	s0 =	sand.u32 $0x1, s1  }
0x8c: {  	s15 =	sshll.u32 s0, $0xA;
	s2 =	sadd.s32 s3, s2  }
0x8d: {  	s2 =	sadd.s32 s2, s15  }
0x8e: {  	[smem:$0x3FAD] =	sst s2  }
0x8f: {  	_ = 	snop  }
0x90: {  	s2 =	sld [smem:$0x3FD0];
	_ =	sdelay $0x2  }
0x91: {  	s16 =	simm.s32 $0xB;
	s4 =	simm.s32 $0x10  }
0x92: {  	[smem:s4], [sflag:s16] =	dma.local [hbm:s2], $0x1  }
0x93: {  	_ =	swait.eq [sflag:s16], $0x1  }
0x94: {  	[sflag:s16] =	ssyncset.done $0x0  }
0x95: {  	[sflag:s16] =	ssyncadd.s32 $0xFFFFFFFF  }
0x96: {  	s17 =	sld [smem:$0x10];
	(tm) =	ssettm $0x1  }
0x97: {  	s18 =	sld [smem:$0x3FFB];
	_ =	sdelay $0x3  }
0x98: {  	_ =	strace s18  }
0x99: {  	s2 =	sld [smem:$0x3FFC];
	_ =	sdelay $0x3  }
0x9a: {  	_ =	strace s2  }
0x9b: {  	s2 =	sld [smem:$0x3FFD];
	_ =	sdelay $0x3  }
0x9c: {  	_ =	strace s2  }
0x9d: {  	_ =	strace $0x8FFFFFFF  }
0x9e: {  	s19 =	sld [smem:$0x3FDB];
	_ =	sdelay $0x1  }
0x9f: {  	s20 =	simm.s32 $_scs_section_size  }
0xa0: {  	s5 =	simm.s32 $_size__tile_overlayer_lowered;
	s6 =	simm.s32 $_tile_overlayer_lowered  }
0xa1: {  	s7 =	simm.s32 $0x1BFF;
	s21 =	sshll.u32 s6, $0x1;
	s4 =	sadd.s32 s20, s19  }
0xa2: {  	s22 =	simm.s32 $0x0;
	s5 =	sshll.u32 s5, $0x1;
	s6 =	sadd.s32 s21, s4  }
0xa3: {  	[timem:s22], [sflag:s7] =	dma.local [hbm:s6], s5  }
0xa4: {  	_ =	swait.ge [sflag:s7], s5  }
0xa5: {  	s5 =	ssub.s32 $0x0, s5;
	[sflag:s7] =	ssyncset.done $0x0  }
0xa6: {  	[sflag:s7] =	ssyncadd.s32 s5;
	_ =	sdelay $0x1  }
0xa7: {  	s23 =	simm.s32 $0x1B8B  }
0xa8: {  	_ =	swait.ge [sflag:s23], $0x1  }
0xa9: {  	[sflag:s23] =	ssyncset.done $0x0  }
0xaa: {  	[sflag:s23] =	ssyncadd.s32 $0xFFFFFFFF  }
0xab: {  	s5 =	sld [smem:$0x0]  }
0xac: {  	s6 =	sand.u32 $0xFFFFFFFE, s1  }
0xad: {  	p0 =	sne.s32 s1, s6  }
0xae: {  	s6 =	sshll.u32 @p0 s6, $0xE  }
0xaf: {  	s6 =	sadd.s32 @p0 $0x11B8D, s6;
	s7 =	sshll.u32 @p0 s5, $0x11  }
0xb0: {  	s6 =	sor.u32 @p0 s7, s6  }
0xb1: {  	[sflag:s6] =	ssyncadd.remote.s32 @p0 $0x1;
	_ =	sdelay $0x1  }
0xb2: {  	s6 =	simm.s32 @p0 $0x1B8D  }
0xb3: {  	_ =	swait.eq @p0 [sflag:s6], $0x1  }
0xb4: {  	[sflag:s6] =	ssyncadd.s32 @p0 $0xFFFFFFFF  }
0xb5: {  	s7 =	sshll.u32 @!p0 s1, $0xE  }
0xb6: {  	s7 =	sor.u32 @!p0 $0x4000, s7;
	s6 =	simm.s32 @!p0 $0x1B8D  }
0xb7: {  	s5 =	sshll.u32 @!p0 s5, $0x11;
	s7 =	sadd.s32 @!p0 $0x11B8D, s7;
	_ =	swait.eq @!p0 [sflag:s6], $0x1  }
0xb8: {  	s5 =	sor.u32 @!p0 s5, s7;
	[sflag:s6] =	ssyncadd.s32 @!p0 $0xFFFFFFFF  }
0xb9: {  	s25 =	simm.s32 $0x1B8E;
	s24 =	sld [smem:$0x3FFE];
	[sflag:s5] =	ssyncadd.remote.s32 @!p0 $0x1  }
0xba: {  	s26 =	simm.s32 $execute0_lowered;
	[smem:$0x3FD2] =	sst s25  }
0xbb: {  	s6 =	sshll.u32 s26, $0x1;
	_ =	strace $0x80000055;
	[dreg:$0x1] =	wrdreg $0xFFFFFFFF  }
0xbc: {  	s28 =	simm.s32 $_size_execute0_lowered;
	s4 =	sadd.s32 s4, s6;
	[dreg:$0x0] =	wrdreg $0x0  }
0xbd: {  	s6 =	sshll.u32 s28, $0x1;
	[dreg:$0x2] =	wrdreg s4  }
0xbe: {  	[dreg:$0x3] =	wrdreg s6  }
0xbf: {  	[dreg:$0x4] =	wrdreg $0xC0  }
0xc0: {  	_ =	task [dreg:s22], $0x5FFFF  }
0xc1: {  	[dreg:$0x1] =	wrdreg $0xFFFFFFFF  }
0xc2: {  	[dreg:$0x0] =	wrdreg $0x60  }
0xc3: {  	[dreg:$0x2] =	wrdreg s17  }
0xc4: {  	[dreg:$0x3] =	wrdreg s24  }
0xc5: {  	[dreg:$0x4] =	wrdreg $0x9  }
0xc6: {  	_ =	task.clear_ibuf [dreg:s22], $0x5FFFF;
	_ =	strace $0x90000055  }
0xc7: {  	s29 =	simm.s32 $0x9;
	_ =	strace $0x80000057  }
0xc8: {  	_ =	swait.ge [sflag:s29], $0x1  }
0xc9: {  	[sflag:s29] =	ssyncadd.s32 $0xFFFFFFFF  }
0xca: {  	_ =	strace $0x90000057  }
0xcb: {  	_ =	sfence  }
0xcc: {  	s30 =	sld [smem:$0x0];
	_ =	sdelay $0x2  }
0xcd: {  	s31 =	sshll.u32 s1, $0xD;
	s1 =	sshrl.u32 s1, $0x2  }
0xce: {  	s4 =	sand.u32 $0x4000, s31;
	s1 =	sadd.s32 s1, s30  }
0xcf: {  	s0 =	sor.u32 s4, s0;
	s1 =	sshll.u32 s1, $0x11  }
0xd0: {  	s0 =	sor.u32 s1, s0  }
0xd1: {  	s0 =	sadd.s32 $0x8F2B, s0  }
0xd2: {  	[sflag:s0] =	ssyncadd.remote.s32 $0x1  }
0xd3: {  	_ =	sfence.sel $0xFFFF  }
0xd4: {  	[dreg:$0x0] =	wrdreg $0xFFFFFFFF;
	(pc) =	sbr.abs _section_cstart, $3  }
0xd5: {  	[dreg:$0x1] =	wrdreg $0xFFFFFFFF  }
0xd6: {  	_ =	task.clear_ibuf [dreg:s22], $0x2FFFF;
	_ =	strace $0x9FFFFFFF  }
0xd7: {  	(tm) =	ssettm $0x7FFFFFFF  }
tec
execute0_lowered:
.L_overlay_start_1:
0x0: {  	(tag) =	ssettag $0x1  }
0x1: {  	s1 =	srdreg.scid  }
0x2: {  	s0 =	stileid.u32;
	s12 =	sand.u32 $0x1, s1  }
0x3: {  	s31 =	sshll.u32 s0, $0x9;
	s3 =	sshll.u32 s12, $0x8  }
0x4: {  	s2 =	rddreg [dreg:$0x0];
	s13 =	sor.u32 s3, s31  }
0x5: {  	s11 =	rddreg [dreg:$0x1];
	s3 =	simm.s32 $0x0;
	s4 =	sshrl.u32 s13, $0x3  }
0x6: {  	[smem:$0x7FF] =	sst s3;
	s5 =	sadd.s32 s4, s11  }
0x7: {  	s1 =	rddreg [dreg:$0x2];
	_ =	strace $0x80000056;
	s4 =	sadd.s32 $0xE000, s5  }
0x8: {  	[tilespmem:s3], [sflag:$0x1] =	stream.linear.gather [hbm4b:s4+s3], $0x100, $0x38;
	[tilespmem:$0x10200] =	vst v63  }
0x9: {  	s6 =	simm.s32 $0x100;
	s7 =	simm.s32 $0x1;
	s5 =	sadd.s32 $0xD800, s5  }
0xa: {  	[tilespmem:s6], [sflag:$0x2] =	stream.linear.gather [hbm4b:s5+s3], $0x100, $0x38;
	[tilespmem:$0x10200] =	vst v63  }
0xb: {  	_ =	swait.ge [sflag:s7], $0x100  }
0xc: {  	[sflag:s7] =	ssyncset.done $0x0  }
0xd: {  	s8 =	simm.s32 $0x200;
	s9 =	simm.s32 $0x2;
	[sflag:s7] =	ssyncadd.s32 $0xFFFFFF00  }
0xe: {  	[tilespmem:s8], [sflag:$0x1] =	stream.indirect.gather [hbm4b:s2+s6], $0x80, s3, s6, $0xb8;
	[tilespmem:$0x10200] =	vst v63  }
0xf: {  	_ =	swait.ge [sflag:s9], $0x100  }
0x10: {  	[sflag:s9] =	ssyncset.done $0x0  }
0x11: {  	s10 =	simm.s32 $0x8200;
	[sflag:s9] =	ssyncadd.s32 $0xFFFFFF00  }
0x12: {  	[tilespmem:s10], [sflag:$0x2] =	stream.indirect.gather [hbm4b:s2+s6], $0x80, s6, s6, $0xb8;
	[tilespmem:$0x10200] =	vst v63  }
0x13: {  	s13 =	sshll.u32 s13, $0x4;
	_ =	swait.ge [sflag:s7], $0x8000  }
0x14: {  	s14 =	ssub.s32 $0x2, s12;
	s13 =	sadd.s32 s13, s11;
	[sflag:s7] =	ssyncset.done $0x0  }
0x15: {  	s15 =	sshrl.u32 s14, $0x1;
	s11 =	sadd.s32 $0x4E800, s13;
	[sflag:s7] =	ssyncadd.s32 $0xFFFF8000  }
0x16: {  	[hbm4b:s11+s3] =	stream.linear.scatter [tilespmem:s8], [sflag:$0x3], $0x8000, $0x38;
	[tilespmem:$0x10200] =	vst v63  }
0x17: {  	s14 =	ssub.s32 s14, s15;
	_ =	swait.ge [sflag:s9], $0x8000  }
0x18: {  	s15 =	smax.u32 s14, $0x1;
	s12 =	sadd.s32 $0x6E800, s13;
	[sflag:s9] =	ssyncset.done $0x0  }
0x19: {  	s13 =	simm.s32 $0x3;
	p0 =	sne.s32 s15, $0x1;
	[sflag:s9] =	ssyncadd.s32 $0xFFFF8000  }
0x1a: {  	[hbm4b:s12+s3] =	stream.linear.scatter [tilespmem:s10], [sflag:$0x4], $0x8000, $0x38;
	[tilespmem:$0x10200] =	vst v63  }
.Ltmp0:
0x1b: {  	_ =	swait.ge [sflag:s13], $0x8000;
	(pc) =	sbr.rel @!p0 .LBB2_2-.Ltmp0, $4  }
0x1c: {  	[sflag:s13] =	ssyncset.done $0x0  }
0x1d: {  	s14 =	simm.s32 $0x4;
	[sflag:s13] =	ssyncadd.s32 $0xFFFF8000  }
0x1e: {  	_ =	swait.ge [sflag:s14], $0x8000  }
0x1f: {  	s15 =	sadd.s32 $0xFFFFFFFF, s15;
	[sflag:s14] =	ssyncset.done $0x0  }
.LBB2_1:
0x20: {  	p0 =	sne.s32 s15, $0x1;
	s15 =	sadd.s32 $0xFFFFFFFF, s15;
	[sflag:s14] =	ssyncadd.s32 $0xFFFF8000  }
0x21: {  	[tilespmem:s3], [sflag:$0x1] =	stream.linear.gather [hbm4b:s4+s3], $0x100, $0x38;
	[tilespmem:$0x10200] =	vst v63  }
0x22: {  	_ = 	snop  }
0x23: {  	[tilespmem:s6], [sflag:$0x2] =	stream.linear.gather [hbm4b:s5+s3], $0x100, $0x38;
	[tilespmem:$0x10200] =	vst v63  }
0x24: {  	_ =	swait.ge [sflag:s7], $0x100  }
0x25: {  	[sflag:s7] =	ssyncset.done $0x0  }
0x26: {  	[sflag:s7] =	ssyncadd.s32 $0xFFFFFF00  }
0x27: {  	[tilespmem:s8], [sflag:$0x1] =	stream.indirect.gather [hbm4b:s2+s6], $0x80, s3, s6, $0xb8;
	[tilespmem:$0x10200] =	vst v63  }
0x28: {  	_ =	swait.ge [sflag:s9], $0x100  }
0x29: {  	[sflag:s9] =	ssyncset.done $0x0  }
0x2a: {  	[sflag:s9] =	ssyncadd.s32 $0xFFFFFF00  }
0x2b: {  	[tilespmem:s10], [sflag:$0x2] =	stream.indirect.gather [hbm4b:s2+s6], $0x80, s6, s6, $0xb8;
	[tilespmem:$0x10200] =	vst v63  }
0x2c: {  	_ =	swait.ge [sflag:s7], $0x8000  }
0x2d: {  	[sflag:s7] =	ssyncset.done $0x0  }
0x2e: {  	[sflag:s7] =	ssyncadd.s32 $0xFFFF8000  }
0x2f: {  	[hbm4b:s11+s3] =	stream.linear.scatter [tilespmem:s8], [sflag:$0x3], $0x8000, $0x38;
	[tilespmem:$0x10200] =	vst v63  }
0x30: {  	_ =	swait.ge [sflag:s9], $0x8000  }
0x31: {  	[sflag:s9] =	ssyncset.done $0x0  }
0x32: {  	[sflag:s9] =	ssyncadd.s32 $0xFFFF8000  }
0x33: {  	[hbm4b:s12+s3] =	stream.linear.scatter [tilespmem:s10], [sflag:$0x4], $0x8000, $0x38;
	[tilespmem:$0x10200] =	vst v63  }
.Ltmp1:
0x34: {  	_ =	swait.ge [sflag:s13], $0x8000;
	(pc) =	sbr.rel @p0 .LBB2_1-.Ltmp1, $4  }
0x35: {  	[sflag:s13] =	ssyncset.done $0x0  }
0x36: {  	[sflag:s13] =	ssyncadd.s32 $0xFFFF8000  }
0x37: {  	_ =	swait.ge [sflag:s14], $0x8000  }
0x38: {  	[sflag:s14] =	ssyncset.done $0x0  }
.LBB2_2:
0x39: {  	[sflag:s14] =	ssyncadd.s32 $0xFFFF8000  }
0x3a: {  	_ =	sfence.sel $0x180000  }
0x3b: {  	[bflag:$0x0] =	sbarrier.arrive $0xFFFF  }
0x3c: {  	p0 =	sne.s32 s0, $0x0;
	_ =	strace $0x90000056  }
0x3d: {  	s0 =	sadd.s32 @!p0 $0x100000, s1;
	[bflag:$0x2] =	sbarrier.arrive $0xFFFF  }
0x3e: {  	[sflag:s0] =	ssyncadd.tile.s32 @!p0 $0x1;
	_ =	shalt  }
.Lfunc_end2:
_tile_overlayer_lowered:
.L_overlay_start_2:
0x3f: {  	(tag) =	ssettag $0x2  }
0x40: {  	s0 =	rddreg [dreg:$0x0];
	s2 =	stileid.u32  }
0x41: {  	s1 =	rddreg [dreg:$0x1];
	p0 =	sne.s32 s2, $0x0  }
0x42: {  	s3 =	rddreg [dreg:$0x2];
	[bflag:$0x3] =	sbarrier.arrive $0xFFFF;
	s2 =	simm.s32 @!p0 $0x1C05  }
0x43: {  	[timem:s3], [sflag:s2] =	dma.local @!p0 [hbm:s0], s1  }
0x44: {  	s0 =	simm.s32 @!p0 $0x5  }
0x45: {  	_ =	swait.ge @!p0 [sflag:s0], s1  }
0x46: {  	s1 =	ssub.s32 @!p0 $0x0, s1;
	[sflag:s0] =	ssyncset.done @!p0 $0x0  }
0x47: {  	[sflag:s0] =	ssyncadd.s32 @!p0 s1  }
0x48: {  	[bflag:$0x3] =	sbarrier.arrive $0xFFFF  }
0x49: {  	_ =	shalt  }

// kernel: kernel.41.cloned.1.call-start
scs
__scs_entry_jumppad:
0x0: {  	(pc) =	sbr.rel $0x88, $3  }
0x1: {  	(tag) =	ssettag $0x0;
	lr =	simm.s32 $0x1  }
0x2: {  	[smem:$0x3F86] =	sst lr;
	_ =	strace $0xD0000000  }
0x3: {  	_ = 	snop  }
0x4: {  	_ = 	snop  }
0x5: {  	_ = 	snop  }
0x6: {  	_ = 	snop  }
0x7: {  	_ = 	snop  }
__scs_overlays_trampoline_lowered:
0x8: {  	[smem:$0x3F95] =	sst s0  }
0x9: {  	[smem:$0x3F96] =	sst s1  }
0xa: {  	[smem:$0x3F97] =	sst s2  }
0xb: {  	[smem:$0x3F98] =	sst s3  }
0xc: {  	[smem:$0x3F99] =	sst s4  }
0xd: {  	[smem:$0x3F9A] =	sst s5  }
0xe: {  	[smem:$0x3F9B] =	sst s6  }
0xf: {  	[smem:$0x3F9C] =	sst s7  }
0x10: {  	[smem:$0x3F9D] =	sst s8  }
0x11: {  	[smem:$0x3F9E] =	sst s9;
	s0 =	simm.s32 @!p0 $0x0  }
0x12: {  	s1 =	sld [smem:$0x3F84];
	s0 =	simm.s32 @p0 $0x1  }
0x13: {  	[smem:$0x3F9F] =	sst s0;
	s0 =	simm.s32 @!p1 $0x0  }
0x14: {  	s2 =	sld [smem:$0x3F83];
	s0 =	simm.s32 @p1 $0x1  }
0x15: {  	[smem:$0x3FA0] =	sst s0;
	s0 =	simm.s32 @!p2 $0x0  }
0x16: {  	s3 =	sld [smem:$0x3FDB];
	s0 =	simm.s32 @p2 $0x1  }
0x17: {  	s4 =	simm.s32 $0x1BF5;
	[smem:$0x3FA2] =	sst s0  }
0x18: {  	s0 =	sld [smem:$0x3F85];
	_ =	swait.ge [sflag:s4], $0x0  }
0x19: {  	s7 =	sld [smem:$0x3F86]  }
0x1a: {  	s8 =	sadd.s32 $0xFFFFE003, lr  }
0x1b: {  	s9 =	sadd.s32 $0xFFFFFEF7, lr;
	s5 =	simm.s32 $0xFFFFFFFF;
	p2 =	slt.u32 s8, $0xFFFFF086  }
0x1c: {  	p1 =	slt.u32 s9, $0xF7A;
	s5 =	simm.s32 @!p2 $0x0  }
0x1d: {  	s5 =	simm.s32 @p1 $0x1;
	p0 =	seq.s32 s7, s2  }
0x1e: {  	s7 =	smul.u32 @!p0 $0xF7A, s2;
	p2 =	seq.s32 @!p0 s5, $0x0  }
0x1f: {  	s9 =	smul.u32 $0xF7A, s1;
	s8 =	simm.s32 @!p0 $0x1BF5;
	p2 =	por !p2, p0  }
0x20: {  	[sflag:s8] =	ssyncset.s32 @!p0 $0xFFFFF086;
	s6 =	sadd.s32 @!p0 s3, s7;
	s7 =	simm.s32 @!p0 $0x108  }
0x21: {  	s3 =	sadd.s32 s3, s9;
	s6 =	sadd.s32 @!p0 $0x88, s6;
	s7 =	simm.s32 @p2 $0x1082  }
0x22: {  	[simem:s7], [sflag:s8] =	dma.local @!p0 [hbm:s6], $0xF7A  }
0x23: {  	s9 =	sor.u32 $0xD0000000, s2;
	s6 =	simm.s32 $0x108;
	_ =	swait.ge @!p0 [sflag:s8], $0x0  }
0x24: {  	s3 =	sadd.s32 $0x88, s3;
	s6 =	simm.s32 @!p1 $0x1082;
	[sflag:s4] =	ssyncset.s32 $0xFFFFF086  }
0x25: {  	[simem:s6], [sflag:s4] =	dma.local [hbm:s3], $0xF7A  }
0x26: {  	[smem:$0x3F86] =	sst s1;
	(tag) =	ssettag s2;
	_ =	strace s9  }
0x27: {  	s1 =	sld [smem:$0x3F96]  }
0x28: {  	s2 =	sld [smem:$0x3F97]  }
0x29: {  	s4 =	sld [smem:$0x3F99]  }
0x2a: {  	p0 =	seq.s32 s5, $0x0;
	s5 =	sld [smem:$0x3F9A]  }
0x2b: {  	s6 =	sld [smem:$0x3F9B]  }
0x2c: {  	s7 =	sld [smem:$0x3F9C]  }
0x2d: {  	s3 =	simm.s32 $0x108;
	s8 =	sld [smem:$0x3F9D]  }
0x2e: {  	s3 =	simm.s32 @!p0 $0x1082;
	s9 =	sld [smem:$0x3F9E]  }
0x2f: {  	lr =	sadd.s32 s0, s3;
	s0 =	sld [smem:$0x3F95]  }
0x30: {  	s3 =	sld [smem:$0x3F98]  }
0x31: {  	[smem:$0x3FA1] =	sst s10  }
0x32: {  	s10 =	sld [smem:$0x3F9F];
	_ =	sdelay $0x3  }
0x33: {  	p0 =	seq.s32 s10, $0x1;
	s10 =	sld [smem:$0x3FA1];
	_ =	sdelay $0x3  }
0x34: {  	[smem:$0x3FA1] =	sst s10  }
0x35: {  	s10 =	sld [smem:$0x3FA0];
	_ =	sdelay $0x3  }
0x36: {  	p1 =	seq.s32 s10, $0x1;
	s10 =	sld [smem:$0x3FA1];
	_ =	sdelay $0x3  }
0x37: {  	[smem:$0x3FA1] =	sst s10  }
0x38: {  	s10 =	sld [smem:$0x3FA2]  }
0x39: {  	_ = 	snop;
	(pc) =	sbr.ind lr, $3  }
0x3a: {  	_ = 	snop  }
0x3b: {  	_ = 	snop  }
0x3c: {  	p2 =	seq.s32 s10, $0x1;
	s10 =	sld [smem:$0x3FA1]  }
0x3d: {  	_ =	shalt  }
0x3e: {  	_ =	shalt  }
0x3f: {  	_ =	shalt  }
0x40: {  	_ =	shalt  }
0x41: {  	_ =	shalt  }
0x42: {  	_ =	shalt  }
0x43: {  	_ =	shalt  }
0x44: {  	_ =	shalt  }
0x45: {  	_ =	shalt  }
0x46: {  	_ =	shalt  }
0x47: {  	_ =	shalt  }
0x48: {  	_ =	shalt  }
0x49: {  	_ =	shalt  }
0x4a: {  	_ =	shalt  }
0x4b: {  	_ =	shalt  }
0x4c: {  	_ =	shalt  }
0x4d: {  	_ =	shalt  }
0x4e: {  	_ =	shalt  }
0x4f: {  	_ =	shalt  }
0x50: {  	_ =	shalt  }
0x51: {  	_ =	shalt  }
0x52: {  	_ =	shalt  }
0x53: {  	_ =	shalt  }
0x54: {  	_ =	shalt  }
0x55: {  	_ =	shalt  }
0x56: {  	_ =	shalt  }
0x57: {  	_ =	shalt  }
0x58: {  	_ =	shalt  }
0x59: {  	_ =	shalt  }
0x5a: {  	_ =	shalt  }
0x5b: {  	_ =	shalt  }
0x5c: {  	_ =	shalt  }
0x5d: {  	_ =	shalt  }
0x5e: {  	_ =	shalt  }
0x5f: {  	_ =	shalt  }
0x60: {  	_ =	shalt  }
0x61: {  	_ =	shalt  }
0x62: {  	_ =	shalt  }
0x63: {  	_ =	shalt  }
0x64: {  	_ =	shalt  }
0x65: {  	_ =	shalt  }
0x66: {  	_ =	shalt  }
0x67: {  	_ =	shalt  }
0x68: {  	_ =	shalt  }
0x69: {  	_ =	shalt  }
0x6a: {  	_ =	shalt  }
0x6b: {  	_ =	shalt  }
0x6c: {  	_ =	shalt  }
0x6d: {  	_ =	shalt  }
0x6e: {  	_ =	shalt  }
0x6f: {  	_ =	shalt  }
0x70: {  	_ =	shalt  }
0x71: {  	_ =	shalt  }
0x72: {  	_ =	shalt  }
0x73: {  	_ =	shalt  }
0x74: {  	_ =	shalt  }
0x75: {  	_ =	shalt  }
0x76: {  	_ =	shalt  }
0x77: {  	_ =	shalt  }
0x78: {  	_ =	shalt  }
0x79: {  	_ =	shalt  }
0x7a: {  	_ =	shalt  }
0x7b: {  	_ =	shalt  }
0x7c: {  	_ =	shalt  }
0x7d: {  	_ =	shalt  }
0x7e: {  	_ =	shalt  }
0x7f: {  	_ =	shalt  }
0x80: {  	_ =	shalt  }
0x81: {  	_ =	shalt  }
0x82: {  	_ =	shalt  }
0x83: {  	_ =	shalt  }
0x84: {  	_ =	shalt  }
0x85: {  	_ =	shalt  }
0x86: {  	_ =	shalt  }
0x87: {  	_ =	shalt  }
.Lfunc_end0:
.L_simem_size_0:
called_computation.5_lowered:
.L_overlay_start_0:
0x88: {  	s2 =	sld [smem:$0x3FD9]  }
0x89: {  	s3 =	sld [smem:$0x3FFE];
	_ =	sdelay $0x1  }
0x8a: {  	s1 =	srdreg.scid  }
0x8b: {  	s0 =	sand.u32 $0x1, s1  }
0x8c: {  	s15 =	sshll.u32 s0, $0xA;
	s2 =	sadd.s32 s3, s2  }
0x8d: {  	s2 =	sadd.s32 s2, s15  }
0x8e: {  	[smem:$0x3FAD] =	sst s2  }
0x8f: {  	_ = 	snop  }
0x90: {  	s2 =	sld [smem:$0x3FD0];
	_ =	sdelay $0x2  }
0x91: {  	s16 =	simm.s32 $0xB;
	s4 =	simm.s32 $0x10  }
0x92: {  	[smem:s4], [sflag:s16] =	dma.local [hbm:s2], $0x1  }
0x93: {  	_ =	swait.eq [sflag:s16], $0x1  }
0x94: {  	[sflag:s16] =	ssyncset.done $0x0  }
0x95: {  	[sflag:s16] =	ssyncadd.s32 $0xFFFFFFFF  }
0x96: {  	s17 =	sld [smem:$0x11];
	(tm) =	ssettm $0x1  }
0x97: {  	s18 =	sld [smem:$0x3FFB];
	_ =	sdelay $0x3  }
0x98: {  	_ =	strace s18  }
0x99: {  	s2 =	sld [smem:$0x3FFC];
	_ =	sdelay $0x3  }
0x9a: {  	_ =	strace s2  }
0x9b: {  	s2 =	sld [smem:$0x3FFD];
	_ =	sdelay $0x3  }
0x9c: {  	_ =	strace s2  }
0x9d: {  	_ =	strace $0x8FFFFFFF  }
0x9e: {  	s19 =	sld [smem:$0x3FDB];
	_ =	sdelay $0x1  }
0x9f: {  	s20 =	simm.s32 $_scs_section_size  }
0xa0: {  	s5 =	simm.s32 $_size__tile_overlayer_lowered;
	s6 =	simm.s32 $_tile_overlayer_lowered  }
0xa1: {  	s7 =	simm.s32 $0x1BFF;
	s21 =	sshll.u32 s6, $0x1;
	s4 =	sadd.s32 s20, s19  }
0xa2: {  	s22 =	simm.s32 $0x0;
	s5 =	sshll.u32 s5, $0x1;
	s6 =	sadd.s32 s21, s4  }
0xa3: {  	[timem:s22], [sflag:s7] =	dma.local [hbm:s6], s5  }
0xa4: {  	_ =	swait.ge [sflag:s7], s5  }
0xa5: {  	s5 =	ssub.s32 $0x0, s5;
	[sflag:s7] =	ssyncset.done $0x0  }
0xa6: {  	[sflag:s7] =	ssyncadd.s32 s5;
	_ =	sdelay $0x1  }
0xa7: {  	s23 =	simm.s32 $0x1B8B  }
0xa8: {  	_ =	swait.ge [sflag:s23], $0x1  }
0xa9: {  	[sflag:s23] =	ssyncset.done $0x0  }
0xaa: {  	[sflag:s23] =	ssyncadd.s32 $0xFFFFFFFF  }
0xab: {  	s5 =	sld [smem:$0x0]  }
0xac: {  	s6 =	sand.u32 $0xFFFFFFFE, s1  }
0xad: {  	p0 =	sne.s32 s1, s6  }
0xae: {  	s6 =	sshll.u32 @p0 s6, $0xE  }
0xaf: {  	s6 =	sadd.s32 @p0 $0x11B8D, s6;
	s7 =	sshll.u32 @p0 s5, $0x11  }
0xb0: {  	s6 =	sor.u32 @p0 s7, s6  }
0xb1: {  	[sflag:s6] =	ssyncadd.remote.s32 @p0 $0x1;
	_ =	sdelay $0x1  }
0xb2: {  	s6 =	simm.s32 @p0 $0x1B8D  }
0xb3: {  	_ =	swait.eq @p0 [sflag:s6], $0x1  }
0xb4: {  	[sflag:s6] =	ssyncadd.s32 @p0 $0xFFFFFFFF  }
0xb5: {  	s7 =	sshll.u32 @!p0 s1, $0xE  }
0xb6: {  	s7 =	sor.u32 @!p0 $0x4000, s7;
	s6 =	simm.s32 @!p0 $0x1B8D  }
0xb7: {  	s5 =	sshll.u32 @!p0 s5, $0x11;
	s7 =	sadd.s32 @!p0 $0x11B8D, s7;
	_ =	swait.eq @!p0 [sflag:s6], $0x1  }
0xb8: {  	s5 =	sor.u32 @!p0 s5, s7;
	[sflag:s6] =	ssyncadd.s32 @!p0 $0xFFFFFFFF  }
0xb9: {  	s25 =	simm.s32 $0x1B8E;
	s24 =	sld [smem:$0x3FFE];
	[sflag:s5] =	ssyncadd.remote.s32 @!p0 $0x1  }
0xba: {  	s26 =	simm.s32 $execute0_lowered;
	[smem:$0x3FD2] =	sst s25  }
0xbb: {  	s6 =	sshll.u32 s26, $0x1;
	_ =	strace $0x8000005B;
	[dreg:$0x1] =	wrdreg $0xFFFFFFFF  }
0xbc: {  	s28 =	simm.s32 $_size_execute0_lowered;
	s4 =	sadd.s32 s4, s6;
	[dreg:$0x0] =	wrdreg $0x0  }
0xbd: {  	s6 =	sshll.u32 s28, $0x1;
	[dreg:$0x2] =	wrdreg s4  }
0xbe: {  	[dreg:$0x3] =	wrdreg s6  }
0xbf: {  	[dreg:$0x4] =	wrdreg $0xC0  }
0xc0: {  	_ =	task [dreg:s22], $0x5FFFF  }
0xc1: {  	[dreg:$0x1] =	wrdreg $0xFFFFFFFF  }
0xc2: {  	[dreg:$0x0] =	wrdreg $0x60  }
0xc3: {  	[dreg:$0x2] =	wrdreg s24  }
0xc4: {  	[dreg:$0x3] =	wrdreg s17  }
0xc5: {  	[dreg:$0x4] =	wrdreg $0x102000  }
0xc6: {  	[dreg:$0x5] =	wrdreg $0x9  }
0xc7: {  	_ =	task.clear_ibuf [dreg:s22], $0x6FFFF;
	_ =	strace $0x9000005B  }
0xc8: {  	s29 =	simm.s32 $0x9;
	_ =	strace $0x8000005D  }
0xc9: {  	_ =	swait.ge [sflag:s29], $0x1  }
0xca: {  	[sflag:s29] =	ssyncadd.s32 $0xFFFFFFFF  }
0xcb: {  	_ =	strace $0x9000005D  }
0xcc: {  	_ =	sfence  }
0xcd: {  	s30 =	sld [smem:$0x0];
	_ =	sdelay $0x2  }
0xce: {  	s31 =	sshll.u32 s1, $0xD;
	s1 =	sshrl.u32 s1, $0x2  }
0xcf: {  	s4 =	sand.u32 $0x4000, s31;
	s1 =	sadd.s32 s1, s30  }
0xd0: {  	s0 =	sor.u32 s4, s0;
	s1 =	sshll.u32 s1, $0x11  }
0xd1: {  	s0 =	sor.u32 s1, s0  }
0xd2: {  	s0 =	sadd.s32 $0x8F2B, s0  }
0xd3: {  	[sflag:s0] =	ssyncadd.remote.s32 $0x1  }
0xd4: {  	_ =	sfence.sel $0xFFFF  }
0xd5: {  	[dreg:$0x0] =	wrdreg $0xFFFFFFFF;
	(pc) =	sbr.abs _section_cstart, $3  }
0xd6: {  	[dreg:$0x1] =	wrdreg $0xFFFFFFFF  }
0xd7: {  	_ =	task.clear_ibuf [dreg:s22], $0x2FFFF;
	_ =	strace $0x9FFFFFFF  }
0xd8: {  	(tm) =	ssettm $0x7FFFFFFF  }
0xd9: {  	_ =	shalt  }
tec
execute0_lowered:
.L_overlay_start_1:
0x0: {  	(tag) =	ssettag $0x1  }
0x1: {  	s12 =	rddreg [dreg:$0x0];
	s1 =	srdreg.scid  }
0x2: {  	s18 =	rddreg [dreg:$0x1];
	s0 =	stileid.u32  }
0x3: {  	s2 =	rddreg [dreg:$0x2];
	s3 =	simm.s32 $0x0;
	s19 =	sand.u32 $0x1, s1  }
0x4: {  	s5 =	sshll.u32 s0, $0x8;
	s1 =	rddreg [dreg:$0x3];
	s4 =	sshll.u32 s19, $0xC  }
0x5: {  	[smem:$0x7FF] =	sst s3;
	s30 =	sshll.u32 s0, $0xE;
	s13 =	sor.u32 s5, s4  }
0x6: {  	s20 =	sshll.u32 s0, $0x6;
	_ =	strace $0x8000005C;
	s4 =	sshrl.u32 s13, $0x3  }
0x7: {  	s7 =	sadd.s32 s30, s2;
	s5 =	sor.u32 $0x1C03, s20;
	s8 =	sadd.s32 s4, s12  }
0x8: {  	s7 =	sshrl.u32 s7, $0x3;
	s4 =	sadd.s32 $0xAE800, s12;
	s6 =	sadd.s32 $0xE000, s8  }
0x9: {  	[spmem:s7], [sflag:s5] =	dma.local [hbm:s4], $0x800  }
0xa: {  	[tilespmem:s3], [sflag:$0x1] =	stream.linear.gather [hbm4b:s6+s3], $0x100, $0x38;
	[tilespmem:$0x14200] =	vst v63  }
0xb: {  	s9 =	simm.s32 $0x100;
	s10 =	simm.s32 $0x1;
	s8 =	sadd.s32 $0xD800, s8  }
0xc: {  	[tilespmem:s9], [sflag:$0x2] =	stream.linear.gather [hbm4b:s8+s3], $0x100, $0x38;
	[tilespmem:$0x14200] =	vst v63  }
0xd: {  	_ =	swait.ge [sflag:s10], $0x100  }
0xe: {  	[sflag:s10] =	ssyncset.done $0x0  }
0xf: {  	s11 =	simm.s32 $0x2;
	[sflag:s10] =	ssyncadd.s32 $0xFFFFFF00  }
0x10: {  	s13 =	sshll.u32 s13, $0x4;
	_ =	swait.ge [sflag:s11], $0x100  }
0x11: {  	s14 =	sadd.s32 s13, s12;
	[sflag:s11] =	ssyncset.done $0x0  }
0x12: {  	s13 =	simm.s32 $0x200;
	s12 =	sadd.s32 $0x4E800, s14;
	[sflag:s11] =	ssyncadd.s32 $0xFFFFFF00  }
0x13: {  	[tilespmem:s13], [sflag:$0x1] =	stream.linear.gather [hbm4b:s12+s3], $0x8000, $0x38;
	[tilespmem:$0x14200] =	vst v63  }
0x14: {  	s15 =	simm.s32 $0x8200;
	s16 =	simm.s32 $0x3;
	s14 =	sadd.s32 $0x6E800, s14  }
0x15: {  	[tilespmem:s15], [sflag:$0x2] =	stream.linear.gather [hbm4b:s14+s3], $0x8000, $0x38;
	[tilespmem:$0x14200] =	vst v63  }
0x16: {  	_ =	swait.ge [sflag:s16], $0x800  }
0x17: {  	[sflag:s16] =	ssyncset.done $0x0  }
0x18: {  	[sflag:s16] =	ssyncadd.s32 $0xFFFFF800  }
0x19: {  	[bflag:$0x0] =	sbarrier.arrive $0xFFFF  }
0x1a: {  	_ =	swait.ge [sflag:s10], $0x8000  }
0x1b: {  	[sflag:s10] =	ssyncset.done $0x0  }
0x1c: {  	s17 =	simm.s32 $0x4;
	[sflag:s10] =	ssyncadd.s32 $0xFFFF8000  }
0x1d: {  	[spmem:s2] =	stream.indirect.scatter.add.f32 [tilespmem:s13], [sflag:$0x4], $0x80, s3, s9, $0xb8;
	[tilespmem:$0x14200] =	vst v63  }
0x1e: {  	_ =	swait.ge [sflag:s17], $0x8000  }
0x1f: {  	[sflag:s17] =	ssyncset.done $0x0  }
0x20: {  	[sflag:s17] =	ssyncadd.s32 $0xFFFF8000  }
0x21: {  	s22 =	ssub.s32 $0x2, s19;
	_ =	swait.ge [sflag:s11], $0x8000  }
0x22: {  	s21 =	sshll.u32 s0, $0xB;
	s31 =	sshrl.u32 s22, $0x1;
	[sflag:s11] =	ssyncset.done $0x0  }
0x23: {  	s18 =	sadd.s32 s18, s21;
	s21 =	ssub.s32 s22, s31;
	[sflag:s11] =	ssyncadd.s32 $0xFFFF8000  }
0x24: {  	[spmem:s2] =	stream.indirect.scatter.add.f32 [tilespmem:s15], [sflag:$0x4], $0x80, s9, s9, $0xb8;
	[tilespmem:$0x14200] =	vst v63  }
0x25: {  	s21 =	smax.u32 s21, $0x1;
	_ =	swait.ge [sflag:s17], $0x8000  }
0x26: {  	p0 =	sne.s32 s21, $0x1;
	[sflag:s17] =	ssyncset.done $0x0  }
.Ltmp0:
0x27: {  	s19 =	sshll.u32 s19, $0xF;
	[sflag:s17] =	ssyncadd.s32 $0xFFFF8000;
	(pc) =	sbr.rel @!p0 .LBB2_2-.Ltmp0, $4  }
0x28: {  	s18 =	sadd.s32 s19, s18;
	s19 =	sor.u32 $0x1C04, s20;
	[bflag:$0x0] =	sbarrier.arrive $0xFFFF  }
0x29: {  	[hbm:s18], [sflag:s19] =	dma.local [spmem:s7], $0x800  }
0x2a: {  	_ =	swait.ge [sflag:s17], $0x800  }
0x2b: {  	s20 =	sadd.s32 $0xFFFFFFFF, s21;
	[sflag:s17] =	ssyncset.done $0x0  }
.LBB2_1:
0x2c: {  	p0 =	sne.s32 s20, $0x1;
	s20 =	sadd.s32 $0xFFFFFFFF, s20;
	[sflag:s17] =	ssyncadd.s32 $0xFFFFF800  }
0x2d: {  	[spmem:s7], [sflag:s5] =	dma.local [hbm:s4], $0x800  }
0x2e: {  	[tilespmem:s3], [sflag:$0x1] =	stream.linear.gather [hbm4b:s6+s3], $0x100, $0x38;
	[tilespmem:$0x14200] =	vst v63  }
0x2f: {  	_ = 	snop  }
0x30: {  	[tilespmem:s9], [sflag:$0x2] =	stream.linear.gather [hbm4b:s8+s3], $0x100, $0x38;
	[tilespmem:$0x14200] =	vst v63  }
0x31: {  	_ =	swait.ge [sflag:s10], $0x100  }
0x32: {  	[sflag:s10] =	ssyncset.done $0x0  }
0x33: {  	[sflag:s10] =	ssyncadd.s32 $0xFFFFFF00  }
0x34: {  	_ =	swait.ge [sflag:s11], $0x100  }
0x35: {  	[sflag:s11] =	ssyncset.done $0x0  }
0x36: {  	[sflag:s11] =	ssyncadd.s32 $0xFFFFFF00  }
0x37: {  	[tilespmem:s13], [sflag:$0x1] =	stream.linear.gather [hbm4b:s12+s3], $0x8000, $0x38;
	[tilespmem:$0x14200] =	vst v63  }
0x38: {  	_ = 	snop  }
0x39: {  	[tilespmem:s15], [sflag:$0x2] =	stream.linear.gather [hbm4b:s14+s3], $0x8000, $0x38;
	[tilespmem:$0x14200] =	vst v63  }
0x3a: {  	_ =	swait.ge [sflag:s16], $0x800  }
0x3b: {  	[sflag:s16] =	ssyncset.done $0x0  }
0x3c: {  	[sflag:s16] =	ssyncadd.s32 $0xFFFFF800  }
0x3d: {  	[bflag:$0x0] =	sbarrier.arrive $0xFFFF  }
0x3e: {  	_ =	swait.ge [sflag:s10], $0x8000  }
0x3f: {  	[sflag:s10] =	ssyncset.done $0x0  }
0x40: {  	[sflag:s10] =	ssyncadd.s32 $0xFFFF8000  }
0x41: {  	[spmem:s2] =	stream.indirect.scatter.add.f32 [tilespmem:s13], [sflag:$0x4], $0x80, s3, s9, $0xb8;
	[tilespmem:$0x14200] =	vst v63  }
0x42: {  	_ =	swait.ge [sflag:s17], $0x8000  }
0x43: {  	[sflag:s17] =	ssyncset.done $0x0  }
0x44: {  	[sflag:s17] =	ssyncadd.s32 $0xFFFF8000  }
0x45: {  	_ =	swait.ge [sflag:s11], $0x8000  }
0x46: {  	[sflag:s11] =	ssyncset.done $0x0  }
0x47: {  	[sflag:s11] =	ssyncadd.s32 $0xFFFF8000  }
0x48: {  	[spmem:s2] =	stream.indirect.scatter.add.f32 [tilespmem:s15], [sflag:$0x4], $0x80, s9, s9, $0xb8;
	[tilespmem:$0x14200] =	vst v63  }
0x49: {  	_ =	swait.ge [sflag:s17], $0x8000  }
0x4a: {  	[sflag:s17] =	ssyncset.done $0x0  }
.Ltmp1:
0x4b: {  	[sflag:s17] =	ssyncadd.s32 $0xFFFF8000;
	(pc) =	sbr.rel @p0 .LBB2_1-.Ltmp1, $4  }
0x4c: {  	[bflag:$0x0] =	sbarrier.arrive $0xFFFF  }
0x4d: {  	[hbm:s18], [sflag:s19] =	dma.local [spmem:s7], $0x800  }
0x4e: {  	_ =	swait.ge [sflag:s17], $0x800  }
0x4f: {  	[sflag:s17] =	ssyncset.done $0x0  }
.LBB2_2:
0x50: {  	[sflag:s17] =	ssyncadd.s32 $0xFFFFF800  }
0x51: {  	_ =	sfence.sel $0x180000  }
0x52: {  	[bflag:$0x0] =	sbarrier.arrive $0xFFFF  }
0x53: {  	p0 =	sne.s32 s0, $0x0;
	_ =	strace $0x9000005C  }
0x54: {  	s0 =	sadd.s32 @!p0 $0x100000, s1;
	[bflag:$0x2] =	sbarrier.arrive $0xFFFF  }
0x55: {  	[sflag:s0] =	ssyncadd.tile.s32 @!p0 $0x1;
	_ =	shalt  }
.Lfunc_end2:
_tile_overlayer_lowered:
.L_overlay_start_2:
0x56: {  	(tag) =	ssettag $0x2  }
0x57: {  	s0 =	rddreg [dreg:$0x0];
	s2 =	stileid.u32  }
0x58: {  	s1 =	rddreg [dreg:$0x1];
	p0 =	sne.s32 s2, $0x0  }
0x59: {  	s3 =	rddreg [dreg:$0x2];
	[bflag:$0x3] =	sbarrier.arrive $0xFFFF;
	s2 =	simm.s32 @!p0 $0x1C04  }
0x5a: {  	[timem:s3], [sflag:s2] =	dma.local @!p0 [hbm:s0], s1  }
0x5b: {  	s0 =	simm.s32 @!p0 $0x4  }
0x5c: {  	_ =	swait.ge @!p0 [sflag:s0], s1  }
0x5d: {  	s1 =	ssub.s32 @!p0 $0x0, s1;
	[sflag:s0] =	ssyncset.done @!p0 $0x0  }
0x5e: {  	[sflag:s0] =	ssyncadd.s32 @!p0 s1  }
0x5f: {  	[bflag:$0x3] =	sbarrier.arrive $0xFFFF  }
0x60: {  	_ =	shalt  }

// kernel: kernel.44.cloned.1.call-start
scs
__scs_entry_jumppad:
0x0: {  	(pc) =	sbr.rel $0x88, $3  }
0x1: {  	(tag) =	ssettag $0x0;
	lr =	simm.s32 $0x1  }
0x2: {  	[smem:$0x3F86] =	sst lr;
	_ =	strace $0xD0000000  }
0x3: {  	_ = 	snop  }
0x4: {  	_ = 	snop  }
0x5: {  	_ = 	snop  }
0x6: {  	_ = 	snop  }
0x7: {  	_ = 	snop  }
__scs_overlays_trampoline_lowered:
0x8: {  	[smem:$0x3F95] =	sst s0  }
0x9: {  	[smem:$0x3F96] =	sst s1  }
0xa: {  	[smem:$0x3F97] =	sst s2  }
0xb: {  	[smem:$0x3F98] =	sst s3  }
0xc: {  	[smem:$0x3F99] =	sst s4  }
0xd: {  	[smem:$0x3F9A] =	sst s5  }
0xe: {  	[smem:$0x3F9B] =	sst s6  }
0xf: {  	[smem:$0x3F9C] =	sst s7  }
0x10: {  	[smem:$0x3F9D] =	sst s8  }
0x11: {  	[smem:$0x3F9E] =	sst s9;
	s0 =	simm.s32 @!p0 $0x0  }
0x12: {  	s1 =	sld [smem:$0x3F84];
	s0 =	simm.s32 @p0 $0x1  }
0x13: {  	[smem:$0x3F9F] =	sst s0;
	s0 =	simm.s32 @!p1 $0x0  }
0x14: {  	s2 =	sld [smem:$0x3F83];
	s0 =	simm.s32 @p1 $0x1  }
0x15: {  	[smem:$0x3FA0] =	sst s0;
	s0 =	simm.s32 @!p2 $0x0  }
0x16: {  	s3 =	sld [smem:$0x3FDB];
	s0 =	simm.s32 @p2 $0x1  }
0x17: {  	s4 =	simm.s32 $0x1BF5;
	[smem:$0x3FA2] =	sst s0  }
0x18: {  	s0 =	sld [smem:$0x3F85];
	_ =	swait.ge [sflag:s4], $0x0  }
0x19: {  	s7 =	sld [smem:$0x3F86]  }
0x1a: {  	s8 =	sadd.s32 $0xFFFFE003, lr  }
0x1b: {  	s9 =	sadd.s32 $0xFFFFFEF7, lr;
	s5 =	simm.s32 $0xFFFFFFFF;
	p2 =	slt.u32 s8, $0xFFFFF086  }
0x1c: {  	p1 =	slt.u32 s9, $0xF7A;
	s5 =	simm.s32 @!p2 $0x0  }
0x1d: {  	s5 =	simm.s32 @p1 $0x1;
	p0 =	seq.s32 s7, s2  }
0x1e: {  	s7 =	smul.u32 @!p0 $0xF7A, s2;
	p2 =	seq.s32 @!p0 s5, $0x0  }
0x1f: {  	s9 =	smul.u32 $0xF7A, s1;
	s8 =	simm.s32 @!p0 $0x1BF5;
	p2 =	por !p2, p0  }
0x20: {  	[sflag:s8] =	ssyncset.s32 @!p0 $0xFFFFF086;
	s6 =	sadd.s32 @!p0 s3, s7;
	s7 =	simm.s32 @!p0 $0x108  }
0x21: {  	s3 =	sadd.s32 s3, s9;
	s6 =	sadd.s32 @!p0 $0x88, s6;
	s7 =	simm.s32 @p2 $0x1082  }
0x22: {  	[simem:s7], [sflag:s8] =	dma.local @!p0 [hbm:s6], $0xF7A  }
0x23: {  	s9 =	sor.u32 $0xD0000000, s2;
	s6 =	simm.s32 $0x108;
	_ =	swait.ge @!p0 [sflag:s8], $0x0  }
0x24: {  	s3 =	sadd.s32 $0x88, s3;
	s6 =	simm.s32 @!p1 $0x1082;
	[sflag:s4] =	ssyncset.s32 $0xFFFFF086  }
0x25: {  	[simem:s6], [sflag:s4] =	dma.local [hbm:s3], $0xF7A  }
0x26: {  	[smem:$0x3F86] =	sst s1;
	(tag) =	ssettag s2;
	_ =	strace s9  }
0x27: {  	s1 =	sld [smem:$0x3F96]  }
0x28: {  	s2 =	sld [smem:$0x3F97]  }
0x29: {  	s4 =	sld [smem:$0x3F99]  }
0x2a: {  	p0 =	seq.s32 s5, $0x0;
	s5 =	sld [smem:$0x3F9A]  }
0x2b: {  	s6 =	sld [smem:$0x3F9B]  }
0x2c: {  	s7 =	sld [smem:$0x3F9C]  }
0x2d: {  	s3 =	simm.s32 $0x108;
	s8 =	sld [smem:$0x3F9D]  }
0x2e: {  	s3 =	simm.s32 @!p0 $0x1082;
	s9 =	sld [smem:$0x3F9E]  }
0x2f: {  	lr =	sadd.s32 s0, s3;
	s0 =	sld [smem:$0x3F95]  }
0x30: {  	s3 =	sld [smem:$0x3F98]  }
0x31: {  	[smem:$0x3FA1] =	sst s10  }
0x32: {  	s10 =	sld [smem:$0x3F9F];
	_ =	sdelay $0x3  }
0x33: {  	p0 =	seq.s32 s10, $0x1;
	s10 =	sld [smem:$0x3FA1];
	_ =	sdelay $0x3  }
0x34: {  	[smem:$0x3FA1] =	sst s10  }
0x35: {  	s10 =	sld [smem:$0x3FA0];
	_ =	sdelay $0x3  }
0x36: {  	p1 =	seq.s32 s10, $0x1;
	s10 =	sld [smem:$0x3FA1];
	_ =	sdelay $0x3  }
0x37: {  	[smem:$0x3FA1] =	sst s10  }
0x38: {  	s10 =	sld [smem:$0x3FA2]  }
0x39: {  	_ = 	snop;
	(pc) =	sbr.ind lr, $3  }
0x3a: {  	_ = 	snop  }
0x3b: {  	_ = 	snop  }
0x3c: {  	p2 =	seq.s32 s10, $0x1;
	s10 =	sld [smem:$0x3FA1]  }
0x3d: {  	_ =	shalt  }
0x3e: {  	_ =	shalt  }
0x3f: {  	_ =	shalt  }
0x40: {  	_ =	shalt  }
0x41: {  	_ =	shalt  }
0x42: {  	_ =	shalt  }
0x43: {  	_ =	shalt  }
0x44: {  	_ =	shalt  }
0x45: {  	_ =	shalt  }
0x46: {  	_ =	shalt  }
0x47: {  	_ =	shalt  }
0x48: {  	_ =	shalt  }
0x49: {  	_ =	shalt  }
0x4a: {  	_ =	shalt  }
0x4b: {  	_ =	shalt  }
0x4c: {  	_ =	shalt  }
0x4d: {  	_ =	shalt  }
0x4e: {  	_ =	shalt  }
0x4f: {  	_ =	shalt  }
0x50: {  	_ =	shalt  }
0x51: {  	_ =	shalt  }
0x52: {  	_ =	shalt  }
0x53: {  	_ =	shalt  }
0x54: {  	_ =	shalt  }
0x55: {  	_ =	shalt  }
0x56: {  	_ =	shalt  }
0x57: {  	_ =	shalt  }
0x58: {  	_ =	shalt  }
0x59: {  	_ =	shalt  }
0x5a: {  	_ =	shalt  }
0x5b: {  	_ =	shalt  }
0x5c: {  	_ =	shalt  }
0x5d: {  	_ =	shalt  }
0x5e: {  	_ =	shalt  }
0x5f: {  	_ =	shalt  }
0x60: {  	_ =	shalt  }
0x61: {  	_ =	shalt  }
0x62: {  	_ =	shalt  }
0x63: {  	_ =	shalt  }
0x64: {  	_ =	shalt  }
0x65: {  	_ =	shalt  }
0x66: {  	_ =	shalt  }
0x67: {  	_ =	shalt  }
0x68: {  	_ =	shalt  }
0x69: {  	_ =	shalt  }
0x6a: {  	_ =	shalt  }
0x6b: {  	_ =	shalt  }
0x6c: {  	_ =	shalt  }
0x6d: {  	_ =	shalt  }
0x6e: {  	_ =	shalt  }
0x6f: {  	_ =	shalt  }
0x70: {  	_ =	shalt  }
0x71: {  	_ =	shalt  }
0x72: {  	_ =	shalt  }
0x73: {  	_ =	shalt  }
0x74: {  	_ =	shalt  }
0x75: {  	_ =	shalt  }
0x76: {  	_ =	shalt  }
0x77: {  	_ =	shalt  }
0x78: {  	_ =	shalt  }
0x79: {  	_ =	shalt  }
0x7a: {  	_ =	shalt  }
0x7b: {  	_ =	shalt  }
0x7c: {  	_ =	shalt  }
0x7d: {  	_ =	shalt  }
0x7e: {  	_ =	shalt  }
0x7f: {  	_ =	shalt  }
0x80: {  	_ =	shalt  }
0x81: {  	_ =	shalt  }
0x82: {  	_ =	shalt  }
0x83: {  	_ =	shalt  }
0x84: {  	_ =	shalt  }
0x85: {  	_ =	shalt  }
0x86: {  	_ =	shalt  }
0x87: {  	_ =	shalt  }
.Lfunc_end0:
.L_simem_size_0:
called_computation.6_lowered:
.L_overlay_start_0:
0x88: {  	s2 =	sld [smem:$0x3FD9]  }
0x89: {  	s3 =	sld [smem:$0x3FFE];
	_ =	sdelay $0x1  }
0x8a: {  	s1 =	srdreg.scid  }
0x8b: {  	s0 =	sand.u32 $0x1, s1  }
0x8c: {  	s14 =	sshll.u32 s0, $0xA;
	s2 =	sadd.s32 s3, s2  }
0x8d: {  	s2 =	sadd.s32 s2, s14  }
0x8e: {  	[smem:$0x3FAD] =	sst s2  }
0x8f: {  	_ = 	snop  }
0x90: {  	s2 =	sld [smem:$0x3FD0];
	_ =	sdelay $0x2  }
0x91: {  	s15 =	simm.s32 $0xB;
	s4 =	simm.s32 $0x10  }
0x92: {  	[smem:s4], [sflag:s15] =	dma.local [hbm:s2], $0x1  }
0x93: {  	_ =	swait.eq [sflag:s15], $0x1  }
0x94: {  	[sflag:s15] =	ssyncset.done $0x0  }
0x95: {  	[sflag:s15] =	ssyncadd.s32 $0xFFFFFFFF  }
0x96: {  	s16 =	sld [smem:$0x10];
	(tm) =	ssettm $0x1  }
0x97: {  	s17 =	sld [smem:$0x3FFB];
	_ =	sdelay $0x3  }
0x98: {  	_ =	strace s17  }
0x99: {  	s3 =	sld [smem:$0x3FFC];
	_ =	sdelay $0x3  }
0x9a: {  	_ =	strace s3  }
0x9b: {  	s3 =	sld [smem:$0x3FFD];
	_ =	sdelay $0x3  }
0x9c: {  	_ =	strace s3  }
0x9d: {  	_ =	strace $0x8FFFFFFF  }
0x9e: {  	s18 =	sld [smem:$0x3FDB];
	_ =	sdelay $0x1  }
0x9f: {  	s19 =	simm.s32 $_scs_section_size  }
0xa0: {  	s5 =	simm.s32 $_size__tile_overlayer_lowered;
	s6 =	simm.s32 $_tile_overlayer_lowered  }
0xa1: {  	s22 =	simm.s32 $0x1BFF;
	s21 =	sshll.u32 s6, $0x1;
	s3 =	sadd.s32 s19, s18  }
0xa2: {  	s7 =	simm.s32 $0x0;
	s20 =	sshll.u32 s5, $0x1;
	s5 =	sadd.s32 s21, s3  }
0xa3: {  	[timem:s7], [sflag:s22] =	dma.local [hbm:s5], s20  }
0xa4: {  	_ =	swait.ge [sflag:s22], s20  }
0xa5: {  	s4 =	ssub.s32 $0x0, s20;
	[sflag:s22] =	ssyncset.done $0x0  }
0xa6: {  	[sflag:s22] =	ssyncadd.s32 s4;
	_ =	sdelay $0x1  }
0xa7: {  	s23 =	simm.s32 $0x1B8B  }
0xa8: {  	_ =	swait.ge [sflag:s23], $0x1  }
0xa9: {  	[sflag:s23] =	ssyncset.done $0x0  }
0xaa: {  	s25 =	simm.s32 $0x1B8E;
	s24 =	sld [smem:$0x3FFE];
	[sflag:s23] =	ssyncadd.s32 $0xFFFFFFFF  }
0xab: {  	s26 =	simm.s32 $execute0_lowered;
	[smem:$0x3FD2] =	sst s25  }
0xac: {  	s5 =	sshll.u32 s26, $0x1;
	_ =	strace $0x80000052;
	[dreg:$0x1] =	wrdreg $0xFFFFFFFF  }
0xad: {  	s28 =	simm.s32 $_size_execute0_lowered;
	s3 =	sadd.s32 s3, s5;
	[dreg:$0x0] =	wrdreg $0x0  }
0xae: {  	s5 =	sshll.u32 s28, $0x1;
	[dreg:$0x2] =	wrdreg s3  }
0xaf: {  	[dreg:$0x3] =	wrdreg s5  }
0xb0: {  	[dreg:$0x4] =	wrdreg $0xC0  }
0xb1: {  	_ =	task [dreg:s7], $0x5FFFF  }
0xb2: {  	[dreg:$0x1] =	wrdreg $0xFFFFFFFF  }
0xb3: {  	[dreg:$0x0] =	wrdreg $0x60  }
0xb4: {  	[dreg:$0x2] =	wrdreg s16  }
0xb5: {  	[dreg:$0x3] =	wrdreg s24  }
0xb6: {  	[dreg:$0x4] =	wrdreg $0xA  }
0xb7: {  	_ =	task.clear_ibuf [dreg:s7], $0x5FFFF;
	_ =	strace $0x90000052  }
0xb8: {  	s29 =	simm.s32 $0xA;
	_ =	strace $0x80000054  }
0xb9: {  	_ =	swait.ge [sflag:s29], $0x1  }
0xba: {  	[sflag:s29] =	ssyncadd.s32 $0xFFFFFFFF  }
0xbb: {  	_ =	strace $0x90000054  }
0xbc: {  	_ =	sfence  }
0xbd: {  	s30 =	sld [smem:$0x0];
	_ =	sdelay $0x2  }
0xbe: {  	s31 =	sshll.u32 s1, $0xD;
	s1 =	sshrl.u32 s1, $0x2  }
0xbf: {  	s3 =	sand.u32 $0x4000, s31;
	s1 =	sadd.s32 s1, s30  }
0xc0: {  	s0 =	sor.u32 s3, s0;
	s1 =	sshll.u32 s1, $0x11  }
0xc1: {  	s0 =	sor.u32 s1, s0  }
0xc2: {  	s0 =	sadd.s32 $0x8F2B, s0  }
0xc3: {  	[sflag:s0] =	ssyncadd.remote.s32 $0x1  }
0xc4: {  	_ =	sfence.sel $0xFFFF  }
0xc5: {  	[dreg:$0x0] =	wrdreg $0xFFFFFFFF;
	(pc) =	sbr.abs _section_cstart, $3  }
0xc6: {  	[dreg:$0x1] =	wrdreg $0xFFFFFFFF  }
0xc7: {  	_ =	task.clear_ibuf [dreg:s7], $0x2FFFF;
	_ =	strace $0x9FFFFFFF  }
0xc8: {  	(tm) =	ssettm $0x7FFFFFFF  }
0xc9: {  	_ =	shalt  }
tec
execute0_lowered:
.L_overlay_start_1:
0x0: {  	(tag) =	ssettag $0x1  }
0x1: {  	s1 =	srdreg.scid  }
0x2: {  	s0 =	stileid.u32;
	s12 =	sand.u32 $0x1, s1  }
0x3: {  	s31 =	sshll.u32 s0, $0x9;
	s3 =	sshll.u32 s12, $0x8  }
0x4: {  	s2 =	rddreg [dreg:$0x0];
	s13 =	sor.u32 s3, s31  }
0x5: {  	s11 =	rddreg [dreg:$0x1];
	s3 =	simm.s32 $0x0;
	s4 =	sshrl.u32 s13, $0x3  }
0x6: {  	[smem:$0x7FF] =	sst s3;
	s5 =	sadd.s32 s4, s11  }
0x7: {  	s1 =	rddreg [dreg:$0x2];
	_ =	strace $0x80000053;
	s4 =	sadd.s32 $0xE400, s5  }
0x8: {  	[tilespmem:s3], [sflag:$0x1] =	stream.linear.gather [hbm4b:s4+s3], $0x100, $0x38;
	[tilespmem:$0x10200] =	vst v63  }
0x9: {  	s6 =	simm.s32 $0x100;
	s7 =	simm.s32 $0x1;
	s5 =	sadd.s32 $0xDC00, s5  }
0xa: {  	[tilespmem:s6], [sflag:$0x2] =	stream.linear.gather [hbm4b:s5+s3], $0x100, $0x38;
	[tilespmem:$0x10200] =	vst v63  }
0xb: {  	_ =	swait.ge [sflag:s7], $0x100  }
0xc: {  	[sflag:s7] =	ssyncset.done $0x0  }
0xd: {  	s8 =	simm.s32 $0x200;
	s9 =	simm.s32 $0x2;
	[sflag:s7] =	ssyncadd.s32 $0xFFFFFF00  }
0xe: {  	[tilespmem:s8], [sflag:$0x1] =	stream.indirect.gather [hbm4b:s2+s6], $0x80, s3, s6, $0xb8;
	[tilespmem:$0x10200] =	vst v63  }
0xf: {  	_ =	swait.ge [sflag:s9], $0x100  }
0x10: {  	[sflag:s9] =	ssyncset.done $0x0  }
0x11: {  	s10 =	simm.s32 $0x8200;
	[sflag:s9] =	ssyncadd.s32 $0xFFFFFF00  }
0x12: {  	[tilespmem:s10], [sflag:$0x2] =	stream.indirect.gather [hbm4b:s2+s6], $0x80, s6, s6, $0xb8;
	[tilespmem:$0x10200] =	vst v63  }
0x13: {  	s13 =	sshll.u32 s13, $0x4;
	_ =	swait.ge [sflag:s7], $0x8000  }
0x14: {  	s14 =	ssub.s32 $0x2, s12;
	s13 =	sadd.s32 s13, s11;
	[sflag:s7] =	ssyncset.done $0x0  }
0x15: {  	s15 =	sshrl.u32 s14, $0x1;
	s11 =	sadd.s32 $0xE800, s13;
	[sflag:s7] =	ssyncadd.s32 $0xFFFF8000  }
0x16: {  	[hbm4b:s11+s3] =	stream.linear.scatter [tilespmem:s8], [sflag:$0x3], $0x8000, $0x38;
	[tilespmem:$0x10200] =	vst v63  }
0x17: {  	s14 =	ssub.s32 s14, s15;
	_ =	swait.ge [sflag:s9], $0x8000  }
0x18: {  	s15 =	smax.u32 s14, $0x1;
	s12 =	sadd.s32 $0x2E800, s13;
	[sflag:s9] =	ssyncset.done $0x0  }
0x19: {  	s13 =	simm.s32 $0x3;
	p0 =	sne.s32 s15, $0x1;
	[sflag:s9] =	ssyncadd.s32 $0xFFFF8000  }
0x1a: {  	[hbm4b:s12+s3] =	stream.linear.scatter [tilespmem:s10], [sflag:$0x4], $0x8000, $0x38;
	[tilespmem:$0x10200] =	vst v63  }
.Ltmp0:
0x1b: {  	_ =	swait.ge [sflag:s13], $0x8000;
	(pc) =	sbr.rel @!p0 .LBB2_2-.Ltmp0, $4  }
0x1c: {  	[sflag:s13] =	ssyncset.done $0x0  }
0x1d: {  	s14 =	simm.s32 $0x4;
	[sflag:s13] =	ssyncadd.s32 $0xFFFF8000  }
0x1e: {  	_ =	swait.ge [sflag:s14], $0x8000  }
0x1f: {  	s15 =	sadd.s32 $0xFFFFFFFF, s15;
	[sflag:s14] =	ssyncset.done $0x0  }
.LBB2_1:
0x20: {  	p0 =	sne.s32 s15, $0x1;
	s15 =	sadd.s32 $0xFFFFFFFF, s15;
	[sflag:s14] =	ssyncadd.s32 $0xFFFF8000  }
0x21: {  	[tilespmem:s3], [sflag:$0x1] =	stream.linear.gather [hbm4b:s4+s3], $0x100, $0x38;
	[tilespmem:$0x10200] =	vst v63  }
0x22: {  	_ = 	snop  }
0x23: {  	[tilespmem:s6], [sflag:$0x2] =	stream.linear.gather [hbm4b:s5+s3], $0x100, $0x38;
	[tilespmem:$0x10200] =	vst v63  }
0x24: {  	_ =	swait.ge [sflag:s7], $0x100  }
0x25: {  	[sflag:s7] =	ssyncset.done $0x0  }
0x26: {  	[sflag:s7] =	ssyncadd.s32 $0xFFFFFF00  }
0x27: {  	[tilespmem:s8], [sflag:$0x1] =	stream.indirect.gather [hbm4b:s2+s6], $0x80, s3, s6, $0xb8;
	[tilespmem:$0x10200] =	vst v63  }
0x28: {  	_ =	swait.ge [sflag:s9], $0x100  }
0x29: {  	[sflag:s9] =	ssyncset.done $0x0  }
0x2a: {  	[sflag:s9] =	ssyncadd.s32 $0xFFFFFF00  }
0x2b: {  	[tilespmem:s10], [sflag:$0x2] =	stream.indirect.gather [hbm4b:s2+s6], $0x80, s6, s6, $0xb8;
	[tilespmem:$0x10200] =	vst v63  }
0x2c: {  	_ =	swait.ge [sflag:s7], $0x8000  }
0x2d: {  	[sflag:s7] =	ssyncset.done $0x0  }
0x2e: {  	[sflag:s7] =	ssyncadd.s32 $0xFFFF8000  }
0x2f: {  	[hbm4b:s11+s3] =	stream.linear.scatter [tilespmem:s8], [sflag:$0x3], $0x8000, $0x38;
	[tilespmem:$0x10200] =	vst v63  }
0x30: {  	_ =	swait.ge [sflag:s9], $0x8000  }
0x31: {  	[sflag:s9] =	ssyncset.done $0x0  }
0x32: {  	[sflag:s9] =	ssyncadd.s32 $0xFFFF8000  }
0x33: {  	[hbm4b:s12+s3] =	stream.linear.scatter [tilespmem:s10], [sflag:$0x4], $0x8000, $0x38;
	[tilespmem:$0x10200] =	vst v63  }
.Ltmp1:
0x34: {  	_ =	swait.ge [sflag:s13], $0x8000;
	(pc) =	sbr.rel @p0 .LBB2_1-.Ltmp1, $4  }
0x35: {  	[sflag:s13] =	ssyncset.done $0x0  }
0x36: {  	[sflag:s13] =	ssyncadd.s32 $0xFFFF8000  }
0x37: {  	_ =	swait.ge [sflag:s14], $0x8000  }
0x38: {  	[sflag:s14] =	ssyncset.done $0x0  }
.LBB2_2:
0x39: {  	[sflag:s14] =	ssyncadd.s32 $0xFFFF8000  }
0x3a: {  	_ =	sfence.sel $0x180000  }
0x3b: {  	[bflag:$0x0] =	sbarrier.arrive $0xFFFF  }
0x3c: {  	p0 =	sne.s32 s0, $0x0;
	_ =	strace $0x90000053  }
0x3d: {  	s0 =	sadd.s32 @!p0 $0x100000, s1;
	[bflag:$0x2] =	sbarrier.arrive $0xFFFF  }
0x3e: {  	[sflag:s0] =	ssyncadd.tile.s32 @!p0 $0x1;
	_ =	shalt  }
.Lfunc_end2:
_tile_overlayer_lowered:
.L_overlay_start_2:
0x3f: {  	(tag) =	ssettag $0x2  }
0x40: {  	s0 =	rddreg [dreg:$0x0];
	s2 =	stileid.u32  }
0x41: {  	s1 =	rddreg [dreg:$0x1];
	p0 =	sne.s32 s2, $0x0  }
0x42: {  	s3 =	rddreg [dreg:$0x2];
	[bflag:$0x3] =	sbarrier.arrive $0xFFFF;
	s2 =	simm.s32 @!p0 $0x1C05  }
0x43: {  	[timem:s3], [sflag:s2] =	dma.local @!p0 [hbm:s0], s1  }
0x44: {  	s0 =	simm.s32 @!p0 $0x5  }
0x45: {  	_ =	swait.ge @!p0 [sflag:s0], s1  }
0x46: {  	s1 =	ssub.s32 @!p0 $0x0, s1;
	[sflag:s0] =	ssyncset.done @!p0 $0x0  }
0x47: {  	[sflag:s0] =	ssyncadd.s32 @!p0 s1  }
0x48: {  	[bflag:$0x3] =	sbarrier.arrive $0xFFFF  }
0x49: {  	_ =	shalt  }

// kernel: kernel.47.cloned.1.call-start
scs
__scs_entry_jumppad:
0x0: {  	(pc) =	sbr.rel $0x88, $3  }
0x1: {  	(tag) =	ssettag $0x0;
	lr =	simm.s32 $0x1  }
0x2: {  	[smem:$0x3F86] =	sst lr;
	_ =	strace $0xD0000000  }
0x3: {  	_ = 	snop  }
0x4: {  	_ = 	snop  }
0x5: {  	_ = 	snop  }
0x6: {  	_ = 	snop  }
0x7: {  	_ = 	snop  }
__scs_overlays_trampoline_lowered:
0x8: {  	[smem:$0x3F95] =	sst s0  }
0x9: {  	[smem:$0x3F96] =	sst s1  }
0xa: {  	[smem:$0x3F97] =	sst s2  }
0xb: {  	[smem:$0x3F98] =	sst s3  }
0xc: {  	[smem:$0x3F99] =	sst s4  }
0xd: {  	[smem:$0x3F9A] =	sst s5  }
0xe: {  	[smem:$0x3F9B] =	sst s6  }
0xf: {  	[smem:$0x3F9C] =	sst s7  }
0x10: {  	[smem:$0x3F9D] =	sst s8  }
0x11: {  	[smem:$0x3F9E] =	sst s9;
	s0 =	simm.s32 @!p0 $0x0  }
0x12: {  	s1 =	sld [smem:$0x3F84];
	s0 =	simm.s32 @p0 $0x1  }
0x13: {  	[smem:$0x3F9F] =	sst s0;
	s0 =	simm.s32 @!p1 $0x0  }
0x14: {  	s2 =	sld [smem:$0x3F83];
	s0 =	simm.s32 @p1 $0x1  }
0x15: {  	[smem:$0x3FA0] =	sst s0;
	s0 =	simm.s32 @!p2 $0x0  }
0x16: {  	s3 =	sld [smem:$0x3FDB];
	s0 =	simm.s32 @p2 $0x1  }
0x17: {  	s4 =	simm.s32 $0x1BF5;
	[smem:$0x3FA2] =	sst s0  }
0x18: {  	s0 =	sld [smem:$0x3F85];
	_ =	swait.ge [sflag:s4], $0x0  }
0x19: {  	s7 =	sld [smem:$0x3F86]  }
0x1a: {  	s8 =	sadd.s32 $0xFFFFE003, lr  }
0x1b: {  	s9 =	sadd.s32 $0xFFFFFEF7, lr;
	s5 =	simm.s32 $0xFFFFFFFF;
	p2 =	slt.u32 s8, $0xFFFFF086  }
0x1c: {  	p1 =	slt.u32 s9, $0xF7A;
	s5 =	simm.s32 @!p2 $0x0  }
0x1d: {  	s5 =	simm.s32 @p1 $0x1;
	p0 =	seq.s32 s7, s2  }
0x1e: {  	s7 =	smul.u32 @!p0 $0xF7A, s2;
	p2 =	seq.s32 @!p0 s5, $0x0  }
0x1f: {  	s9 =	smul.u32 $0xF7A, s1;
	s8 =	simm.s32 @!p0 $0x1BF5;
	p2 =	por !p2, p0  }
0x20: {  	[sflag:s8] =	ssyncset.s32 @!p0 $0xFFFFF086;
	s6 =	sadd.s32 @!p0 s3, s7;
	s7 =	simm.s32 @!p0 $0x108  }
0x21: {  	s3 =	sadd.s32 s3, s9;
	s6 =	sadd.s32 @!p0 $0x88, s6;
	s7 =	simm.s32 @p2 $0x1082  }
0x22: {  	[simem:s7], [sflag:s8] =	dma.local @!p0 [hbm:s6], $0xF7A  }
0x23: {  	s9 =	sor.u32 $0xD0000000, s2;
	s6 =	simm.s32 $0x108;
	_ =	swait.ge @!p0 [sflag:s8], $0x0  }
0x24: {  	s3 =	sadd.s32 $0x88, s3;
	s6 =	simm.s32 @!p1 $0x1082;
	[sflag:s4] =	ssyncset.s32 $0xFFFFF086  }
0x25: {  	[simem:s6], [sflag:s4] =	dma.local [hbm:s3], $0xF7A  }
0x26: {  	[smem:$0x3F86] =	sst s1;
	(tag) =	ssettag s2;
	_ =	strace s9  }
0x27: {  	s1 =	sld [smem:$0x3F96]  }
0x28: {  	s2 =	sld [smem:$0x3F97]  }
0x29: {  	s4 =	sld [smem:$0x3F99]  }
0x2a: {  	p0 =	seq.s32 s5, $0x0;
	s5 =	sld [smem:$0x3F9A]  }
0x2b: {  	s6 =	sld [smem:$0x3F9B]  }
0x2c: {  	s7 =	sld [smem:$0x3F9C]  }
0x2d: {  	s3 =	simm.s32 $0x108;
	s8 =	sld [smem:$0x3F9D]  }
0x2e: {  	s3 =	simm.s32 @!p0 $0x1082;
	s9 =	sld [smem:$0x3F9E]  }
0x2f: {  	lr =	sadd.s32 s0, s3;
	s0 =	sld [smem:$0x3F95]  }
0x30: {  	s3 =	sld [smem:$0x3F98]  }
0x31: {  	[smem:$0x3FA1] =	sst s10  }
0x32: {  	s10 =	sld [smem:$0x3F9F];
	_ =	sdelay $0x3  }
0x33: {  	p0 =	seq.s32 s10, $0x1;
	s10 =	sld [smem:$0x3FA1];
	_ =	sdelay $0x3  }
0x34: {  	[smem:$0x3FA1] =	sst s10  }
0x35: {  	s10 =	sld [smem:$0x3FA0];
	_ =	sdelay $0x3  }
0x36: {  	p1 =	seq.s32 s10, $0x1;
	s10 =	sld [smem:$0x3FA1];
	_ =	sdelay $0x3  }
0x37: {  	[smem:$0x3FA1] =	sst s10  }
0x38: {  	s10 =	sld [smem:$0x3FA2]  }
0x39: {  	_ = 	snop;
	(pc) =	sbr.ind lr, $3  }
0x3a: {  	_ = 	snop  }
0x3b: {  	_ = 	snop  }
0x3c: {  	p2 =	seq.s32 s10, $0x1;
	s10 =	sld [smem:$0x3FA1]  }
0x3d: {  	_ =	shalt  }
0x3e: {  	_ =	shalt  }
0x3f: {  	_ =	shalt  }
0x40: {  	_ =	shalt  }
0x41: {  	_ =	shalt  }
0x42: {  	_ =	shalt  }
0x43: {  	_ =	shalt  }
0x44: {  	_ =	shalt  }
0x45: {  	_ =	shalt  }
0x46: {  	_ =	shalt  }
0x47: {  	_ =	shalt  }
0x48: {  	_ =	shalt  }
0x49: {  	_ =	shalt  }
0x4a: {  	_ =	shalt  }
0x4b: {  	_ =	shalt  }
0x4c: {  	_ =	shalt  }
0x4d: {  	_ =	shalt  }
0x4e: {  	_ =	shalt  }
0x4f: {  	_ =	shalt  }
0x50: {  	_ =	shalt  }
0x51: {  	_ =	shalt  }
0x52: {  	_ =	shalt  }
0x53: {  	_ =	shalt  }
0x54: {  	_ =	shalt  }
0x55: {  	_ =	shalt  }
0x56: {  	_ =	shalt  }
0x57: {  	_ =	shalt  }
0x58: {  	_ =	shalt  }
0x59: {  	_ =	shalt  }
0x5a: {  	_ =	shalt  }
0x5b: {  	_ =	shalt  }
0x5c: {  	_ =	shalt  }
0x5d: {  	_ =	shalt  }
0x5e: {  	_ =	shalt  }
0x5f: {  	_ =	shalt  }
0x60: {  	_ =	shalt  }
0x61: {  	_ =	shalt  }
0x62: {  	_ =	shalt  }
0x63: {  	_ =	shalt  }
0x64: {  	_ =	shalt  }
0x65: {  	_ =	shalt  }
0x66: {  	_ =	shalt  }
0x67: {  	_ =	shalt  }
0x68: {  	_ =	shalt  }
0x69: {  	_ =	shalt  }
0x6a: {  	_ =	shalt  }
0x6b: {  	_ =	shalt  }
0x6c: {  	_ =	shalt  }
0x6d: {  	_ =	shalt  }
0x6e: {  	_ =	shalt  }
0x6f: {  	_ =	shalt  }
0x70: {  	_ =	shalt  }
0x71: {  	_ =	shalt  }
0x72: {  	_ =	shalt  }
0x73: {  	_ =	shalt  }
0x74: {  	_ =	shalt  }
0x75: {  	_ =	shalt  }
0x76: {  	_ =	shalt  }
0x77: {  	_ =	shalt  }
0x78: {  	_ =	shalt  }
0x79: {  	_ =	shalt  }
0x7a: {  	_ =	shalt  }
0x7b: {  	_ =	shalt  }
0x7c: {  	_ =	shalt  }
0x7d: {  	_ =	shalt  }
0x7e: {  	_ =	shalt  }
0x7f: {  	_ =	shalt  }
0x80: {  	_ =	shalt  }
0x81: {  	_ =	shalt  }
0x82: {  	_ =	shalt  }
0x83: {  	_ =	shalt  }
0x84: {  	_ =	shalt  }
0x85: {  	_ =	shalt  }
0x86: {  	_ =	shalt  }
0x87: {  	_ =	shalt  }
.Lfunc_end0:
.L_simem_size_0:
called_computation.7_lowered:
.L_overlay_start_0:
0x88: {  	s2 =	sld [smem:$0x3FD9]  }
0x89: {  	s3 =	sld [smem:$0x3FFE];
	_ =	sdelay $0x1  }
0x8a: {  	s1 =	srdreg.scid  }
0x8b: {  	s0 =	sand.u32 $0x1, s1  }
0x8c: {  	s17 =	sshll.u32 s0, $0xA;
	s2 =	sadd.s32 s3, s2  }
0x8d: {  	s2 =	sadd.s32 s2, s17  }
0x8e: {  	[smem:$0x3FAD] =	sst s2  }
0x8f: {  	_ = 	snop  }
0x90: {  	(tm) =	ssettm $0x1  }
0x91: {  	s18 =	sld [smem:$0x3FFB];
	_ =	sdelay $0x3  }
0x92: {  	_ =	strace s18  }
0x93: {  	s2 =	sld [smem:$0x3FFC];
	_ =	sdelay $0x3  }
0x94: {  	_ =	strace s2  }
0x95: {  	s2 =	sld [smem:$0x3FFD];
	_ =	sdelay $0x3  }
0x96: {  	_ =	strace s2  }
0x97: {  	_ =	strace $0x8FFFFFFF  }
0x98: {  	s19 =	sld [smem:$0x3FDB];
	_ =	sdelay $0x1  }
0x99: {  	s20 =	simm.s32 $_scs_section_size  }
0x9a: {  	s4 =	simm.s32 $_size__tile_overlayer_lowered;
	s5 =	simm.s32 $_tile_overlayer_lowered  }
0x9b: {  	s6 =	simm.s32 $0x1BFF;
	s21 =	sshll.u32 s5, $0x1;
	s3 =	sadd.s32 s20, s19  }
0x9c: {  	s22 =	simm.s32 $0x0;
	s4 =	sshll.u32 s4, $0x1;
	s5 =	sadd.s32 s21, s3  }
0x9d: {  	[timem:s22], [sflag:s6] =	dma.local [hbm:s5], s4  }
0x9e: {  	_ =	swait.ge [sflag:s6], s4  }
0x9f: {  	s4 =	ssub.s32 $0x0, s4;
	[sflag:s6] =	ssyncset.done $0x0  }
0xa0: {  	[sflag:s6] =	ssyncadd.s32 s4;
	_ =	sdelay $0x1  }
0xa1: {  	s23 =	simm.s32 $0x1B8B  }
0xa2: {  	_ =	swait.ge [sflag:s23], $0x1  }
0xa3: {  	[sflag:s23] =	ssyncset.done $0x0  }
0xa4: {  	[sflag:s23] =	ssyncadd.s32 $0xFFFFFFFF  }
0xa5: {  	s4 =	sld [smem:$0x0]  }
0xa6: {  	s5 =	sand.u32 $0xFFFFFFFE, s1  }
0xa7: {  	p0 =	sne.s32 s1, s5  }
0xa8: {  	s5 =	sshll.u32 @p0 s5, $0xE  }
0xa9: {  	s5 =	sadd.s32 @p0 $0x11B8D, s5;
	s6 =	sshll.u32 @p0 s4, $0x11  }
0xaa: {  	s5 =	sor.u32 @p0 s6, s5  }
0xab: {  	[sflag:s5] =	ssyncadd.remote.s32 @p0 $0x1;
	_ =	sdelay $0x1  }
0xac: {  	s5 =	simm.s32 @p0 $0x1B8D  }
0xad: {  	_ =	swait.eq @p0 [sflag:s5], $0x1  }
0xae: {  	[sflag:s5] =	ssyncadd.s32 @p0 $0xFFFFFFFF  }
0xaf: {  	s6 =	sshll.u32 @!p0 s1, $0xE  }
0xb0: {  	s6 =	sor.u32 @!p0 $0x4000, s6;
	s5 =	simm.s32 @!p0 $0x1B8D  }
0xb1: {  	s4 =	sshll.u32 @!p0 s4, $0x11;
	s6 =	sadd.s32 @!p0 $0x11B8D, s6;
	_ =	swait.eq @!p0 [sflag:s5], $0x1  }
0xb2: {  	s4 =	sor.u32 @!p0 s4, s6;
	[sflag:s5] =	ssyncadd.s32 @!p0 $0xFFFFFFFF  }
0xb3: {  	s25 =	simm.s32 $0x1B8E;
	s24 =	sld [smem:$0x3FFE];
	[sflag:s4] =	ssyncadd.remote.s32 @!p0 $0x1  }
0xb4: {  	s26 =	simm.s32 $execute0_lowered;
	[smem:$0x3FD2] =	sst s25  }
0xb5: {  	s5 =	sshll.u32 s26, $0x1;
	_ =	strace $0x80000058;
	[dreg:$0x1] =	wrdreg $0xFFFFFFFF  }
0xb6: {  	s28 =	simm.s32 $_size_execute0_lowered;
	s3 =	sadd.s32 s3, s5;
	[dreg:$0x0] =	wrdreg $0x0  }
0xb7: {  	s5 =	sshll.u32 s28, $0x1;
	[dreg:$0x2] =	wrdreg s3  }
0xb8: {  	[dreg:$0x3] =	wrdreg s5  }
0xb9: {  	[dreg:$0x4] =	wrdreg $0xC0  }
0xba: {  	_ =	task [dreg:s22], $0x5FFFF  }
0xbb: {  	[dreg:$0x1] =	wrdreg $0xFFFFFFFF  }
0xbc: {  	[dreg:$0x0] =	wrdreg $0x60  }
0xbd: {  	[dreg:$0x2] =	wrdreg s24  }
0xbe: {  	[dreg:$0x3] =	wrdreg $0x102000  }
0xbf: {  	[dreg:$0x4] =	wrdreg $0xA  }
0xc0: {  	_ =	task.clear_ibuf [dreg:s22], $0x5FFFF;
	_ =	strace $0x90000058  }
0xc1: {  	s29 =	simm.s32 $0xA;
	_ =	strace $0x8000005A  }
0xc2: {  	_ =	swait.ge [sflag:s29], $0x1  }
0xc3: {  	[sflag:s29] =	ssyncadd.s32 $0xFFFFFFFF  }
0xc4: {  	_ =	strace $0x9000005A  }
0xc5: {  	_ =	sfence  }
0xc6: {  	s30 =	sld [smem:$0x0];
	_ =	sdelay $0x2  }
0xc7: {  	s31 =	sshll.u32 s1, $0xD;
	s1 =	sshrl.u32 s1, $0x2  }
0xc8: {  	s4 =	sand.u32 $0x4000, s31;
	s1 =	sadd.s32 s1, s30  }
0xc9: {  	s0 =	sor.u32 s4, s0;
	s1 =	sshll.u32 s1, $0x11  }
0xca: {  	s0 =	sor.u32 s1, s0  }
0xcb: {  	s0 =	sadd.s32 $0x8F2B, s0  }
0xcc: {  	[sflag:s0] =	ssyncadd.remote.s32 $0x1  }
0xcd: {  	_ =	sfence.sel $0xFFFF  }
0xce: {  	[dreg:$0x0] =	wrdreg $0xFFFFFFFF;
	(pc) =	sbr.abs _section_cstart, $3  }
0xcf: {  	[dreg:$0x1] =	wrdreg $0xFFFFFFFF  }
0xd0: {  	_ =	task.clear_ibuf [dreg:s22], $0x2FFFF;
	_ =	strace $0x9FFFFFFF  }
0xd1: {  	(tm) =	ssettm $0x7FFFFFFF  }
tec
execute0_lowered:
.L_overlay_start_1:
0x0: {  	(tag) =	ssettag $0x1  }
0x1: {  	s1 =	srdreg.scid  }
0x2: {  	s18 =	rddreg [dreg:$0x0];
	s0 =	stileid.u32  }
0x3: {  	s2 =	rddreg [dreg:$0x1];
	s3 =	simm.s32 $0x0;
	s19 =	sand.u32 $0x1, s1  }
0x4: {  	s5 =	sshll.u32 s0, $0x8;
	s1 =	rddreg [dreg:$0x2];
	s4 =	sshll.u32 s19, $0xC  }
0x5: {  	[smem:$0x7FF] =	sst s3;
	s29 =	sshll.u32 s0, $0xE;
	s12 =	sor.u32 s5, s4  }
0x6: {  	s20 =	sshll.u32 s0, $0x6;
	_ =	strace $0x80000059;
	s4 =	sshrl.u32 s12, $0x3  }
0x7: {  	s7 =	sadd.s32 s29, s2;
	s5 =	sor.u32 $0x1C03, s20;
	s8 =	sadd.s32 s4, s18  }
0x8: {  	s7 =	sshrl.u32 s7, $0x3;
	s4 =	sadd.s32 $0xAE800, s18;
	s6 =	sadd.s32 $0xE400, s8  }
0x9: {  	[spmem:s7], [sflag:s5] =	dma.local [hbm:s4], $0x800  }
0xa: {  	[tilespmem:s3], [sflag:$0x1] =	stream.linear.gather [hbm4b:s6+s3], $0x100, $0x38;
	[tilespmem:$0x14200] =	vst v63  }
0xb: {  	s9 =	simm.s32 $0x100;
	s10 =	simm.s32 $0x1;
	s8 =	sadd.s32 $0xDC00, s8  }
0xc: {  	[tilespmem:s9], [sflag:$0x2] =	stream.linear.gather [hbm4b:s8+s3], $0x100, $0x38;
	[tilespmem:$0x14200] =	vst v63  }
0xd: {  	_ =	swait.ge [sflag:s10], $0x100  }
0xe: {  	[sflag:s10] =	ssyncset.done $0x0  }
0xf: {  	s11 =	simm.s32 $0x2;
	[sflag:s10] =	ssyncadd.s32 $0xFFFFFF00  }
0x10: {  	s12 =	sshll.u32 s12, $0x4;
	_ =	swait.ge [sflag:s11], $0x100  }
0x11: {  	s14 =	sadd.s32 s12, s18;
	[sflag:s11] =	ssyncset.done $0x0  }
0x12: {  	s13 =	simm.s32 $0x200;
	s12 =	sadd.s32 $0x8E800, s14;
	[sflag:s11] =	ssyncadd.s32 $0xFFFFFF00  }
0x13: {  	[tilespmem:s13], [sflag:$0x1] =	stream.linear.gather [hbm4b:s12+s3], $0x8000, $0x38;
	[tilespmem:$0x14200] =	vst v63  }
0x14: {  	s15 =	simm.s32 $0x8200;
	s16 =	simm.s32 $0x3;
	s14 =	sadd.s32 $0xE800, s14  }
0x15: {  	[tilespmem:s15], [sflag:$0x2] =	stream.linear.gather [hbm4b:s14+s3], $0x8000, $0x38;
	[tilespmem:$0x14200] =	vst v63  }
0x16: {  	_ =	swait.ge [sflag:s16], $0x800  }
0x17: {  	[sflag:s16] =	ssyncset.done $0x0  }
0x18: {  	[sflag:s16] =	ssyncadd.s32 $0xFFFFF800  }
0x19: {  	[bflag:$0x0] =	sbarrier.arrive $0xFFFF  }
0x1a: {  	_ =	swait.ge [sflag:s10], $0x8000  }
0x1b: {  	[sflag:s10] =	ssyncset.done $0x0  }
0x1c: {  	s17 =	simm.s32 $0x4;
	[sflag:s10] =	ssyncadd.s32 $0xFFFF8000  }
0x1d: {  	[spmem:s2] =	stream.indirect.scatter.add.f32 [tilespmem:s13], [sflag:$0x4], $0x80, s3, s9, $0xb8;
	[tilespmem:$0x14200] =	vst v63  }
0x1e: {  	_ =	swait.ge [sflag:s17], $0x8000  }
0x1f: {  	[sflag:s17] =	ssyncset.done $0x0  }
0x20: {  	s21 =	sshll.u32 s0, $0xB;
	[sflag:s17] =	ssyncadd.s32 $0xFFFF8000  }
0x21: {  	s30 =	ssub.s32 $0x2, s19;
	s19 =	sshll.u32 s19, $0xF;
	_ =	swait.ge [sflag:s11], $0x8000  }
0x22: {  	s31 =	sshrl.u32 s30, $0x1;
	s18 =	sadd.s32 s21, s18;
	[sflag:s11] =	ssyncset.done $0x0  }
0x23: {  	s18 =	sadd.s32 s19, s18;
	s19 =	ssub.s32 s30, s31;
	[sflag:s11] =	ssyncadd.s32 $0xFFFF8000  }
0x24: {  	[spmem:s2] =	stream.indirect.scatter.add.f32 [tilespmem:s15], [sflag:$0x4], $0x80, s9, s9, $0xb8;
	[tilespmem:$0x14200] =	vst v63  }
0x25: {  	s21 =	smax.u32 s19, $0x1;
	_ =	swait.ge [sflag:s17], $0x8000  }
0x26: {  	p0 =	sne.s32 s21, $0x1;
	[sflag:s17] =	ssyncset.done $0x0  }
.Ltmp0:
0x27: {  	[sflag:s17] =	ssyncadd.s32 $0xFFFF8000;
	(pc) =	sbr.rel @!p0 .LBB2_2-.Ltmp0, $4  }
0x28: {  	s18 =	sadd.s32 $0xAF000, s18;
	s19 =	sor.u32 $0x1C04, s20;
	[bflag:$0x0] =	sbarrier.arrive $0xFFFF  }
0x29: {  	[hbm:s18], [sflag:s19] =	dma.local [spmem:s7], $0x800  }
0x2a: {  	_ =	swait.ge [sflag:s17], $0x800  }
0x2b: {  	s20 =	sadd.s32 $0xFFFFFFFF, s21;
	[sflag:s17] =	ssyncset.done $0x0  }
.LBB2_1:
0x2c: {  	p0 =	sne.s32 s20, $0x1;
	s20 =	sadd.s32 $0xFFFFFFFF, s20;
	[sflag:s17] =	ssyncadd.s32 $0xFFFFF800  }
0x2d: {  	[spmem:s7], [sflag:s5] =	dma.local [hbm:s4], $0x800  }
0x2e: {  	[tilespmem:s3], [sflag:$0x1] =	stream.linear.gather [hbm4b:s6+s3], $0x100, $0x38;
	[tilespmem:$0x14200] =	vst v63  }
0x2f: {  	_ = 	snop  }
0x30: {  	[tilespmem:s9], [sflag:$0x2] =	stream.linear.gather [hbm4b:s8+s3], $0x100, $0x38;
	[tilespmem:$0x14200] =	vst v63  }
0x31: {  	_ =	swait.ge [sflag:s10], $0x100  }
0x32: {  	[sflag:s10] =	ssyncset.done $0x0  }
0x33: {  	[sflag:s10] =	ssyncadd.s32 $0xFFFFFF00  }
0x34: {  	_ =	swait.ge [sflag:s11], $0x100  }
0x35: {  	[sflag:s11] =	ssyncset.done $0x0  }
0x36: {  	[sflag:s11] =	ssyncadd.s32 $0xFFFFFF00  }
0x37: {  	[tilespmem:s13], [sflag:$0x1] =	stream.linear.gather [hbm4b:s12+s3], $0x8000, $0x38;
	[tilespmem:$0x14200] =	vst v63  }
0x38: {  	_ = 	snop  }
0x39: {  	[tilespmem:s15], [sflag:$0x2] =	stream.linear.gather [hbm4b:s14+s3], $0x8000, $0x38;
	[tilespmem:$0x14200] =	vst v63  }
0x3a: {  	_ =	swait.ge [sflag:s16], $0x800  }
0x3b: {  	[sflag:s16] =	ssyncset.done $0x0  }
0x3c: {  	[sflag:s16] =	ssyncadd.s32 $0xFFFFF800  }
0x3d: {  	[bflag:$0x0] =	sbarrier.arrive $0xFFFF  }
0x3e: {  	_ =	swait.ge [sflag:s10], $0x8000  }
0x3f: {  	[sflag:s10] =	ssyncset.done $0x0  }
0x40: {  	[sflag:s10] =	ssyncadd.s32 $0xFFFF8000  }
0x41: {  	[spmem:s2] =	stream.indirect.scatter.add.f32 [tilespmem:s13], [sflag:$0x4], $0x80, s3, s9, $0xb8;
	[tilespmem:$0x14200] =	vst v63  }
0x42: {  	_ =	swait.ge [sflag:s17], $0x8000  }
0x43: {  	[sflag:s17] =	ssyncset.done $0x0  }
0x44: {  	[sflag:s17] =	ssyncadd.s32 $0xFFFF8000  }
0x45: {  	_ =	swait.ge [sflag:s11], $0x8000  }
0x46: {  	[sflag:s11] =	ssyncset.done $0x0  }
0x47: {  	[sflag:s11] =	ssyncadd.s32 $0xFFFF8000  }
0x48: {  	[spmem:s2] =	stream.indirect.scatter.add.f32 [tilespmem:s15], [sflag:$0x4], $0x80, s9, s9, $0xb8;
	[tilespmem:$0x14200] =	vst v63  }
0x49: {  	_ =	swait.ge [sflag:s17], $0x8000  }
0x4a: {  	[sflag:s17] =	ssyncset.done $0x0  }
.Ltmp1:
0x4b: {  	[sflag:s17] =	ssyncadd.s32 $0xFFFF8000;
	(pc) =	sbr.rel @p0 .LBB2_1-.Ltmp1, $4  }
0x4c: {  	[bflag:$0x0] =	sbarrier.arrive $0xFFFF  }
0x4d: {  	[hbm:s18], [sflag:s19] =	dma.local [spmem:s7], $0x800  }
0x4e: {  	_ =	swait.ge [sflag:s17], $0x800  }
0x4f: {  	[sflag:s17] =	ssyncset.done $0x0  }
.LBB2_2:
0x50: {  	[sflag:s17] =	ssyncadd.s32 $0xFFFFF800  }
0x51: {  	_ =	sfence.sel $0x180000  }
0x52: {  	[bflag:$0x0] =	sbarrier.arrive $0xFFFF  }
0x53: {  	p0 =	sne.s32 s0, $0x0;
	_ =	strace $0x90000059  }
0x54: {  	s0 =	sadd.s32 @!p0 $0x100000, s1;
	[bflag:$0x2] =	sbarrier.arrive $0xFFFF  }
0x55: {  	[sflag:s0] =	ssyncadd.tile.s32 @!p0 $0x1;
	_ =	shalt  }
.Lfunc_end2:
_tile_overlayer_lowered:
.L_overlay_start_2:
0x56: {  	(tag) =	ssettag $0x2  }
0x57: {  	s0 =	rddreg [dreg:$0x0];
	s2 =	stileid.u32  }
0x58: {  	s1 =	rddreg [dreg:$0x1];
	p0 =	sne.s32 s2, $0x0  }
0x59: {  	s3 =	rddreg [dreg:$0x2];
	[bflag:$0x3] =	sbarrier.arrive $0xFFFF;
	s2 =	simm.s32 @!p0 $0x1C04  }
0x5a: {  	[timem:s3], [sflag:s2] =	dma.local @!p0 [hbm:s0], s1  }
0x5b: {  	s0 =	simm.s32 @!p0 $0x4  }
0x5c: {  	_ =	swait.ge @!p0 [sflag:s0], s1  }
0x5d: {  	s1 =	ssub.s32 @!p0 $0x0, s1;
	[sflag:s0] =	ssyncset.done @!p0 $0x0  }
0x5e: {  	[sflag:s0] =	ssyncadd.s32 @!p0 s1  }
0x5f: {  	[bflag:$0x3] =	sbarrier.arrive $0xFFFF  }
0x60: {  	_ =	shalt  }

// kernel: kernel.50.cloned.1.call-start
scs
__scs_entry_jumppad:
0x0: {  	(pc) =	sbr.rel $0x88, $3  }
0x1: {  	(tag) =	ssettag $0x0;
	lr =	simm.s32 $0x1  }
0x2: {  	[smem:$0x3F86] =	sst lr;
	_ =	strace $0xD0000000  }
0x3: {  	_ = 	snop  }
0x4: {  	_ = 	snop  }
0x5: {  	_ = 	snop  }
0x6: {  	_ = 	snop  }
0x7: {  	_ = 	snop  }
__scs_overlays_trampoline_lowered:
0x8: {  	[smem:$0x3F95] =	sst s0  }
0x9: {  	[smem:$0x3F96] =	sst s1  }
0xa: {  	[smem:$0x3F97] =	sst s2  }
0xb: {  	[smem:$0x3F98] =	sst s3  }
0xc: {  	[smem:$0x3F99] =	sst s4  }
0xd: {  	[smem:$0x3F9A] =	sst s5  }
0xe: {  	[smem:$0x3F9B] =	sst s6  }
0xf: {  	[smem:$0x3F9C] =	sst s7  }
0x10: {  	[smem:$0x3F9D] =	sst s8  }
0x11: {  	[smem:$0x3F9E] =	sst s9;
	s0 =	simm.s32 @!p0 $0x0  }
0x12: {  	s1 =	sld [smem:$0x3F84];
	s0 =	simm.s32 @p0 $0x1  }
0x13: {  	[smem:$0x3F9F] =	sst s0;
	s0 =	simm.s32 @!p1 $0x0  }
0x14: {  	s2 =	sld [smem:$0x3F83];
	s0 =	simm.s32 @p1 $0x1  }
0x15: {  	[smem:$0x3FA0] =	sst s0;
	s0 =	simm.s32 @!p2 $0x0  }
0x16: {  	s3 =	sld [smem:$0x3FDB];
	s0 =	simm.s32 @p2 $0x1  }
0x17: {  	s4 =	simm.s32 $0x1BF5;
	[smem:$0x3FA2] =	sst s0  }
0x18: {  	s0 =	sld [smem:$0x3F85];
	_ =	swait.ge [sflag:s4], $0x0  }
0x19: {  	s7 =	sld [smem:$0x3F86]  }
0x1a: {  	s8 =	sadd.s32 $0xFFFFE003, lr  }
0x1b: {  	s9 =	sadd.s32 $0xFFFFFEF7, lr;
	s5 =	simm.s32 $0xFFFFFFFF;
	p2 =	slt.u32 s8, $0xFFFFF086  }
0x1c: {  	p1 =	slt.u32 s9, $0xF7A;
	s5 =	simm.s32 @!p2 $0x0  }
0x1d: {  	s5 =	simm.s32 @p1 $0x1;
	p0 =	seq.s32 s7, s2  }
0x1e: {  	s7 =	smul.u32 @!p0 $0xF7A, s2;
	p2 =	seq.s32 @!p0 s5, $0x0  }
0x1f: {  	s9 =	smul.u32 $0xF7A, s1;
	s8 =	simm.s32 @!p0 $0x1BF5;
	p2 =	por !p2, p0  }
0x20: {  	[sflag:s8] =	ssyncset.s32 @!p0 $0xFFFFF086;
	s6 =	sadd.s32 @!p0 s3, s7;
	s7 =	simm.s32 @!p0 $0x108  }
0x21: {  	s3 =	sadd.s32 s3, s9;
	s6 =	sadd.s32 @!p0 $0x88, s6;
	s7 =	simm.s32 @p2 $0x1082  }
0x22: {  	[simem:s7], [sflag:s8] =	dma.local @!p0 [hbm:s6], $0xF7A  }
0x23: {  	s9 =	sor.u32 $0xD0000000, s2;
	s6 =	simm.s32 $0x108;
	_ =	swait.ge @!p0 [sflag:s8], $0x0  }
0x24: {  	s3 =	sadd.s32 $0x88, s3;
	s6 =	simm.s32 @!p1 $0x1082;
	[sflag:s4] =	ssyncset.s32 $0xFFFFF086  }
0x25: {  	[simem:s6], [sflag:s4] =	dma.local [hbm:s3], $0xF7A  }
0x26: {  	[smem:$0x3F86] =	sst s1;
	(tag) =	ssettag s2;
	_ =	strace s9  }
0x27: {  	s1 =	sld [smem:$0x3F96]  }
0x28: {  	s2 =	sld [smem:$0x3F97]  }
0x29: {  	s4 =	sld [smem:$0x3F99]  }
0x2a: {  	p0 =	seq.s32 s5, $0x0;
	s5 =	sld [smem:$0x3F9A]  }
0x2b: {  	s6 =	sld [smem:$0x3F9B]  }
0x2c: {  	s7 =	sld [smem:$0x3F9C]  }
0x2d: {  	s3 =	simm.s32 $0x108;
	s8 =	sld [smem:$0x3F9D]  }
0x2e: {  	s3 =	simm.s32 @!p0 $0x1082;
	s9 =	sld [smem:$0x3F9E]  }
0x2f: {  	lr =	sadd.s32 s0, s3;
	s0 =	sld [smem:$0x3F95]  }
0x30: {  	s3 =	sld [smem:$0x3F98]  }
0x31: {  	[smem:$0x3FA1] =	sst s10  }
0x32: {  	s10 =	sld [smem:$0x3F9F];
	_ =	sdelay $0x3  }
0x33: {  	p0 =	seq.s32 s10, $0x1;
	s10 =	sld [smem:$0x3FA1];
	_ =	sdelay $0x3  }
0x34: {  	[smem:$0x3FA1] =	sst s10  }
0x35: {  	s10 =	sld [smem:$0x3FA0];
	_ =	sdelay $0x3  }
0x36: {  	p1 =	seq.s32 s10, $0x1;
	s10 =	sld [smem:$0x3FA1];
	_ =	sdelay $0x3  }
0x37: {  	[smem:$0x3FA1] =	sst s10  }
0x38: {  	s10 =	sld [smem:$0x3FA2]  }
0x39: {  	_ = 	snop;
	(pc) =	sbr.ind lr, $3  }
0x3a: {  	_ = 	snop  }
0x3b: {  	_ = 	snop  }
0x3c: {  	p2 =	seq.s32 s10, $0x1;
	s10 =	sld [smem:$0x3FA1]  }
0x3d: {  	_ =	shalt  }
0x3e: {  	_ =	shalt  }
0x3f: {  	_ =	shalt  }
0x40: {  	_ =	shalt  }
0x41: {  	_ =	shalt  }
0x42: {  	_ =	shalt  }
0x43: {  	_ =	shalt  }
0x44: {  	_ =	shalt  }
0x45: {  	_ =	shalt  }
0x46: {  	_ =	shalt  }
0x47: {  	_ =	shalt  }
0x48: {  	_ =	shalt  }
0x49: {  	_ =	shalt  }
0x4a: {  	_ =	shalt  }
0x4b: {  	_ =	shalt  }
0x4c: {  	_ =	shalt  }
0x4d: {  	_ =	shalt  }
0x4e: {  	_ =	shalt  }
0x4f: {  	_ =	shalt  }
0x50: {  	_ =	shalt  }
0x51: {  	_ =	shalt  }
0x52: {  	_ =	shalt  }
0x53: {  	_ =	shalt  }
0x54: {  	_ =	shalt  }
0x55: {  	_ =	shalt  }
0x56: {  	_ =	shalt  }
0x57: {  	_ =	shalt  }
0x58: {  	_ =	shalt  }
0x59: {  	_ =	shalt  }
0x5a: {  	_ =	shalt  }
0x5b: {  	_ =	shalt  }
0x5c: {  	_ =	shalt  }
0x5d: {  	_ =	shalt  }
0x5e: {  	_ =	shalt  }
0x5f: {  	_ =	shalt  }
0x60: {  	_ =	shalt  }
0x61: {  	_ =	shalt  }
0x62: {  	_ =	shalt  }
0x63: {  	_ =	shalt  }
0x64: {  	_ =	shalt  }
0x65: {  	_ =	shalt  }
0x66: {  	_ =	shalt  }
0x67: {  	_ =	shalt  }
0x68: {  	_ =	shalt  }
0x69: {  	_ =	shalt  }
0x6a: {  	_ =	shalt  }
0x6b: {  	_ =	shalt  }
0x6c: {  	_ =	shalt  }
0x6d: {  	_ =	shalt  }
0x6e: {  	_ =	shalt  }
0x6f: {  	_ =	shalt  }
0x70: {  	_ =	shalt  }
0x71: {  	_ =	shalt  }
0x72: {  	_ =	shalt  }
0x73: {  	_ =	shalt  }
0x74: {  	_ =	shalt  }
0x75: {  	_ =	shalt  }
0x76: {  	_ =	shalt  }
0x77: {  	_ =	shalt  }
0x78: {  	_ =	shalt  }
0x79: {  	_ =	shalt  }
0x7a: {  	_ =	shalt  }
0x7b: {  	_ =	shalt  }
0x7c: {  	_ =	shalt  }
0x7d: {  	_ =	shalt  }
0x7e: {  	_ =	shalt  }
0x7f: {  	_ =	shalt  }
0x80: {  	_ =	shalt  }
0x81: {  	_ =	shalt  }
0x82: {  	_ =	shalt  }
0x83: {  	_ =	shalt  }
0x84: {  	_ =	shalt  }
0x85: {  	_ =	shalt  }
0x86: {  	_ =	shalt  }
0x87: {  	_ =	shalt  }
.Lfunc_end0:
.L_simem_size_0:
called_computation.8_lowered:
.L_overlay_start_0:
0x88: {  	s2 =	sld [smem:$0x3FD9]  }
0x89: {  	s3 =	sld [smem:$0x3FFE];
	_ =	sdelay $0x1  }
0x8a: {  	s1 =	srdreg.scid  }
0x8b: {  	s0 =	sand.u32 $0x1, s1  }
0x8c: {  	s15 =	sshll.u32 s0, $0xA;
	s2 =	sadd.s32 s3, s2  }
0x8d: {  	s2 =	sadd.s32 s2, s15  }
0x8e: {  	[smem:$0x3FAD] =	sst s2  }
0x8f: {  	_ = 	snop  }
0x90: {  	s2 =	sld [smem:$0x3FD0];
	_ =	sdelay $0x2  }
0x91: {  	s16 =	simm.s32 $0xB;
	s4 =	simm.s32 $0x10  }
0x92: {  	[smem:s4], [sflag:s16] =	dma.local [hbm:s2], $0x1  }
0x93: {  	_ =	swait.eq [sflag:s16], $0x1  }
0x94: {  	[sflag:s16] =	ssyncset.done $0x0  }
0x95: {  	[sflag:s16] =	ssyncadd.s32 $0xFFFFFFFF  }
0x96: {  	s17 =	sld [smem:$0x10];
	(tm) =	ssettm $0x1  }
0x97: {  	s18 =	sld [smem:$0x3FFB];
	_ =	sdelay $0x3  }
0x98: {  	_ =	strace s18  }
0x99: {  	s2 =	sld [smem:$0x3FFC];
	_ =	sdelay $0x3  }
0x9a: {  	_ =	strace s2  }
0x9b: {  	s2 =	sld [smem:$0x3FFD];
	_ =	sdelay $0x3  }
0x9c: {  	_ =	strace s2  }
0x9d: {  	_ =	strace $0x8FFFFFFF  }
0x9e: {  	s19 =	sld [smem:$0x3FDB];
	_ =	sdelay $0x1  }
0x9f: {  	s20 =	simm.s32 $_scs_section_size  }
0xa0: {  	s5 =	simm.s32 $_size__tile_overlayer_lowered;
	s6 =	simm.s32 $_tile_overlayer_lowered  }
0xa1: {  	s7 =	simm.s32 $0x1BFF;
	s21 =	sshll.u32 s6, $0x1;
	s4 =	sadd.s32 s20, s19  }
0xa2: {  	s22 =	simm.s32 $0x0;
	s5 =	sshll.u32 s5, $0x1;
	s6 =	sadd.s32 s21, s4  }
0xa3: {  	[timem:s22], [sflag:s7] =	dma.local [hbm:s6], s5  }
0xa4: {  	_ =	swait.ge [sflag:s7], s5  }
0xa5: {  	s5 =	ssub.s32 $0x0, s5;
	[sflag:s7] =	ssyncset.done $0x0  }
0xa6: {  	[sflag:s7] =	ssyncadd.s32 s5;
	_ =	sdelay $0x1  }
0xa7: {  	s23 =	simm.s32 $0x1B8B  }
0xa8: {  	_ =	swait.ge [sflag:s23], $0x1  }
0xa9: {  	[sflag:s23] =	ssyncset.done $0x0  }
0xaa: {  	[sflag:s23] =	ssyncadd.s32 $0xFFFFFFFF  }
0xab: {  	s5 =	sld [smem:$0x0]  }
0xac: {  	s6 =	sand.u32 $0xFFFFFFFE, s1  }
0xad: {  	p0 =	sne.s32 s1, s6  }
0xae: {  	s6 =	sshll.u32 @p0 s6, $0xE  }
0xaf: {  	s6 =	sadd.s32 @p0 $0x11B8D, s6;
	s7 =	sshll.u32 @p0 s5, $0x11  }
0xb0: {  	s6 =	sor.u32 @p0 s7, s6  }
0xb1: {  	[sflag:s6] =	ssyncadd.remote.s32 @p0 $0x1;
	_ =	sdelay $0x1  }
0xb2: {  	s6 =	simm.s32 @p0 $0x1B8D  }
0xb3: {  	_ =	swait.eq @p0 [sflag:s6], $0x1  }
0xb4: {  	[sflag:s6] =	ssyncadd.s32 @p0 $0xFFFFFFFF  }
0xb5: {  	s7 =	sshll.u32 @!p0 s1, $0xE  }
0xb6: {  	s7 =	sor.u32 @!p0 $0x4000, s7;
	s6 =	simm.s32 @!p0 $0x1B8D  }
0xb7: {  	s5 =	sshll.u32 @!p0 s5, $0x11;
	s7 =	sadd.s32 @!p0 $0x11B8D, s7;
	_ =	swait.eq @!p0 [sflag:s6], $0x1  }
0xb8: {  	s5 =	sor.u32 @!p0 s5, s7;
	[sflag:s6] =	ssyncadd.s32 @!p0 $0xFFFFFFFF  }
0xb9: {  	s25 =	simm.s32 $0x1B8E;
	s24 =	sld [smem:$0x3FFE];
	[sflag:s5] =	ssyncadd.remote.s32 @!p0 $0x1  }
0xba: {  	s26 =	simm.s32 $execute0_lowered;
	[smem:$0x3FD2] =	sst s25  }
0xbb: {  	s6 =	sshll.u32 s26, $0x1;
	_ =	strace $0x80000061;
	[dreg:$0x1] =	wrdreg $0xFFFFFFFF  }
0xbc: {  	s28 =	simm.s32 $_size_execute0_lowered;
	s4 =	sadd.s32 s4, s6;
	[dreg:$0x0] =	wrdreg $0x0  }
0xbd: {  	s6 =	sshll.u32 s28, $0x1;
	[dreg:$0x2] =	wrdreg s4  }
0xbe: {  	[dreg:$0x3] =	wrdreg s6  }
0xbf: {  	[dreg:$0x4] =	wrdreg $0xC0  }
0xc0: {  	_ =	task [dreg:s22], $0x5FFFF  }
0xc1: {  	[dreg:$0x1] =	wrdreg $0xFFFFFFFF  }
0xc2: {  	[dreg:$0x0] =	wrdreg $0x60  }
0xc3: {  	[dreg:$0x2] =	wrdreg s17  }
0xc4: {  	[dreg:$0x3] =	wrdreg s24  }
0xc5: {  	[dreg:$0x4] =	wrdreg $0x9  }
0xc6: {  	_ =	task.clear_ibuf [dreg:s22], $0x5FFFF;
	_ =	strace $0x90000061  }
0xc7: {  	s29 =	simm.s32 $0x9;
	_ =	strace $0x80000063  }
0xc8: {  	_ =	swait.ge [sflag:s29], $0x1  }
0xc9: {  	[sflag:s29] =	ssyncadd.s32 $0xFFFFFFFF  }
0xca: {  	_ =	strace $0x90000063  }
0xcb: {  	_ =	sfence  }
0xcc: {  	s30 =	sld [smem:$0x0];
	_ =	sdelay $0x2  }
0xcd: {  	s31 =	sshll.u32 s1, $0xD;
	s1 =	sshrl.u32 s1, $0x2  }
0xce: {  	s4 =	sand.u32 $0x4000, s31;
	s1 =	sadd.s32 s1, s30  }
0xcf: {  	s0 =	sor.u32 s4, s0;
	s1 =	sshll.u32 s1, $0x11  }
0xd0: {  	s0 =	sor.u32 s1, s0  }
0xd1: {  	s0 =	sadd.s32 $0x8F2B, s0  }
0xd2: {  	[sflag:s0] =	ssyncadd.remote.s32 $0x1  }
0xd3: {  	_ =	sfence.sel $0xFFFF  }
0xd4: {  	[dreg:$0x0] =	wrdreg $0xFFFFFFFF;
	(pc) =	sbr.abs _section_cstart, $3  }
0xd5: {  	[dreg:$0x1] =	wrdreg $0xFFFFFFFF  }
0xd6: {  	_ =	task.clear_ibuf [dreg:s22], $0x2FFFF;
	_ =	strace $0x9FFFFFFF  }
0xd7: {  	(tm) =	ssettm $0x7FFFFFFF  }
tec
execute0_lowered:
.L_overlay_start_1:
0x0: {  	(tag) =	ssettag $0x1  }
0x1: {  	s1 =	srdreg.scid  }
0x2: {  	s0 =	stileid.u32;
	s12 =	sand.u32 $0x1, s1  }
0x3: {  	s31 =	sshll.u32 s0, $0x9;
	s3 =	sshll.u32 s12, $0x8  }
0x4: {  	s2 =	rddreg [dreg:$0x0];
	s13 =	sor.u32 s3, s31  }
0x5: {  	s11 =	rddreg [dreg:$0x1];
	s3 =	simm.s32 $0x0;
	s4 =	sshrl.u32 s13, $0x3  }
0x6: {  	[smem:$0x7FF] =	sst s3;
	s5 =	sadd.s32 s4, s11  }
0x7: {  	s1 =	rddreg [dreg:$0x2];
	_ =	strace $0x80000062;
	s4 =	sadd.s32 $0xE000, s5  }
0x8: {  	[tilespmem:s3], [sflag:$0x1] =	stream.linear.gather [hbm4b:s4+s3], $0x100, $0x38;
	[tilespmem:$0x10200] =	vst v63  }
0x9: {  	s6 =	simm.s32 $0x100;
	s7 =	simm.s32 $0x1;
	s5 =	sadd.s32 $0xD800, s5  }
0xa: {  	[tilespmem:s6], [sflag:$0x2] =	stream.linear.gather [hbm4b:s5+s3], $0x100, $0x38;
	[tilespmem:$0x10200] =	vst v63  }
0xb: {  	_ =	swait.ge [sflag:s7], $0x100  }
0xc: {  	[sflag:s7] =	ssyncset.done $0x0  }
0xd: {  	s8 =	simm.s32 $0x200;
	s9 =	simm.s32 $0x2;
	[sflag:s7] =	ssyncadd.s32 $0xFFFFFF00  }
0xe: {  	[tilespmem:s8], [sflag:$0x1] =	stream.indirect.gather [hbm4b:s2+s6], $0x80, s3, s6, $0xb8;
	[tilespmem:$0x10200] =	vst v63  }
0xf: {  	_ =	swait.ge [sflag:s9], $0x100  }
0x10: {  	[sflag:s9] =	ssyncset.done $0x0  }
0x11: {  	s10 =	simm.s32 $0x8200;
	[sflag:s9] =	ssyncadd.s32 $0xFFFFFF00  }
0x12: {  	[tilespmem:s10], [sflag:$0x2] =	stream.indirect.gather [hbm4b:s2+s6], $0x80, s6, s6, $0xb8;
	[tilespmem:$0x10200] =	vst v63  }
0x13: {  	s13 =	sshll.u32 s13, $0x4;
	_ =	swait.ge [sflag:s7], $0x8000  }
0x14: {  	s14 =	ssub.s32 $0x2, s12;
	s13 =	sadd.s32 s13, s11;
	[sflag:s7] =	ssyncset.done $0x0  }
0x15: {  	s15 =	sshrl.u32 s14, $0x1;
	s11 =	sadd.s32 $0x6E800, s13;
	[sflag:s7] =	ssyncadd.s32 $0xFFFF8000  }
0x16: {  	[hbm4b:s11+s3] =	stream.linear.scatter [tilespmem:s8], [sflag:$0x3], $0x8000, $0x38;
	[tilespmem:$0x10200] =	vst v63  }
0x17: {  	s14 =	ssub.s32 s14, s15;
	_ =	swait.ge [sflag:s9], $0x8000  }
0x18: {  	s15 =	smax.u32 s14, $0x1;
	s12 =	sadd.s32 $0x8E800, s13;
	[sflag:s9] =	ssyncset.done $0x0  }
0x19: {  	s13 =	simm.s32 $0x3;
	p0 =	sne.s32 s15, $0x1;
	[sflag:s9] =	ssyncadd.s32 $0xFFFF8000  }
0x1a: {  	[hbm4b:s12+s3] =	stream.linear.scatter [tilespmem:s10], [sflag:$0x4], $0x8000, $0x38;
	[tilespmem:$0x10200] =	vst v63  }
.Ltmp0:
0x1b: {  	_ =	swait.ge [sflag:s13], $0x8000;
	(pc) =	sbr.rel @!p0 .LBB2_2-.Ltmp0, $4  }
0x1c: {  	[sflag:s13] =	ssyncset.done $0x0  }
0x1d: {  	s14 =	simm.s32 $0x4;
	[sflag:s13] =	ssyncadd.s32 $0xFFFF8000  }
0x1e: {  	_ =	swait.ge [sflag:s14], $0x8000  }
0x1f: {  	s15 =	sadd.s32 $0xFFFFFFFF, s15;
	[sflag:s14] =	ssyncset.done $0x0  }
.LBB2_1:
0x20: {  	p0 =	sne.s32 s15, $0x1;
	s15 =	sadd.s32 $0xFFFFFFFF, s15;
	[sflag:s14] =	ssyncadd.s32 $0xFFFF8000  }
0x21: {  	[tilespmem:s3], [sflag:$0x1] =	stream.linear.gather [hbm4b:s4+s3], $0x100, $0x38;
	[tilespmem:$0x10200] =	vst v63  }
0x22: {  	_ = 	snop  }
0x23: {  	[tilespmem:s6], [sflag:$0x2] =	stream.linear.gather [hbm4b:s5+s3], $0x100, $0x38;
	[tilespmem:$0x10200] =	vst v63  }
0x24: {  	_ =	swait.ge [sflag:s7], $0x100  }
0x25: {  	[sflag:s7] =	ssyncset.done $0x0  }
0x26: {  	[sflag:s7] =	ssyncadd.s32 $0xFFFFFF00  }
0x27: {  	[tilespmem:s8], [sflag:$0x1] =	stream.indirect.gather [hbm4b:s2+s6], $0x80, s3, s6, $0xb8;
	[tilespmem:$0x10200] =	vst v63  }
0x28: {  	_ =	swait.ge [sflag:s9], $0x100  }
0x29: {  	[sflag:s9] =	ssyncset.done $0x0  }
0x2a: {  	[sflag:s9] =	ssyncadd.s32 $0xFFFFFF00  }
0x2b: {  	[tilespmem:s10], [sflag:$0x2] =	stream.indirect.gather [hbm4b:s2+s6], $0x80, s6, s6, $0xb8;
	[tilespmem:$0x10200] =	vst v63  }
0x2c: {  	_ =	swait.ge [sflag:s7], $0x8000  }
0x2d: {  	[sflag:s7] =	ssyncset.done $0x0  }
0x2e: {  	[sflag:s7] =	ssyncadd.s32 $0xFFFF8000  }
0x2f: {  	[hbm4b:s11+s3] =	stream.linear.scatter [tilespmem:s8], [sflag:$0x3], $0x8000, $0x38;
	[tilespmem:$0x10200] =	vst v63  }
0x30: {  	_ =	swait.ge [sflag:s9], $0x8000  }
0x31: {  	[sflag:s9] =	ssyncset.done $0x0  }
0x32: {  	[sflag:s9] =	ssyncadd.s32 $0xFFFF8000  }
0x33: {  	[hbm4b:s12+s3] =	stream.linear.scatter [tilespmem:s10], [sflag:$0x4], $0x8000, $0x38;
	[tilespmem:$0x10200] =	vst v63  }
.Ltmp1:
0x34: {  	_ =	swait.ge [sflag:s13], $0x8000;
	(pc) =	sbr.rel @p0 .LBB2_1-.Ltmp1, $4  }
0x35: {  	[sflag:s13] =	ssyncset.done $0x0  }
0x36: {  	[sflag:s13] =	ssyncadd.s32 $0xFFFF8000  }
0x37: {  	_ =	swait.ge [sflag:s14], $0x8000  }
0x38: {  	[sflag:s14] =	ssyncset.done $0x0  }
.LBB2_2:
0x39: {  	[sflag:s14] =	ssyncadd.s32 $0xFFFF8000  }
0x3a: {  	_ =	sfence.sel $0x180000  }
0x3b: {  	[bflag:$0x0] =	sbarrier.arrive $0xFFFF  }
0x3c: {  	p0 =	sne.s32 s0, $0x0;
	_ =	strace $0x90000062  }
0x3d: {  	s0 =	sadd.s32 @!p0 $0x100000, s1;
	[bflag:$0x2] =	sbarrier.arrive $0xFFFF  }
0x3e: {  	[sflag:s0] =	ssyncadd.tile.s32 @!p0 $0x1;
	_ =	shalt  }
.Lfunc_end2:
_tile_overlayer_lowered:
.L_overlay_start_2:
0x3f: {  	(tag) =	ssettag $0x2  }
0x40: {  	s0 =	rddreg [dreg:$0x0];
	s2 =	stileid.u32  }
0x41: {  	s1 =	rddreg [dreg:$0x1];
	p0 =	sne.s32 s2, $0x0  }
0x42: {  	s3 =	rddreg [dreg:$0x2];
	[bflag:$0x3] =	sbarrier.arrive $0xFFFF;
	s2 =	simm.s32 @!p0 $0x1C05  }
0x43: {  	[timem:s3], [sflag:s2] =	dma.local @!p0 [hbm:s0], s1  }
0x44: {  	s0 =	simm.s32 @!p0 $0x5  }
0x45: {  	_ =	swait.ge @!p0 [sflag:s0], s1  }
0x46: {  	s1 =	ssub.s32 @!p0 $0x0, s1;
	[sflag:s0] =	ssyncset.done @!p0 $0x0  }
0x47: {  	[sflag:s0] =	ssyncadd.s32 @!p0 s1  }
0x48: {  	[bflag:$0x3] =	sbarrier.arrive $0xFFFF  }
0x49: {  	_ =	shalt  }

// kernel: kernel.53.cloned.1.call-start
scs
__scs_entry_jumppad:
0x0: {  	(pc) =	sbr.rel $0x88, $3  }
0x1: {  	(tag) =	ssettag $0x0;
	lr =	simm.s32 $0x1  }
0x2: {  	[smem:$0x3F86] =	sst lr;
	_ =	strace $0xD0000000  }
0x3: {  	_ = 	snop  }
0x4: {  	_ = 	snop  }
0x5: {  	_ = 	snop  }
0x6: {  	_ = 	snop  }
0x7: {  	_ = 	snop  }
__scs_overlays_trampoline_lowered:
0x8: {  	[smem:$0x3F95] =	sst s0  }
0x9: {  	[smem:$0x3F96] =	sst s1  }
0xa: {  	[smem:$0x3F97] =	sst s2  }
0xb: {  	[smem:$0x3F98] =	sst s3  }
0xc: {  	[smem:$0x3F99] =	sst s4  }
0xd: {  	[smem:$0x3F9A] =	sst s5  }
0xe: {  	[smem:$0x3F9B] =	sst s6  }
0xf: {  	[smem:$0x3F9C] =	sst s7  }
0x10: {  	[smem:$0x3F9D] =	sst s8  }
0x11: {  	[smem:$0x3F9E] =	sst s9;
	s0 =	simm.s32 @!p0 $0x0  }
0x12: {  	s1 =	sld [smem:$0x3F84];
	s0 =	simm.s32 @p0 $0x1  }
0x13: {  	[smem:$0x3F9F] =	sst s0;
	s0 =	simm.s32 @!p1 $0x0  }
0x14: {  	s2 =	sld [smem:$0x3F83];
	s0 =	simm.s32 @p1 $0x1  }
0x15: {  	[smem:$0x3FA0] =	sst s0;
	s0 =	simm.s32 @!p2 $0x0  }
0x16: {  	s3 =	sld [smem:$0x3FDB];
	s0 =	simm.s32 @p2 $0x1  }
0x17: {  	s4 =	simm.s32 $0x1BF5;
	[smem:$0x3FA2] =	sst s0  }
0x18: {  	s0 =	sld [smem:$0x3F85];
	_ =	swait.ge [sflag:s4], $0x0  }
0x19: {  	s7 =	sld [smem:$0x3F86]  }
0x1a: {  	s8 =	sadd.s32 $0xFFFFE003, lr  }
0x1b: {  	s9 =	sadd.s32 $0xFFFFFEF7, lr;
	s5 =	simm.s32 $0xFFFFFFFF;
	p2 =	slt.u32 s8, $0xFFFFF086  }
0x1c: {  	p1 =	slt.u32 s9, $0xF7A;
	s5 =	simm.s32 @!p2 $0x0  }
0x1d: {  	s5 =	simm.s32 @p1 $0x1;
	p0 =	seq.s32 s7, s2  }
0x1e: {  	s7 =	smul.u32 @!p0 $0xF7A, s2;
	p2 =	seq.s32 @!p0 s5, $0x0  }
0x1f: {  	s9 =	smul.u32 $0xF7A, s1;
	s8 =	simm.s32 @!p0 $0x1BF5;
	p2 =	por !p2, p0  }
0x20: {  	[sflag:s8] =	ssyncset.s32 @!p0 $0xFFFFF086;
	s6 =	sadd.s32 @!p0 s3, s7;
	s7 =	simm.s32 @!p0 $0x108  }
0x21: {  	s3 =	sadd.s32 s3, s9;
	s6 =	sadd.s32 @!p0 $0x88, s6;
	s7 =	simm.s32 @p2 $0x1082  }
0x22: {  	[simem:s7], [sflag:s8] =	dma.local @!p0 [hbm:s6], $0xF7A  }
0x23: {  	s9 =	sor.u32 $0xD0000000, s2;
	s6 =	simm.s32 $0x108;
	_ =	swait.ge @!p0 [sflag:s8], $0x0  }
0x24: {  	s3 =	sadd.s32 $0x88, s3;
	s6 =	simm.s32 @!p1 $0x1082;
	[sflag:s4] =	ssyncset.s32 $0xFFFFF086  }
0x25: {  	[simem:s6], [sflag:s4] =	dma.local [hbm:s3], $0xF7A  }
0x26: {  	[smem:$0x3F86] =	sst s1;
	(tag) =	ssettag s2;
	_ =	strace s9  }
0x27: {  	s1 =	sld [smem:$0x3F96]  }
0x28: {  	s2 =	sld [smem:$0x3F97]  }
0x29: {  	s4 =	sld [smem:$0x3F99]  }
0x2a: {  	p0 =	seq.s32 s5, $0x0;
	s5 =	sld [smem:$0x3F9A]  }
0x2b: {  	s6 =	sld [smem:$0x3F9B]  }
0x2c: {  	s7 =	sld [smem:$0x3F9C]  }
0x2d: {  	s3 =	simm.s32 $0x108;
	s8 =	sld [smem:$0x3F9D]  }
0x2e: {  	s3 =	simm.s32 @!p0 $0x1082;
	s9 =	sld [smem:$0x3F9E]  }
0x2f: {  	lr =	sadd.s32 s0, s3;
	s0 =	sld [smem:$0x3F95]  }
0x30: {  	s3 =	sld [smem:$0x3F98]  }
0x31: {  	[smem:$0x3FA1] =	sst s10  }
0x32: {  	s10 =	sld [smem:$0x3F9F];
	_ =	sdelay $0x3  }
0x33: {  	p0 =	seq.s32 s10, $0x1;
	s10 =	sld [smem:$0x3FA1];
	_ =	sdelay $0x3  }
0x34: {  	[smem:$0x3FA1] =	sst s10  }
0x35: {  	s10 =	sld [smem:$0x3FA0];
	_ =	sdelay $0x3  }
0x36: {  	p1 =	seq.s32 s10, $0x1;
	s10 =	sld [smem:$0x3FA1];
	_ =	sdelay $0x3  }
0x37: {  	[smem:$0x3FA1] =	sst s10  }
0x38: {  	s10 =	sld [smem:$0x3FA2]  }
0x39: {  	_ = 	snop;
	(pc) =	sbr.ind lr, $3  }
0x3a: {  	_ = 	snop  }
0x3b: {  	_ = 	snop  }
0x3c: {  	p2 =	seq.s32 s10, $0x1;
	s10 =	sld [smem:$0x3FA1]  }
0x3d: {  	_ =	shalt  }
0x3e: {  	_ =	shalt  }
0x3f: {  	_ =	shalt  }
0x40: {  	_ =	shalt  }
0x41: {  	_ =	shalt  }
0x42: {  	_ =	shalt  }
0x43: {  	_ =	shalt  }
0x44: {  	_ =	shalt  }
0x45: {  	_ =	shalt  }
0x46: {  	_ =	shalt  }
0x47: {  	_ =	shalt  }
0x48: {  	_ =	shalt  }
0x49: {  	_ =	shalt  }
0x4a: {  	_ =	shalt  }
0x4b: {  	_ =	shalt  }
0x4c: {  	_ =	shalt  }
0x4d: {  	_ =	shalt  }
0x4e: {  	_ =	shalt  }
0x4f: {  	_ =	shalt  }
0x50: {  	_ =	shalt  }
0x51: {  	_ =	shalt  }
0x52: {  	_ =	shalt  }
0x53: {  	_ =	shalt  }
0x54: {  	_ =	shalt  }
0x55: {  	_ =	shalt  }
0x56: {  	_ =	shalt  }
0x57: {  	_ =	shalt  }
0x58: {  	_ =	shalt  }
0x59: {  	_ =	shalt  }
0x5a: {  	_ =	shalt  }
0x5b: {  	_ =	shalt  }
0x5c: {  	_ =	shalt  }
0x5d: {  	_ =	shalt  }
0x5e: {  	_ =	shalt  }
0x5f: {  	_ =	shalt  }
0x60: {  	_ =	shalt  }
0x61: {  	_ =	shalt  }
0x62: {  	_ =	shalt  }
0x63: {  	_ =	shalt  }
0x64: {  	_ =	shalt  }
0x65: {  	_ =	shalt  }
0x66: {  	_ =	shalt  }
0x67: {  	_ =	shalt  }
0x68: {  	_ =	shalt  }
0x69: {  	_ =	shalt  }
0x6a: {  	_ =	shalt  }
0x6b: {  	_ =	shalt  }
0x6c: {  	_ =	shalt  }
0x6d: {  	_ =	shalt  }
0x6e: {  	_ =	shalt  }
0x6f: {  	_ =	shalt  }
0x70: {  	_ =	shalt  }
0x71: {  	_ =	shalt  }
0x72: {  	_ =	shalt  }
0x73: {  	_ =	shalt  }
0x74: {  	_ =	shalt  }
0x75: {  	_ =	shalt  }
0x76: {  	_ =	shalt  }
0x77: {  	_ =	shalt  }
0x78: {  	_ =	shalt  }
0x79: {  	_ =	shalt  }
0x7a: {  	_ =	shalt  }
0x7b: {  	_ =	shalt  }
0x7c: {  	_ =	shalt  }
0x7d: {  	_ =	shalt  }
0x7e: {  	_ =	shalt  }
0x7f: {  	_ =	shalt  }
0x80: {  	_ =	shalt  }
0x81: {  	_ =	shalt  }
0x82: {  	_ =	shalt  }
0x83: {  	_ =	shalt  }
0x84: {  	_ =	shalt  }
0x85: {  	_ =	shalt  }
0x86: {  	_ =	shalt  }
0x87: {  	_ =	shalt  }
.Lfunc_end0:
.L_simem_size_0:
called_computation.9_lowered:
.L_overlay_start_0:
0x88: {  	s2 =	sld [smem:$0x3FD9]  }
0x89: {  	s3 =	sld [smem:$0x3FFE];
	_ =	sdelay $0x1  }
0x8a: {  	s1 =	srdreg.scid  }
0x8b: {  	s0 =	sand.u32 $0x1, s1  }
0x8c: {  	s17 =	sshll.u32 s0, $0xA;
	s2 =	sadd.s32 s3, s2  }
0x8d: {  	s2 =	sadd.s32 s2, s17  }
0x8e: {  	[smem:$0x3FAD] =	sst s2  }
0x8f: {  	_ = 	snop  }
0x90: {  	(tm) =	ssettm $0x1  }
0x91: {  	s18 =	sld [smem:$0x3FFB];
	_ =	sdelay $0x3  }
0x92: {  	_ =	strace s18  }
0x93: {  	s2 =	sld [smem:$0x3FFC];
	_ =	sdelay $0x3  }
0x94: {  	_ =	strace s2  }
0x95: {  	s2 =	sld [smem:$0x3FFD];
	_ =	sdelay $0x3  }
0x96: {  	_ =	strace s2  }
0x97: {  	_ =	strace $0x8FFFFFFF  }
0x98: {  	s19 =	sld [smem:$0x3FDB];
	_ =	sdelay $0x1  }
0x99: {  	s20 =	simm.s32 $_scs_section_size  }
0x9a: {  	s4 =	simm.s32 $_size__tile_overlayer_lowered;
	s5 =	simm.s32 $_tile_overlayer_lowered  }
0x9b: {  	s6 =	simm.s32 $0x1BFF;
	s21 =	sshll.u32 s5, $0x1;
	s3 =	sadd.s32 s20, s19  }
0x9c: {  	s22 =	simm.s32 $0x0;
	s4 =	sshll.u32 s4, $0x1;
	s5 =	sadd.s32 s21, s3  }
0x9d: {  	[timem:s22], [sflag:s6] =	dma.local [hbm:s5], s4  }
0x9e: {  	_ =	swait.ge [sflag:s6], s4  }
0x9f: {  	s4 =	ssub.s32 $0x0, s4;
	[sflag:s6] =	ssyncset.done $0x0  }
0xa0: {  	[sflag:s6] =	ssyncadd.s32 s4;
	_ =	sdelay $0x1  }
0xa1: {  	s23 =	simm.s32 $0x1B8B  }
0xa2: {  	_ =	swait.ge [sflag:s23], $0x1  }
0xa3: {  	[sflag:s23] =	ssyncset.done $0x0  }
0xa4: {  	[sflag:s23] =	ssyncadd.s32 $0xFFFFFFFF  }
0xa5: {  	s4 =	sld [smem:$0x0]  }
0xa6: {  	s5 =	sand.u32 $0xFFFFFFFE, s1  }
0xa7: {  	p0 =	sne.s32 s1, s5  }
0xa8: {  	s5 =	sshll.u32 @p0 s5, $0xE  }
0xa9: {  	s5 =	sadd.s32 @p0 $0x11B8D, s5;
	s6 =	sshll.u32 @p0 s4, $0x11  }
0xaa: {  	s5 =	sor.u32 @p0 s6, s5  }
0xab: {  	[sflag:s5] =	ssyncadd.remote.s32 @p0 $0x1;
	_ =	sdelay $0x1  }
0xac: {  	s5 =	simm.s32 @p0 $0x1B8D  }
0xad: {  	_ =	swait.eq @p0 [sflag:s5], $0x1  }
0xae: {  	[sflag:s5] =	ssyncadd.s32 @p0 $0xFFFFFFFF  }
0xaf: {  	s6 =	sshll.u32 @!p0 s1, $0xE  }
0xb0: {  	s6 =	sor.u32 @!p0 $0x4000, s6;
	s5 =	simm.s32 @!p0 $0x1B8D  }
0xb1: {  	s4 =	sshll.u32 @!p0 s4, $0x11;
	s6 =	sadd.s32 @!p0 $0x11B8D, s6;
	_ =	swait.eq @!p0 [sflag:s5], $0x1  }
0xb2: {  	s4 =	sor.u32 @!p0 s4, s6;
	[sflag:s5] =	ssyncadd.s32 @!p0 $0xFFFFFFFF  }
0xb3: {  	s25 =	simm.s32 $0x1B8E;
	s24 =	sld [smem:$0x3FFE];
	[sflag:s4] =	ssyncadd.remote.s32 @!p0 $0x1  }
0xb4: {  	s26 =	simm.s32 $execute0_lowered;
	[smem:$0x3FD2] =	sst s25  }
0xb5: {  	s5 =	sshll.u32 s26, $0x1;
	_ =	strace $0x80000067;
	[dreg:$0x1] =	wrdreg $0xFFFFFFFF  }
0xb6: {  	s28 =	simm.s32 $_size_execute0_lowered;
	s3 =	sadd.s32 s3, s5;
	[dreg:$0x0] =	wrdreg $0x0  }
0xb7: {  	s5 =	sshll.u32 s28, $0x1;
	[dreg:$0x2] =	wrdreg s3  }
0xb8: {  	[dreg:$0x3] =	wrdreg s5  }
0xb9: {  	[dreg:$0x4] =	wrdreg $0xC0  }
0xba: {  	_ =	task [dreg:s22], $0x5FFFF  }
0xbb: {  	[dreg:$0x1] =	wrdreg $0xFFFFFFFF  }
0xbc: {  	[dreg:$0x0] =	wrdreg $0x60  }
0xbd: {  	[dreg:$0x2] =	wrdreg s24  }
0xbe: {  	[dreg:$0x3] =	wrdreg $0x102000  }
0xbf: {  	[dreg:$0x4] =	wrdreg $0x9  }
0xc0: {  	_ =	task.clear_ibuf [dreg:s22], $0x5FFFF;
	_ =	strace $0x90000067  }
0xc1: {  	s29 =	simm.s32 $0x9;
	_ =	strace $0x80000069  }
0xc2: {  	_ =	swait.ge [sflag:s29], $0x1  }
0xc3: {  	[sflag:s29] =	ssyncadd.s32 $0xFFFFFFFF  }
0xc4: {  	_ =	strace $0x90000069  }
0xc5: {  	_ =	sfence  }
0xc6: {  	s30 =	sld [smem:$0x0];
	_ =	sdelay $0x2  }
0xc7: {  	s31 =	sshll.u32 s1, $0xD;
	s1 =	sshrl.u32 s1, $0x2  }
0xc8: {  	s4 =	sand.u32 $0x4000, s31;
	s1 =	sadd.s32 s1, s30  }
0xc9: {  	s0 =	sor.u32 s4, s0;
	s1 =	sshll.u32 s1, $0x11  }
0xca: {  	s0 =	sor.u32 s1, s0  }
0xcb: {  	s0 =	sadd.s32 $0x8F2B, s0  }
0xcc: {  	[sflag:s0] =	ssyncadd.remote.s32 $0x1  }
0xcd: {  	_ =	sfence.sel $0xFFFF  }
0xce: {  	[dreg:$0x0] =	wrdreg $0xFFFFFFFF;
	(pc) =	sbr.abs _section_cstart, $3  }
0xcf: {  	[dreg:$0x1] =	wrdreg $0xFFFFFFFF  }
0xd0: {  	_ =	task.clear_ibuf [dreg:s22], $0x2FFFF;
	_ =	strace $0x9FFFFFFF  }
0xd1: {  	(tm) =	ssettm $0x7FFFFFFF  }
tec
execute0_lowered:
.L_overlay_start_1:
0x0: {  	(tag) =	ssettag $0x1  }
0x1: {  	s1 =	srdreg.scid  }
0x2: {  	s18 =	rddreg [dreg:$0x0];
	s0 =	stileid.u32  }
0x3: {  	s2 =	rddreg [dreg:$0x1];
	s3 =	simm.s32 $0x0;
	s19 =	sand.u32 $0x1, s1  }
0x4: {  	s5 =	sshll.u32 s0, $0x8;
	s1 =	rddreg [dreg:$0x2];
	s4 =	sshll.u32 s19, $0xC  }
0x5: {  	[smem:$0x7FF] =	sst s3;
	s29 =	sshll.u32 s0, $0xE;
	s12 =	sor.u32 s5, s4  }
0x6: {  	s20 =	sshll.u32 s0, $0x6;
	_ =	strace $0x80000068;
	s4 =	sshrl.u32 s12, $0x3  }
0x7: {  	s7 =	sadd.s32 s29, s2;
	s5 =	sor.u32 $0x1C03, s20;
	s8 =	sadd.s32 s4, s18  }
0x8: {  	s7 =	sshrl.u32 s7, $0x3;
	s4 =	sadd.s32 $0xAE800, s18;
	s6 =	sadd.s32 $0xE000, s8  }
0x9: {  	[spmem:s7], [sflag:s5] =	dma.local [hbm:s4], $0x800  }
0xa: {  	[tilespmem:s3], [sflag:$0x1] =	stream.linear.gather [hbm4b:s6+s3], $0x100, $0x38;
	[tilespmem:$0x14200] =	vst v63  }
0xb: {  	s9 =	simm.s32 $0x100;
	s10 =	simm.s32 $0x1;
	s8 =	sadd.s32 $0xD800, s8  }
0xc: {  	[tilespmem:s9], [sflag:$0x2] =	stream.linear.gather [hbm4b:s8+s3], $0x100, $0x38;
	[tilespmem:$0x14200] =	vst v63  }
0xd: {  	_ =	swait.ge [sflag:s10], $0x100  }
0xe: {  	[sflag:s10] =	ssyncset.done $0x0  }
0xf: {  	s11 =	simm.s32 $0x2;
	[sflag:s10] =	ssyncadd.s32 $0xFFFFFF00  }
0x10: {  	s12 =	sshll.u32 s12, $0x4;
	_ =	swait.ge [sflag:s11], $0x100  }
0x11: {  	s14 =	sadd.s32 s12, s18;
	[sflag:s11] =	ssyncset.done $0x0  }
0x12: {  	s13 =	simm.s32 $0x200;
	s12 =	sadd.s32 $0x4E800, s14;
	[sflag:s11] =	ssyncadd.s32 $0xFFFFFF00  }
0x13: {  	[tilespmem:s13], [sflag:$0x1] =	stream.linear.gather [hbm4b:s12+s3], $0x8000, $0x38;
	[tilespmem:$0x14200] =	vst v63  }
0x14: {  	s15 =	simm.s32 $0x8200;
	s16 =	simm.s32 $0x3;
	s14 =	sadd.s32 $0x6E800, s14  }
0x15: {  	[tilespmem:s15], [sflag:$0x2] =	stream.linear.gather [hbm4b:s14+s3], $0x8000, $0x38;
	[tilespmem:$0x14200] =	vst v63  }
0x16: {  	_ =	swait.ge [sflag:s16], $0x800  }
0x17: {  	[sflag:s16] =	ssyncset.done $0x0  }
0x18: {  	[sflag:s16] =	ssyncadd.s32 $0xFFFFF800  }
0x19: {  	[bflag:$0x0] =	sbarrier.arrive $0xFFFF  }
0x1a: {  	_ =	swait.ge [sflag:s10], $0x8000  }
0x1b: {  	[sflag:s10] =	ssyncset.done $0x0  }
0x1c: {  	s17 =	simm.s32 $0x4;
	[sflag:s10] =	ssyncadd.s32 $0xFFFF8000  }
0x1d: {  	[spmem:s2] =	stream.indirect.scatter.add.f32 [tilespmem:s13], [sflag:$0x4], $0x80, s3, s9, $0xb8;
	[tilespmem:$0x14200] =	vst v63  }
0x1e: {  	_ =	swait.ge [sflag:s17], $0x8000  }
0x1f: {  	[sflag:s17] =	ssyncset.done $0x0  }
0x20: {  	s21 =	sshll.u32 s0, $0xB;
	[sflag:s17] =	ssyncadd.s32 $0xFFFF8000  }
0x21: {  	s30 =	ssub.s32 $0x2, s19;
	s19 =	sshll.u32 s19, $0xF;
	_ =	swait.ge [sflag:s11], $0x8000  }
0x22: {  	s31 =	sshrl.u32 s30, $0x1;
	s18 =	sadd.s32 s21, s18;
	[sflag:s11] =	ssyncset.done $0x0  }
0x23: {  	s18 =	sadd.s32 s19, s18;
	s19 =	ssub.s32 s30, s31;
	[sflag:s11] =	ssyncadd.s32 $0xFFFF8000  }
0x24: {  	[spmem:s2] =	stream.indirect.scatter.add.f32 [tilespmem:s15], [sflag:$0x4], $0x80, s9, s9, $0xb8;
	[tilespmem:$0x14200] =	vst v63  }
0x25: {  	s21 =	smax.u32 s19, $0x1;
	_ =	swait.ge [sflag:s17], $0x8000  }
0x26: {  	p0 =	sne.s32 s21, $0x1;
	[sflag:s17] =	ssyncset.done $0x0  }
.Ltmp0:
0x27: {  	[sflag:s17] =	ssyncadd.s32 $0xFFFF8000;
	(pc) =	sbr.rel @!p0 .LBB2_2-.Ltmp0, $4  }
0x28: {  	s18 =	sadd.s32 $0x8E800, s18;
	s19 =	sor.u32 $0x1C04, s20;
	[bflag:$0x0] =	sbarrier.arrive $0xFFFF  }
0x29: {  	[hbm:s18], [sflag:s19] =	dma.local [spmem:s7], $0x800  }
0x2a: {  	_ =	swait.ge [sflag:s17], $0x800  }
0x2b: {  	s20 =	sadd.s32 $0xFFFFFFFF, s21;
	[sflag:s17] =	ssyncset.done $0x0  }
.LBB2_1:
0x2c: {  	p0 =	sne.s32 s20, $0x1;
	s20 =	sadd.s32 $0xFFFFFFFF, s20;
	[sflag:s17] =	ssyncadd.s32 $0xFFFFF800  }
0x2d: {  	[spmem:s7], [sflag:s5] =	dma.local [hbm:s4], $0x800  }
0x2e: {  	[tilespmem:s3], [sflag:$0x1] =	stream.linear.gather [hbm4b:s6+s3], $0x100, $0x38;
	[tilespmem:$0x14200] =	vst v63  }
0x2f: {  	_ = 	snop  }
0x30: {  	[tilespmem:s9], [sflag:$0x2] =	stream.linear.gather [hbm4b:s8+s3], $0x100, $0x38;
	[tilespmem:$0x14200] =	vst v63  }
0x31: {  	_ =	swait.ge [sflag:s10], $0x100  }
0x32: {  	[sflag:s10] =	ssyncset.done $0x0  }
0x33: {  	[sflag:s10] =	ssyncadd.s32 $0xFFFFFF00  }
0x34: {  	_ =	swait.ge [sflag:s11], $0x100  }
0x35: {  	[sflag:s11] =	ssyncset.done $0x0  }
0x36: {  	[sflag:s11] =	ssyncadd.s32 $0xFFFFFF00  }
0x37: {  	[tilespmem:s13], [sflag:$0x1] =	stream.linear.gather [hbm4b:s12+s3], $0x8000, $0x38;
	[tilespmem:$0x14200] =	vst v63  }
0x38: {  	_ = 	snop  }
0x39: {  	[tilespmem:s15], [sflag:$0x2] =	stream.linear.gather [hbm4b:s14+s3], $0x8000, $0x38;
	[tilespmem:$0x14200] =	vst v63  }
0x3a: {  	_ =	swait.ge [sflag:s16], $0x800  }
0x3b: {  	[sflag:s16] =	ssyncset.done $0x0  }
0x3c: {  	[sflag:s16] =	ssyncadd.s32 $0xFFFFF800  }
0x3d: {  	[bflag:$0x0] =	sbarrier.arrive $0xFFFF  }
0x3e: {  	_ =	swait.ge [sflag:s10], $0x8000  }
0x3f: {  	[sflag:s10] =	ssyncset.done $0x0  }
0x40: {  	[sflag:s10] =	ssyncadd.s32 $0xFFFF8000  }
0x41: {  	[spmem:s2] =	stream.indirect.scatter.add.f32 [tilespmem:s13], [sflag:$0x4], $0x80, s3, s9, $0xb8;
	[tilespmem:$0x14200] =	vst v63  }
0x42: {  	_ =	swait.ge [sflag:s17], $0x8000  }
0x43: {  	[sflag:s17] =	ssyncset.done $0x0  }
0x44: {  	[sflag:s17] =	ssyncadd.s32 $0xFFFF8000  }
0x45: {  	_ =	swait.ge [sflag:s11], $0x8000  }
0x46: {  	[sflag:s11] =	ssyncset.done $0x0  }
0x47: {  	[sflag:s11] =	ssyncadd.s32 $0xFFFF8000  }
0x48: {  	[spmem:s2] =	stream.indirect.scatter.add.f32 [tilespmem:s15], [sflag:$0x4], $0x80, s9, s9, $0xb8;
	[tilespmem:$0x14200] =	vst v63  }
0x49: {  	_ =	swait.ge [sflag:s17], $0x8000  }
0x4a: {  	[sflag:s17] =	ssyncset.done $0x0  }
.Ltmp1:
0x4b: {  	[sflag:s17] =	ssyncadd.s32 $0xFFFF8000;
	(pc) =	sbr.rel @p0 .LBB2_1-.Ltmp1, $4  }
0x4c: {  	[bflag:$0x0] =	sbarrier.arrive $0xFFFF  }
0x4d: {  	[hbm:s18], [sflag:s19] =	dma.local [spmem:s7], $0x800  }
0x4e: {  	_ =	swait.ge [sflag:s17], $0x800  }
0x4f: {  	[sflag:s17] =	ssyncset.done $0x0  }
.LBB2_2:
0x50: {  	[sflag:s17] =	ssyncadd.s32 $0xFFFFF800  }
0x51: {  	_ =	sfence.sel $0x180000  }
0x52: {  	[bflag:$0x0] =	sbarrier.arrive $0xFFFF  }
0x53: {  	p0 =	sne.s32 s0, $0x0;
	_ =	strace $0x90000068  }
0x54: {  	s0 =	sadd.s32 @!p0 $0x100000, s1;
	[bflag:$0x2] =	sbarrier.arrive $0xFFFF  }
0x55: {  	[sflag:s0] =	ssyncadd.tile.s32 @!p0 $0x1;
	_ =	shalt  }
.Lfunc_end2:
_tile_overlayer_lowered:
.L_overlay_start_2:
0x56: {  	(tag) =	ssettag $0x2  }
0x57: {  	s0 =	rddreg [dreg:$0x0];
	s2 =	stileid.u32  }
0x58: {  	s1 =	rddreg [dreg:$0x1];
	p0 =	sne.s32 s2, $0x0  }
0x59: {  	s3 =	rddreg [dreg:$0x2];
	[bflag:$0x3] =	sbarrier.arrive $0xFFFF;
	s2 =	simm.s32 @!p0 $0x1C04  }
0x5a: {  	[timem:s3], [sflag:s2] =	dma.local @!p0 [hbm:s0], s1  }
0x5b: {  	s0 =	simm.s32 @!p0 $0x4  }
0x5c: {  	_ =	swait.ge @!p0 [sflag:s0], s1  }
0x5d: {  	s1 =	ssub.s32 @!p0 $0x0, s1;
	[sflag:s0] =	ssyncset.done @!p0 $0x0  }
0x5e: {  	[sflag:s0] =	ssyncadd.s32 @!p0 s1  }
0x5f: {  	[bflag:$0x3] =	sbarrier.arrive $0xFFFF  }
0x60: {  	_ =	shalt  }

// kernel: kernel.56.cloned.1.call-start
scs
__scs_entry_jumppad:
0x0: {  	(pc) =	sbr.rel $0x88, $3  }
0x1: {  	(tag) =	ssettag $0x0;
	lr =	simm.s32 $0x1  }
0x2: {  	[smem:$0x3F86] =	sst lr;
	_ =	strace $0xD0000000  }
0x3: {  	_ = 	snop  }
0x4: {  	_ = 	snop  }
0x5: {  	_ = 	snop  }
0x6: {  	_ = 	snop  }
0x7: {  	_ = 	snop  }
__scs_overlays_trampoline_lowered:
0x8: {  	[smem:$0x3F95] =	sst s0  }
0x9: {  	[smem:$0x3F96] =	sst s1  }
0xa: {  	[smem:$0x3F97] =	sst s2  }
0xb: {  	[smem:$0x3F98] =	sst s3  }
0xc: {  	[smem:$0x3F99] =	sst s4  }
0xd: {  	[smem:$0x3F9A] =	sst s5  }
0xe: {  	[smem:$0x3F9B] =	sst s6  }
0xf: {  	[smem:$0x3F9C] =	sst s7  }
0x10: {  	[smem:$0x3F9D] =	sst s8  }
0x11: {  	[smem:$0x3F9E] =	sst s9;
	s0 =	simm.s32 @!p0 $0x0  }
0x12: {  	s1 =	sld [smem:$0x3F84];
	s0 =	simm.s32 @p0 $0x1  }
0x13: {  	[smem:$0x3F9F] =	sst s0;
	s0 =	simm.s32 @!p1 $0x0  }
0x14: {  	s2 =	sld [smem:$0x3F83];
	s0 =	simm.s32 @p1 $0x1  }
0x15: {  	[smem:$0x3FA0] =	sst s0;
	s0 =	simm.s32 @!p2 $0x0  }
0x16: {  	s3 =	sld [smem:$0x3FDB];
	s0 =	simm.s32 @p2 $0x1  }
0x17: {  	s4 =	simm.s32 $0x1BF5;
	[smem:$0x3FA2] =	sst s0  }
0x18: {  	s0 =	sld [smem:$0x3F85];
	_ =	swait.ge [sflag:s4], $0x0  }
0x19: {  	s7 =	sld [smem:$0x3F86]  }
0x1a: {  	s8 =	sadd.s32 $0xFFFFE003, lr  }
0x1b: {  	s9 =	sadd.s32 $0xFFFFFEF7, lr;
	s5 =	simm.s32 $0xFFFFFFFF;
	p2 =	slt.u32 s8, $0xFFFFF086  }
0x1c: {  	p1 =	slt.u32 s9, $0xF7A;
	s5 =	simm.s32 @!p2 $0x0  }
0x1d: {  	s5 =	simm.s32 @p1 $0x1;
	p0 =	seq.s32 s7, s2  }
0x1e: {  	s7 =	smul.u32 @!p0 $0xF7A, s2;
	p2 =	seq.s32 @!p0 s5, $0x0  }
0x1f: {  	s9 =	smul.u32 $0xF7A, s1;
	s8 =	simm.s32 @!p0 $0x1BF5;
	p2 =	por !p2, p0  }
0x20: {  	[sflag:s8] =	ssyncset.s32 @!p0 $0xFFFFF086;
	s6 =	sadd.s32 @!p0 s3, s7;
	s7 =	simm.s32 @!p0 $0x108  }
0x21: {  	s3 =	sadd.s32 s3, s9;
	s6 =	sadd.s32 @!p0 $0x88, s6;
	s7 =	simm.s32 @p2 $0x1082  }
0x22: {  	[simem:s7], [sflag:s8] =	dma.local @!p0 [hbm:s6], $0xF7A  }
0x23: {  	s9 =	sor.u32 $0xD0000000, s2;
	s6 =	simm.s32 $0x108;
	_ =	swait.ge @!p0 [sflag:s8], $0x0  }
0x24: {  	s3 =	sadd.s32 $0x88, s3;
	s6 =	simm.s32 @!p1 $0x1082;
	[sflag:s4] =	ssyncset.s32 $0xFFFFF086  }
0x25: {  	[simem:s6], [sflag:s4] =	dma.local [hbm:s3], $0xF7A  }
0x26: {  	[smem:$0x3F86] =	sst s1;
	(tag) =	ssettag s2;
	_ =	strace s9  }
0x27: {  	s1 =	sld [smem:$0x3F96]  }
0x28: {  	s2 =	sld [smem:$0x3F97]  }
0x29: {  	s4 =	sld [smem:$0x3F99]  }
0x2a: {  	p0 =	seq.s32 s5, $0x0;
	s5 =	sld [smem:$0x3F9A]  }
0x2b: {  	s6 =	sld [smem:$0x3F9B]  }
0x2c: {  	s7 =	sld [smem:$0x3F9C]  }
0x2d: {  	s3 =	simm.s32 $0x108;
	s8 =	sld [smem:$0x3F9D]  }
0x2e: {  	s3 =	simm.s32 @!p0 $0x1082;
	s9 =	sld [smem:$0x3F9E]  }
0x2f: {  	lr =	sadd.s32 s0, s3;
	s0 =	sld [smem:$0x3F95]  }
0x30: {  	s3 =	sld [smem:$0x3F98]  }
0x31: {  	[smem:$0x3FA1] =	sst s10  }
0x32: {  	s10 =	sld [smem:$0x3F9F];
	_ =	sdelay $0x3  }
0x33: {  	p0 =	seq.s32 s10, $0x1;
	s10 =	sld [smem:$0x3FA1];
	_ =	sdelay $0x3  }
0x34: {  	[smem:$0x3FA1] =	sst s10  }
0x35: {  	s10 =	sld [smem:$0x3FA0];
	_ =	sdelay $0x3  }
0x36: {  	p1 =	seq.s32 s10, $0x1;
	s10 =	sld [smem:$0x3FA1];
	_ =	sdelay $0x3  }
0x37: {  	[smem:$0x3FA1] =	sst s10  }
0x38: {  	s10 =	sld [smem:$0x3FA2]  }
0x39: {  	_ = 	snop;
	(pc) =	sbr.ind lr, $3  }
0x3a: {  	_ = 	snop  }
0x3b: {  	_ = 	snop  }
0x3c: {  	p2 =	seq.s32 s10, $0x1;
	s10 =	sld [smem:$0x3FA1]  }
0x3d: {  	_ =	shalt  }
0x3e: {  	_ =	shalt  }
0x3f: {  	_ =	shalt  }
0x40: {  	_ =	shalt  }
0x41: {  	_ =	shalt  }
0x42: {  	_ =	shalt  }
0x43: {  	_ =	shalt  }
0x44: {  	_ =	shalt  }
0x45: {  	_ =	shalt  }
0x46: {  	_ =	shalt  }
0x47: {  	_ =	shalt  }
0x48: {  	_ =	shalt  }
0x49: {  	_ =	shalt  }
0x4a: {  	_ =	shalt  }
0x4b: {  	_ =	shalt  }
0x4c: {  	_ =	shalt  }
0x4d: {  	_ =	shalt  }
0x4e: {  	_ =	shalt  }
0x4f: {  	_ =	shalt  }
0x50: {  	_ =	shalt  }
0x51: {  	_ =	shalt  }
0x52: {  	_ =	shalt  }
0x53: {  	_ =	shalt  }
0x54: {  	_ =	shalt  }
0x55: {  	_ =	shalt  }
0x56: {  	_ =	shalt  }
0x57: {  	_ =	shalt  }
0x58: {  	_ =	shalt  }
0x59: {  	_ =	shalt  }
0x5a: {  	_ =	shalt  }
0x5b: {  	_ =	shalt  }
0x5c: {  	_ =	shalt  }
0x5d: {  	_ =	shalt  }
0x5e: {  	_ =	shalt  }
0x5f: {  	_ =	shalt  }
0x60: {  	_ =	shalt  }
0x61: {  	_ =	shalt  }
0x62: {  	_ =	shalt  }
0x63: {  	_ =	shalt  }
0x64: {  	_ =	shalt  }
0x65: {  	_ =	shalt  }
0x66: {  	_ =	shalt  }
0x67: {  	_ =	shalt  }
0x68: {  	_ =	shalt  }
0x69: {  	_ =	shalt  }
0x6a: {  	_ =	shalt  }
0x6b: {  	_ =	shalt  }
0x6c: {  	_ =	shalt  }
0x6d: {  	_ =	shalt  }
0x6e: {  	_ =	shalt  }
0x6f: {  	_ =	shalt  }
0x70: {  	_ =	shalt  }
0x71: {  	_ =	shalt  }
0x72: {  	_ =	shalt  }
0x73: {  	_ =	shalt  }
0x74: {  	_ =	shalt  }
0x75: {  	_ =	shalt  }
0x76: {  	_ =	shalt  }
0x77: {  	_ =	shalt  }
0x78: {  	_ =	shalt  }
0x79: {  	_ =	shalt  }
0x7a: {  	_ =	shalt  }
0x7b: {  	_ =	shalt  }
0x7c: {  	_ =	shalt  }
0x7d: {  	_ =	shalt  }
0x7e: {  	_ =	shalt  }
0x7f: {  	_ =	shalt  }
0x80: {  	_ =	shalt  }
0x81: {  	_ =	shalt  }
0x82: {  	_ =	shalt  }
0x83: {  	_ =	shalt  }
0x84: {  	_ =	shalt  }
0x85: {  	_ =	shalt  }
0x86: {  	_ =	shalt  }
0x87: {  	_ =	shalt  }
.Lfunc_end0:
.L_simem_size_0:
called_computation.10_lowered:
.L_overlay_start_0:
0x88: {  	s2 =	sld [smem:$0x3FD9]  }
0x89: {  	s3 =	sld [smem:$0x3FFE];
	_ =	sdelay $0x1  }
0x8a: {  	s1 =	srdreg.scid  }
0x8b: {  	s0 =	sand.u32 $0x1, s1  }
0x8c: {  	s14 =	sshll.u32 s0, $0xA;
	s2 =	sadd.s32 s3, s2  }
0x8d: {  	s2 =	sadd.s32 s2, s14  }
0x8e: {  	[smem:$0x3FAD] =	sst s2  }
0x8f: {  	_ = 	snop  }
0x90: {  	s2 =	sld [smem:$0x3FD0];
	_ =	sdelay $0x2  }
0x91: {  	s15 =	simm.s32 $0xB;
	s4 =	simm.s32 $0x10  }
0x92: {  	[smem:s4], [sflag:s15] =	dma.local [hbm:s2], $0x1  }
0x93: {  	_ =	swait.eq [sflag:s15], $0x1  }
0x94: {  	[sflag:s15] =	ssyncset.done $0x0  }
0x95: {  	[sflag:s15] =	ssyncadd.s32 $0xFFFFFFFF  }
0x96: {  	s16 =	sld [smem:$0x10];
	(tm) =	ssettm $0x1  }
0x97: {  	s17 =	sld [smem:$0x3FFB];
	_ =	sdelay $0x3  }
0x98: {  	_ =	strace s17  }
0x99: {  	s3 =	sld [smem:$0x3FFC];
	_ =	sdelay $0x3  }
0x9a: {  	_ =	strace s3  }
0x9b: {  	s3 =	sld [smem:$0x3FFD];
	_ =	sdelay $0x3  }
0x9c: {  	_ =	strace s3  }
0x9d: {  	_ =	strace $0x8FFFFFFF  }
0x9e: {  	s18 =	sld [smem:$0x3FDB];
	_ =	sdelay $0x1  }
0x9f: {  	s19 =	simm.s32 $_scs_section_size  }
0xa0: {  	s5 =	simm.s32 $_size__tile_overlayer_lowered;
	s6 =	simm.s32 $_tile_overlayer_lowered  }
0xa1: {  	s22 =	simm.s32 $0x1BFF;
	s21 =	sshll.u32 s6, $0x1;
	s3 =	sadd.s32 s19, s18  }
0xa2: {  	s7 =	simm.s32 $0x0;
	s20 =	sshll.u32 s5, $0x1;
	s5 =	sadd.s32 s21, s3  }
0xa3: {  	[timem:s7], [sflag:s22] =	dma.local [hbm:s5], s20  }
0xa4: {  	_ =	swait.ge [sflag:s22], s20  }
0xa5: {  	s4 =	ssub.s32 $0x0, s20;
	[sflag:s22] =	ssyncset.done $0x0  }
0xa6: {  	[sflag:s22] =	ssyncadd.s32 s4;
	_ =	sdelay $0x1  }
0xa7: {  	s23 =	simm.s32 $0x1B8B  }
0xa8: {  	_ =	swait.ge [sflag:s23], $0x1  }
0xa9: {  	[sflag:s23] =	ssyncset.done $0x0  }
0xaa: {  	s25 =	simm.s32 $0x1B8E;
	s24 =	sld [smem:$0x3FFE];
	[sflag:s23] =	ssyncadd.s32 $0xFFFFFFFF  }
0xab: {  	s26 =	simm.s32 $execute0_lowered;
	[smem:$0x3FD2] =	sst s25  }
0xac: {  	s5 =	sshll.u32 s26, $0x1;
	_ =	strace $0x8000005E;
	[dreg:$0x1] =	wrdreg $0xFFFFFFFF  }
0xad: {  	s28 =	simm.s32 $_size_execute0_lowered;
	s3 =	sadd.s32 s3, s5;
	[dreg:$0x0] =	wrdreg $0x0  }
0xae: {  	s5 =	sshll.u32 s28, $0x1;
	[dreg:$0x2] =	wrdreg s3  }
0xaf: {  	[dreg:$0x3] =	wrdreg s5  }
0xb0: {  	[dreg:$0x4] =	wrdreg $0xC0  }
0xb1: {  	_ =	task [dreg:s7], $0x5FFFF  }
0xb2: {  	[dreg:$0x1] =	wrdreg $0xFFFFFFFF  }
0xb3: {  	[dreg:$0x0] =	wrdreg $0x60  }
0xb4: {  	[dreg:$0x2] =	wrdreg s16  }
0xb5: {  	[dreg:$0x3] =	wrdreg s24  }
0xb6: {  	[dreg:$0x4] =	wrdreg $0xA  }
0xb7: {  	_ =	task.clear_ibuf [dreg:s7], $0x5FFFF;
	_ =	strace $0x9000005E  }
0xb8: {  	s29 =	simm.s32 $0xA;
	_ =	strace $0x80000060  }
0xb9: {  	_ =	swait.ge [sflag:s29], $0x1  }
0xba: {  	[sflag:s29] =	ssyncadd.s32 $0xFFFFFFFF  }
0xbb: {  	_ =	strace $0x90000060  }
0xbc: {  	_ =	sfence  }
0xbd: {  	s30 =	sld [smem:$0x0];
	_ =	sdelay $0x2  }
0xbe: {  	s31 =	sshll.u32 s1, $0xD;
	s1 =	sshrl.u32 s1, $0x2  }
0xbf: {  	s3 =	sand.u32 $0x4000, s31;
	s1 =	sadd.s32 s1, s30  }
0xc0: {  	s0 =	sor.u32 s3, s0;
	s1 =	sshll.u32 s1, $0x11  }
0xc1: {  	s0 =	sor.u32 s1, s0  }
0xc2: {  	s0 =	sadd.s32 $0x8F2B, s0  }
0xc3: {  	[sflag:s0] =	ssyncadd.remote.s32 $0x1  }
0xc4: {  	_ =	sfence.sel $0xFFFF  }
0xc5: {  	[dreg:$0x0] =	wrdreg $0xFFFFFFFF;
	(pc) =	sbr.abs _section_cstart, $3  }
0xc6: {  	[dreg:$0x1] =	wrdreg $0xFFFFFFFF  }
0xc7: {  	_ =	task.clear_ibuf [dreg:s7], $0x2FFFF;
	_ =	strace $0x9FFFFFFF  }
0xc8: {  	(tm) =	ssettm $0x7FFFFFFF  }
0xc9: {  	_ =	shalt  }
tec
execute0_lowered:
.L_overlay_start_1:
0x0: {  	(tag) =	ssettag $0x1  }
0x1: {  	s1 =	srdreg.scid  }
0x2: {  	s0 =	stileid.u32;
	s12 =	sand.u32 $0x1, s1  }
0x3: {  	s31 =	sshll.u32 s0, $0x9;
	s3 =	sshll.u32 s12, $0x8  }
0x4: {  	s2 =	rddreg [dreg:$0x0];
	s13 =	sor.u32 s3, s31  }
0x5: {  	s11 =	rddreg [dreg:$0x1];
	s3 =	simm.s32 $0x0;
	s4 =	sshrl.u32 s13, $0x3  }
0x6: {  	[smem:$0x7FF] =	sst s3;
	s5 =	sadd.s32 s4, s11  }
0x7: {  	s1 =	rddreg [dreg:$0x2];
	_ =	strace $0x8000005F;
	s4 =	sadd.s32 $0xE400, s5  }
0x8: {  	[tilespmem:s3], [sflag:$0x1] =	stream.linear.gather [hbm4b:s4+s3], $0x100, $0x38;
	[tilespmem:$0x10200] =	vst v63  }
0x9: {  	s6 =	simm.s32 $0x100;
	s7 =	simm.s32 $0x1;
	s5 =	sadd.s32 $0xDC00, s5  }
0xa: {  	[tilespmem:s6], [sflag:$0x2] =	stream.linear.gather [hbm4b:s5+s3], $0x100, $0x38;
	[tilespmem:$0x10200] =	vst v63  }
0xb: {  	_ =	swait.ge [sflag:s7], $0x100  }
0xc: {  	[sflag:s7] =	ssyncset.done $0x0  }
0xd: {  	s8 =	simm.s32 $0x200;
	s9 =	simm.s32 $0x2;
	[sflag:s7] =	ssyncadd.s32 $0xFFFFFF00  }
0xe: {  	[tilespmem:s8], [sflag:$0x1] =	stream.indirect.gather [hbm4b:s2+s6], $0x80, s3, s6, $0xb8;
	[tilespmem:$0x10200] =	vst v63  }
0xf: {  	_ =	swait.ge [sflag:s9], $0x100  }
0x10: {  	[sflag:s9] =	ssyncset.done $0x0  }
0x11: {  	s10 =	simm.s32 $0x8200;
	[sflag:s9] =	ssyncadd.s32 $0xFFFFFF00  }
0x12: {  	[tilespmem:s10], [sflag:$0x2] =	stream.indirect.gather [hbm4b:s2+s6], $0x80, s6, s6, $0xb8;
	[tilespmem:$0x10200] =	vst v63  }
0x13: {  	s13 =	sshll.u32 s13, $0x4;
	_ =	swait.ge [sflag:s7], $0x8000  }
0x14: {  	s14 =	ssub.s32 $0x2, s12;
	s13 =	sadd.s32 s13, s11;
	[sflag:s7] =	ssyncset.done $0x0  }
0x15: {  	s15 =	sshrl.u32 s14, $0x1;
	s11 =	sadd.s32 $0xE800, s13;
	[sflag:s7] =	ssyncadd.s32 $0xFFFF8000  }
0x16: {  	[hbm4b:s11+s3] =	stream.linear.scatter [tilespmem:s8], [sflag:$0x3], $0x8000, $0x38;
	[tilespmem:$0x10200] =	vst v63  }
0x17: {  	s14 =	ssub.s32 s14, s15;
	_ =	swait.ge [sflag:s9], $0x8000  }
0x18: {  	s15 =	smax.u32 s14, $0x1;
	s12 =	sadd.s32 $0x4E800, s13;
	[sflag:s9] =	ssyncset.done $0x0  }
0x19: {  	s13 =	simm.s32 $0x3;
	p0 =	sne.s32 s15, $0x1;
	[sflag:s9] =	ssyncadd.s32 $0xFFFF8000  }
0x1a: {  	[hbm4b:s12+s3] =	stream.linear.scatter [tilespmem:s10], [sflag:$0x4], $0x8000, $0x38;
	[tilespmem:$0x10200] =	vst v63  }
.Ltmp0:
0x1b: {  	_ =	swait.ge [sflag:s13], $0x8000;
	(pc) =	sbr.rel @!p0 .LBB2_2-.Ltmp0, $4  }
0x1c: {  	[sflag:s13] =	ssyncset.done $0x0  }
0x1d: {  	s14 =	simm.s32 $0x4;
	[sflag:s13] =	ssyncadd.s32 $0xFFFF8000  }
0x1e: {  	_ =	swait.ge [sflag:s14], $0x8000  }
0x1f: {  	s15 =	sadd.s32 $0xFFFFFFFF, s15;
	[sflag:s14] =	ssyncset.done $0x0  }
.LBB2_1:
0x20: {  	p0 =	sne.s32 s15, $0x1;
	s15 =	sadd.s32 $0xFFFFFFFF, s15;
	[sflag:s14] =	ssyncadd.s32 $0xFFFF8000  }
0x21: {  	[tilespmem:s3], [sflag:$0x1] =	stream.linear.gather [hbm4b:s4+s3], $0x100, $0x38;
	[tilespmem:$0x10200] =	vst v63  }
0x22: {  	_ = 	snop  }
0x23: {  	[tilespmem:s6], [sflag:$0x2] =	stream.linear.gather [hbm4b:s5+s3], $0x100, $0x38;
	[tilespmem:$0x10200] =	vst v63  }
0x24: {  	_ =	swait.ge [sflag:s7], $0x100  }
0x25: {  	[sflag:s7] =	ssyncset.done $0x0  }
0x26: {  	[sflag:s7] =	ssyncadd.s32 $0xFFFFFF00  }
0x27: {  	[tilespmem:s8], [sflag:$0x1] =	stream.indirect.gather [hbm4b:s2+s6], $0x80, s3, s6, $0xb8;
	[tilespmem:$0x10200] =	vst v63  }
0x28: {  	_ =	swait.ge [sflag:s9], $0x100  }
0x29: {  	[sflag:s9] =	ssyncset.done $0x0  }
0x2a: {  	[sflag:s9] =	ssyncadd.s32 $0xFFFFFF00  }
0x2b: {  	[tilespmem:s10], [sflag:$0x2] =	stream.indirect.gather [hbm4b:s2+s6], $0x80, s6, s6, $0xb8;
	[tilespmem:$0x10200] =	vst v63  }
0x2c: {  	_ =	swait.ge [sflag:s7], $0x8000  }
0x2d: {  	[sflag:s7] =	ssyncset.done $0x0  }
0x2e: {  	[sflag:s7] =	ssyncadd.s32 $0xFFFF8000  }
0x2f: {  	[hbm4b:s11+s3] =	stream.linear.scatter [tilespmem:s8], [sflag:$0x3], $0x8000, $0x38;
	[tilespmem:$0x10200] =	vst v63  }
0x30: {  	_ =	swait.ge [sflag:s9], $0x8000  }
0x31: {  	[sflag:s9] =	ssyncset.done $0x0  }
0x32: {  	[sflag:s9] =	ssyncadd.s32 $0xFFFF8000  }
0x33: {  	[hbm4b:s12+s3] =	stream.linear.scatter [tilespmem:s10], [sflag:$0x4], $0x8000, $0x38;
	[tilespmem:$0x10200] =	vst v63  }
.Ltmp1:
0x34: {  	_ =	swait.ge [sflag:s13], $0x8000;
	(pc) =	sbr.rel @p0 .LBB2_1-.Ltmp1, $4  }
0x35: {  	[sflag:s13] =	ssyncset.done $0x0  }
0x36: {  	[sflag:s13] =	ssyncadd.s32 $0xFFFF8000  }
0x37: {  	_ =	swait.ge [sflag:s14], $0x8000  }
0x38: {  	[sflag:s14] =	ssyncset.done $0x0  }
.LBB2_2:
0x39: {  	[sflag:s14] =	ssyncadd.s32 $0xFFFF8000  }
0x3a: {  	_ =	sfence.sel $0x180000  }
0x3b: {  	[bflag:$0x0] =	sbarrier.arrive $0xFFFF  }
0x3c: {  	p0 =	sne.s32 s0, $0x0;
	_ =	strace $0x9000005F  }
0x3d: {  	s0 =	sadd.s32 @!p0 $0x100000, s1;
	[bflag:$0x2] =	sbarrier.arrive $0xFFFF  }
0x3e: {  	[sflag:s0] =	ssyncadd.tile.s32 @!p0 $0x1;
	_ =	shalt  }
.Lfunc_end2:
_tile_overlayer_lowered:
.L_overlay_start_2:
0x3f: {  	(tag) =	ssettag $0x2  }
0x40: {  	s0 =	rddreg [dreg:$0x0];
	s2 =	stileid.u32  }
0x41: {  	s1 =	rddreg [dreg:$0x1];
	p0 =	sne.s32 s2, $0x0  }
0x42: {  	s3 =	rddreg [dreg:$0x2];
	[bflag:$0x3] =	sbarrier.arrive $0xFFFF;
	s2 =	simm.s32 @!p0 $0x1C05  }
0x43: {  	[timem:s3], [sflag:s2] =	dma.local @!p0 [hbm:s0], s1  }
0x44: {  	s0 =	simm.s32 @!p0 $0x5  }
0x45: {  	_ =	swait.ge @!p0 [sflag:s0], s1  }
0x46: {  	s1 =	ssub.s32 @!p0 $0x0, s1;
	[sflag:s0] =	ssyncset.done @!p0 $0x0  }
0x47: {  	[sflag:s0] =	ssyncadd.s32 @!p0 s1  }
0x48: {  	[bflag:$0x3] =	sbarrier.arrive $0xFFFF  }
0x49: {  	_ =	shalt  }

// kernel: kernel.59.cloned.1.call-start
scs
__scs_entry_jumppad:
0x0: {  	(pc) =	sbr.rel $0x88, $3  }
0x1: {  	(tag) =	ssettag $0x0;
	lr =	simm.s32 $0x1  }
0x2: {  	[smem:$0x3F86] =	sst lr;
	_ =	strace $0xD0000000  }
0x3: {  	_ = 	snop  }
0x4: {  	_ = 	snop  }
0x5: {  	_ = 	snop  }
0x6: {  	_ = 	snop  }
0x7: {  	_ = 	snop  }
__scs_overlays_trampoline_lowered:
0x8: {  	[smem:$0x3F95] =	sst s0  }
0x9: {  	[smem:$0x3F96] =	sst s1  }
0xa: {  	[smem:$0x3F97] =	sst s2  }
0xb: {  	[smem:$0x3F98] =	sst s3  }
0xc: {  	[smem:$0x3F99] =	sst s4  }
0xd: {  	[smem:$0x3F9A] =	sst s5  }
0xe: {  	[smem:$0x3F9B] =	sst s6  }
0xf: {  	[smem:$0x3F9C] =	sst s7  }
0x10: {  	[smem:$0x3F9D] =	sst s8  }
0x11: {  	[smem:$0x3F9E] =	sst s9;
	s0 =	simm.s32 @!p0 $0x0  }
0x12: {  	s1 =	sld [smem:$0x3F84];
	s0 =	simm.s32 @p0 $0x1  }
0x13: {  	[smem:$0x3F9F] =	sst s0;
	s0 =	simm.s32 @!p1 $0x0  }
0x14: {  	s2 =	sld [smem:$0x3F83];
	s0 =	simm.s32 @p1 $0x1  }
0x15: {  	[smem:$0x3FA0] =	sst s0;
	s0 =	simm.s32 @!p2 $0x0  }
0x16: {  	s3 =	sld [smem:$0x3FDB];
	s0 =	simm.s32 @p2 $0x1  }
0x17: {  	s4 =	simm.s32 $0x1BF5;
	[smem:$0x3FA2] =	sst s0  }
0x18: {  	s0 =	sld [smem:$0x3F85];
	_ =	swait.ge [sflag:s4], $0x0  }
0x19: {  	s7 =	sld [smem:$0x3F86]  }
0x1a: {  	s8 =	sadd.s32 $0xFFFFE003, lr  }
0x1b: {  	s9 =	sadd.s32 $0xFFFFFEF7, lr;
	s5 =	simm.s32 $0xFFFFFFFF;
	p2 =	slt.u32 s8, $0xFFFFF086  }
0x1c: {  	p1 =	slt.u32 s9, $0xF7A;
	s5 =	simm.s32 @!p2 $0x0  }
0x1d: {  	s5 =	simm.s32 @p1 $0x1;
	p0 =	seq.s32 s7, s2  }
0x1e: {  	s7 =	smul.u32 @!p0 $0xF7A, s2;
	p2 =	seq.s32 @!p0 s5, $0x0  }
0x1f: {  	s9 =	smul.u32 $0xF7A, s1;
	s8 =	simm.s32 @!p0 $0x1BF5;
	p2 =	por !p2, p0  }
0x20: {  	[sflag:s8] =	ssyncset.s32 @!p0 $0xFFFFF086;
	s6 =	sadd.s32 @!p0 s3, s7;
	s7 =	simm.s32 @!p0 $0x108  }
0x21: {  	s3 =	sadd.s32 s3, s9;
	s6 =	sadd.s32 @!p0 $0x88, s6;
	s7 =	simm.s32 @p2 $0x1082  }
0x22: {  	[simem:s7], [sflag:s8] =	dma.local @!p0 [hbm:s6], $0xF7A  }
0x23: {  	s9 =	sor.u32 $0xD0000000, s2;
	s6 =	simm.s32 $0x108;
	_ =	swait.ge @!p0 [sflag:s8], $0x0  }
0x24: {  	s3 =	sadd.s32 $0x88, s3;
	s6 =	simm.s32 @!p1 $0x1082;
	[sflag:s4] =	ssyncset.s32 $0xFFFFF086  }
0x25: {  	[simem:s6], [sflag:s4] =	dma.local [hbm:s3], $0xF7A  }
0x26: {  	[smem:$0x3F86] =	sst s1;
	(tag) =	ssettag s2;
	_ =	strace s9  }
0x27: {  	s1 =	sld [smem:$0x3F96]  }
0x28: {  	s2 =	sld [smem:$0x3F97]  }
0x29: {  	s4 =	sld [smem:$0x3F99]  }
0x2a: {  	p0 =	seq.s32 s5, $0x0;
	s5 =	sld [smem:$0x3F9A]  }
0x2b: {  	s6 =	sld [smem:$0x3F9B]  }
0x2c: {  	s7 =	sld [smem:$0x3F9C]  }
0x2d: {  	s3 =	simm.s32 $0x108;
	s8 =	sld [smem:$0x3F9D]  }
0x2e: {  	s3 =	simm.s32 @!p0 $0x1082;
	s9 =	sld [smem:$0x3F9E]  }
0x2f: {  	lr =	sadd.s32 s0, s3;
	s0 =	sld [smem:$0x3F95]  }
0x30: {  	s3 =	sld [smem:$0x3F98]  }
0x31: {  	[smem:$0x3FA1] =	sst s10  }
0x32: {  	s10 =	sld [smem:$0x3F9F];
	_ =	sdelay $0x3  }
0x33: {  	p0 =	seq.s32 s10, $0x1;
	s10 =	sld [smem:$0x3FA1];
	_ =	sdelay $0x3  }
0x34: {  	[smem:$0x3FA1] =	sst s10  }
0x35: {  	s10 =	sld [smem:$0x3FA0];
	_ =	sdelay $0x3  }
0x36: {  	p1 =	seq.s32 s10, $0x1;
	s10 =	sld [smem:$0x3FA1];
	_ =	sdelay $0x3  }
0x37: {  	[smem:$0x3FA1] =	sst s10  }
0x38: {  	s10 =	sld [smem:$0x3FA2]  }
0x39: {  	_ = 	snop;
	(pc) =	sbr.ind lr, $3  }
0x3a: {  	_ = 	snop  }
0x3b: {  	_ = 	snop  }
0x3c: {  	p2 =	seq.s32 s10, $0x1;
	s10 =	sld [smem:$0x3FA1]  }
0x3d: {  	_ =	shalt  }
0x3e: {  	_ =	shalt  }
0x3f: {  	_ =	shalt  }
0x40: {  	_ =	shalt  }
0x41: {  	_ =	shalt  }
0x42: {  	_ =	shalt  }
0x43: {  	_ =	shalt  }
0x44: {  	_ =	shalt  }
0x45: {  	_ =	shalt  }
0x46: {  	_ =	shalt  }
0x47: {  	_ =	shalt  }
0x48: {  	_ =	shalt  }
0x49: {  	_ =	shalt  }
0x4a: {  	_ =	shalt  }
0x4b: {  	_ =	shalt  }
0x4c: {  	_ =	shalt  }
0x4d: {  	_ =	shalt  }
0x4e: {  	_ =	shalt  }
0x4f: {  	_ =	shalt  }
0x50: {  	_ =	shalt  }
0x51: {  	_ =	shalt  }
0x52: {  	_ =	shalt  }
0x53: {  	_ =	shalt  }
0x54: {  	_ =	shalt  }
0x55: {  	_ =	shalt  }
0x56: {  	_ =	shalt  }
0x57: {  	_ =	shalt  }
0x58: {  	_ =	shalt  }
0x59: {  	_ =	shalt  }
0x5a: {  	_ =	shalt  }
0x5b: {  	_ =	shalt  }
0x5c: {  	_ =	shalt  }
0x5d: {  	_ =	shalt  }
0x5e: {  	_ =	shalt  }
0x5f: {  	_ =	shalt  }
0x60: {  	_ =	shalt  }
0x61: {  	_ =	shalt  }
0x62: {  	_ =	shalt  }
0x63: {  	_ =	shalt  }
0x64: {  	_ =	shalt  }
0x65: {  	_ =	shalt  }
0x66: {  	_ =	shalt  }
0x67: {  	_ =	shalt  }
0x68: {  	_ =	shalt  }
0x69: {  	_ =	shalt  }
0x6a: {  	_ =	shalt  }
0x6b: {  	_ =	shalt  }
0x6c: {  	_ =	shalt  }
0x6d: {  	_ =	shalt  }
0x6e: {  	_ =	shalt  }
0x6f: {  	_ =	shalt  }
0x70: {  	_ =	shalt  }
0x71: {  	_ =	shalt  }
0x72: {  	_ =	shalt  }
0x73: {  	_ =	shalt  }
0x74: {  	_ =	shalt  }
0x75: {  	_ =	shalt  }
0x76: {  	_ =	shalt  }
0x77: {  	_ =	shalt  }
0x78: {  	_ =	shalt  }
0x79: {  	_ =	shalt  }
0x7a: {  	_ =	shalt  }
0x7b: {  	_ =	shalt  }
0x7c: {  	_ =	shalt  }
0x7d: {  	_ =	shalt  }
0x7e: {  	_ =	shalt  }
0x7f: {  	_ =	shalt  }
0x80: {  	_ =	shalt  }
0x81: {  	_ =	shalt  }
0x82: {  	_ =	shalt  }
0x83: {  	_ =	shalt  }
0x84: {  	_ =	shalt  }
0x85: {  	_ =	shalt  }
0x86: {  	_ =	shalt  }
0x87: {  	_ =	shalt  }
.Lfunc_end0:
.L_simem_size_0:
called_computation.11_lowered:
.L_overlay_start_0:
0x88: {  	s2 =	sld [smem:$0x3FD9]  }
0x89: {  	s3 =	sld [smem:$0x3FFE];
	_ =	sdelay $0x1  }
0x8a: {  	s1 =	srdreg.scid  }
0x8b: {  	s0 =	sand.u32 $0x1, s1  }
0x8c: {  	s17 =	sshll.u32 s0, $0xA;
	s2 =	sadd.s32 s3, s2  }
0x8d: {  	s2 =	sadd.s32 s2, s17  }
0x8e: {  	[smem:$0x3FAD] =	sst s2  }
0x8f: {  	_ = 	snop  }
0x90: {  	(tm) =	ssettm $0x1  }
0x91: {  	s18 =	sld [smem:$0x3FFB];
	_ =	sdelay $0x3  }
0x92: {  	_ =	strace s18  }
0x93: {  	s2 =	sld [smem:$0x3FFC];
	_ =	sdelay $0x3  }
0x94: {  	_ =	strace s2  }
0x95: {  	s2 =	sld [smem:$0x3FFD];
	_ =	sdelay $0x3  }
0x96: {  	_ =	strace s2  }
0x97: {  	_ =	strace $0x8FFFFFFF  }
0x98: {  	s19 =	sld [smem:$0x3FDB];
	_ =	sdelay $0x1  }
0x99: {  	s20 =	simm.s32 $_scs_section_size  }
0x9a: {  	s4 =	simm.s32 $_size__tile_overlayer_lowered;
	s5 =	simm.s32 $_tile_overlayer_lowered  }
0x9b: {  	s6 =	simm.s32 $0x1BFF;
	s21 =	sshll.u32 s5, $0x1;
	s3 =	sadd.s32 s20, s19  }
0x9c: {  	s22 =	simm.s32 $0x0;
	s4 =	sshll.u32 s4, $0x1;
	s5 =	sadd.s32 s21, s3  }
0x9d: {  	[timem:s22], [sflag:s6] =	dma.local [hbm:s5], s4  }
0x9e: {  	_ =	swait.ge [sflag:s6], s4  }
0x9f: {  	s4 =	ssub.s32 $0x0, s4;
	[sflag:s6] =	ssyncset.done $0x0  }
0xa0: {  	[sflag:s6] =	ssyncadd.s32 s4;
	_ =	sdelay $0x1  }
0xa1: {  	s23 =	simm.s32 $0x1B8B  }
0xa2: {  	_ =	swait.ge [sflag:s23], $0x1  }
0xa3: {  	[sflag:s23] =	ssyncset.done $0x0  }
0xa4: {  	[sflag:s23] =	ssyncadd.s32 $0xFFFFFFFF  }
0xa5: {  	s4 =	sld [smem:$0x0]  }
0xa6: {  	s5 =	sand.u32 $0xFFFFFFFE, s1  }
0xa7: {  	p0 =	sne.s32 s1, s5  }
0xa8: {  	s5 =	sshll.u32 @p0 s5, $0xE  }
0xa9: {  	s5 =	sadd.s32 @p0 $0x11B8D, s5;
	s6 =	sshll.u32 @p0 s4, $0x11  }
0xaa: {  	s5 =	sor.u32 @p0 s6, s5  }
0xab: {  	[sflag:s5] =	ssyncadd.remote.s32 @p0 $0x1;
	_ =	sdelay $0x1  }
0xac: {  	s5 =	simm.s32 @p0 $0x1B8D  }
0xad: {  	_ =	swait.eq @p0 [sflag:s5], $0x1  }
0xae: {  	[sflag:s5] =	ssyncadd.s32 @p0 $0xFFFFFFFF  }
0xaf: {  	s6 =	sshll.u32 @!p0 s1, $0xE  }
0xb0: {  	s6 =	sor.u32 @!p0 $0x4000, s6;
	s5 =	simm.s32 @!p0 $0x1B8D  }
0xb1: {  	s4 =	sshll.u32 @!p0 s4, $0x11;
	s6 =	sadd.s32 @!p0 $0x11B8D, s6;
	_ =	swait.eq @!p0 [sflag:s5], $0x1  }
0xb2: {  	s4 =	sor.u32 @!p0 s4, s6;
	[sflag:s5] =	ssyncadd.s32 @!p0 $0xFFFFFFFF  }
0xb3: {  	s25 =	simm.s32 $0x1B8E;
	s24 =	sld [smem:$0x3FFE];
	[sflag:s4] =	ssyncadd.remote.s32 @!p0 $0x1  }
0xb4: {  	s26 =	simm.s32 $execute0_lowered;
	[smem:$0x3FD2] =	sst s25  }
0xb5: {  	s5 =	sshll.u32 s26, $0x1;
	_ =	strace $0x80000064;
	[dreg:$0x1] =	wrdreg $0xFFFFFFFF  }
0xb6: {  	s28 =	simm.s32 $_size_execute0_lowered;
	s3 =	sadd.s32 s3, s5;
	[dreg:$0x0] =	wrdreg $0x0  }
0xb7: {  	s5 =	sshll.u32 s28, $0x1;
	[dreg:$0x2] =	wrdreg s3  }
0xb8: {  	[dreg:$0x3] =	wrdreg s5  }
0xb9: {  	[dreg:$0x4] =	wrdreg $0xC0  }
0xba: {  	_ =	task [dreg:s22], $0x5FFFF  }
0xbb: {  	[dreg:$0x1] =	wrdreg $0xFFFFFFFF  }
0xbc: {  	[dreg:$0x0] =	wrdreg $0x60  }
0xbd: {  	[dreg:$0x2] =	wrdreg s24  }
0xbe: {  	[dreg:$0x3] =	wrdreg $0x102000  }
0xbf: {  	[dreg:$0x4] =	wrdreg $0xA  }
0xc0: {  	_ =	task.clear_ibuf [dreg:s22], $0x5FFFF;
	_ =	strace $0x90000064  }
0xc1: {  	s29 =	simm.s32 $0xA;
	_ =	strace $0x80000066  }
0xc2: {  	_ =	swait.ge [sflag:s29], $0x1  }
0xc3: {  	[sflag:s29] =	ssyncadd.s32 $0xFFFFFFFF  }
0xc4: {  	_ =	strace $0x90000066  }
0xc5: {  	_ =	sfence  }
0xc6: {  	s30 =	sld [smem:$0x0];
	_ =	sdelay $0x2  }
0xc7: {  	s31 =	sshll.u32 s1, $0xD;
	s1 =	sshrl.u32 s1, $0x2  }
0xc8: {  	s4 =	sand.u32 $0x4000, s31;
	s1 =	sadd.s32 s1, s30  }
0xc9: {  	s0 =	sor.u32 s4, s0;
	s1 =	sshll.u32 s1, $0x11  }
0xca: {  	s0 =	sor.u32 s1, s0  }
0xcb: {  	s0 =	sadd.s32 $0x8F2B, s0  }
0xcc: {  	[sflag:s0] =	ssyncadd.remote.s32 $0x1  }
0xcd: {  	_ =	sfence.sel $0xFFFF  }
0xce: {  	[dreg:$0x0] =	wrdreg $0xFFFFFFFF;
	(pc) =	sbr.abs _section_cstart, $3  }
0xcf: {  	[dreg:$0x1] =	wrdreg $0xFFFFFFFF  }
0xd0: {  	_ =	task.clear_ibuf [dreg:s22], $0x2FFFF;
	_ =	strace $0x9FFFFFFF  }
0xd1: {  	(tm) =	ssettm $0x7FFFFFFF  }
tec
execute0_lowered:
.L_overlay_start_1:
0x0: {  	(tag) =	ssettag $0x1  }
0x1: {  	s1 =	srdreg.scid  }
0x2: {  	s18 =	rddreg [dreg:$0x0];
	s0 =	stileid.u32  }
0x3: {  	s2 =	rddreg [dreg:$0x1];
	s3 =	simm.s32 $0x0;
	s19 =	sand.u32 $0x1, s1  }
0x4: {  	s5 =	sshll.u32 s0, $0x8;
	s1 =	rddreg [dreg:$0x2];
	s4 =	sshll.u32 s19, $0xC  }
0x5: {  	[smem:$0x7FF] =	sst s3;
	s29 =	sshll.u32 s0, $0xE;
	s12 =	sor.u32 s5, s4  }
0x6: {  	s20 =	sshll.u32 s0, $0x6;
	_ =	strace $0x80000065;
	s4 =	sshrl.u32 s12, $0x3  }
0x7: {  	s7 =	sadd.s32 s29, s2;
	s5 =	sor.u32 $0x1C03, s20;
	s8 =	sadd.s32 s4, s18  }
0x8: {  	s7 =	sshrl.u32 s7, $0x3;
	s4 =	sadd.s32 $0xAE800, s18;
	s6 =	sadd.s32 $0xE400, s8  }
0x9: {  	[spmem:s7], [sflag:s5] =	dma.local [hbm:s4], $0x800  }
0xa: {  	[tilespmem:s3], [sflag:$0x1] =	stream.linear.gather [hbm4b:s6+s3], $0x100, $0x38;
	[tilespmem:$0x14200] =	vst v63  }
0xb: {  	s9 =	simm.s32 $0x100;
	s10 =	simm.s32 $0x1;
	s8 =	sadd.s32 $0xDC00, s8  }
0xc: {  	[tilespmem:s9], [sflag:$0x2] =	stream.linear.gather [hbm4b:s8+s3], $0x100, $0x38;
	[tilespmem:$0x14200] =	vst v63  }
0xd: {  	_ =	swait.ge [sflag:s10], $0x100  }
0xe: {  	[sflag:s10] =	ssyncset.done $0x0  }
0xf: {  	s11 =	simm.s32 $0x2;
	[sflag:s10] =	ssyncadd.s32 $0xFFFFFF00  }
0x10: {  	s12 =	sshll.u32 s12, $0x4;
	_ =	swait.ge [sflag:s11], $0x100  }
0x11: {  	s14 =	sadd.s32 s12, s18;
	[sflag:s11] =	ssyncset.done $0x0  }
0x12: {  	s13 =	simm.s32 $0x200;
	s12 =	sadd.s32 $0xE800, s14;
	[sflag:s11] =	ssyncadd.s32 $0xFFFFFF00  }
0x13: {  	[tilespmem:s13], [sflag:$0x1] =	stream.linear.gather [hbm4b:s12+s3], $0x8000, $0x38;
	[tilespmem:$0x14200] =	vst v63  }
0x14: {  	s15 =	simm.s32 $0x8200;
	s16 =	simm.s32 $0x3;
	s14 =	sadd.s32 $0x2E800, s14  }
0x15: {  	[tilespmem:s15], [sflag:$0x2] =	stream.linear.gather [hbm4b:s14+s3], $0x8000, $0x38;
	[tilespmem:$0x14200] =	vst v63  }
0x16: {  	_ =	swait.ge [sflag:s16], $0x800  }
0x17: {  	[sflag:s16] =	ssyncset.done $0x0  }
0x18: {  	[sflag:s16] =	ssyncadd.s32 $0xFFFFF800  }
0x19: {  	[bflag:$0x0] =	sbarrier.arrive $0xFFFF  }
0x1a: {  	_ =	swait.ge [sflag:s10], $0x8000  }
0x1b: {  	[sflag:s10] =	ssyncset.done $0x0  }
0x1c: {  	s17 =	simm.s32 $0x4;
	[sflag:s10] =	ssyncadd.s32 $0xFFFF8000  }
0x1d: {  	[spmem:s2] =	stream.indirect.scatter.add.f32 [tilespmem:s13], [sflag:$0x4], $0x80, s3, s9, $0xb8;
	[tilespmem:$0x14200] =	vst v63  }
0x1e: {  	_ =	swait.ge [sflag:s17], $0x8000  }
0x1f: {  	[sflag:s17] =	ssyncset.done $0x0  }
0x20: {  	s21 =	sshll.u32 s0, $0xB;
	[sflag:s17] =	ssyncadd.s32 $0xFFFF8000  }
0x21: {  	s30 =	ssub.s32 $0x2, s19;
	s19 =	sshll.u32 s19, $0xF;
	_ =	swait.ge [sflag:s11], $0x8000  }
0x22: {  	s31 =	sshrl.u32 s30, $0x1;
	s18 =	sadd.s32 s21, s18;
	[sflag:s11] =	ssyncset.done $0x0  }
0x23: {  	s18 =	sadd.s32 s19, s18;
	s19 =	ssub.s32 s30, s31;
	[sflag:s11] =	ssyncadd.s32 $0xFFFF8000  }
0x24: {  	[spmem:s2] =	stream.indirect.scatter.add.f32 [tilespmem:s15], [sflag:$0x4], $0x80, s9, s9, $0xb8;
	[tilespmem:$0x14200] =	vst v63  }
0x25: {  	s21 =	smax.u32 s19, $0x1;
	_ =	swait.ge [sflag:s17], $0x8000  }
0x26: {  	p0 =	sne.s32 s21, $0x1;
	[sflag:s17] =	ssyncset.done $0x0  }
.Ltmp0:
0x27: {  	[sflag:s17] =	ssyncadd.s32 $0xFFFF8000;
	(pc) =	sbr.rel @!p0 .LBB2_2-.Ltmp0, $4  }
0x28: {  	s18 =	sadd.s32 $0xAF000, s18;
	s19 =	sor.u32 $0x1C04, s20;
	[bflag:$0x0] =	sbarrier.arrive $0xFFFF  }
0x29: {  	[hbm:s18], [sflag:s19] =	dma.local [spmem:s7], $0x800  }
0x2a: {  	_ =	swait.ge [sflag:s17], $0x800  }
0x2b: {  	s20 =	sadd.s32 $0xFFFFFFFF, s21;
	[sflag:s17] =	ssyncset.done $0x0  }
.LBB2_1:
0x2c: {  	p0 =	sne.s32 s20, $0x1;
	s20 =	sadd.s32 $0xFFFFFFFF, s20;
	[sflag:s17] =	ssyncadd.s32 $0xFFFFF800  }
0x2d: {  	[spmem:s7], [sflag:s5] =	dma.local [hbm:s4], $0x800  }
0x2e: {  	[tilespmem:s3], [sflag:$0x1] =	stream.linear.gather [hbm4b:s6+s3], $0x100, $0x38;
	[tilespmem:$0x14200] =	vst v63  }
0x2f: {  	_ = 	snop  }
0x30: {  	[tilespmem:s9], [sflag:$0x2] =	stream.linear.gather [hbm4b:s8+s3], $0x100, $0x38;
	[tilespmem:$0x14200] =	vst v63  }
0x31: {  	_ =	swait.ge [sflag:s10], $0x100  }
0x32: {  	[sflag:s10] =	ssyncset.done $0x0  }
0x33: {  	[sflag:s10] =	ssyncadd.s32 $0xFFFFFF00  }
0x34: {  	_ =	swait.ge [sflag:s11], $0x100  }
0x35: {  	[sflag:s11] =	ssyncset.done $0x0  }
0x36: {  	[sflag:s11] =	ssyncadd.s32 $0xFFFFFF00  }
0x37: {  	[tilespmem:s13], [sflag:$0x1] =	stream.linear.gather [hbm4b:s12+s3], $0x8000, $0x38;
	[tilespmem:$0x14200] =	vst v63  }
0x38: {  	_ = 	snop  }
0x39: {  	[tilespmem:s15], [sflag:$0x2] =	stream.linear.gather [hbm4b:s14+s3], $0x8000, $0x38;
	[tilespmem:$0x14200] =	vst v63  }
0x3a: {  	_ =	swait.ge [sflag:s16], $0x800  }
0x3b: {  	[sflag:s16] =	ssyncset.done $0x0  }
0x3c: {  	[sflag:s16] =	ssyncadd.s32 $0xFFFFF800  }
0x3d: {  	[bflag:$0x0] =	sbarrier.arrive $0xFFFF  }
0x3e: {  	_ =	swait.ge [sflag:s10], $0x8000  }
0x3f: {  	[sflag:s10] =	ssyncset.done $0x0  }
0x40: {  	[sflag:s10] =	ssyncadd.s32 $0xFFFF8000  }
0x41: {  	[spmem:s2] =	stream.indirect.scatter.add.f32 [tilespmem:s13], [sflag:$0x4], $0x80, s3, s9, $0xb8;
	[tilespmem:$0x14200] =	vst v63  }
0x42: {  	_ =	swait.ge [sflag:s17], $0x8000  }
0x43: {  	[sflag:s17] =	ssyncset.done $0x0  }
0x44: {  	[sflag:s17] =	ssyncadd.s32 $0xFFFF8000  }
0x45: {  	_ =	swait.ge [sflag:s11], $0x8000  }
0x46: {  	[sflag:s11] =	ssyncset.done $0x0  }
0x47: {  	[sflag:s11] =	ssyncadd.s32 $0xFFFF8000  }
0x48: {  	[spmem:s2] =	stream.indirect.scatter.add.f32 [tilespmem:s15], [sflag:$0x4], $0x80, s9, s9, $0xb8;
	[tilespmem:$0x14200] =	vst v63  }
0x49: {  	_ =	swait.ge [sflag:s17], $0x8000  }
0x4a: {  	[sflag:s17] =	ssyncset.done $0x0  }
.Ltmp1:
0x4b: {  	[sflag:s17] =	ssyncadd.s32 $0xFFFF8000;
	(pc) =	sbr.rel @p0 .LBB2_1-.Ltmp1, $4  }
0x4c: {  	[bflag:$0x0] =	sbarrier.arrive $0xFFFF  }
0x4d: {  	[hbm:s18], [sflag:s19] =	dma.local [spmem:s7], $0x800  }
0x4e: {  	_ =	swait.ge [sflag:s17], $0x800  }
0x4f: {  	[sflag:s17] =	ssyncset.done $0x0  }
.LBB2_2:
0x50: {  	[sflag:s17] =	ssyncadd.s32 $0xFFFFF800  }
0x51: {  	_ =	sfence.sel $0x180000  }
0x52: {  	[bflag:$0x0] =	sbarrier.arrive $0xFFFF  }
0x53: {  	p0 =	sne.s32 s0, $0x0;
	_ =	strace $0x90000065  }
0x54: {  	s0 =	sadd.s32 @!p0 $0x100000, s1;
	[bflag:$0x2] =	sbarrier.arrive $0xFFFF  }
0x55: {  	[sflag:s0] =	ssyncadd.tile.s32 @!p0 $0x1;
	_ =	shalt  }
.Lfunc_end2:
_tile_overlayer_lowered:
.L_overlay_start_2:
0x56: {  	(tag) =	ssettag $0x2  }
0x57: {  	s0 =	rddreg [dreg:$0x0];
	s2 =	stileid.u32  }
0x58: {  	s1 =	rddreg [dreg:$0x1];
	p0 =	sne.s32 s2, $0x0  }
0x59: {  	s3 =	rddreg [dreg:$0x2];
	[bflag:$0x3] =	sbarrier.arrive $0xFFFF;
	s2 =	simm.s32 @!p0 $0x1C04  }
0x5a: {  	[timem:s3], [sflag:s2] =	dma.local @!p0 [hbm:s0], s1  }
0x5b: {  	s0 =	simm.s32 @!p0 $0x4  }
0x5c: {  	_ =	swait.ge @!p0 [sflag:s0], s1  }
0x5d: {  	s1 =	ssub.s32 @!p0 $0x0, s1;
	[sflag:s0] =	ssyncset.done @!p0 $0x0  }
0x5e: {  	[sflag:s0] =	ssyncadd.s32 @!p0 s1  }
0x5f: {  	[bflag:$0x3] =	sbarrier.arrive $0xFFFF  }
0x60: {  	_ =	shalt  }

</sc_bundles>
